<compile_context>
chip_gen: v7x
topology: tpu7x:2x2x1
jax: 0.10.2.dev20260603
libtpu: 0.0.44.dev20260713+nightly
codegen_flags: <defaults>
</compile_context>

<pallas_src>
import functools

import jax
import jax.numpy as jnp
from jax import lax
from jax.experimental import pallas as pl
from jax.experimental.pallas import tpu as pltpu
from jax.experimental.pallas import tpu_sc as plsc

_B, _C, _H, _W = 2, 96, 384, 384
_HW = _H * _W
_NT = 16
_NC = 2
_CB = 8
_NCB = _C // _CB
_PT = _HW // _NT
_RC = 2
_CHUNK = _RC * _W
_NCHUNK = _PT // _CHUNK
_G128 = _CHUNK // 128
_G16 = _W // 16



_HB = 96


def _taps_body(flow_ref, idx_ref, wgt_ref):
    h = pl.program_id(1)
    fx = flow_ref[0, 0]
    fy = flow_ref[0, 1]
    shp = fx.shape
    xi0 = lax.broadcasted_iota(jnp.int32, shp, 1)
    yi0 = lax.broadcasted_iota(jnp.int32, shp, 0) + h * _HB
    x = xi0.astype(jnp.float32)
    y = yi0.astype(jnp.float32)
    own = yi0 * _W + xi0
    out_x = x + fx
    out_y = y + fy
    x0f = jnp.floor(out_x)
    y0f = jnp.floor(out_y)
    x0 = x0f.astype(jnp.int32)
    y0 = y0f.astype(jnp.int32)
    ax = out_x - x0f
    ay = out_y - y0f
    bx = 1.0 - ax
    by = 1.0 - ay
    taps = (
        (x0, y0, bx * by),
        (x0 + 1, y0, ax * by),
        (x0, y0 + 1, bx * ay),
        (x0 + 1, y0 + 1, ax * ay),
    )
    for t, (xi, yi, w) in enumerate(taps):
        valid = (xi >= 0) & (xi < _W) & (yi >= 0) & (yi < _H)
        idx_ref[0, t] = jnp.where(valid, yi * _W + xi, own)
        wgt_ref[0, t] = jnp.where(valid, w, 0.0)


def _taps(flow):
    return pl.pallas_call(
        _taps_body,
        grid=(_B, _H // _HB),
        in_specs=[pl.BlockSpec((1, 2, _HB, _W), lambda b, h: (b, 0, h, 0))],
        out_specs=[
            pl.BlockSpec((1, 4, _HB, _W), lambda b, h: (b, 0, h, 0)),
            pl.BlockSpec((1, 4, _HB, _W), lambda b, h: (b, 0, h, 0)),
        ],
        out_shape=[
            jax.ShapeDtypeStruct((_B, 4, _H, _W), jnp.int32),
            jax.ShapeDtypeStruct((_B, 4, _H, _W), jnp.float32),
        ],
    )(flow)




def _splat_sc_body(frame, idxr, wgt, zeros, out, table, vraw_a, vraw_b, wb_a,
                   wb_b, idxb, vals_0, vals_1, sem_in_a, sem_in_b, sem_sc_0,
                   sem_sc_1, sem_misc):
    cid = lax.axis_index("c")
    sid = lax.axis_index("s")
    tile_p0 = sid * _PT
    tile_r0 = sid * (_PT // _W)

    i16 = lax.iota(jnp.int32, 16)
    cols = [jnp.full((16,), ch, jnp.int32) for ch in range(_CB)]
    vraws = (vraw_a, vraw_b)
    wbs = (wb_a, wb_b)
    valss = (vals_0, vals_1)
    sems_in = (sem_in_a, sem_in_b)
    sems_sc = (sem_sc_0, sem_sc_1)

    def task_body(i, carry):
        b = i // (_NCB // _NC)
        cb = 2 * lax.rem(i, _NCB // _NC) + cid

        @pl.when(i == 0)
        def _():
            for k in range(_NCHUNK):
                pltpu.async_copy(
                    zeros, table.at[pl.ds(tile_p0 + k * _CHUNK, _CHUNK), :],
                    sem_misc)
            for k in range(_NCHUNK):
                pltpu.make_async_copy(
                    zeros, table.at[pl.ds(tile_p0, _CHUNK), :],
                    sem_misc).wait()

        def issue_inputs(k, kk):
            pbase = tile_p0 + k * _CHUNK
            row0 = tile_r0 + k * _RC
            ht = row0 // 8
            rr = lax.rem(row0, 8)
            pltpu.async_copy(
                frame.at[b, pl.ds(cb * _CB, _CB), ht, :, pl.ds(rr, _RC), :],
                vraws[kk], sems_in[kk])
            pltpu.async_copy(
                wgt.at[b, :, pl.ds(pbase, _CHUNK)], wbs[kk], sems_in[kk])
            pltpu.async_copy(
                idxr.at[b, :, pl.ds(pbase, _CHUNK)], idxb.at[k % 3],
                sems_in[kk])

        def wait_inputs(kk):
            pltpu.make_async_copy(
                frame.at[b, pl.ds(cb * _CB, _CB), 0, :, pl.ds(0, _RC), :],
                vraws[kk], sems_in[kk]).wait()
            pltpu.make_async_copy(
                wgt.at[b, :, pl.ds(tile_p0, _CHUNK)], wbs[kk],
                sems_in[kk]).wait()
            pltpu.make_async_copy(
                idxr.at[b, :, pl.ds(tile_p0, _CHUNK)], idxb.at[0],
                sems_in[kk]).wait()

        def drain_tap(t):
            pltpu.make_async_copy(
                valss[t % 2], table.at[idxb.at[0, t]],
                sems_sc[t % 2]).wait()

        def compute_tap(kk, t):
            vraw, wb, vals = vraws[kk], wbs[kk], valss[t % 2]

            for r in range(_RC):
                def cgroup(g, cc, r=r):
                    col = g * 16
                    wt = g // 8
                    cc128 = lax.rem(col, 128)
                    rb = r * _W + col
                    rowv = i16 + rb
                    wv = wb[t, pl.ds(rb, 16)]
                    for ch in range(_CB):
                        v = vraw[ch, wt, r, pl.ds(cc128, 16)]
                        plsc.store_scatter(vals, [rowv, cols[ch]], v * wv)
                    return cc

                lax.fori_loop(0, _G16, cgroup, 0)

        def fire_tap(k, t):
            pltpu.async_copy(
                valss[t % 2],
                table.at[idxb.at[k % 3, t]],
                sems_sc[t % 2],
                add=True)

        issue_inputs(0, 0)
        issue_inputs(1, 1)
        plsc.subcore_barrier()

        def chunk_pair(m, c):
            for kk in range(2):
                k = 2 * m + kk
                wait_inputs(kk)
                for t in range(4):
                    if t < 2:
                        @pl.when(k >= 1)
                        def _():
                            drain_tap(t)
                    else:
                        drain_tap(t)
                    compute_tap(kk, t)
                    fire_tap(k, t)

                @pl.when(k + 2 < _NCHUNK)
                def _():
                    issue_inputs(k + 2, kk)
            return c

        lax.fori_loop(0, _NCHUNK // 2, chunk_pair, 0)
        drain_tap(2)
        drain_tap(3)
        plsc.subcore_barrier()

        def issue_tin(k, kk):
            pltpu.async_copy(
                table.at[pl.ds(tile_p0 + k * _CHUNK, _CHUNK), :],
                valss[kk], sems_in[kk])

        def wait_tin(kk):
            pltpu.make_async_copy(
                table.at[pl.ds(tile_p0, _CHUNK), :], valss[kk],
                sems_in[kk]).wait()

        def fire_tout(k, kk):
            row0 = tile_r0 + k * _RC
            ht = row0 // 8
            rr = lax.rem(row0, 8)
            pltpu.async_copy(
                vraws[kk],
                out.at[b, pl.ds(cb * _CB, _CB), ht, :, pl.ds(rr, _RC), :],
                sems_sc[kk])

        def wait_tout(kk):
            pltpu.make_async_copy(
                vraws[kk],
                out.at[b, pl.ds(cb * _CB, _CB), 0, :, pl.ds(0, _RC), :],
                sems_sc[kk]).wait()

        issue_tin(0, 0)

        def drain_pair(m, c):
            for kk in range(2):
                k = 2 * m + kk

                @pl.when(k + 1 < _NCHUNK)
                def _():
                    issue_tin(k + 1, 1 - kk)

                wait_tin(kk)
                pltpu.async_copy(
                    zeros,
                    table.at[pl.ds(tile_p0 + k * _CHUNK, _CHUNK), :],
                    sem_misc)

                @pl.when(k >= 2)
                def _():
                    wait_tout(kk)

                obuf, obuft = valss[kk], vraws[kk]
                for r in range(_RC):
                    def tgroup(g, cc, r=r):
                        col = g * 16
                        wt = g // 8
                        cc128 = lax.rem(col, 128)
                        rows = i16 + (r * _W + col)
                        for ch in range(_CB):
                            v = plsc.load_gather(obuf, [rows, cols[ch]])
                            obuft[ch, wt, r, pl.ds(cc128, 16)] = v
                        return cc

                    lax.fori_loop(0, _G16, tgroup, 0)
                fire_tout(k, kk)
            return c

        lax.fori_loop(0, _NCHUNK // 2, drain_pair, 0)
        wait_tout(0)
        wait_tout(1)
        for k in range(_NCHUNK):
            pltpu.make_async_copy(
                zeros, table.at[pl.ds(tile_p0, _CHUNK), :], sem_misc).wait()
        return carry

    lax.fori_loop(0, _B * _NCB // _NC, task_body, 0)


_splat_sc = functools.partial(
    pl.kernel,
    out_type=jax.ShapeDtypeStruct((_B, _C, _H // 8, _W // 128, 8, 128),
                                  jnp.float32),
    mesh=plsc.VectorSubcoreMesh(core_axis_name="c", subcore_axis_name="s"),
    scratch_types=[
        pltpu.VMEM_SHARED((_HW, _CB), jnp.float32),
        pltpu.VMEM((_CB, _W // 128, _RC, 128), jnp.float32),
        pltpu.VMEM((_CB, _W // 128, _RC, 128), jnp.float32),
        pltpu.VMEM((4, _CHUNK), jnp.float32),
        pltpu.VMEM((4, _CHUNK), jnp.float32),
        pltpu.VMEM((3, 4, _CHUNK), jnp.int32),
        pltpu.VMEM((_CHUNK, _CB), jnp.float32),
        pltpu.VMEM((_CHUNK, _CB), jnp.float32),
        pltpu.SemaphoreType.DMA,
        pltpu.SemaphoreType.DMA,
        pltpu.SemaphoreType.DMA,
        pltpu.SemaphoreType.DMA,
        pltpu.SemaphoreType.DMA,
    ],
    compiler_params=pltpu.CompilerParams(
        needs_layout_passes=False, use_tc_tiling_on_sc=False),
)(_splat_sc_body)


@jax.jit
def kernel(frame, flow):
    idx, wgt = _taps(flow)
    fr6 = frame.reshape(_B, _C, _H // 8, 8, _W // 128,
                        128).transpose(0, 1, 2, 4, 3, 5)
    out6 = _splat_sc(
        fr6,
        idx.reshape(_B, 4, _HW),
        wgt.reshape(_B, 4, _HW),
        jnp.zeros((_CHUNK, _CB), jnp.float32),
    )
    return out6.transpose(0, 1, 2, 4, 3, 5).reshape(_B, _C, _H, _W)

# --- scband reference (transcript-rebuilt; emitter-appended) ---
"""Pipeline reference for scband-splatting-19258633355983 (READ-ONLY COPY).

The authoritative reference and input builder live on the scoring server;
editing this copy changes nothing except your own understanding.
"""

import jax, jax.numpy as jnp
import numpy as np

B, C, H, W = 2, 96, 384, 384


def setup_inputs(seed: int = 0):
    key = jax.random.key(seed)
    k1, k2 = jax.random.split(key)
    frame = jax.random.normal(k1, (B, C, H, W), dtype=jnp.float32)
    flow = jax.random.normal(k2, (B, 2, H, W), dtype=jnp.float32)
    return {"frame": frame, "flow": flow}


def _splat(frame, flow):
    Bb, Cc, Hh, Ww = frame.shape
    yy, xx = jnp.meshgrid(
        jnp.arange(Hh, dtype=frame.dtype),
        jnp.arange(Ww, dtype=frame.dtype),
        indexing="ij",
    )
    outX = xx[None, :, :] + flow[:, 0]
    outY = yy[None, :, :] + flow[:, 1]
    x0f = jnp.floor(outX)
    y0f = jnp.floor(outY)
    x0 = x0f.astype(jnp.int32)
    y0 = y0f.astype(jnp.int32)
    x1 = x0 + 1
    y1 = y0 + 1
    # bilinear splatting weights (differentiable w.r.t. flow through outX/outY)
    wNW = (x0f + 1.0 - outX) * (y0f + 1.0 - outY)
    wNE = (outX - x0f) * (y0f + 1.0 - outY)
    wSW = (x0f + 1.0 - outX) * (outY - y0f)
    wSE = (outX - x0f) * (outY - y0f)

    HWn = Hh * Ww
    frame_flat = frame.reshape(Bb, Cc, HWn)

    def scatter_one(v, i):
        # v: [C, HW] values, i: [HW] destination flat indices (HWn == drop bin)
        o = jax.ops.segment_sum(v.T, i, num_segments=HWn + 1)
        return o[:HWn].T

    out = jnp.zeros((Bb, Cc, HWn), dtype=frame.dtype)
    for xi, yi, w in ((x0, y0, wNW), (x1, y0, wNE), (x0, y1, wSW), (x1, y1, wSE)):
        valid = (xi >= 0) & (xi < Ww) & (yi >= 0) & (yi < Hh)
        wm = jnp.where(valid, w, 0.0)
        idx = jnp.clip(yi, 0, Hh - 1) * Ww + jnp.clip(xi, 0, Ww - 1)
        idx = jnp.where(valid, idx, HWn)  # out-of-bounds -> overflow bin (dropped)
        vals = frame_flat * wm.reshape(Bb, 1, HWn)
        out = out + jax.vmap(scatter_one)(vals, idx.reshape(Bb, HWn))
    return out.reshape(Bb, Cc, Hh, Ww)


def reference(frame, flow):
    return _splat(frame, flow)

if __name__ == "__main__":
    import jax
    _d = setup_inputs()
    print(jax.jit(kernel)(*tuple(_d.values())))

</pallas_src>

<mosaic_0001>
#map = affine_map<(d0, d1) -> (0, 0, 0, 0, 0, 0)>
#map1 = affine_map<(d0, d1) -> (0, 0, 0)>
#map2 = affine_map<(d0, d1) -> (0, 0)>
module attributes {stable_mosaic.version = 14 : i64} {
  func.func @_splat_sc_body(%arg0: i32, %arg1: i32, %arg2: memref<2x96x48x3x8x128xf32, #tpu.memory_space<hbm>>, %arg3: memref<2x4x147456xi32, #tpu.memory_space<hbm>>, %arg4: memref<2x4x147456xf32, #tpu.memory_space<hbm>>, %arg5: memref<768x8xf32, #tpu.memory_space<hbm>>, %arg6: memref<2x96x48x3x8x128xf32, #tpu.memory_space<hbm>>, %arg7: memref<147456x8xf32, #tpu.memory_space<vmem_shared>>, %arg8: memref<8x3x2x128xf32, #tpu.memory_space<vmem>>, %arg9: memref<8x3x2x128xf32, #tpu.memory_space<vmem>>, %arg10: memref<4x768xf32, #tpu.memory_space<vmem>>, %arg11: memref<4x768xf32, #tpu.memory_space<vmem>>, %arg12: memref<3x4x768xi32, #tpu.memory_space<vmem>>, %arg13: memref<768x8xf32, #tpu.memory_space<vmem>>, %arg14: memref<768x8xf32, #tpu.memory_space<vmem>>, %arg15: memref<!tpu.dma_semaphore, #tpu.memory_space<semaphore_mem>>, %arg16: memref<!tpu.dma_semaphore, #tpu.memory_space<semaphore_mem>>, %arg17: memref<!tpu.dma_semaphore, #tpu.memory_space<semaphore_mem>>, %arg18: memref<!tpu.dma_semaphore, #tpu.memory_space<semaphore_mem>>, %arg19: memref<!tpu.dma_semaphore, #tpu.memory_space<semaphore_mem>>) attributes {dimension_semantics = [#tpu.dimension_semantics<core_parallel>, #tpu.dimension_semantics<subcore_parallel>], iteration_bounds = array<i64: 2, 16>, scalar_prefetch = 0 : i64, scratch_operands = 13 : i64, tpu.core_type = #tpu.core_type<sc_vector_subcore>, window_params = [{transform_indices = #map}, {transform_indices = #map1}, {transform_indices = #map1}, {transform_indices = #map2}, {transform_indices = #map}]} {
    %mul3A = arith.constant 9216 : i32
    %mul3A_0 = arith.muli %arg1, %mul3A : i32
    %mul3A_1 = arith.constant 24 : i32
    %mul3A_2 = arith.muli %arg1, %mul3A_1 : i32
    %iota3A = tpu.iota {dimensions = array<i32: 0>} : vector<16xi32>
    %broadcast_in_dim3A = arith.constant 0 : i32
    %broadcast_in_dim3A_3 = vector.broadcast %broadcast_in_dim3A : i32 to vector<16xi32>
    %broadcast_in_dim3A_4 = arith.constant 1 : i32
    %broadcast_in_dim3A_5 = vector.broadcast %broadcast_in_dim3A_4 : i32 to vector<16xi32>
    %broadcast_in_dim3A_6 = arith.constant 2 : i32
    %broadcast_in_dim3A_7 = vector.broadcast %broadcast_in_dim3A_6 : i32 to vector<16xi32>
    %broadcast_in_dim3A_8 = arith.constant 3 : i32
    %broadcast_in_dim3A_9 = vector.broadcast %broadcast_in_dim3A_8 : i32 to vector<16xi32>
    %broadcast_in_dim3A_10 = arith.constant 4 : i32
    %broadcast_in_dim3A_11 = vector.broadcast %broadcast_in_dim3A_10 : i32 to vector<16xi32>
    %broadcast_in_dim3A_12 = arith.constant 5 : i32
    %broadcast_in_dim3A_13 = vector.broadcast %broadcast_in_dim3A_12 : i32 to vector<16xi32>
    %broadcast_in_dim3A_14 = arith.constant 6 : i32
    %broadcast_in_dim3A_15 = vector.broadcast %broadcast_in_dim3A_14 : i32 to vector<16xi32>
    %broadcast_in_dim3A_16 = arith.constant 7 : i32
    %broadcast_in_dim3A_17 = vector.broadcast %broadcast_in_dim3A_16 : i32 to vector<16xi32>
    %scan3A = arith.constant 0 : i32
    %scan3A_18 = arith.constant 0 : i32
    %scan3A_19 = arith.constant 12 : i32
    %scan3A_20 = arith.addi %scan3A_18, %scan3A_19 : i32
    %scan3A_21 = arith.constant 1 : i32
    scf.for %scan3A_23 = %scan3A_18 to %scan3A_20 step %scan3A_21  : i32 {
      %jit3A = arith.constant 6 : i32
      %div3A = arith.divsi %scan3A_23, %jit3A : i32
      %sign3A = arith.constant 0 : i32
      %sign3A_24 = arith.cmpi sgt, %scan3A_23, %sign3A : i32
      %sign3A_25 = arith.extui %sign3A_24 : i1 to i32
      %sign3A_26 = arith.constant 0 : i32
      %sign3A_27 = arith.cmpi slt, %scan3A_23, %sign3A_26 : i32
      %sign3A_28 = arith.extui %sign3A_27 : i1 to i32
      %sign3A_29 = arith.subi %sign3A_25, %sign3A_28 : i32
      %sign3A_30 = arith.constant 0 : i32
      %sign3A_31 = arith.cmpi sgt, %jit3A, %sign3A_30 : i32
      %sign3A_32 = arith.extui %sign3A_31 : i1 to i32
      %sign3A_33 = arith.constant 0 : i32
      %sign3A_34 = arith.cmpi slt, %jit3A, %sign3A_33 : i32
      %sign3A_35 = arith.extui %sign3A_34 : i1 to i32
      %sign3A_36 = arith.subi %sign3A_32, %sign3A_35 : i32
      %ne3A = arith.cmpi ne, %sign3A_29, %sign3A_36 : i32
      %rem3A = arith.remsi %scan3A_23, %jit3A : i32
      %ne3A_37 = arith.constant 0 : i32
      %ne3A_38 = arith.cmpi ne, %rem3A, %ne3A_37 : i32
      %and3A = arith.andi %ne3A, %ne3A_38 : i1
      %sub3A = arith.constant 1 : i32
      %sub3A_39 = arith.subi %div3A, %sub3A : i32
      %select_n3A = arith.select %and3A, %sub3A_39, %div3A : i32
      %rem3A_40 = arith.constant 6 : i32
      %rem3A_41 = arith.remsi %scan3A_23, %rem3A_40 : i32
      %mul3A_42 = arith.constant 2 : i32
      %mul3A_43 = arith.muli %mul3A_42, %rem3A_41 : i32
      %add3A = arith.addi %mul3A_43, %arg0 : i32
      %eq3A = arith.constant 0 : i32
      %eq3A_44 = arith.cmpi eq, %scan3A_23, %eq3A : i32
      %convert_element_type3A = arith.extui %eq3A_44 : i1 to i32
      %cond3A = arith.constant 0 : i32
      %cond3A_45 = arith.cmpi ne, %convert_element_type3A, %cond3A : i32
      scf.if %cond3A_45 {
        %add3A_251 = arith.constant 0 : i32
        %add3A_252 = arith.addi %mul3A_0, %add3A_251 : i32
        %dma_start3A_253 = arith.constant 0 : i32
        %dma_start3A_254 = tpu.memref_slice %arg7[%add3A_252, %dma_start3A_253] : memref<147456x8xf32, #tpu.memory_space<vmem_shared>> -> memref<768x8xf32, #tpu.memory_space<vmem_shared>>
        tpu.enqueue_dma source(%arg5 : memref<768x8xf32, #tpu.memory_space<hbm>>) target(%dma_start3A_254 : memref<768x8xf32, #tpu.memory_space<vmem_shared>>) target_semaphore(%arg19 : memref<!tpu.dma_semaphore, #tpu.memory_space<semaphore_mem>>)
        %add3A_255 = arith.constant 768 : i32
        %add3A_256 = arith.addi %mul3A_0, %add3A_255 : i32
        %dma_start3A_257 = arith.constant 0 : i32
        %dma_start3A_258 = tpu.memref_slice %arg7[%add3A_256, %dma_start3A_257] : memref<147456x8xf32, #tpu.memory_space<vmem_shared>> -> memref<768x8xf32, #tpu.memory_space<vmem_shared>>
        tpu.enqueue_dma source(%arg5 : memref<768x8xf32, #tpu.memory_space<hbm>>) target(%dma_start3A_258 : memref<768x8xf32, #tpu.memory_space<vmem_shared>>) target_semaphore(%arg19 : memref<!tpu.dma_semaphore, #tpu.memory_space<semaphore_mem>>)
        %add3A_259 = arith.constant 1536 : i32
        %add3A_260 = arith.addi %mul3A_0, %add3A_259 : i32
        %dma_start3A_261 = arith.constant 0 : i32
        %dma_start3A_262 = tpu.memref_slice %arg7[%add3A_260, %dma_start3A_261] : memref<147456x8xf32, #tpu.memory_space<vmem_shared>> -> memref<768x8xf32, #tpu.memory_space<vmem_shared>>
        tpu.enqueue_dma source(%arg5 : memref<768x8xf32, #tpu.memory_space<hbm>>) target(%dma_start3A_262 : memref<768x8xf32, #tpu.memory_space<vmem_shared>>) target_semaphore(%arg19 : memref<!tpu.dma_semaphore, #tpu.memory_space<semaphore_mem>>)
        %add3A_263 = arith.constant 2304 : i32
        %add3A_264 = arith.addi %mul3A_0, %add3A_263 : i32
        %dma_start3A_265 = arith.constant 0 : i32
        %dma_start3A_266 = tpu.memref_slice %arg7[%add3A_264, %dma_start3A_265] : memref<147456x8xf32, #tpu.memory_space<vmem_shared>> -> memref<768x8xf32, #tpu.memory_space<vmem_shared>>
        tpu.enqueue_dma source(%arg5 : memref<768x8xf32, #tpu.memory_space<hbm>>) target(%dma_start3A_266 : memref<768x8xf32, #tpu.memory_space<vmem_shared>>) target_semaphore(%arg19 : memref<!tpu.dma_semaphore, #tpu.memory_space<semaphore_mem>>)
        %add3A_267 = arith.constant 3072 : i32
        %add3A_268 = arith.addi %mul3A_0, %add3A_267 : i32
        %dma_start3A_269 = arith.constant 0 : i32
        %dma_start3A_270 = tpu.memref_slice %arg7[%add3A_268, %dma_start3A_269] : memref<147456x8xf32, #tpu.memory_space<vmem_shared>> -> memref<768x8xf32, #tpu.memory_space<vmem_shared>>
        tpu.enqueue_dma source(%arg5 : memref<768x8xf32, #tpu.memory_space<hbm>>) target(%dma_start3A_270 : memref<768x8xf32, #tpu.memory_space<vmem_shared>>) target_semaphore(%arg19 : memref<!tpu.dma_semaphore, #tpu.memory_space<semaphore_mem>>)
        %add3A_271 = arith.constant 3840 : i32
        %add3A_272 = arith.addi %mul3A_0, %add3A_271 : i32
        %dma_start3A_273 = arith.constant 0 : i32
        %dma_start3A_274 = tpu.memref_slice %arg7[%add3A_272, %dma_start3A_273] : memref<147456x8xf32, #tpu.memory_space<vmem_shared>> -> memref<768x8xf32, #tpu.memory_space<vmem_shared>>
        tpu.enqueue_dma source(%arg5 : memref<768x8xf32, #tpu.memory_space<hbm>>) target(%dma_start3A_274 : memref<768x8xf32, #tpu.memory_space<vmem_shared>>) target_semaphore(%arg19 : memref<!tpu.dma_semaphore, #tpu.memory_space<semaphore_mem>>)
        %add3A_275 = arith.constant 4608 : i32
        %add3A_276 = arith.addi %mul3A_0, %add3A_275 : i32
        %dma_start3A_277 = arith.constant 0 : i32
        %dma_start3A_278 = tpu.memref_slice %arg7[%add3A_276, %dma_start3A_277] : memref<147456x8xf32, #tpu.memory_space<vmem_shared>> -> memref<768x8xf32, #tpu.memory_space<vmem_shared>>
        tpu.enqueue_dma source(%arg5 : memref<768x8xf32, #tpu.memory_space<hbm>>) target(%dma_start3A_278 : memref<768x8xf32, #tpu.memory_space<vmem_shared>>) target_semaphore(%arg19 : memref<!tpu.dma_semaphore, #tpu.memory_space<semaphore_mem>>)
        %add3A_279 = arith.constant 5376 : i32
        %add3A_280 = arith.addi %mul3A_0, %add3A_279 : i32
        %dma_start3A_281 = arith.constant 0 : i32
        %dma_start3A_282 = tpu.memref_slice %arg7[%add3A_280, %dma_start3A_281] : memref<147456x8xf32, #tpu.memory_space<vmem_shared>> -> memref<768x8xf32, #tpu.memory_space<vmem_shared>>
        tpu.enqueue_dma source(%arg5 : memref<768x8xf32, #tpu.memory_space<hbm>>) target(%dma_start3A_282 : memref<768x8xf32, #tpu.memory_space<vmem_shared>>) target_semaphore(%arg19 : memref<!tpu.dma_semaphore, #tpu.memory_space<semaphore_mem>>)
        %add3A_283 = arith.constant 6144 : i32
        %add3A_284 = arith.addi %mul3A_0, %add3A_283 : i32
        %dma_start3A_285 = arith.constant 0 : i32
        %dma_start3A_286 = tpu.memref_slice %arg7[%add3A_284, %dma_start3A_285] : memref<147456x8xf32, #tpu.memory_space<vmem_shared>> -> memref<768x8xf32, #tpu.memory_space<vmem_shared>>
        tpu.enqueue_dma source(%arg5 : memref<768x8xf32, #tpu.memory_space<hbm>>) target(%dma_start3A_286 : memref<768x8xf32, #tpu.memory_space<vmem_shared>>) target_semaphore(%arg19 : memref<!tpu.dma_semaphore, #tpu.memory_space<semaphore_mem>>)
        %add3A_287 = arith.constant 6912 : i32
        %add3A_288 = arith.addi %mul3A_0, %add3A_287 : i32
        %dma_start3A_289 = arith.constant 0 : i32
        %dma_start3A_290 = tpu.memref_slice %arg7[%add3A_288, %dma_start3A_289] : memref<147456x8xf32, #tpu.memory_space<vmem_shared>> -> memref<768x8xf32, #tpu.memory_space<vmem_shared>>
        tpu.enqueue_dma source(%arg5 : memref<768x8xf32, #tpu.memory_space<hbm>>) target(%dma_start3A_290 : memref<768x8xf32, #tpu.memory_space<vmem_shared>>) target_semaphore(%arg19 : memref<!tpu.dma_semaphore, #tpu.memory_space<semaphore_mem>>)
        %add3A_291 = arith.constant 7680 : i32
        %add3A_292 = arith.addi %mul3A_0, %add3A_291 : i32
        %dma_start3A_293 = arith.constant 0 : i32
        %dma_start3A_294 = tpu.memref_slice %arg7[%add3A_292, %dma_start3A_293] : memref<147456x8xf32, #tpu.memory_space<vmem_shared>> -> memref<768x8xf32, #tpu.memory_space<vmem_shared>>
        tpu.enqueue_dma source(%arg5 : memref<768x8xf32, #tpu.memory_space<hbm>>) target(%dma_start3A_294 : memref<768x8xf32, #tpu.memory_space<vmem_shared>>) target_semaphore(%arg19 : memref<!tpu.dma_semaphore, #tpu.memory_space<semaphore_mem>>)
        %add3A_295 = arith.constant 8448 : i32
        %add3A_296 = arith.addi %mul3A_0, %add3A_295 : i32
        %dma_start3A_297 = arith.constant 0 : i32
        %dma_start3A_298 = tpu.memref_slice %arg7[%add3A_296, %dma_start3A_297] : memref<147456x8xf32, #tpu.memory_space<vmem_shared>> -> memref<768x8xf32, #tpu.memory_space<vmem_shared>>
        tpu.enqueue_dma source(%arg5 : memref<768x8xf32, #tpu.memory_space<hbm>>) target(%dma_start3A_298 : memref<768x8xf32, #tpu.memory_space<vmem_shared>>) target_semaphore(%arg19 : memref<!tpu.dma_semaphore, #tpu.memory_space<semaphore_mem>>)
        %dma_wait3A_299 = arith.constant 0 : i32
        %dma_wait3A_300 = tpu.memref_slice %arg7[%mul3A_0, %dma_wait3A_299] : memref<147456x8xf32, #tpu.memory_space<vmem_shared>> -> memref<768x8xf32, #tpu.memory_space<vmem_shared>>
        tpu.wait_dma2 semaphore(%arg19 : memref<!tpu.dma_semaphore, #tpu.memory_space<semaphore_mem>>) src(%arg5 : memref<768x8xf32, #tpu.memory_space<hbm>>) dst(%dma_wait3A_300 : memref<768x8xf32, #tpu.memory_space<vmem_shared>>)
        %dma_wait3A_301 = arith.constant 0 : i32
        %dma_wait3A_302 = tpu.memref_slice %arg7[%mul3A_0, %dma_wait3A_301] : memref<147456x8xf32, #tpu.memory_space<vmem_shared>> -> memref<768x8xf32, #tpu.memory_space<vmem_shared>>
        tpu.wait_dma2 semaphore(%arg19 : memref<!tpu.dma_semaphore, #tpu.memory_space<semaphore_mem>>) src(%arg5 : memref<768x8xf32, #tpu.memory_space<hbm>>) dst(%dma_wait3A_302 : memref<768x8xf32, #tpu.memory_space<vmem_shared>>)
        %dma_wait3A_303 = arith.constant 0 : i32
        %dma_wait3A_304 = tpu.memref_slice %arg7[%mul3A_0, %dma_wait3A_303] : memref<147456x8xf32, #tpu.memory_space<vmem_shared>> -> memref<768x8xf32, #tpu.memory_space<vmem_shared>>
        tpu.wait_dma2 semaphore(%arg19 : memref<!tpu.dma_semaphore, #tpu.memory_space<semaphore_mem>>) src(%arg5 : memref<768x8xf32, #tpu.memory_space<hbm>>) dst(%dma_wait3A_304 : memref<768x8xf32, #tpu.memory_space<vmem_shared>>)
        %dma_wait3A_305 = arith.constant 0 : i32
        %dma_wait3A_306 = tpu.memref_slice %arg7[%mul3A_0, %dma_wait3A_305] : memref<147456x8xf32, #tpu.memory_space<vmem_shared>> -> memref<768x8xf32, #tpu.memory_space<vmem_shared>>
        tpu.wait_dma2 semaphore(%arg19 : memref<!tpu.dma_semaphore, #tpu.memory_space<semaphore_mem>>) src(%arg5 : memref<768x8xf32, #tpu.memory_space<hbm>>) dst(%dma_wait3A_306 : memref<768x8xf32, #tpu.memory_space<vmem_shared>>)
        %dma_wait3A_307 = arith.constant 0 : i32
        %dma_wait3A_308 = tpu.memref_slice %arg7[%mul3A_0, %dma_wait3A_307] : memref<147456x8xf32, #tpu.memory_space<vmem_shared>> -> memref<768x8xf32, #tpu.memory_space<vmem_shared>>
        tpu.wait_dma2 semaphore(%arg19 : memref<!tpu.dma_semaphore, #tpu.memory_space<semaphore_mem>>) src(%arg5 : memref<768x8xf32, #tpu.memory_space<hbm>>) dst(%dma_wait3A_308 : memref<768x8xf32, #tpu.memory_space<vmem_shared>>)
        %dma_wait3A_309 = arith.constant 0 : i32
        %dma_wait3A_310 = tpu.memref_slice %arg7[%mul3A_0, %dma_wait3A_309] : memref<147456x8xf32, #tpu.memory_space<vmem_shared>> -> memref<768x8xf32, #tpu.memory_space<vmem_shared>>
        tpu.wait_dma2 semaphore(%arg19 : memref<!tpu.dma_semaphore, #tpu.memory_space<semaphore_mem>>) src(%arg5 : memref<768x8xf32, #tpu.memory_space<hbm>>) dst(%dma_wait3A_310 : memref<768x8xf32, #tpu.memory_space<vmem_shared>>)
        %dma_wait3A_311 = arith.constant 0 : i32
        %dma_wait3A_312 = tpu.memref_slice %arg7[%mul3A_0, %dma_wait3A_311] : memref<147456x8xf32, #tpu.memory_space<vmem_shared>> -> memref<768x8xf32, #tpu.memory_space<vmem_shared>>
        tpu.wait_dma2 semaphore(%arg19 : memref<!tpu.dma_semaphore, #tpu.memory_space<semaphore_mem>>) src(%arg5 : memref<768x8xf32, #tpu.memory_space<hbm>>) dst(%dma_wait3A_312 : memref<768x8xf32, #tpu.memory_space<vmem_shared>>)
        %dma_wait3A_313 = arith.constant 0 : i32
        %dma_wait3A_314 = tpu.memref_slice %arg7[%mul3A_0, %dma_wait3A_313] : memref<147456x8xf32, #tpu.memory_space<vmem_shared>> -> memref<768x8xf32, #tpu.memory_space<vmem_shared>>
        tpu.wait_dma2 semaphore(%arg19 : memref<!tpu.dma_semaphore, #tpu.memory_space<semaphore_mem>>) src(%arg5 : memref<768x8xf32, #tpu.memory_space<hbm>>) dst(%dma_wait3A_314 : memref<768x8xf32, #tpu.memory_space<vmem_shared>>)
        %dma_wait3A_315 = arith.constant 0 : i32
        %dma_wait3A_316 = tpu.memref_slice %arg7[%mul3A_0, %dma_wait3A_315] : memref<147456x8xf32, #tpu.memory_space<vmem_shared>> -> memref<768x8xf32, #tpu.memory_space<vmem_shared>>
        tpu.wait_dma2 semaphore(%arg19 : memref<!tpu.dma_semaphore, #tpu.memory_space<semaphore_mem>>) src(%arg5 : memref<768x8xf32, #tpu.memory_space<hbm>>) dst(%dma_wait3A_316 : memref<768x8xf32, #tpu.memory_space<vmem_shared>>)
        %dma_wait3A_317 = arith.constant 0 : i32
        %dma_wait3A_318 = tpu.memref_slice %arg7[%mul3A_0, %dma_wait3A_317] : memref<147456x8xf32, #tpu.memory_space<vmem_shared>> -> memref<768x8xf32, #tpu.memory_space<vmem_shared>>
        tpu.wait_dma2 semaphore(%arg19 : memref<!tpu.dma_semaphore, #tpu.memory_space<semaphore_mem>>) src(%arg5 : memref<768x8xf32, #tpu.memory_space<hbm>>) dst(%dma_wait3A_318 : memref<768x8xf32, #tpu.memory_space<vmem_shared>>)
        %dma_wait3A_319 = arith.constant 0 : i32
        %dma_wait3A_320 = tpu.memref_slice %arg7[%mul3A_0, %dma_wait3A_319] : memref<147456x8xf32, #tpu.memory_space<vmem_shared>> -> memref<768x8xf32, #tpu.memory_space<vmem_shared>>
        tpu.wait_dma2 semaphore(%arg19 : memref<!tpu.dma_semaphore, #tpu.memory_space<semaphore_mem>>) src(%arg5 : memref<768x8xf32, #tpu.memory_space<hbm>>) dst(%dma_wait3A_320 : memref<768x8xf32, #tpu.memory_space<vmem_shared>>)
        %dma_wait3A_321 = arith.constant 0 : i32
        %dma_wait3A_322 = tpu.memref_slice %arg7[%mul3A_0, %dma_wait3A_321] : memref<147456x8xf32, #tpu.memory_space<vmem_shared>> -> memref<768x8xf32, #tpu.memory_space<vmem_shared>>
        tpu.wait_dma2 semaphore(%arg19 : memref<!tpu.dma_semaphore, #tpu.memory_space<semaphore_mem>>) src(%arg5 : memref<768x8xf32, #tpu.memory_space<hbm>>) dst(%dma_wait3A_322 : memref<768x8xf32, #tpu.memory_space<vmem_shared>>)
      } else {
      }
      %add3A_46 = arith.constant 0 : i32
      %add3A_47 = arith.addi %mul3A_0, %add3A_46 : i32
      %add3A_48 = arith.constant 0 : i32
      %add3A_49 = arith.addi %mul3A_2, %add3A_48 : i32
      %jit3A_50 = arith.constant 8 : i32
      %div3A_51 = arith.divsi %add3A_49, %jit3A_50 : i32
      %sign3A_52 = arith.constant 0 : i32
      %sign3A_53 = arith.cmpi sgt, %add3A_49, %sign3A_52 : i32
      %sign3A_54 = arith.extui %sign3A_53 : i1 to i32
      %sign3A_55 = arith.constant 0 : i32
      %sign3A_56 = arith.cmpi slt, %add3A_49, %sign3A_55 : i32
      %sign3A_57 = arith.extui %sign3A_56 : i1 to i32
      %sign3A_58 = arith.subi %sign3A_54, %sign3A_57 : i32
      %sign3A_59 = arith.constant 0 : i32
      %sign3A_60 = arith.cmpi sgt, %jit3A_50, %sign3A_59 : i32
      %sign3A_61 = arith.extui %sign3A_60 : i1 to i32
      %sign3A_62 = arith.constant 0 : i32
      %sign3A_63 = arith.cmpi slt, %jit3A_50, %sign3A_62 : i32
      %sign3A_64 = arith.extui %sign3A_63 : i1 to i32
      %sign3A_65 = arith.subi %sign3A_61, %sign3A_64 : i32
      %ne3A_66 = arith.cmpi ne, %sign3A_58, %sign3A_65 : i32
      %rem3A_67 = arith.remsi %add3A_49, %jit3A_50 : i32
      %ne3A_68 = arith.constant 0 : i32
      %ne3A_69 = arith.cmpi ne, %rem3A_67, %ne3A_68 : i32
      %and3A_70 = arith.andi %ne3A_66, %ne3A_69 : i1
      %sub3A_71 = arith.constant 1 : i32
      %sub3A_72 = arith.subi %div3A_51, %sub3A_71 : i32
      %select_n3A_73 = arith.select %and3A_70, %sub3A_72, %div3A_51 : i32
      %rem3A_74 = arith.constant 8 : i32
      %rem3A_75 = arith.remsi %add3A_49, %rem3A_74 : i32
      %mul3A_76 = arith.constant 8 : i32
      %mul3A_77 = arith.muli %add3A, %mul3A_76 : i32
      %dma_start3A = arith.constant 0 : i32
      %dma_start3A_78 = arith.constant 0 : i32
      %dma_start3A_79 = tpu.memref_slice %arg2[%select_n3A, %mul3A_77, %select_n3A_73, %dma_start3A, %rem3A_75, %dma_start3A_78] : memref<2x96x48x3x8x128xf32, #tpu.memory_space<hbm>> -> memref<1x8x1x3x2x128xf32, #tpu.memory_space<hbm>>
      %dma_start3A_80 = tpu.memref_squeeze %dma_start3A_79 : memref<1x8x1x3x2x128xf32, #tpu.memory_space<hbm>> -> memref<8x3x2x128xf32, #tpu.memory_space<hbm>>
      %dma_start3A_81 = arith.constant 0 : i32
      %dma_start3A_82 = arith.constant 0 : i32
      %dma_start3A_83 = tpu.memref_slice %arg2[%select_n3A, %mul3A_77, %select_n3A_73, %dma_start3A_81, %rem3A_75, %dma_start3A_82] : memref<2x96x48x3x8x128xf32, #tpu.memory_space<hbm>> -> memref<1x8x1x3x2x128xf32, #tpu.memory_space<hbm>>
      %dma_start3A_84 = tpu.memref_squeeze %dma_start3A_83 : memref<1x8x1x3x2x128xf32, #tpu.memory_space<hbm>> -> memref<8x3x2x128xf32, #tpu.memory_space<hbm>>
      tpu.enqueue_dma source(%dma_start3A_84 : memref<8x3x2x128xf32, #tpu.memory_space<hbm>>) target(%arg8 : memref<8x3x2x128xf32, #tpu.memory_space<vmem>>) target_semaphore(%arg15 : memref<!tpu.dma_semaphore, #tpu.memory_space<semaphore_mem>>)
      %dma_start3A_85 = arith.constant 0 : i32
      %dma_start3A_86 = tpu.memref_slice %arg4[%select_n3A, %dma_start3A_85, %add3A_47] : memref<2x4x147456xf32, #tpu.memory_space<hbm>> -> memref<1x4x768xf32, #tpu.memory_space<hbm>>
      %dma_start3A_87 = tpu.memref_squeeze %dma_start3A_86 : memref<1x4x768xf32, #tpu.memory_space<hbm>> -> memref<4x768xf32, #tpu.memory_space<hbm>>
      %dma_start3A_88 = arith.constant 0 : i32
      %dma_start3A_89 = tpu.memref_slice %arg4[%select_n3A, %dma_start3A_88, %add3A_47] : memref<2x4x147456xf32, #tpu.memory_space<hbm>> -> memref<1x4x768xf32, #tpu.memory_space<hbm>>
      %dma_start3A_90 = tpu.memref_squeeze %dma_start3A_89 : memref<1x4x768xf32, #tpu.memory_space<hbm>> -> memref<4x768xf32, #tpu.memory_space<hbm>>
      tpu.enqueue_dma source(%dma_start3A_90 : memref<4x768xf32, #tpu.memory_space<hbm>>) target(%arg10 : memref<4x768xf32, #tpu.memory_space<vmem>>) target_semaphore(%arg15 : memref<!tpu.dma_semaphore, #tpu.memory_space<semaphore_mem>>)
      %dma_start3A_91 = arith.constant 0 : i32
      %dma_start3A_92 = arith.constant 0 : i32
      %dma_start3A_93 = arith.constant 0 : i32
      %dma_start3A_94 = tpu.memref_slice %arg12[%dma_start3A_91, %dma_start3A_92, %dma_start3A_93] : memref<3x4x768xi32, #tpu.memory_space<vmem>> -> memref<1x4x768xi32, #tpu.memory_space<vmem>>
      %dma_start3A_95 = tpu.memref_squeeze %dma_start3A_94 : memref<1x4x768xi32, #tpu.memory_space<vmem>> -> memref<4x768xi32, #tpu.memory_space<vmem>>
      %dma_start3A_96 = arith.constant 0 : i32
      %dma_start3A_97 = tpu.memref_slice %arg3[%select_n3A, %dma_start3A_96, %add3A_47] : memref<2x4x147456xi32, #tpu.memory_space<hbm>> -> memref<1x4x768xi32, #tpu.memory_space<hbm>>
      %dma_start3A_98 = tpu.memref_squeeze %dma_start3A_97 : memref<1x4x768xi32, #tpu.memory_space<hbm>> -> memref<4x768xi32, #tpu.memory_space<hbm>>
      %dma_start3A_99 = arith.constant 0 : i32
      %dma_start3A_100 = arith.constant 0 : i32
      %dma_start3A_101 = tpu.memref_slice %arg12[%dma_start3A_91, %dma_start3A_99, %dma_start3A_100] : memref<3x4x768xi32, #tpu.memory_space<vmem>> -> memref<1x4x768xi32, #tpu.memory_space<vmem>>
      %dma_start3A_102 = tpu.memref_squeeze %dma_start3A_101 : memref<1x4x768xi32, #tpu.memory_space<vmem>> -> memref<4x768xi32, #tpu.memory_space<vmem>>
      %dma_start3A_103 = arith.constant 0 : i32
      %dma_start3A_104 = tpu.memref_slice %arg3[%select_n3A, %dma_start3A_103, %add3A_47] : memref<2x4x147456xi32, #tpu.memory_space<hbm>> -> memref<1x4x768xi32, #tpu.memory_space<hbm>>
      %dma_start3A_105 = tpu.memref_squeeze %dma_start3A_104 : memref<1x4x768xi32, #tpu.memory_space<hbm>> -> memref<4x768xi32, #tpu.memory_space<hbm>>
      tpu.enqueue_dma source(%dma_start3A_105 : memref<4x768xi32, #tpu.memory_space<hbm>>) target(%dma_start3A_102 : memref<4x768xi32, #tpu.memory_space<vmem>>) target_semaphore(%arg15 : memref<!tpu.dma_semaphore, #tpu.memory_space<semaphore_mem>>)
      %add3A_106 = arith.constant 768 : i32
      %add3A_107 = arith.addi %mul3A_0, %add3A_106 : i32
      %add3A_108 = arith.constant 2 : i32
      %add3A_109 = arith.addi %mul3A_2, %add3A_108 : i32
      %jit3A_110 = arith.constant 8 : i32
      %div3A_111 = arith.divsi %add3A_109, %jit3A_110 : i32
      %sign3A_112 = arith.constant 0 : i32
      %sign3A_113 = arith.cmpi sgt, %add3A_109, %sign3A_112 : i32
      %sign3A_114 = arith.extui %sign3A_113 : i1 to i32
      %sign3A_115 = arith.constant 0 : i32
      %sign3A_116 = arith.cmpi slt, %add3A_109, %sign3A_115 : i32
      %sign3A_117 = arith.extui %sign3A_116 : i1 to i32
      %sign3A_118 = arith.subi %sign3A_114, %sign3A_117 : i32
      %sign3A_119 = arith.constant 0 : i32
      %sign3A_120 = arith.cmpi sgt, %jit3A_110, %sign3A_119 : i32
      %sign3A_121 = arith.extui %sign3A_120 : i1 to i32
      %sign3A_122 = arith.constant 0 : i32
      %sign3A_123 = arith.cmpi slt, %jit3A_110, %sign3A_122 : i32
      %sign3A_124 = arith.extui %sign3A_123 : i1 to i32
      %sign3A_125 = arith.subi %sign3A_121, %sign3A_124 : i32
      %ne3A_126 = arith.cmpi ne, %sign3A_118, %sign3A_125 : i32
      %rem3A_127 = arith.remsi %add3A_109, %jit3A_110 : i32
      %ne3A_128 = arith.constant 0 : i32
      %ne3A_129 = arith.cmpi ne, %rem3A_127, %ne3A_128 : i32
      %and3A_130 = arith.andi %ne3A_126, %ne3A_129 : i1
      %sub3A_131 = arith.constant 1 : i32
      %sub3A_132 = arith.subi %div3A_111, %sub3A_131 : i32
      %select_n3A_133 = arith.select %and3A_130, %sub3A_132, %div3A_111 : i32
      %rem3A_134 = arith.constant 8 : i32
      %rem3A_135 = arith.remsi %add3A_109, %rem3A_134 : i32
      %mul3A_136 = arith.constant 8 : i32
      %mul3A_137 = arith.muli %add3A, %mul3A_136 : i32
      %dma_start3A_138 = arith.constant 0 : i32
      %dma_start3A_139 = arith.constant 0 : i32
      %dma_start3A_140 = tpu.memref_slice %arg2[%select_n3A, %mul3A_137, %select_n3A_133, %dma_start3A_138, %rem3A_135, %dma_start3A_139] : memref<2x96x48x3x8x128xf32, #tpu.memory_space<hbm>> -> memref<1x8x1x3x2x128xf32, #tpu.memory_space<hbm>>
      %dma_start3A_141 = tpu.memref_squeeze %dma_start3A_140 : memref<1x8x1x3x2x128xf32, #tpu.memory_space<hbm>> -> memref<8x3x2x128xf32, #tpu.memory_space<hbm>>
      %dma_start3A_142 = arith.constant 0 : i32
      %dma_start3A_143 = arith.constant 0 : i32
      %dma_start3A_144 = tpu.memref_slice %arg2[%select_n3A, %mul3A_137, %select_n3A_133, %dma_start3A_142, %rem3A_135, %dma_start3A_143] : memref<2x96x48x3x8x128xf32, #tpu.memory_space<hbm>> -> memref<1x8x1x3x2x128xf32, #tpu.memory_space<hbm>>
      %dma_start3A_145 = tpu.memref_squeeze %dma_start3A_144 : memref<1x8x1x3x2x128xf32, #tpu.memory_space<hbm>> -> memref<8x3x2x128xf32, #tpu.memory_space<hbm>>
      tpu.enqueue_dma source(%dma_start3A_145 : memref<8x3x2x128xf32, #tpu.memory_space<hbm>>) target(%arg9 : memref<8x3x2x128xf32, #tpu.memory_space<vmem>>) target_semaphore(%arg16 : memref<!tpu.dma_semaphore, #tpu.memory_space<semaphore_mem>>)
      %dma_start3A_146 = arith.constant 0 : i32
      %dma_start3A_147 = tpu.memref_slice %arg4[%select_n3A, %dma_start3A_146, %add3A_107] : memref<2x4x147456xf32, #tpu.memory_space<hbm>> -> memref<1x4x768xf32, #tpu.memory_space<hbm>>
      %dma_start3A_148 = tpu.memref_squeeze %dma_start3A_147 : memref<1x4x768xf32, #tpu.memory_space<hbm>> -> memref<4x768xf32, #tpu.memory_space<hbm>>
      %dma_start3A_149 = arith.constant 0 : i32
      %dma_start3A_150 = tpu.memref_slice %arg4[%select_n3A, %dma_start3A_149, %add3A_107] : memref<2x4x147456xf32, #tpu.memory_space<hbm>> -> memref<1x4x768xf32, #tpu.memory_space<hbm>>
      %dma_start3A_151 = tpu.memref_squeeze %dma_start3A_150 : memref<1x4x768xf32, #tpu.memory_space<hbm>> -> memref<4x768xf32, #tpu.memory_space<hbm>>
      tpu.enqueue_dma source(%dma_start3A_151 : memref<4x768xf32, #tpu.memory_space<hbm>>) target(%arg11 : memref<4x768xf32, #tpu.memory_space<vmem>>) target_semaphore(%arg16 : memref<!tpu.dma_semaphore, #tpu.memory_space<semaphore_mem>>)
      %dma_start3A_152 = arith.constant 1 : i32
      %dma_start3A_153 = arith.constant 0 : i32
      %dma_start3A_154 = arith.constant 0 : i32
      %dma_start3A_155 = tpu.memref_slice %arg12[%dma_start3A_152, %dma_start3A_153, %dma_start3A_154] : memref<3x4x768xi32, #tpu.memory_space<vmem>> -> memref<1x4x768xi32, #tpu.memory_space<vmem>>
      %dma_start3A_156 = tpu.memref_squeeze %dma_start3A_155 : memref<1x4x768xi32, #tpu.memory_space<vmem>> -> memref<4x768xi32, #tpu.memory_space<vmem>>
      %dma_start3A_157 = arith.constant 0 : i32
      %dma_start3A_158 = tpu.memref_slice %arg3[%select_n3A, %dma_start3A_157, %add3A_107] : memref<2x4x147456xi32, #tpu.memory_space<hbm>> -> memref<1x4x768xi32, #tpu.memory_space<hbm>>
      %dma_start3A_159 = tpu.memref_squeeze %dma_start3A_158 : memref<1x4x768xi32, #tpu.memory_space<hbm>> -> memref<4x768xi32, #tpu.memory_space<hbm>>
      %dma_start3A_160 = arith.constant 0 : i32
      %dma_start3A_161 = arith.constant 0 : i32
      %dma_start3A_162 = tpu.memref_slice %arg12[%dma_start3A_152, %dma_start3A_160, %dma_start3A_161] : memref<3x4x768xi32, #tpu.memory_space<vmem>> -> memref<1x4x768xi32, #tpu.memory_space<vmem>>
      %dma_start3A_163 = tpu.memref_squeeze %dma_start3A_162 : memref<1x4x768xi32, #tpu.memory_space<vmem>> -> memref<4x768xi32, #tpu.memory_space<vmem>>
      %dma_start3A_164 = arith.constant 0 : i32
      %dma_start3A_165 = tpu.memref_slice %arg3[%select_n3A, %dma_start3A_164, %add3A_107] : memref<2x4x147456xi32, #tpu.memory_space<hbm>> -> memref<1x4x768xi32, #tpu.memory_space<hbm>>
      %dma_start3A_166 = tpu.memref_squeeze %dma_start3A_165 : memref<1x4x768xi32, #tpu.memory_space<hbm>> -> memref<4x768xi32, #tpu.memory_space<hbm>>
      tpu.enqueue_dma source(%dma_start3A_166 : memref<4x768xi32, #tpu.memory_space<hbm>>) target(%dma_start3A_163 : memref<4x768xi32, #tpu.memory_space<vmem>>) target_semaphore(%arg16 : memref<!tpu.dma_semaphore, #tpu.memory_space<semaphore_mem>>)
      %barrier3A = arith.constant 0 : index
      tpu.barrier barrier_id(%barrier3A)
      %scan3A_167 = arith.constant 0 : i32
      %scan3A_168 = arith.constant 0 : i32
      %scan3A_169 = arith.constant 6 : i32
      %scan3A_170 = arith.addi %scan3A_168, %scan3A_169 : i32
      %scan3A_171 = arith.constant 1 : i32
      scf.for %scan3A_251 = %scan3A_168 to %scan3A_170 step %scan3A_171  : i32 {
        %mul3A_252 = arith.constant 2 : i32
        %mul3A_253 = arith.muli %mul3A_252, %scan3A_251 : i32
        %add3A_254 = arith.constant 0 : i32
        %add3A_255 = arith.addi %mul3A_253, %add3A_254 : i32
        %mul3A_256 = arith.constant 8 : i32
        %mul3A_257 = arith.muli %add3A, %mul3A_256 : i32
        %dma_wait3A_258 = arith.constant 0 : i32
        %dma_wait3A_259 = arith.constant 0 : i32
        %dma_wait3A_260 = arith.constant 0 : i32
        %dma_wait3A_261 = arith.constant 0 : i32
        %dma_wait3A_262 = tpu.memref_slice %arg2[%select_n3A, %mul3A_257, %dma_wait3A_258, %dma_wait3A_259, %dma_wait3A_260, %dma_wait3A_261] : memref<2x96x48x3x8x128xf32, #tpu.memory_space<hbm>> -> memref<1x8x1x3x2x128xf32, #tpu.memory_space<hbm>>
        %dma_wait3A_263 = tpu.memref_squeeze %dma_wait3A_262 : memref<1x8x1x3x2x128xf32, #tpu.memory_space<hbm>> -> memref<8x3x2x128xf32, #tpu.memory_space<hbm>>
        %dma_wait3A_264 = arith.constant 0 : i32
        %dma_wait3A_265 = arith.constant 0 : i32
        %dma_wait3A_266 = arith.constant 0 : i32
        %dma_wait3A_267 = tpu.memref_slice %arg2[%select_n3A, %mul3A_257, %dma_wait3A_258, %dma_wait3A_264, %dma_wait3A_265, %dma_wait3A_266] : memref<2x96x48x3x8x128xf32, #tpu.memory_space<hbm>> -> memref<1x8x1x3x2x128xf32, #tpu.memory_space<hbm>>
        %dma_wait3A_268 = tpu.memref_squeeze %dma_wait3A_267 : memref<1x8x1x3x2x128xf32, #tpu.memory_space<hbm>> -> memref<8x3x2x128xf32, #tpu.memory_space<hbm>>
        tpu.wait_dma2 semaphore(%arg15 : memref<!tpu.dma_semaphore, #tpu.memory_space<semaphore_mem>>) src(%dma_wait3A_268 : memref<8x3x2x128xf32, #tpu.memory_space<hbm>>) dst(%arg8 : memref<8x3x2x128xf32, #tpu.memory_space<vmem>>)
        %dma_wait3A_269 = arith.constant 0 : i32
        %dma_wait3A_270 = tpu.memref_slice %arg4[%select_n3A, %dma_wait3A_269, %mul3A_0] : memref<2x4x147456xf32, #tpu.memory_space<hbm>> -> memref<1x4x768xf32, #tpu.memory_space<hbm>>
        %dma_wait3A_271 = tpu.memref_squeeze %dma_wait3A_270 : memref<1x4x768xf32, #tpu.memory_space<hbm>> -> memref<4x768xf32, #tpu.memory_space<hbm>>
        %dma_wait3A_272 = arith.constant 0 : i32
        %dma_wait3A_273 = tpu.memref_slice %arg4[%select_n3A, %dma_wait3A_272, %mul3A_0] : memref<2x4x147456xf32, #tpu.memory_space<hbm>> -> memref<1x4x768xf32, #tpu.memory_space<hbm>>
        %dma_wait3A_274 = tpu.memref_squeeze %dma_wait3A_273 : memref<1x4x768xf32, #tpu.memory_space<hbm>> -> memref<4x768xf32, #tpu.memory_space<hbm>>
        tpu.wait_dma2 semaphore(%arg15 : memref<!tpu.dma_semaphore, #tpu.memory_space<semaphore_mem>>) src(%dma_wait3A_274 : memref<4x768xf32, #tpu.memory_space<hbm>>) dst(%arg10 : memref<4x768xf32, #tpu.memory_space<vmem>>)
        %dma_wait3A_275 = arith.constant 0 : i32
        %dma_wait3A_276 = arith.constant 0 : i32
        %dma_wait3A_277 = arith.constant 0 : i32
        %dma_wait3A_278 = tpu.memref_slice %arg12[%dma_wait3A_275, %dma_wait3A_276, %dma_wait3A_277] : memref<3x4x768xi32, #tpu.memory_space<vmem>> -> memref<1x4x768xi32, #tpu.memory_space<vmem>>
        %dma_wait3A_279 = tpu.memref_squeeze %dma_wait3A_278 : memref<1x4x768xi32, #tpu.memory_space<vmem>> -> memref<4x768xi32, #tpu.memory_space<vmem>>
        %dma_wait3A_280 = arith.constant 0 : i32
        %dma_wait3A_281 = tpu.memref_slice %arg3[%select_n3A, %dma_wait3A_280, %mul3A_0] : memref<2x4x147456xi32, #tpu.memory_space<hbm>> -> memref<1x4x768xi32, #tpu.memory_space<hbm>>
        %dma_wait3A_282 = tpu.memref_squeeze %dma_wait3A_281 : memref<1x4x768xi32, #tpu.memory_space<hbm>> -> memref<4x768xi32, #tpu.memory_space<hbm>>
        %dma_wait3A_283 = arith.constant 0 : i32
        %dma_wait3A_284 = arith.constant 0 : i32
        %dma_wait3A_285 = tpu.memref_slice %arg12[%dma_wait3A_275, %dma_wait3A_283, %dma_wait3A_284] : memref<3x4x768xi32, #tpu.memory_space<vmem>> -> memref<1x4x768xi32, #tpu.memory_space<vmem>>
        %dma_wait3A_286 = tpu.memref_squeeze %dma_wait3A_285 : memref<1x4x768xi32, #tpu.memory_space<vmem>> -> memref<4x768xi32, #tpu.memory_space<vmem>>
        %dma_wait3A_287 = arith.constant 0 : i32
        %dma_wait3A_288 = tpu.memref_slice %arg3[%select_n3A, %dma_wait3A_287, %mul3A_0] : memref<2x4x147456xi32, #tpu.memory_space<hbm>> -> memref<1x4x768xi32, #tpu.memory_space<hbm>>
        %dma_wait3A_289 = tpu.memref_squeeze %dma_wait3A_288 : memref<1x4x768xi32, #tpu.memory_space<hbm>> -> memref<4x768xi32, #tpu.memory_space<hbm>>
        tpu.wait_dma2 semaphore(%arg15 : memref<!tpu.dma_semaphore, #tpu.memory_space<semaphore_mem>>) src(%dma_wait3A_289 : memref<4x768xi32, #tpu.memory_space<hbm>>) dst(%dma_wait3A_286 : memref<4x768xi32, #tpu.memory_space<vmem>>)
        %ge3A = arith.constant 1 : i32
        %ge3A_290 = arith.cmpi sge, %add3A_255, %ge3A : i32
        %convert_element_type3A_291 = arith.extui %ge3A_290 : i1 to i32
        %cond3A_292 = arith.constant 0 : i32
        %cond3A_293 = arith.cmpi ne, %convert_element_type3A_291, %cond3A_292 : i32
        scf.if %cond3A_293 {
          %dma_wait3A_672 = arith.constant 0 : i32
          %dma_wait3A_673 = arith.constant 0 : i32
          %dma_wait3A_674 = arith.constant 0 : i32
          %dma_wait3A_675 = tpu.memref_slice %arg12[%dma_wait3A_672, %dma_wait3A_673, %dma_wait3A_674] : memref<3x4x768xi32, #tpu.memory_space<vmem>> -> memref<1x1x768xi32, #tpu.memory_space<vmem>>
          %dma_wait3A_676 = tpu.memref_squeeze %dma_wait3A_675 : memref<1x1x768xi32, #tpu.memory_space<vmem>> -> memref<768xi32, #tpu.memory_space<vmem>>
          %dma_wait3A_677 = arith.constant 0 : i32
          %dma_wait3A_678 = arith.constant 0 : i32
          %dma_wait3A_679 = tpu.memref_slice %arg7[%dma_wait3A_677, %dma_wait3A_678] : memref<147456x8xf32, #tpu.memory_space<vmem_shared>> -> memref<147456x8xf32, #tpu.memory_space<vmem_shared>>
          tpu.wait_indirect_dma semaphore(%arg17 : memref<!tpu.dma_semaphore, #tpu.memory_space<semaphore_mem>>) src(%arg13 : memref<768x8xf32, #tpu.memory_space<vmem>>) dst(%dma_wait3A_679 : memref<147456x8xf32, #tpu.memory_space<vmem_shared>>)
        } else {
        }
        %scan3A_294 = arith.constant 0 : i32
        %scan3A_295 = arith.constant 0 : i32
        %scan3A_296 = arith.constant 24 : i32
        %scan3A_297 = arith.addi %scan3A_295, %scan3A_296 : i32
        %scan3A_298 = arith.constant 1 : i32
        scf.for %scan3A_672 = %scan3A_295 to %scan3A_297 step %scan3A_298  : i32 {
          %mul3A_673 = arith.constant 16 : i32
          %mul3A_674 = arith.muli %scan3A_672, %mul3A_673 : i32
          %jit3A_675 = arith.constant 8 : i32
          %div3A_676 = arith.divsi %scan3A_672, %jit3A_675 : i32
          %sign3A_677 = arith.constant 0 : i32
          %sign3A_678 = arith.cmpi sgt, %scan3A_672, %sign3A_677 : i32
          %sign3A_679 = arith.extui %sign3A_678 : i1 to i32
          %sign3A_680 = arith.constant 0 : i32
          %sign3A_681 = arith.cmpi slt, %scan3A_672, %sign3A_680 : i32
          %sign3A_682 = arith.extui %sign3A_681 : i1 to i32
          %sign3A_683 = arith.subi %sign3A_679, %sign3A_682 : i32
          %sign3A_684 = arith.constant 0 : i32
          %sign3A_685 = arith.cmpi sgt, %jit3A_675, %sign3A_684 : i32
          %sign3A_686 = arith.extui %sign3A_685 : i1 to i32
          %sign3A_687 = arith.constant 0 : i32
          %sign3A_688 = arith.cmpi slt, %jit3A_675, %sign3A_687 : i32
          %sign3A_689 = arith.extui %sign3A_688 : i1 to i32
          %sign3A_690 = arith.subi %sign3A_686, %sign3A_689 : i32
          %ne3A_691 = arith.cmpi ne, %sign3A_683, %sign3A_690 : i32
          %rem3A_692 = arith.remsi %scan3A_672, %jit3A_675 : i32
          %ne3A_693 = arith.constant 0 : i32
          %ne3A_694 = arith.cmpi ne, %rem3A_692, %ne3A_693 : i32
          %and3A_695 = arith.andi %ne3A_691, %ne3A_694 : i1
          %sub3A_696 = arith.constant 1 : i32
          %sub3A_697 = arith.subi %div3A_676, %sub3A_696 : i32
          %select_n3A_698 = arith.select %and3A_695, %sub3A_697, %div3A_676 : i32
          %rem3A_699 = arith.constant 128 : i32
          %rem3A_700 = arith.remsi %mul3A_674, %rem3A_699 : i32
          %add3A_701 = arith.constant 0 : i32
          %add3A_702 = arith.addi %add3A_701, %mul3A_674 : i32
          %add3A_703 = vector.broadcast %add3A_702 : i32 to vector<16xi32>
          %add3A_704 = arith.addi %iota3A, %add3A_703 : vector<16xi32>
          %get3A = arith.constant 0 : i32
          %get3A_705 = arith.index_cast %get3A : i32 to index
          %get3A_706 = arith.index_cast %add3A_702 : i32 to index
          %get3A_707 = tpu.vector_load %arg10[%get3A_705, %get3A_706] {strides = array<i32>} : memref<4x768xf32, #tpu.memory_space<vmem>>, vector<16xf32>,
          %get3A_708 = arith.constant 0 : i32
          %get3A_709 = arith.constant 0 : i32
          %get3A_710 = arith.index_cast %get3A_708 : i32 to index
          %get3A_711 = arith.index_cast %select_n3A_698 : i32 to index
          %get3A_712 = arith.index_cast %get3A_709 : i32 to index
          %get3A_713 = arith.index_cast %rem3A_700 : i32 to index
          %get3A_714 = tpu.vector_load %arg8[%get3A_710, %get3A_711, %get3A_712, %get3A_713] {strides = array<i32>} : memref<8x3x2x128xf32, #tpu.memory_space<vmem>>, vector<16xf32>,
          %mul3A_715 = arith.mulf %get3A_714, %get3A_707 : vector<16xf32>
          tpu.vector_store_idx %arg13[%add3A_704, %broadcast_in_dim3A_3], %mul3A_715 : memref<768x8xf32, #tpu.memory_space<vmem>>[vector<16xi32>, vector<16xi32>], vector<16xf32>,
          %get3A_716 = arith.constant 1 : i32
          %get3A_717 = arith.constant 0 : i32
          %get3A_718 = arith.index_cast %get3A_716 : i32 to index
          %get3A_719 = arith.index_cast %select_n3A_698 : i32 to index
          %get3A_720 = arith.index_cast %get3A_717 : i32 to index
          %get3A_721 = arith.index_cast %rem3A_700 : i32 to index
          %get3A_722 = tpu.vector_load %arg8[%get3A_718, %get3A_719, %get3A_720, %get3A_721] {strides = array<i32>} : memref<8x3x2x128xf32, #tpu.memory_space<vmem>>, vector<16xf32>,
          %mul3A_723 = arith.mulf %get3A_722, %get3A_707 : vector<16xf32>
          tpu.vector_store_idx %arg13[%add3A_704, %broadcast_in_dim3A_5], %mul3A_723 : memref<768x8xf32, #tpu.memory_space<vmem>>[vector<16xi32>, vector<16xi32>], vector<16xf32>,
          %get3A_724 = arith.constant 2 : i32
          %get3A_725 = arith.constant 0 : i32
          %get3A_726 = arith.index_cast %get3A_724 : i32 to index
          %get3A_727 = arith.index_cast %select_n3A_698 : i32 to index
          %get3A_728 = arith.index_cast %get3A_725 : i32 to index
          %get3A_729 = arith.index_cast %rem3A_700 : i32 to index
          %get3A_730 = tpu.vector_load %arg8[%get3A_726, %get3A_727, %get3A_728, %get3A_729] {strides = array<i32>} : memref<8x3x2x128xf32, #tpu.memory_space<vmem>>, vector<16xf32>,
          %mul3A_731 = arith.mulf %get3A_730, %get3A_707 : vector<16xf32>
          tpu.vector_store_idx %arg13[%add3A_704, %broadcast_in_dim3A_7], %mul3A_731 : memref<768x8xf32, #tpu.memory_space<vmem>>[vector<16xi32>, vector<16xi32>], vector<16xf32>,
          %get3A_732 = arith.constant 3 : i32
          %get3A_733 = arith.constant 0 : i32
          %get3A_734 = arith.index_cast %get3A_732 : i32 to index
          %get3A_735 = arith.index_cast %select_n3A_698 : i32 to index
          %get3A_736 = arith.index_cast %get3A_733 : i32 to index
          %get3A_737 = arith.index_cast %rem3A_700 : i32 to index
          %get3A_738 = tpu.vector_load %arg8[%get3A_734, %get3A_735, %get3A_736, %get3A_737] {strides = array<i32>} : memref<8x3x2x128xf32, #tpu.memory_space<vmem>>, vector<16xf32>,
          %mul3A_739 = arith.mulf %get3A_738, %get3A_707 : vector<16xf32>
          tpu.vector_store_idx %arg13[%add3A_704, %broadcast_in_dim3A_9], %mul3A_739 : memref<768x8xf32, #tpu.memory_space<vmem>>[vector<16xi32>, vector<16xi32>], vector<16xf32>,
          %get3A_740 = arith.constant 4 : i32
          %get3A_741 = arith.constant 0 : i32
          %get3A_742 = arith.index_cast %get3A_740 : i32 to index
          %get3A_743 = arith.index_cast %select_n3A_698 : i32 to index
          %get3A_744 = arith.index_cast %get3A_741 : i32 to index
          %get3A_745 = arith.index_cast %rem3A_700 : i32 to index
          %get3A_746 = tpu.vector_load %arg8[%get3A_742, %get3A_743, %get3A_744, %get3A_745] {strides = array<i32>} : memref<8x3x2x128xf32, #tpu.memory_space<vmem>>, vector<16xf32>,
          %mul3A_747 = arith.mulf %get3A_746, %get3A_707 : vector<16xf32>
          tpu.vector_store_idx %arg13[%add3A_704, %broadcast_in_dim3A_11], %mul3A_747 : memref<768x8xf32, #tpu.memory_space<vmem>>[vector<16xi32>, vector<16xi32>], vector<16xf32>,
          %get3A_748 = arith.constant 5 : i32
          %get3A_749 = arith.constant 0 : i32
          %get3A_750 = arith.index_cast %get3A_748 : i32 to index
          %get3A_751 = arith.index_cast %select_n3A_698 : i32 to index
          %get3A_752 = arith.index_cast %get3A_749 : i32 to index
          %get3A_753 = arith.index_cast %rem3A_700 : i32 to index
          %get3A_754 = tpu.vector_load %arg8[%get3A_750, %get3A_751, %get3A_752, %get3A_753] {strides = array<i32>} : memref<8x3x2x128xf32, #tpu.memory_space<vmem>>, vector<16xf32>,
          %mul3A_755 = arith.mulf %get3A_754, %get3A_707 : vector<16xf32>
          tpu.vector_store_idx %arg13[%add3A_704, %broadcast_in_dim3A_13], %mul3A_755 : memref<768x8xf32, #tpu.memory_space<vmem>>[vector<16xi32>, vector<16xi32>], vector<16xf32>,
          %get3A_756 = arith.constant 6 : i32
          %get3A_757 = arith.constant 0 : i32
          %get3A_758 = arith.index_cast %get3A_756 : i32 to index
          %get3A_759 = arith.index_cast %select_n3A_698 : i32 to index
          %get3A_760 = arith.index_cast %get3A_757 : i32 to index
          %get3A_761 = arith.index_cast %rem3A_700 : i32 to index
          %get3A_762 = tpu.vector_load %arg8[%get3A_758, %get3A_759, %get3A_760, %get3A_761] {strides = array<i32>} : memref<8x3x2x128xf32, #tpu.memory_space<vmem>>, vector<16xf32>,
          %mul3A_763 = arith.mulf %get3A_762, %get3A_707 : vector<16xf32>
          tpu.vector_store_idx %arg13[%add3A_704, %broadcast_in_dim3A_15], %mul3A_763 : memref<768x8xf32, #tpu.memory_space<vmem>>[vector<16xi32>, vector<16xi32>], vector<16xf32>,
          %get3A_764 = arith.constant 7 : i32
          %get3A_765 = arith.constant 0 : i32
          %get3A_766 = arith.index_cast %get3A_764 : i32 to index
          %get3A_767 = arith.index_cast %select_n3A_698 : i32 to index
          %get3A_768 = arith.index_cast %get3A_765 : i32 to index
          %get3A_769 = arith.index_cast %rem3A_700 : i32 to index
          %get3A_770 = tpu.vector_load %arg8[%get3A_766, %get3A_767, %get3A_768, %get3A_769] {strides = array<i32>} : memref<8x3x2x128xf32, #tpu.memory_space<vmem>>, vector<16xf32>,
          %mul3A_771 = arith.mulf %get3A_770, %get3A_707 : vector<16xf32>
          tpu.vector_store_idx %arg13[%add3A_704, %broadcast_in_dim3A_17], %mul3A_771 : memref<768x8xf32, #tpu.memory_space<vmem>>[vector<16xi32>, vector<16xi32>], vector<16xf32>,
        }
        %scan3A_299 = arith.constant 24 : i32
        %scan3A_300 = arith.constant 0 : i32
        %scan3A_301 = arith.constant 0 : i32
        %scan3A_302 = arith.constant 24 : i32
        %scan3A_303 = arith.addi %scan3A_301, %scan3A_302 : i32
        %scan3A_304 = arith.constant 1 : i32
        scf.for %scan3A_672 = %scan3A_301 to %scan3A_303 step %scan3A_304  : i32 {
          %mul3A_673 = arith.constant 16 : i32
          %mul3A_674 = arith.muli %scan3A_672, %mul3A_673 : i32
          %jit3A_675 = arith.constant 8 : i32
          %div3A_676 = arith.divsi %scan3A_672, %jit3A_675 : i32
          %sign3A_677 = arith.constant 0 : i32
          %sign3A_678 = arith.cmpi sgt, %scan3A_672, %sign3A_677 : i32
          %sign3A_679 = arith.extui %sign3A_678 : i1 to i32
          %sign3A_680 = arith.constant 0 : i32
          %sign3A_681 = arith.cmpi slt, %scan3A_672, %sign3A_680 : i32
          %sign3A_682 = arith.extui %sign3A_681 : i1 to i32
          %sign3A_683 = arith.subi %sign3A_679, %sign3A_682 : i32
          %sign3A_684 = arith.constant 0 : i32
          %sign3A_685 = arith.cmpi sgt, %jit3A_675, %sign3A_684 : i32
          %sign3A_686 = arith.extui %sign3A_685 : i1 to i32
          %sign3A_687 = arith.constant 0 : i32
          %sign3A_688 = arith.cmpi slt, %jit3A_675, %sign3A_687 : i32
          %sign3A_689 = arith.extui %sign3A_688 : i1 to i32
          %sign3A_690 = arith.subi %sign3A_686, %sign3A_689 : i32
          %ne3A_691 = arith.cmpi ne, %sign3A_683, %sign3A_690 : i32
          %rem3A_692 = arith.remsi %scan3A_672, %jit3A_675 : i32
          %ne3A_693 = arith.constant 0 : i32
          %ne3A_694 = arith.cmpi ne, %rem3A_692, %ne3A_693 : i32
          %and3A_695 = arith.andi %ne3A_691, %ne3A_694 : i1
          %sub3A_696 = arith.constant 1 : i32
          %sub3A_697 = arith.subi %div3A_676, %sub3A_696 : i32
          %select_n3A_698 = arith.select %and3A_695, %sub3A_697, %div3A_676 : i32
          %rem3A_699 = arith.constant 128 : i32
          %rem3A_700 = arith.remsi %mul3A_674, %rem3A_699 : i32
          %add3A_701 = arith.constant 384 : i32
          %add3A_702 = arith.addi %add3A_701, %mul3A_674 : i32
          %add3A_703 = vector.broadcast %add3A_702 : i32 to vector<16xi32>
          %add3A_704 = arith.addi %iota3A, %add3A_703 : vector<16xi32>
          %get3A = arith.constant 0 : i32
          %get3A_705 = arith.index_cast %get3A : i32 to index
          %get3A_706 = arith.index_cast %add3A_702 : i32 to index
          %get3A_707 = tpu.vector_load %arg10[%get3A_705, %get3A_706] {strides = array<i32>} : memref<4x768xf32, #tpu.memory_space<vmem>>, vector<16xf32>,
          %get3A_708 = arith.constant 0 : i32
          %get3A_709 = arith.constant 1 : i32
          %get3A_710 = arith.index_cast %get3A_708 : i32 to index
          %get3A_711 = arith.index_cast %select_n3A_698 : i32 to index
          %get3A_712 = arith.index_cast %get3A_709 : i32 to index
          %get3A_713 = arith.index_cast %rem3A_700 : i32 to index
          %get3A_714 = tpu.vector_load %arg8[%get3A_710, %get3A_711, %get3A_712, %get3A_713] {strides = array<i32>} : memref<8x3x2x128xf32, #tpu.memory_space<vmem>>, vector<16xf32>,
          %mul3A_715 = arith.mulf %get3A_714, %get3A_707 : vector<16xf32>
          tpu.vector_store_idx %arg13[%add3A_704, %broadcast_in_dim3A_3], %mul3A_715 : memref<768x8xf32, #tpu.memory_space<vmem>>[vector<16xi32>, vector<16xi32>], vector<16xf32>,
          %get3A_716 = arith.constant 1 : i32
          %get3A_717 = arith.constant 1 : i32
          %get3A_718 = arith.index_cast %get3A_716 : i32 to index
          %get3A_719 = arith.index_cast %select_n3A_698 : i32 to index
          %get3A_720 = arith.index_cast %get3A_717 : i32 to index
          %get3A_721 = arith.index_cast %rem3A_700 : i32 to index
          %get3A_722 = tpu.vector_load %arg8[%get3A_718, %get3A_719, %get3A_720, %get3A_721] {strides = array<i32>} : memref<8x3x2x128xf32, #tpu.memory_space<vmem>>, vector<16xf32>,
          %mul3A_723 = arith.mulf %get3A_722, %get3A_707 : vector<16xf32>
          tpu.vector_store_idx %arg13[%add3A_704, %broadcast_in_dim3A_5], %mul3A_723 : memref<768x8xf32, #tpu.memory_space<vmem>>[vector<16xi32>, vector<16xi32>], vector<16xf32>,
          %get3A_724 = arith.constant 2 : i32
          %get3A_725 = arith.constant 1 : i32
          %get3A_726 = arith.index_cast %get3A_724 : i32 to index
          %get3A_727 = arith.index_cast %select_n3A_698 : i32 to index
          %get3A_728 = arith.index_cast %get3A_725 : i32 to index
          %get3A_729 = arith.index_cast %rem3A_700 : i32 to index
          %get3A_730 = tpu.vector_load %arg8[%get3A_726, %get3A_727, %get3A_728, %get3A_729] {strides = array<i32>} : memref<8x3x2x128xf32, #tpu.memory_space<vmem>>, vector<16xf32>,
          %mul3A_731 = arith.mulf %get3A_730, %get3A_707 : vector<16xf32>
          tpu.vector_store_idx %arg13[%add3A_704, %broadcast_in_dim3A_7], %mul3A_731 : memref<768x8xf32, #tpu.memory_space<vmem>>[vector<16xi32>, vector<16xi32>], vector<16xf32>,
          %get3A_732 = arith.constant 3 : i32
          %get3A_733 = arith.constant 1 : i32
          %get3A_734 = arith.index_cast %get3A_732 : i32 to index
          %get3A_735 = arith.index_cast %select_n3A_698 : i32 to index
          %get3A_736 = arith.index_cast %get3A_733 : i32 to index
          %get3A_737 = arith.index_cast %rem3A_700 : i32 to index
          %get3A_738 = tpu.vector_load %arg8[%get3A_734, %get3A_735, %get3A_736, %get3A_737] {strides = array<i32>} : memref<8x3x2x128xf32, #tpu.memory_space<vmem>>, vector<16xf32>,
          %mul3A_739 = arith.mulf %get3A_738, %get3A_707 : vector<16xf32>
          tpu.vector_store_idx %arg13[%add3A_704, %broadcast_in_dim3A_9], %mul3A_739 : memref<768x8xf32, #tpu.memory_space<vmem>>[vector<16xi32>, vector<16xi32>], vector<16xf32>,
          %get3A_740 = arith.constant 4 : i32
          %get3A_741 = arith.constant 1 : i32
          %get3A_742 = arith.index_cast %get3A_740 : i32 to index
          %get3A_743 = arith.index_cast %select_n3A_698 : i32 to index
          %get3A_744 = arith.index_cast %get3A_741 : i32 to index
          %get3A_745 = arith.index_cast %rem3A_700 : i32 to index
          %get3A_746 = tpu.vector_load %arg8[%get3A_742, %get3A_743, %get3A_744, %get3A_745] {strides = array<i32>} : memref<8x3x2x128xf32, #tpu.memory_space<vmem>>, vector<16xf32>,
          %mul3A_747 = arith.mulf %get3A_746, %get3A_707 : vector<16xf32>
          tpu.vector_store_idx %arg13[%add3A_704, %broadcast_in_dim3A_11], %mul3A_747 : memref<768x8xf32, #tpu.memory_space<vmem>>[vector<16xi32>, vector<16xi32>], vector<16xf32>,
          %get3A_748 = arith.constant 5 : i32
          %get3A_749 = arith.constant 1 : i32
          %get3A_750 = arith.index_cast %get3A_748 : i32 to index
          %get3A_751 = arith.index_cast %select_n3A_698 : i32 to index
          %get3A_752 = arith.index_cast %get3A_749 : i32 to index
          %get3A_753 = arith.index_cast %rem3A_700 : i32 to index
          %get3A_754 = tpu.vector_load %arg8[%get3A_750, %get3A_751, %get3A_752, %get3A_753] {strides = array<i32>} : memref<8x3x2x128xf32, #tpu.memory_space<vmem>>, vector<16xf32>,
          %mul3A_755 = arith.mulf %get3A_754, %get3A_707 : vector<16xf32>
          tpu.vector_store_idx %arg13[%add3A_704, %broadcast_in_dim3A_13], %mul3A_755 : memref<768x8xf32, #tpu.memory_space<vmem>>[vector<16xi32>, vector<16xi32>], vector<16xf32>,
          %get3A_756 = arith.constant 6 : i32
          %get3A_757 = arith.constant 1 : i32
          %get3A_758 = arith.index_cast %get3A_756 : i32 to index
          %get3A_759 = arith.index_cast %select_n3A_698 : i32 to index
          %get3A_760 = arith.index_cast %get3A_757 : i32 to index
          %get3A_761 = arith.index_cast %rem3A_700 : i32 to index
          %get3A_762 = tpu.vector_load %arg8[%get3A_758, %get3A_759, %get3A_760, %get3A_761] {strides = array<i32>} : memref<8x3x2x128xf32, #tpu.memory_space<vmem>>, vector<16xf32>,
          %mul3A_763 = arith.mulf %get3A_762, %get3A_707 : vector<16xf32>
          tpu.vector_store_idx %arg13[%add3A_704, %broadcast_in_dim3A_15], %mul3A_763 : memref<768x8xf32, #tpu.memory_space<vmem>>[vector<16xi32>, vector<16xi32>], vector<16xf32>,
          %get3A_764 = arith.constant 7 : i32
          %get3A_765 = arith.constant 1 : i32
          %get3A_766 = arith.index_cast %get3A_764 : i32 to index
          %get3A_767 = arith.index_cast %select_n3A_698 : i32 to index
          %get3A_768 = arith.index_cast %get3A_765 : i32 to index
          %get3A_769 = arith.index_cast %rem3A_700 : i32 to index
          %get3A_770 = tpu.vector_load %arg8[%get3A_766, %get3A_767, %get3A_768, %get3A_769] {strides = array<i32>} : memref<8x3x2x128xf32, #tpu.memory_space<vmem>>, vector<16xf32>,
          %mul3A_771 = arith.mulf %get3A_770, %get3A_707 : vector<16xf32>
          tpu.vector_store_idx %arg13[%add3A_704, %broadcast_in_dim3A_17], %mul3A_771 : memref<768x8xf32, #tpu.memory_space<vmem>>[vector<16xi32>, vector<16xi32>], vector<16xf32>,
        }
        %scan3A_305 = arith.constant 24 : i32
        %jit3A_306 = arith.constant 3 : i32
        %eq3A_307 = arith.constant 0 : i32
        %eq3A_308 = arith.cmpi eq, %jit3A_306, %eq3A_307 : i32
        %jit3A_309 = arith.constant 1 : i32
        %select_n3A_310 = arith.select %eq3A_308, %jit3A_309, %jit3A_306 : i32
        %rem3A_311 = arith.remsi %add3A_255, %select_n3A_310 : i32
        %ne3A_312 = arith.constant 0 : i32
        %ne3A_313 = arith.cmpi ne, %rem3A_311, %ne3A_312 : i32
        %lt3A = arith.constant 0 : i32
        %lt3A_314 = arith.cmpi slt, %rem3A_311, %lt3A : i32
        %lt3A_315 = arith.constant 0 : i32
        %lt3A_316 = arith.cmpi slt, %select_n3A_310, %lt3A_315 : i32
        %ne3A_317 = arith.xori %lt3A_314, %lt3A_316 : i1
        %and3A_318 = arith.andi %ne3A_317, %ne3A_313 : i1
        %add3A_319 = arith.addi %rem3A_311, %select_n3A_310 : i32
        %select_n3A_320 = arith.select %and3A_318, %add3A_319, %rem3A_311 : i32
        %dma_start3A_321 = arith.constant 0 : i32
        %dma_start3A_322 = arith.constant 0 : i32
        %dma_start3A_323 = tpu.memref_slice %arg12[%select_n3A_320, %dma_start3A_321, %dma_start3A_322] : memref<3x4x768xi32, #tpu.memory_space<vmem>> -> memref<1x1x768xi32, #tpu.memory_space<vmem>>
        %dma_start3A_324 = tpu.memref_squeeze %dma_start3A_323 : memref<1x1x768xi32, #tpu.memory_space<vmem>> -> memref<768xi32, #tpu.memory_space<vmem>>
        %dma_start3A_325 = arith.constant 0 : i32
        %dma_start3A_326 = arith.constant 0 : i32
        %dma_start3A_327 = tpu.memref_slice %arg7[%dma_start3A_325, %dma_start3A_326] : memref<147456x8xf32, #tpu.memory_space<vmem_shared>> -> memref<147456x8xf32, #tpu.memory_space<vmem_shared>>
        tpu.enqueue_indirect_dma source(%arg13 : memref<768x8xf32, #tpu.memory_space<vmem>>) target(%dma_start3A_327 : memref<147456x8xf32, #tpu.memory_space<vmem_shared>>) offsets(%dma_start3A_324 : memref<768xi32, #tpu.memory_space<vmem>>) semaphore(%arg17 : memref<!tpu.dma_semaphore, #tpu.memory_space<semaphore_mem>>) {add = true}
        %ge3A_328 = arith.constant 1 : i32
        %ge3A_329 = arith.cmpi sge, %add3A_255, %ge3A_328 : i32
        %convert_element_type3A_330 = arith.extui %ge3A_329 : i1 to i32
        %cond3A_331 = arith.constant 0 : i32
        %cond3A_332 = arith.cmpi ne, %convert_element_type3A_330, %cond3A_331 : i32
        scf.if %cond3A_332 {
          %dma_wait3A_672 = arith.constant 0 : i32
          %dma_wait3A_673 = arith.constant 1 : i32
          %dma_wait3A_674 = arith.constant 0 : i32
          %dma_wait3A_675 = tpu.memref_slice %arg12[%dma_wait3A_672, %dma_wait3A_673, %dma_wait3A_674] : memref<3x4x768xi32, #tpu.memory_space<vmem>> -> memref<1x1x768xi32, #tpu.memory_space<vmem>>
          %dma_wait3A_676 = tpu.memref_squeeze %dma_wait3A_675 : memref<1x1x768xi32, #tpu.memory_space<vmem>> -> memref<768xi32, #tpu.memory_space<vmem>>
          %dma_wait3A_677 = arith.constant 0 : i32
          %dma_wait3A_678 = arith.constant 0 : i32
          %dma_wait3A_679 = tpu.memref_slice %arg7[%dma_wait3A_677, %dma_wait3A_678] : memref<147456x8xf32, #tpu.memory_space<vmem_shared>> -> memref<147456x8xf32, #tpu.memory_space<vmem_shared>>
          tpu.wait_indirect_dma semaphore(%arg18 : memref<!tpu.dma_semaphore, #tpu.memory_space<semaphore_mem>>) src(%arg14 : memref<768x8xf32, #tpu.memory_space<vmem>>) dst(%dma_wait3A_679 : memref<147456x8xf32, #tpu.memory_space<vmem_shared>>)
        } else {
        }
        %scan3A_333 = arith.constant 0 : i32
        %scan3A_334 = arith.constant 0 : i32
        %scan3A_335 = arith.constant 24 : i32
        %scan3A_336 = arith.addi %scan3A_334, %scan3A_335 : i32
        %scan3A_337 = arith.constant 1 : i32
        scf.for %scan3A_672 = %scan3A_334 to %scan3A_336 step %scan3A_337  : i32 {
          %mul3A_673 = arith.constant 16 : i32
          %mul3A_674 = arith.muli %scan3A_672, %mul3A_673 : i32
          %jit3A_675 = arith.constant 8 : i32
          %div3A_676 = arith.divsi %scan3A_672, %jit3A_675 : i32
          %sign3A_677 = arith.constant 0 : i32
          %sign3A_678 = arith.cmpi sgt, %scan3A_672, %sign3A_677 : i32
          %sign3A_679 = arith.extui %sign3A_678 : i1 to i32
          %sign3A_680 = arith.constant 0 : i32
          %sign3A_681 = arith.cmpi slt, %scan3A_672, %sign3A_680 : i32
          %sign3A_682 = arith.extui %sign3A_681 : i1 to i32
          %sign3A_683 = arith.subi %sign3A_679, %sign3A_682 : i32
          %sign3A_684 = arith.constant 0 : i32
          %sign3A_685 = arith.cmpi sgt, %jit3A_675, %sign3A_684 : i32
          %sign3A_686 = arith.extui %sign3A_685 : i1 to i32
          %sign3A_687 = arith.constant 0 : i32
          %sign3A_688 = arith.cmpi slt, %jit3A_675, %sign3A_687 : i32
          %sign3A_689 = arith.extui %sign3A_688 : i1 to i32
          %sign3A_690 = arith.subi %sign3A_686, %sign3A_689 : i32
          %ne3A_691 = arith.cmpi ne, %sign3A_683, %sign3A_690 : i32
          %rem3A_692 = arith.remsi %scan3A_672, %jit3A_675 : i32
          %ne3A_693 = arith.constant 0 : i32
          %ne3A_694 = arith.cmpi ne, %rem3A_692, %ne3A_693 : i32
          %and3A_695 = arith.andi %ne3A_691, %ne3A_694 : i1
          %sub3A_696 = arith.constant 1 : i32
          %sub3A_697 = arith.subi %div3A_676, %sub3A_696 : i32
          %select_n3A_698 = arith.select %and3A_695, %sub3A_697, %div3A_676 : i32
          %rem3A_699 = arith.constant 128 : i32
          %rem3A_700 = arith.remsi %mul3A_674, %rem3A_699 : i32
          %add3A_701 = arith.constant 0 : i32
          %add3A_702 = arith.addi %add3A_701, %mul3A_674 : i32
          %add3A_703 = vector.broadcast %add3A_702 : i32 to vector<16xi32>
          %add3A_704 = arith.addi %iota3A, %add3A_703 : vector<16xi32>
          %get3A = arith.constant 1 : i32
          %get3A_705 = arith.index_cast %get3A : i32 to index
          %get3A_706 = arith.index_cast %add3A_702 : i32 to index
          %get3A_707 = tpu.vector_load %arg10[%get3A_705, %get3A_706] {strides = array<i32>} : memref<4x768xf32, #tpu.memory_space<vmem>>, vector<16xf32>,
          %get3A_708 = arith.constant 0 : i32
          %get3A_709 = arith.constant 0 : i32
          %get3A_710 = arith.index_cast %get3A_708 : i32 to index
          %get3A_711 = arith.index_cast %select_n3A_698 : i32 to index
          %get3A_712 = arith.index_cast %get3A_709 : i32 to index
          %get3A_713 = arith.index_cast %rem3A_700 : i32 to index
          %get3A_714 = tpu.vector_load %arg8[%get3A_710, %get3A_711, %get3A_712, %get3A_713] {strides = array<i32>} : memref<8x3x2x128xf32, #tpu.memory_space<vmem>>, vector<16xf32>,
          %mul3A_715 = arith.mulf %get3A_714, %get3A_707 : vector<16xf32>
          tpu.vector_store_idx %arg14[%add3A_704, %broadcast_in_dim3A_3], %mul3A_715 : memref<768x8xf32, #tpu.memory_space<vmem>>[vector<16xi32>, vector<16xi32>], vector<16xf32>,
          %get3A_716 = arith.constant 1 : i32
          %get3A_717 = arith.constant 0 : i32
          %get3A_718 = arith.index_cast %get3A_716 : i32 to index
          %get3A_719 = arith.index_cast %select_n3A_698 : i32 to index
          %get3A_720 = arith.index_cast %get3A_717 : i32 to index
          %get3A_721 = arith.index_cast %rem3A_700 : i32 to index
          %get3A_722 = tpu.vector_load %arg8[%get3A_718, %get3A_719, %get3A_720, %get3A_721] {strides = array<i32>} : memref<8x3x2x128xf32, #tpu.memory_space<vmem>>, vector<16xf32>,
          %mul3A_723 = arith.mulf %get3A_722, %get3A_707 : vector<16xf32>
          tpu.vector_store_idx %arg14[%add3A_704, %broadcast_in_dim3A_5], %mul3A_723 : memref<768x8xf32, #tpu.memory_space<vmem>>[vector<16xi32>, vector<16xi32>], vector<16xf32>,
          %get3A_724 = arith.constant 2 : i32
          %get3A_725 = arith.constant 0 : i32
          %get3A_726 = arith.index_cast %get3A_724 : i32 to index
          %get3A_727 = arith.index_cast %select_n3A_698 : i32 to index
          %get3A_728 = arith.index_cast %get3A_725 : i32 to index
          %get3A_729 = arith.index_cast %rem3A_700 : i32 to index
          %get3A_730 = tpu.vector_load %arg8[%get3A_726, %get3A_727, %get3A_728, %get3A_729] {strides = array<i32>} : memref<8x3x2x128xf32, #tpu.memory_space<vmem>>, vector<16xf32>,
          %mul3A_731 = arith.mulf %get3A_730, %get3A_707 : vector<16xf32>
          tpu.vector_store_idx %arg14[%add3A_704, %broadcast_in_dim3A_7], %mul3A_731 : memref<768x8xf32, #tpu.memory_space<vmem>>[vector<16xi32>, vector<16xi32>], vector<16xf32>,
          %get3A_732 = arith.constant 3 : i32
          %get3A_733 = arith.constant 0 : i32
          %get3A_734 = arith.index_cast %get3A_732 : i32 to index
          %get3A_735 = arith.index_cast %select_n3A_698 : i32 to index
          %get3A_736 = arith.index_cast %get3A_733 : i32 to index
          %get3A_737 = arith.index_cast %rem3A_700 : i32 to index
          %get3A_738 = tpu.vector_load %arg8[%get3A_734, %get3A_735, %get3A_736, %get3A_737] {strides = array<i32>} : memref<8x3x2x128xf32, #tpu.memory_space<vmem>>, vector<16xf32>,
          %mul3A_739 = arith.mulf %get3A_738, %get3A_707 : vector<16xf32>
          tpu.vector_store_idx %arg14[%add3A_704, %broadcast_in_dim3A_9], %mul3A_739 : memref<768x8xf32, #tpu.memory_space<vmem>>[vector<16xi32>, vector<16xi32>], vector<16xf32>,
          %get3A_740 = arith.constant 4 : i32
          %get3A_741 = arith.constant 0 : i32
          %get3A_742 = arith.index_cast %get3A_740 : i32 to index
          %get3A_743 = arith.index_cast %select_n3A_698 : i32 to index
          %get3A_744 = arith.index_cast %get3A_741 : i32 to index
          %get3A_745 = arith.index_cast %rem3A_700 : i32 to index
          %get3A_746 = tpu.vector_load %arg8[%get3A_742, %get3A_743, %get3A_744, %get3A_745] {strides = array<i32>} : memref<8x3x2x128xf32, #tpu.memory_space<vmem>>, vector<16xf32>,
          %mul3A_747 = arith.mulf %get3A_746, %get3A_707 : vector<16xf32>
          tpu.vector_store_idx %arg14[%add3A_704, %broadcast_in_dim3A_11], %mul3A_747 : memref<768x8xf32, #tpu.memory_space<vmem>>[vector<16xi32>, vector<16xi32>], vector<16xf32>,
          %get3A_748 = arith.constant 5 : i32
          %get3A_749 = arith.constant 0 : i32
          %get3A_750 = arith.index_cast %get3A_748 : i32 to index
          %get3A_751 = arith.index_cast %select_n3A_698 : i32 to index
          %get3A_752 = arith.index_cast %get3A_749 : i32 to index
          %get3A_753 = arith.index_cast %rem3A_700 : i32 to index
          %get3A_754 = tpu.vector_load %arg8[%get3A_750, %get3A_751, %get3A_752, %get3A_753] {strides = array<i32>} : memref<8x3x2x128xf32, #tpu.memory_space<vmem>>, vector<16xf32>,
          %mul3A_755 = arith.mulf %get3A_754, %get3A_707 : vector<16xf32>
          tpu.vector_store_idx %arg14[%add3A_704, %broadcast_in_dim3A_13], %mul3A_755 : memref<768x8xf32, #tpu.memory_space<vmem>>[vector<16xi32>, vector<16xi32>], vector<16xf32>,
          %get3A_756 = arith.constant 6 : i32
          %get3A_757 = arith.constant 0 : i32
          %get3A_758 = arith.index_cast %get3A_756 : i32 to index
          %get3A_759 = arith.index_cast %select_n3A_698 : i32 to index
          %get3A_760 = arith.index_cast %get3A_757 : i32 to index
          %get3A_761 = arith.index_cast %rem3A_700 : i32 to index
          %get3A_762 = tpu.vector_load %arg8[%get3A_758, %get3A_759, %get3A_760, %get3A_761] {strides = array<i32>} : memref<8x3x2x128xf32, #tpu.memory_space<vmem>>, vector<16xf32>,
          %mul3A_763 = arith.mulf %get3A_762, %get3A_707 : vector<16xf32>
          tpu.vector_store_idx %arg14[%add3A_704, %broadcast_in_dim3A_15], %mul3A_763 : memref<768x8xf32, #tpu.memory_space<vmem>>[vector<16xi32>, vector<16xi32>], vector<16xf32>,
          %get3A_764 = arith.constant 7 : i32
          %get3A_765 = arith.constant 0 : i32
          %get3A_766 = arith.index_cast %get3A_764 : i32 to index
          %get3A_767 = arith.index_cast %select_n3A_698 : i32 to index
          %get3A_768 = arith.index_cast %get3A_765 : i32 to index
          %get3A_769 = arith.index_cast %rem3A_700 : i32 to index
          %get3A_770 = tpu.vector_load %arg8[%get3A_766, %get3A_767, %get3A_768, %get3A_769] {strides = array<i32>} : memref<8x3x2x128xf32, #tpu.memory_space<vmem>>, vector<16xf32>,
          %mul3A_771 = arith.mulf %get3A_770, %get3A_707 : vector<16xf32>
          tpu.vector_store_idx %arg14[%add3A_704, %broadcast_in_dim3A_17], %mul3A_771 : memref<768x8xf32, #tpu.memory_space<vmem>>[vector<16xi32>, vector<16xi32>], vector<16xf32>,
        }
        %scan3A_338 = arith.constant 24 : i32
        %scan3A_339 = arith.constant 0 : i32
        %scan3A_340 = arith.constant 0 : i32
        %scan3A_341 = arith.constant 24 : i32
        %scan3A_342 = arith.addi %scan3A_340, %scan3A_341 : i32
        %scan3A_343 = arith.constant 1 : i32
        scf.for %scan3A_672 = %scan3A_340 to %scan3A_342 step %scan3A_343  : i32 {
          %mul3A_673 = arith.constant 16 : i32
          %mul3A_674 = arith.muli %scan3A_672, %mul3A_673 : i32
          %jit3A_675 = arith.constant 8 : i32
          %div3A_676 = arith.divsi %scan3A_672, %jit3A_675 : i32
          %sign3A_677 = arith.constant 0 : i32
          %sign3A_678 = arith.cmpi sgt, %scan3A_672, %sign3A_677 : i32
          %sign3A_679 = arith.extui %sign3A_678 : i1 to i32
          %sign3A_680 = arith.constant 0 : i32
          %sign3A_681 = arith.cmpi slt, %scan3A_672, %sign3A_680 : i32
          %sign3A_682 = arith.extui %sign3A_681 : i1 to i32
          %sign3A_683 = arith.subi %sign3A_679, %sign3A_682 : i32
          %sign3A_684 = arith.constant 0 : i32
          %sign3A_685 = arith.cmpi sgt, %jit3A_675, %sign3A_684 : i32
          %sign3A_686 = arith.extui %sign3A_685 : i1 to i32
          %sign3A_687 = arith.constant 0 : i32
          %sign3A_688 = arith.cmpi slt, %jit3A_675, %sign3A_687 : i32
          %sign3A_689 = arith.extui %sign3A_688 : i1 to i32
          %sign3A_690 = arith.subi %sign3A_686, %sign3A_689 : i32
          %ne3A_691 = arith.cmpi ne, %sign3A_683, %sign3A_690 : i32
          %rem3A_692 = arith.remsi %scan3A_672, %jit3A_675 : i32
          %ne3A_693 = arith.constant 0 : i32
          %ne3A_694 = arith.cmpi ne, %rem3A_692, %ne3A_693 : i32
          %and3A_695 = arith.andi %ne3A_691, %ne3A_694 : i1
          %sub3A_696 = arith.constant 1 : i32
          %sub3A_697 = arith.subi %div3A_676, %sub3A_696 : i32
          %select_n3A_698 = arith.select %and3A_695, %sub3A_697, %div3A_676 : i32
          %rem3A_699 = arith.constant 128 : i32
          %rem3A_700 = arith.remsi %mul3A_674, %rem3A_699 : i32
          %add3A_701 = arith.constant 384 : i32
          %add3A_702 = arith.addi %add3A_701, %mul3A_674 : i32
          %add3A_703 = vector.broadcast %add3A_702 : i32 to vector<16xi32>
          %add3A_704 = arith.addi %iota3A, %add3A_703 : vector<16xi32>
          %get3A = arith.constant 1 : i32
          %get3A_705 = arith.index_cast %get3A : i32 to index
          %get3A_706 = arith.index_cast %add3A_702 : i32 to index
          %get3A_707 = tpu.vector_load %arg10[%get3A_705, %get3A_706] {strides = array<i32>} : memref<4x768xf32, #tpu.memory_space<vmem>>, vector<16xf32>,
          %get3A_708 = arith.constant 0 : i32
          %get3A_709 = arith.constant 1 : i32
          %get3A_710 = arith.index_cast %get3A_708 : i32 to index
          %get3A_711 = arith.index_cast %select_n3A_698 : i32 to index
          %get3A_712 = arith.index_cast %get3A_709 : i32 to index
          %get3A_713 = arith.index_cast %rem3A_700 : i32 to index
          %get3A_714 = tpu.vector_load %arg8[%get3A_710, %get3A_711, %get3A_712, %get3A_713] {strides = array<i32>} : memref<8x3x2x128xf32, #tpu.memory_space<vmem>>, vector<16xf32>,
          %mul3A_715 = arith.mulf %get3A_714, %get3A_707 : vector<16xf32>
          tpu.vector_store_idx %arg14[%add3A_704, %broadcast_in_dim3A_3], %mul3A_715 : memref<768x8xf32, #tpu.memory_space<vmem>>[vector<16xi32>, vector<16xi32>], vector<16xf32>,
          %get3A_716 = arith.constant 1 : i32
          %get3A_717 = arith.constant 1 : i32
          %get3A_718 = arith.index_cast %get3A_716 : i32 to index
          %get3A_719 = arith.index_cast %select_n3A_698 : i32 to index
          %get3A_720 = arith.index_cast %get3A_717 : i32 to index
          %get3A_721 = arith.index_cast %rem3A_700 : i32 to index
          %get3A_722 = tpu.vector_load %arg8[%get3A_718, %get3A_719, %get3A_720, %get3A_721] {strides = array<i32>} : memref<8x3x2x128xf32, #tpu.memory_space<vmem>>, vector<16xf32>,
          %mul3A_723 = arith.mulf %get3A_722, %get3A_707 : vector<16xf32>
          tpu.vector_store_idx %arg14[%add3A_704, %broadcast_in_dim3A_5], %mul3A_723 : memref<768x8xf32, #tpu.memory_space<vmem>>[vector<16xi32>, vector<16xi32>], vector<16xf32>,
          %get3A_724 = arith.constant 2 : i32
          %get3A_725 = arith.constant 1 : i32
          %get3A_726 = arith.index_cast %get3A_724 : i32 to index
          %get3A_727 = arith.index_cast %select_n3A_698 : i32 to index
          %get3A_728 = arith.index_cast %get3A_725 : i32 to index
          %get3A_729 = arith.index_cast %rem3A_700 : i32 to index
          %get3A_730 = tpu.vector_load %arg8[%get3A_726, %get3A_727, %get3A_728, %get3A_729] {strides = array<i32>} : memref<8x3x2x128xf32, #tpu.memory_space<vmem>>, vector<16xf32>,
          %mul3A_731 = arith.mulf %get3A_730, %get3A_707 : vector<16xf32>
          tpu.vector_store_idx %arg14[%add3A_704, %broadcast_in_dim3A_7], %mul3A_731 : memref<768x8xf32, #tpu.memory_space<vmem>>[vector<16xi32>, vector<16xi32>], vector<16xf32>,
          %get3A_732 = arith.constant 3 : i32
          %get3A_733 = arith.constant 1 : i32
          %get3A_734 = arith.index_cast %get3A_732 : i32 to index
          %get3A_735 = arith.index_cast %select_n3A_698 : i32 to index
          %get3A_736 = arith.index_cast %get3A_733 : i32 to index
          %get3A_737 = arith.index_cast %rem3A_700 : i32 to index
          %get3A_738 = tpu.vector_load %arg8[%get3A_734, %get3A_735, %get3A_736, %get3A_737] {strides = array<i32>} : memref<8x3x2x128xf32, #tpu.memory_space<vmem>>, vector<16xf32>,
          %mul3A_739 = arith.mulf %get3A_738, %get3A_707 : vector<16xf32>
          tpu.vector_store_idx %arg14[%add3A_704, %broadcast_in_dim3A_9], %mul3A_739 : memref<768x8xf32, #tpu.memory_space<vmem>>[vector<16xi32>, vector<16xi32>], vector<16xf32>,
          %get3A_740 = arith.constant 4 : i32
          %get3A_741 = arith.constant 1 : i32
          %get3A_742 = arith.index_cast %get3A_740 : i32 to index
          %get3A_743 = arith.index_cast %select_n3A_698 : i32 to index
          %get3A_744 = arith.index_cast %get3A_741 : i32 to index
          %get3A_745 = arith.index_cast %rem3A_700 : i32 to index
          %get3A_746 = tpu.vector_load %arg8[%get3A_742, %get3A_743, %get3A_744, %get3A_745] {strides = array<i32>} : memref<8x3x2x128xf32, #tpu.memory_space<vmem>>, vector<16xf32>,
          %mul3A_747 = arith.mulf %get3A_746, %get3A_707 : vector<16xf32>
          tpu.vector_store_idx %arg14[%add3A_704, %broadcast_in_dim3A_11], %mul3A_747 : memref<768x8xf32, #tpu.memory_space<vmem>>[vector<16xi32>, vector<16xi32>], vector<16xf32>,
          %get3A_748 = arith.constant 5 : i32
          %get3A_749 = arith.constant 1 : i32
          %get3A_750 = arith.index_cast %get3A_748 : i32 to index
          %get3A_751 = arith.index_cast %select_n3A_698 : i32 to index
          %get3A_752 = arith.index_cast %get3A_749 : i32 to index
          %get3A_753 = arith.index_cast %rem3A_700 : i32 to index
          %get3A_754 = tpu.vector_load %arg8[%get3A_750, %get3A_751, %get3A_752, %get3A_753] {strides = array<i32>} : memref<8x3x2x128xf32, #tpu.memory_space<vmem>>, vector<16xf32>,
          %mul3A_755 = arith.mulf %get3A_754, %get3A_707 : vector<16xf32>
          tpu.vector_store_idx %arg14[%add3A_704, %broadcast_in_dim3A_13], %mul3A_755 : memref<768x8xf32, #tpu.memory_space<vmem>>[vector<16xi32>, vector<16xi32>], vector<16xf32>,
          %get3A_756 = arith.constant 6 : i32
          %get3A_757 = arith.constant 1 : i32
          %get3A_758 = arith.index_cast %get3A_756 : i32 to index
          %get3A_759 = arith.index_cast %select_n3A_698 : i32 to index
          %get3A_760 = arith.index_cast %get3A_757 : i32 to index
          %get3A_761 = arith.index_cast %rem3A_700 : i32 to index
          %get3A_762 = tpu.vector_load %arg8[%get3A_758, %get3A_759, %get3A_760, %get3A_761] {strides = array<i32>} : memref<8x3x2x128xf32, #tpu.memory_space<vmem>>, vector<16xf32>,
          %mul3A_763 = arith.mulf %get3A_762, %get3A_707 : vector<16xf32>
          tpu.vector_store_idx %arg14[%add3A_704, %broadcast_in_dim3A_15], %mul3A_763 : memref<768x8xf32, #tpu.memory_space<vmem>>[vector<16xi32>, vector<16xi32>], vector<16xf32>,
          %get3A_764 = arith.constant 7 : i32
          %get3A_765 = arith.constant 1 : i32
          %get3A_766 = arith.index_cast %get3A_764 : i32 to index
          %get3A_767 = arith.index_cast %select_n3A_698 : i32 to index
          %get3A_768 = arith.index_cast %get3A_765 : i32 to index
          %get3A_769 = arith.index_cast %rem3A_700 : i32 to index
          %get3A_770 = tpu.vector_load %arg8[%get3A_766, %get3A_767, %get3A_768, %get3A_769] {strides = array<i32>} : memref<8x3x2x128xf32, #tpu.memory_space<vmem>>, vector<16xf32>,
          %mul3A_771 = arith.mulf %get3A_770, %get3A_707 : vector<16xf32>
          tpu.vector_store_idx %arg14[%add3A_704, %broadcast_in_dim3A_17], %mul3A_771 : memref<768x8xf32, #tpu.memory_space<vmem>>[vector<16xi32>, vector<16xi32>], vector<16xf32>,
        }
        %scan3A_344 = arith.constant 24 : i32
        %jit3A_345 = arith.constant 3 : i32
        %eq3A_346 = arith.constant 0 : i32
        %eq3A_347 = arith.cmpi eq, %jit3A_345, %eq3A_346 : i32
        %jit3A_348 = arith.constant 1 : i32
        %select_n3A_349 = arith.select %eq3A_347, %jit3A_348, %jit3A_345 : i32
        %rem3A_350 = arith.remsi %add3A_255, %select_n3A_349 : i32
        %ne3A_351 = arith.constant 0 : i32
        %ne3A_352 = arith.cmpi ne, %rem3A_350, %ne3A_351 : i32
        %lt3A_353 = arith.constant 0 : i32
        %lt3A_354 = arith.cmpi slt, %rem3A_350, %lt3A_353 : i32
        %lt3A_355 = arith.constant 0 : i32
        %lt3A_356 = arith.cmpi slt, %select_n3A_349, %lt3A_355 : i32
        %ne3A_357 = arith.xori %lt3A_354, %lt3A_356 : i1
        %and3A_358 = arith.andi %ne3A_357, %ne3A_352 : i1
        %add3A_359 = arith.addi %rem3A_350, %select_n3A_349 : i32
        %select_n3A_360 = arith.select %and3A_358, %add3A_359, %rem3A_350 : i32
        %dma_start3A_361 = arith.constant 1 : i32
        %dma_start3A_362 = arith.constant 0 : i32
        %dma_start3A_363 = tpu.memref_slice %arg12[%select_n3A_360, %dma_start3A_361, %dma_start3A_362] : memref<3x4x768xi32, #tpu.memory_space<vmem>> -> memref<1x1x768xi32, #tpu.memory_space<vmem>>
        %dma_start3A_364 = tpu.memref_squeeze %dma_start3A_363 : memref<1x1x768xi32, #tpu.memory_space<vmem>> -> memref<768xi32, #tpu.memory_space<vmem>>
        %dma_start3A_365 = arith.constant 0 : i32
        %dma_start3A_366 = arith.constant 0 : i32
        %dma_start3A_367 = tpu.memref_slice %arg7[%dma_start3A_365, %dma_start3A_366] : memref<147456x8xf32, #tpu.memory_space<vmem_shared>> -> memref<147456x8xf32, #tpu.memory_space<vmem_shared>>
        tpu.enqueue_indirect_dma source(%arg14 : memref<768x8xf32, #tpu.memory_space<vmem>>) target(%dma_start3A_367 : memref<147456x8xf32, #tpu.memory_space<vmem_shared>>) offsets(%dma_start3A_364 : memref<768xi32, #tpu.memory_space<vmem>>) semaphore(%arg18 : memref<!tpu.dma_semaphore, #tpu.memory_space<semaphore_mem>>) {add = true}
        %dma_wait3A_368 = arith.constant 0 : i32
        %dma_wait3A_369 = arith.constant 2 : i32
        %dma_wait3A_370 = arith.constant 0 : i32
        %dma_wait3A_371 = tpu.memref_slice %arg12[%dma_wait3A_368, %dma_wait3A_369, %dma_wait3A_370] : memref<3x4x768xi32, #tpu.memory_space<vmem>> -> memref<1x1x768xi32, #tpu.memory_space<vmem>>
        %dma_wait3A_372 = tpu.memref_squeeze %dma_wait3A_371 : memref<1x1x768xi32, #tpu.memory_space<vmem>> -> memref<768xi32, #tpu.memory_space<vmem>>
        %dma_wait3A_373 = arith.constant 0 : i32
        %dma_wait3A_374 = arith.constant 0 : i32
        %dma_wait3A_375 = tpu.memref_slice %arg7[%dma_wait3A_373, %dma_wait3A_374] : memref<147456x8xf32, #tpu.memory_space<vmem_shared>> -> memref<147456x8xf32, #tpu.memory_space<vmem_shared>>
        tpu.wait_indirect_dma semaphore(%arg17 : memref<!tpu.dma_semaphore, #tpu.memory_space<semaphore_mem>>) src(%arg13 : memref<768x8xf32, #tpu.memory_space<vmem>>) dst(%dma_wait3A_375 : memref<147456x8xf32, #tpu.memory_space<vmem_shared>>)
        %scan3A_376 = arith.constant 0 : i32
        %scan3A_377 = arith.constant 0 : i32
        %scan3A_378 = arith.constant 24 : i32
        %scan3A_379 = arith.addi %scan3A_377, %scan3A_378 : i32
        %scan3A_380 = arith.constant 1 : i32
        scf.for %scan3A_672 = %scan3A_377 to %scan3A_379 step %scan3A_380  : i32 {
          %mul3A_673 = arith.constant 16 : i32
          %mul3A_674 = arith.muli %scan3A_672, %mul3A_673 : i32
          %jit3A_675 = arith.constant 8 : i32
          %div3A_676 = arith.divsi %scan3A_672, %jit3A_675 : i32
          %sign3A_677 = arith.constant 0 : i32
          %sign3A_678 = arith.cmpi sgt, %scan3A_672, %sign3A_677 : i32
          %sign3A_679 = arith.extui %sign3A_678 : i1 to i32
          %sign3A_680 = arith.constant 0 : i32
          %sign3A_681 = arith.cmpi slt, %scan3A_672, %sign3A_680 : i32
          %sign3A_682 = arith.extui %sign3A_681 : i1 to i32
          %sign3A_683 = arith.subi %sign3A_679, %sign3A_682 : i32
          %sign3A_684 = arith.constant 0 : i32
          %sign3A_685 = arith.cmpi sgt, %jit3A_675, %sign3A_684 : i32
          %sign3A_686 = arith.extui %sign3A_685 : i1 to i32
          %sign3A_687 = arith.constant 0 : i32
          %sign3A_688 = arith.cmpi slt, %jit3A_675, %sign3A_687 : i32
          %sign3A_689 = arith.extui %sign3A_688 : i1 to i32
          %sign3A_690 = arith.subi %sign3A_686, %sign3A_689 : i32
          %ne3A_691 = arith.cmpi ne, %sign3A_683, %sign3A_690 : i32
          %rem3A_692 = arith.remsi %scan3A_672, %jit3A_675 : i32
          %ne3A_693 = arith.constant 0 : i32
          %ne3A_694 = arith.cmpi ne, %rem3A_692, %ne3A_693 : i32
          %and3A_695 = arith.andi %ne3A_691, %ne3A_694 : i1
          %sub3A_696 = arith.constant 1 : i32
          %sub3A_697 = arith.subi %div3A_676, %sub3A_696 : i32
          %select_n3A_698 = arith.select %and3A_695, %sub3A_697, %div3A_676 : i32
          %rem3A_699 = arith.constant 128 : i32
          %rem3A_700 = arith.remsi %mul3A_674, %rem3A_699 : i32
          %add3A_701 = arith.constant 0 : i32
          %add3A_702 = arith.addi %add3A_701, %mul3A_674 : i32
          %add3A_703 = vector.broadcast %add3A_702 : i32 to vector<16xi32>
          %add3A_704 = arith.addi %iota3A, %add3A_703 : vector<16xi32>
          %get3A = arith.constant 2 : i32
          %get3A_705 = arith.index_cast %get3A : i32 to index
          %get3A_706 = arith.index_cast %add3A_702 : i32 to index
          %get3A_707 = tpu.vector_load %arg10[%get3A_705, %get3A_706] {strides = array<i32>} : memref<4x768xf32, #tpu.memory_space<vmem>>, vector<16xf32>,
          %get3A_708 = arith.constant 0 : i32
          %get3A_709 = arith.constant 0 : i32
          %get3A_710 = arith.index_cast %get3A_708 : i32 to index
          %get3A_711 = arith.index_cast %select_n3A_698 : i32 to index
          %get3A_712 = arith.index_cast %get3A_709 : i32 to index
          %get3A_713 = arith.index_cast %rem3A_700 : i32 to index
          %get3A_714 = tpu.vector_load %arg8[%get3A_710, %get3A_711, %get3A_712, %get3A_713] {strides = array<i32>} : memref<8x3x2x128xf32, #tpu.memory_space<vmem>>, vector<16xf32>,
          %mul3A_715 = arith.mulf %get3A_714, %get3A_707 : vector<16xf32>
          tpu.vector_store_idx %arg13[%add3A_704, %broadcast_in_dim3A_3], %mul3A_715 : memref<768x8xf32, #tpu.memory_space<vmem>>[vector<16xi32>, vector<16xi32>], vector<16xf32>,
          %get3A_716 = arith.constant 1 : i32
          %get3A_717 = arith.constant 0 : i32
          %get3A_718 = arith.index_cast %get3A_716 : i32 to index
          %get3A_719 = arith.index_cast %select_n3A_698 : i32 to index
          %get3A_720 = arith.index_cast %get3A_717 : i32 to index
          %get3A_721 = arith.index_cast %rem3A_700 : i32 to index
          %get3A_722 = tpu.vector_load %arg8[%get3A_718, %get3A_719, %get3A_720, %get3A_721] {strides = array<i32>} : memref<8x3x2x128xf32, #tpu.memory_space<vmem>>, vector<16xf32>,
          %mul3A_723 = arith.mulf %get3A_722, %get3A_707 : vector<16xf32>
          tpu.vector_store_idx %arg13[%add3A_704, %broadcast_in_dim3A_5], %mul3A_723 : memref<768x8xf32, #tpu.memory_space<vmem>>[vector<16xi32>, vector<16xi32>], vector<16xf32>,
          %get3A_724 = arith.constant 2 : i32
          %get3A_725 = arith.constant 0 : i32
          %get3A_726 = arith.index_cast %get3A_724 : i32 to index
          %get3A_727 = arith.index_cast %select_n3A_698 : i32 to index
          %get3A_728 = arith.index_cast %get3A_725 : i32 to index
          %get3A_729 = arith.index_cast %rem3A_700 : i32 to index
          %get3A_730 = tpu.vector_load %arg8[%get3A_726, %get3A_727, %get3A_728, %get3A_729] {strides = array<i32>} : memref<8x3x2x128xf32, #tpu.memory_space<vmem>>, vector<16xf32>,
          %mul3A_731 = arith.mulf %get3A_730, %get3A_707 : vector<16xf32>
          tpu.vector_store_idx %arg13[%add3A_704, %broadcast_in_dim3A_7], %mul3A_731 : memref<768x8xf32, #tpu.memory_space<vmem>>[vector<16xi32>, vector<16xi32>], vector<16xf32>,
          %get3A_732 = arith.constant 3 : i32
          %get3A_733 = arith.constant 0 : i32
          %get3A_734 = arith.index_cast %get3A_732 : i32 to index
          %get3A_735 = arith.index_cast %select_n3A_698 : i32 to index
          %get3A_736 = arith.index_cast %get3A_733 : i32 to index
          %get3A_737 = arith.index_cast %rem3A_700 : i32 to index
          %get3A_738 = tpu.vector_load %arg8[%get3A_734, %get3A_735, %get3A_736, %get3A_737] {strides = array<i32>} : memref<8x3x2x128xf32, #tpu.memory_space<vmem>>, vector<16xf32>,
          %mul3A_739 = arith.mulf %get3A_738, %get3A_707 : vector<16xf32>
          tpu.vector_store_idx %arg13[%add3A_704, %broadcast_in_dim3A_9], %mul3A_739 : memref<768x8xf32, #tpu.memory_space<vmem>>[vector<16xi32>, vector<16xi32>], vector<16xf32>,
          %get3A_740 = arith.constant 4 : i32
          %get3A_741 = arith.constant 0 : i32
          %get3A_742 = arith.index_cast %get3A_740 : i32 to index
          %get3A_743 = arith.index_cast %select_n3A_698 : i32 to index
          %get3A_744 = arith.index_cast %get3A_741 : i32 to index
          %get3A_745 = arith.index_cast %rem3A_700 : i32 to index
          %get3A_746 = tpu.vector_load %arg8[%get3A_742, %get3A_743, %get3A_744, %get3A_745] {strides = array<i32>} : memref<8x3x2x128xf32, #tpu.memory_space<vmem>>, vector<16xf32>,
          %mul3A_747 = arith.mulf %get3A_746, %get3A_707 : vector<16xf32>
          tpu.vector_store_idx %arg13[%add3A_704, %broadcast_in_dim3A_11], %mul3A_747 : memref<768x8xf32, #tpu.memory_space<vmem>>[vector<16xi32>, vector<16xi32>], vector<16xf32>,
          %get3A_748 = arith.constant 5 : i32
          %get3A_749 = arith.constant 0 : i32
          %get3A_750 = arith.index_cast %get3A_748 : i32 to index
          %get3A_751 = arith.index_cast %select_n3A_698 : i32 to index
          %get3A_752 = arith.index_cast %get3A_749 : i32 to index
          %get3A_753 = arith.index_cast %rem3A_700 : i32 to index
          %get3A_754 = tpu.vector_load %arg8[%get3A_750, %get3A_751, %get3A_752, %get3A_753] {strides = array<i32>} : memref<8x3x2x128xf32, #tpu.memory_space<vmem>>, vector<16xf32>,
          %mul3A_755 = arith.mulf %get3A_754, %get3A_707 : vector<16xf32>
          tpu.vector_store_idx %arg13[%add3A_704, %broadcast_in_dim3A_13], %mul3A_755 : memref<768x8xf32, #tpu.memory_space<vmem>>[vector<16xi32>, vector<16xi32>], vector<16xf32>,
          %get3A_756 = arith.constant 6 : i32
          %get3A_757 = arith.constant 0 : i32
          %get3A_758 = arith.index_cast %get3A_756 : i32 to index
          %get3A_759 = arith.index_cast %select_n3A_698 : i32 to index
          %get3A_760 = arith.index_cast %get3A_757 : i32 to index
          %get3A_761 = arith.index_cast %rem3A_700 : i32 to index
          %get3A_762 = tpu.vector_load %arg8[%get3A_758, %get3A_759, %get3A_760, %get3A_761] {strides = array<i32>} : memref<8x3x2x128xf32, #tpu.memory_space<vmem>>, vector<16xf32>,
          %mul3A_763 = arith.mulf %get3A_762, %get3A_707 : vector<16xf32>
          tpu.vector_store_idx %arg13[%add3A_704, %broadcast_in_dim3A_15], %mul3A_763 : memref<768x8xf32, #tpu.memory_space<vmem>>[vector<16xi32>, vector<16xi32>], vector<16xf32>,
          %get3A_764 = arith.constant 7 : i32
          %get3A_765 = arith.constant 0 : i32
          %get3A_766 = arith.index_cast %get3A_764 : i32 to index
          %get3A_767 = arith.index_cast %select_n3A_698 : i32 to index
          %get3A_768 = arith.index_cast %get3A_765 : i32 to index
          %get3A_769 = arith.index_cast %rem3A_700 : i32 to index
          %get3A_770 = tpu.vector_load %arg8[%get3A_766, %get3A_767, %get3A_768, %get3A_769] {strides = array<i32>} : memref<8x3x2x128xf32, #tpu.memory_space<vmem>>, vector<16xf32>,
          %mul3A_771 = arith.mulf %get3A_770, %get3A_707 : vector<16xf32>
          tpu.vector_store_idx %arg13[%add3A_704, %broadcast_in_dim3A_17], %mul3A_771 : memref<768x8xf32, #tpu.memory_space<vmem>>[vector<16xi32>, vector<16xi32>], vector<16xf32>,
        }
        %scan3A_381 = arith.constant 24 : i32
        %scan3A_382 = arith.constant 0 : i32
        %scan3A_383 = arith.constant 0 : i32
        %scan3A_384 = arith.constant 24 : i32
        %scan3A_385 = arith.addi %scan3A_383, %scan3A_384 : i32
        %scan3A_386 = arith.constant 1 : i32
        scf.for %scan3A_672 = %scan3A_383 to %scan3A_385 step %scan3A_386  : i32 {
          %mul3A_673 = arith.constant 16 : i32
          %mul3A_674 = arith.muli %scan3A_672, %mul3A_673 : i32
          %jit3A_675 = arith.constant 8 : i32
          %div3A_676 = arith.divsi %scan3A_672, %jit3A_675 : i32
          %sign3A_677 = arith.constant 0 : i32
          %sign3A_678 = arith.cmpi sgt, %scan3A_672, %sign3A_677 : i32
          %sign3A_679 = arith.extui %sign3A_678 : i1 to i32
          %sign3A_680 = arith.constant 0 : i32
          %sign3A_681 = arith.cmpi slt, %scan3A_672, %sign3A_680 : i32
          %sign3A_682 = arith.extui %sign3A_681 : i1 to i32
          %sign3A_683 = arith.subi %sign3A_679, %sign3A_682 : i32
          %sign3A_684 = arith.constant 0 : i32
          %sign3A_685 = arith.cmpi sgt, %jit3A_675, %sign3A_684 : i32
          %sign3A_686 = arith.extui %sign3A_685 : i1 to i32
          %sign3A_687 = arith.constant 0 : i32
          %sign3A_688 = arith.cmpi slt, %jit3A_675, %sign3A_687 : i32
          %sign3A_689 = arith.extui %sign3A_688 : i1 to i32
          %sign3A_690 = arith.subi %sign3A_686, %sign3A_689 : i32
          %ne3A_691 = arith.cmpi ne, %sign3A_683, %sign3A_690 : i32
          %rem3A_692 = arith.remsi %scan3A_672, %jit3A_675 : i32
          %ne3A_693 = arith.constant 0 : i32
          %ne3A_694 = arith.cmpi ne, %rem3A_692, %ne3A_693 : i32
          %and3A_695 = arith.andi %ne3A_691, %ne3A_694 : i1
          %sub3A_696 = arith.constant 1 : i32
          %sub3A_697 = arith.subi %div3A_676, %sub3A_696 : i32
          %select_n3A_698 = arith.select %and3A_695, %sub3A_697, %div3A_676 : i32
          %rem3A_699 = arith.constant 128 : i32
          %rem3A_700 = arith.remsi %mul3A_674, %rem3A_699 : i32
          %add3A_701 = arith.constant 384 : i32
          %add3A_702 = arith.addi %add3A_701, %mul3A_674 : i32
          %add3A_703 = vector.broadcast %add3A_702 : i32 to vector<16xi32>
          %add3A_704 = arith.addi %iota3A, %add3A_703 : vector<16xi32>
          %get3A = arith.constant 2 : i32
          %get3A_705 = arith.index_cast %get3A : i32 to index
          %get3A_706 = arith.index_cast %add3A_702 : i32 to index
          %get3A_707 = tpu.vector_load %arg10[%get3A_705, %get3A_706] {strides = array<i32>} : memref<4x768xf32, #tpu.memory_space<vmem>>, vector<16xf32>,
          %get3A_708 = arith.constant 0 : i32
          %get3A_709 = arith.constant 1 : i32
          %get3A_710 = arith.index_cast %get3A_708 : i32 to index
          %get3A_711 = arith.index_cast %select_n3A_698 : i32 to index
          %get3A_712 = arith.index_cast %get3A_709 : i32 to index
          %get3A_713 = arith.index_cast %rem3A_700 : i32 to index
          %get3A_714 = tpu.vector_load %arg8[%get3A_710, %get3A_711, %get3A_712, %get3A_713] {strides = array<i32>} : memref<8x3x2x128xf32, #tpu.memory_space<vmem>>, vector<16xf32>,
          %mul3A_715 = arith.mulf %get3A_714, %get3A_707 : vector<16xf32>
          tpu.vector_store_idx %arg13[%add3A_704, %broadcast_in_dim3A_3], %mul3A_715 : memref<768x8xf32, #tpu.memory_space<vmem>>[vector<16xi32>, vector<16xi32>], vector<16xf32>,
          %get3A_716 = arith.constant 1 : i32
          %get3A_717 = arith.constant 1 : i32
          %get3A_718 = arith.index_cast %get3A_716 : i32 to index
          %get3A_719 = arith.index_cast %select_n3A_698 : i32 to index
          %get3A_720 = arith.index_cast %get3A_717 : i32 to index
          %get3A_721 = arith.index_cast %rem3A_700 : i32 to index
          %get3A_722 = tpu.vector_load %arg8[%get3A_718, %get3A_719, %get3A_720, %get3A_721] {strides = array<i32>} : memref<8x3x2x128xf32, #tpu.memory_space<vmem>>, vector<16xf32>,
          %mul3A_723 = arith.mulf %get3A_722, %get3A_707 : vector<16xf32>
          tpu.vector_store_idx %arg13[%add3A_704, %broadcast_in_dim3A_5], %mul3A_723 : memref<768x8xf32, #tpu.memory_space<vmem>>[vector<16xi32>, vector<16xi32>], vector<16xf32>,
          %get3A_724 = arith.constant 2 : i32
          %get3A_725 = arith.constant 1 : i32
          %get3A_726 = arith.index_cast %get3A_724 : i32 to index
          %get3A_727 = arith.index_cast %select_n3A_698 : i32 to index
          %get3A_728 = arith.index_cast %get3A_725 : i32 to index
          %get3A_729 = arith.index_cast %rem3A_700 : i32 to index
          %get3A_730 = tpu.vector_load %arg8[%get3A_726, %get3A_727, %get3A_728, %get3A_729] {strides = array<i32>} : memref<8x3x2x128xf32, #tpu.memory_space<vmem>>, vector<16xf32>,
          %mul3A_731 = arith.mulf %get3A_730, %get3A_707 : vector<16xf32>
          tpu.vector_store_idx %arg13[%add3A_704, %broadcast_in_dim3A_7], %mul3A_731 : memref<768x8xf32, #tpu.memory_space<vmem>>[vector<16xi32>, vector<16xi32>], vector<16xf32>,
          %get3A_732 = arith.constant 3 : i32
          %get3A_733 = arith.constant 1 : i32
          %get3A_734 = arith.index_cast %get3A_732 : i32 to index
          %get3A_735 = arith.index_cast %select_n3A_698 : i32 to index
          %get3A_736 = arith.index_cast %get3A_733 : i32 to index
          %get3A_737 = arith.index_cast %rem3A_700 : i32 to index
          %get3A_738 = tpu.vector_load %arg8[%get3A_734, %get3A_735, %get3A_736, %get3A_737] {strides = array<i32>} : memref<8x3x2x128xf32, #tpu.memory_space<vmem>>, vector<16xf32>,
          %mul3A_739 = arith.mulf %get3A_738, %get3A_707 : vector<16xf32>
          tpu.vector_store_idx %arg13[%add3A_704, %broadcast_in_dim3A_9], %mul3A_739 : memref<768x8xf32, #tpu.memory_space<vmem>>[vector<16xi32>, vector<16xi32>], vector<16xf32>,
          %get3A_740 = arith.constant 4 : i32
          %get3A_741 = arith.constant 1 : i32
          %get3A_742 = arith.index_cast %get3A_740 : i32 to index
          %get3A_743 = arith.index_cast %select_n3A_698 : i32 to index
          %get3A_744 = arith.index_cast %get3A_741 : i32 to index
          %get3A_745 = arith.index_cast %rem3A_700 : i32 to index
          %get3A_746 = tpu.vector_load %arg8[%get3A_742, %get3A_743, %get3A_744, %get3A_745] {strides = array<i32>} : memref<8x3x2x128xf32, #tpu.memory_space<vmem>>, vector<16xf32>,
          %mul3A_747 = arith.mulf %get3A_746, %get3A_707 : vector<16xf32>
          tpu.vector_store_idx %arg13[%add3A_704, %broadcast_in_dim3A_11], %mul3A_747 : memref<768x8xf32, #tpu.memory_space<vmem>>[vector<16xi32>, vector<16xi32>], vector<16xf32>,
          %get3A_748 = arith.constant 5 : i32
          %get3A_749 = arith.constant 1 : i32
          %get3A_750 = arith.index_cast %get3A_748 : i32 to index
          %get3A_751 = arith.index_cast %select_n3A_698 : i32 to index
          %get3A_752 = arith.index_cast %get3A_749 : i32 to index
          %get3A_753 = arith.index_cast %rem3A_700 : i32 to index
          %get3A_754 = tpu.vector_load %arg8[%get3A_750, %get3A_751, %get3A_752, %get3A_753] {strides = array<i32>} : memref<8x3x2x128xf32, #tpu.memory_space<vmem>>, vector<16xf32>,
          %mul3A_755 = arith.mulf %get3A_754, %get3A_707 : vector<16xf32>
          tpu.vector_store_idx %arg13[%add3A_704, %broadcast_in_dim3A_13], %mul3A_755 : memref<768x8xf32, #tpu.memory_space<vmem>>[vector<16xi32>, vector<16xi32>], vector<16xf32>,
          %get3A_756 = arith.constant 6 : i32
          %get3A_757 = arith.constant 1 : i32
          %get3A_758 = arith.index_cast %get3A_756 : i32 to index
          %get3A_759 = arith.index_cast %select_n3A_698 : i32 to index
          %get3A_760 = arith.index_cast %get3A_757 : i32 to index
          %get3A_761 = arith.index_cast %rem3A_700 : i32 to index
          %get3A_762 = tpu.vector_load %arg8[%get3A_758, %get3A_759, %get3A_760, %get3A_761] {strides = array<i32>} : memref<8x3x2x128xf32, #tpu.memory_space<vmem>>, vector<16xf32>,
          %mul3A_763 = arith.mulf %get3A_762, %get3A_707 : vector<16xf32>
          tpu.vector_store_idx %arg13[%add3A_704, %broadcast_in_dim3A_15], %mul3A_763 : memref<768x8xf32, #tpu.memory_space<vmem>>[vector<16xi32>, vector<16xi32>], vector<16xf32>,
          %get3A_764 = arith.constant 7 : i32
          %get3A_765 = arith.constant 1 : i32
          %get3A_766 = arith.index_cast %get3A_764 : i32 to index
          %get3A_767 = arith.index_cast %select_n3A_698 : i32 to index
          %get3A_768 = arith.index_cast %get3A_765 : i32 to index
          %get3A_769 = arith.index_cast %rem3A_700 : i32 to index
          %get3A_770 = tpu.vector_load %arg8[%get3A_766, %get3A_767, %get3A_768, %get3A_769] {strides = array<i32>} : memref<8x3x2x128xf32, #tpu.memory_space<vmem>>, vector<16xf32>,
          %mul3A_771 = arith.mulf %get3A_770, %get3A_707 : vector<16xf32>
          tpu.vector_store_idx %arg13[%add3A_704, %broadcast_in_dim3A_17], %mul3A_771 : memref<768x8xf32, #tpu.memory_space<vmem>>[vector<16xi32>, vector<16xi32>], vector<16xf32>,
        }
        %scan3A_387 = arith.constant 24 : i32
        %jit3A_388 = arith.constant 3 : i32
        %eq3A_389 = arith.constant 0 : i32
        %eq3A_390 = arith.cmpi eq, %jit3A_388, %eq3A_389 : i32
        %jit3A_391 = arith.constant 1 : i32
        %select_n3A_392 = arith.select %eq3A_390, %jit3A_391, %jit3A_388 : i32
        %rem3A_393 = arith.remsi %add3A_255, %select_n3A_392 : i32
        %ne3A_394 = arith.constant 0 : i32
        %ne3A_395 = arith.cmpi ne, %rem3A_393, %ne3A_394 : i32
        %lt3A_396 = arith.constant 0 : i32
        %lt3A_397 = arith.cmpi slt, %rem3A_393, %lt3A_396 : i32
        %lt3A_398 = arith.constant 0 : i32
        %lt3A_399 = arith.cmpi slt, %select_n3A_392, %lt3A_398 : i32
        %ne3A_400 = arith.xori %lt3A_397, %lt3A_399 : i1
        %and3A_401 = arith.andi %ne3A_400, %ne3A_395 : i1
        %add3A_402 = arith.addi %rem3A_393, %select_n3A_392 : i32
        %select_n3A_403 = arith.select %and3A_401, %add3A_402, %rem3A_393 : i32
        %dma_start3A_404 = arith.constant 2 : i32
        %dma_start3A_405 = arith.constant 0 : i32
        %dma_start3A_406 = tpu.memref_slice %arg12[%select_n3A_403, %dma_start3A_404, %dma_start3A_405] : memref<3x4x768xi32, #tpu.memory_space<vmem>> -> memref<1x1x768xi32, #tpu.memory_space<vmem>>
        %dma_start3A_407 = tpu.memref_squeeze %dma_start3A_406 : memref<1x1x768xi32, #tpu.memory_space<vmem>> -> memref<768xi32, #tpu.memory_space<vmem>>
        %dma_start3A_408 = arith.constant 0 : i32
        %dma_start3A_409 = arith.constant 0 : i32
        %dma_start3A_410 = tpu.memref_slice %arg7[%dma_start3A_408, %dma_start3A_409] : memref<147456x8xf32, #tpu.memory_space<vmem_shared>> -> memref<147456x8xf32, #tpu.memory_space<vmem_shared>>
        tpu.enqueue_indirect_dma source(%arg13 : memref<768x8xf32, #tpu.memory_space<vmem>>) target(%dma_start3A_410 : memref<147456x8xf32, #tpu.memory_space<vmem_shared>>) offsets(%dma_start3A_407 : memref<768xi32, #tpu.memory_space<vmem>>) semaphore(%arg17 : memref<!tpu.dma_semaphore, #tpu.memory_space<semaphore_mem>>) {add = true}
        %dma_wait3A_411 = arith.constant 0 : i32
        %dma_wait3A_412 = arith.constant 3 : i32
        %dma_wait3A_413 = arith.constant 0 : i32
        %dma_wait3A_414 = tpu.memref_slice %arg12[%dma_wait3A_411, %dma_wait3A_412, %dma_wait3A_413] : memref<3x4x768xi32, #tpu.memory_space<vmem>> -> memref<1x1x768xi32, #tpu.memory_space<vmem>>
        %dma_wait3A_415 = tpu.memref_squeeze %dma_wait3A_414 : memref<1x1x768xi32, #tpu.memory_space<vmem>> -> memref<768xi32, #tpu.memory_space<vmem>>
        %dma_wait3A_416 = arith.constant 0 : i32
        %dma_wait3A_417 = arith.constant 0 : i32
        %dma_wait3A_418 = tpu.memref_slice %arg7[%dma_wait3A_416, %dma_wait3A_417] : memref<147456x8xf32, #tpu.memory_space<vmem_shared>> -> memref<147456x8xf32, #tpu.memory_space<vmem_shared>>
        tpu.wait_indirect_dma semaphore(%arg18 : memref<!tpu.dma_semaphore, #tpu.memory_space<semaphore_mem>>) src(%arg14 : memref<768x8xf32, #tpu.memory_space<vmem>>) dst(%dma_wait3A_418 : memref<147456x8xf32, #tpu.memory_space<vmem_shared>>)
        %scan3A_419 = arith.constant 0 : i32
        %scan3A_420 = arith.constant 0 : i32
        %scan3A_421 = arith.constant 24 : i32
        %scan3A_422 = arith.addi %scan3A_420, %scan3A_421 : i32
        %scan3A_423 = arith.constant 1 : i32
        scf.for %scan3A_672 = %scan3A_420 to %scan3A_422 step %scan3A_423  : i32 {
          %mul3A_673 = arith.constant 16 : i32
          %mul3A_674 = arith.muli %scan3A_672, %mul3A_673 : i32
          %jit3A_675 = arith.constant 8 : i32
          %div3A_676 = arith.divsi %scan3A_672, %jit3A_675 : i32
          %sign3A_677 = arith.constant 0 : i32
          %sign3A_678 = arith.cmpi sgt, %scan3A_672, %sign3A_677 : i32
          %sign3A_679 = arith.extui %sign3A_678 : i1 to i32
          %sign3A_680 = arith.constant 0 : i32
          %sign3A_681 = arith.cmpi slt, %scan3A_672, %sign3A_680 : i32
          %sign3A_682 = arith.extui %sign3A_681 : i1 to i32
          %sign3A_683 = arith.subi %sign3A_679, %sign3A_682 : i32
          %sign3A_684 = arith.constant 0 : i32
          %sign3A_685 = arith.cmpi sgt, %jit3A_675, %sign3A_684 : i32
          %sign3A_686 = arith.extui %sign3A_685 : i1 to i32
          %sign3A_687 = arith.constant 0 : i32
          %sign3A_688 = arith.cmpi slt, %jit3A_675, %sign3A_687 : i32
          %sign3A_689 = arith.extui %sign3A_688 : i1 to i32
          %sign3A_690 = arith.subi %sign3A_686, %sign3A_689 : i32
          %ne3A_691 = arith.cmpi ne, %sign3A_683, %sign3A_690 : i32
          %rem3A_692 = arith.remsi %scan3A_672, %jit3A_675 : i32
          %ne3A_693 = arith.constant 0 : i32
          %ne3A_694 = arith.cmpi ne, %rem3A_692, %ne3A_693 : i32
          %and3A_695 = arith.andi %ne3A_691, %ne3A_694 : i1
          %sub3A_696 = arith.constant 1 : i32
          %sub3A_697 = arith.subi %div3A_676, %sub3A_696 : i32
          %select_n3A_698 = arith.select %and3A_695, %sub3A_697, %div3A_676 : i32
          %rem3A_699 = arith.constant 128 : i32
          %rem3A_700 = arith.remsi %mul3A_674, %rem3A_699 : i32
          %add3A_701 = arith.constant 0 : i32
          %add3A_702 = arith.addi %add3A_701, %mul3A_674 : i32
          %add3A_703 = vector.broadcast %add3A_702 : i32 to vector<16xi32>
          %add3A_704 = arith.addi %iota3A, %add3A_703 : vector<16xi32>
          %get3A = arith.constant 3 : i32
          %get3A_705 = arith.index_cast %get3A : i32 to index
          %get3A_706 = arith.index_cast %add3A_702 : i32 to index
          %get3A_707 = tpu.vector_load %arg10[%get3A_705, %get3A_706] {strides = array<i32>} : memref<4x768xf32, #tpu.memory_space<vmem>>, vector<16xf32>,
          %get3A_708 = arith.constant 0 : i32
          %get3A_709 = arith.constant 0 : i32
          %get3A_710 = arith.index_cast %get3A_708 : i32 to index
          %get3A_711 = arith.index_cast %select_n3A_698 : i32 to index
          %get3A_712 = arith.index_cast %get3A_709 : i32 to index
          %get3A_713 = arith.index_cast %rem3A_700 : i32 to index
          %get3A_714 = tpu.vector_load %arg8[%get3A_710, %get3A_711, %get3A_712, %get3A_713] {strides = array<i32>} : memref<8x3x2x128xf32, #tpu.memory_space<vmem>>, vector<16xf32>,
          %mul3A_715 = arith.mulf %get3A_714, %get3A_707 : vector<16xf32>
          tpu.vector_store_idx %arg14[%add3A_704, %broadcast_in_dim3A_3], %mul3A_715 : memref<768x8xf32, #tpu.memory_space<vmem>>[vector<16xi32>, vector<16xi32>], vector<16xf32>,
          %get3A_716 = arith.constant 1 : i32
          %get3A_717 = arith.constant 0 : i32
          %get3A_718 = arith.index_cast %get3A_716 : i32 to index
          %get3A_719 = arith.index_cast %select_n3A_698 : i32 to index
          %get3A_720 = arith.index_cast %get3A_717 : i32 to index
          %get3A_721 = arith.index_cast %rem3A_700 : i32 to index
          %get3A_722 = tpu.vector_load %arg8[%get3A_718, %get3A_719, %get3A_720, %get3A_721] {strides = array<i32>} : memref<8x3x2x128xf32, #tpu.memory_space<vmem>>, vector<16xf32>,
          %mul3A_723 = arith.mulf %get3A_722, %get3A_707 : vector<16xf32>
          tpu.vector_store_idx %arg14[%add3A_704, %broadcast_in_dim3A_5], %mul3A_723 : memref<768x8xf32, #tpu.memory_space<vmem>>[vector<16xi32>, vector<16xi32>], vector<16xf32>,
          %get3A_724 = arith.constant 2 : i32
          %get3A_725 = arith.constant 0 : i32
          %get3A_726 = arith.index_cast %get3A_724 : i32 to index
          %get3A_727 = arith.index_cast %select_n3A_698 : i32 to index
          %get3A_728 = arith.index_cast %get3A_725 : i32 to index
          %get3A_729 = arith.index_cast %rem3A_700 : i32 to index
          %get3A_730 = tpu.vector_load %arg8[%get3A_726, %get3A_727, %get3A_728, %get3A_729] {strides = array<i32>} : memref<8x3x2x128xf32, #tpu.memory_space<vmem>>, vector<16xf32>,
          %mul3A_731 = arith.mulf %get3A_730, %get3A_707 : vector<16xf32>
          tpu.vector_store_idx %arg14[%add3A_704, %broadcast_in_dim3A_7], %mul3A_731 : memref<768x8xf32, #tpu.memory_space<vmem>>[vector<16xi32>, vector<16xi32>], vector<16xf32>,
          %get3A_732 = arith.constant 3 : i32
          %get3A_733 = arith.constant 0 : i32
          %get3A_734 = arith.index_cast %get3A_732 : i32 to index
          %get3A_735 = arith.index_cast %select_n3A_698 : i32 to index
          %get3A_736 = arith.index_cast %get3A_733 : i32 to index
          %get3A_737 = arith.index_cast %rem3A_700 : i32 to index
          %get3A_738 = tpu.vector_load %arg8[%get3A_734, %get3A_735, %get3A_736, %get3A_737] {strides = array<i32>} : memref<8x3x2x128xf32, #tpu.memory_space<vmem>>, vector<16xf32>,
          %mul3A_739 = arith.mulf %get3A_738, %get3A_707 : vector<16xf32>
          tpu.vector_store_idx %arg14[%add3A_704, %broadcast_in_dim3A_9], %mul3A_739 : memref<768x8xf32, #tpu.memory_space<vmem>>[vector<16xi32>, vector<16xi32>], vector<16xf32>,
          %get3A_740 = arith.constant 4 : i32
          %get3A_741 = arith.constant 0 : i32
          %get3A_742 = arith.index_cast %get3A_740 : i32 to index
          %get3A_743 = arith.index_cast %select_n3A_698 : i32 to index
          %get3A_744 = arith.index_cast %get3A_741 : i32 to index
          %get3A_745 = arith.index_cast %rem3A_700 : i32 to index
          %get3A_746 = tpu.vector_load %arg8[%get3A_742, %get3A_743, %get3A_744, %get3A_745] {strides = array<i32>} : memref<8x3x2x128xf32, #tpu.memory_space<vmem>>, vector<16xf32>,
          %mul3A_747 = arith.mulf %get3A_746, %get3A_707 : vector<16xf32>
          tpu.vector_store_idx %arg14[%add3A_704, %broadcast_in_dim3A_11], %mul3A_747 : memref<768x8xf32, #tpu.memory_space<vmem>>[vector<16xi32>, vector<16xi32>], vector<16xf32>,
          %get3A_748 = arith.constant 5 : i32
          %get3A_749 = arith.constant 0 : i32
          %get3A_750 = arith.index_cast %get3A_748 : i32 to index
          %get3A_751 = arith.index_cast %select_n3A_698 : i32 to index
          %get3A_752 = arith.index_cast %get3A_749 : i32 to index
          %get3A_753 = arith.index_cast %rem3A_700 : i32 to index
          %get3A_754 = tpu.vector_load %arg8[%get3A_750, %get3A_751, %get3A_752, %get3A_753] {strides = array<i32>} : memref<8x3x2x128xf32, #tpu.memory_space<vmem>>, vector<16xf32>,
          %mul3A_755 = arith.mulf %get3A_754, %get3A_707 : vector<16xf32>
          tpu.vector_store_idx %arg14[%add3A_704, %broadcast_in_dim3A_13], %mul3A_755 : memref<768x8xf32, #tpu.memory_space<vmem>>[vector<16xi32>, vector<16xi32>], vector<16xf32>,
          %get3A_756 = arith.constant 6 : i32
          %get3A_757 = arith.constant 0 : i32
          %get3A_758 = arith.index_cast %get3A_756 : i32 to index
          %get3A_759 = arith.index_cast %select_n3A_698 : i32 to index
          %get3A_760 = arith.index_cast %get3A_757 : i32 to index
          %get3A_761 = arith.index_cast %rem3A_700 : i32 to index
          %get3A_762 = tpu.vector_load %arg8[%get3A_758, %get3A_759, %get3A_760, %get3A_761] {strides = array<i32>} : memref<8x3x2x128xf32, #tpu.memory_space<vmem>>, vector<16xf32>,
          %mul3A_763 = arith.mulf %get3A_762, %get3A_707 : vector<16xf32>
          tpu.vector_store_idx %arg14[%add3A_704, %broadcast_in_dim3A_15], %mul3A_763 : memref<768x8xf32, #tpu.memory_space<vmem>>[vector<16xi32>, vector<16xi32>], vector<16xf32>,
          %get3A_764 = arith.constant 7 : i32
          %get3A_765 = arith.constant 0 : i32
          %get3A_766 = arith.index_cast %get3A_764 : i32 to index
          %get3A_767 = arith.index_cast %select_n3A_698 : i32 to index
          %get3A_768 = arith.index_cast %get3A_765 : i32 to index
          %get3A_769 = arith.index_cast %rem3A_700 : i32 to index
          %get3A_770 = tpu.vector_load %arg8[%get3A_766, %get3A_767, %get3A_768, %get3A_769] {strides = array<i32>} : memref<8x3x2x128xf32, #tpu.memory_space<vmem>>, vector<16xf32>,
          %mul3A_771 = arith.mulf %get3A_770, %get3A_707 : vector<16xf32>
          tpu.vector_store_idx %arg14[%add3A_704, %broadcast_in_dim3A_17], %mul3A_771 : memref<768x8xf32, #tpu.memory_space<vmem>>[vector<16xi32>, vector<16xi32>], vector<16xf32>,
        }
        %scan3A_424 = arith.constant 24 : i32
        %scan3A_425 = arith.constant 0 : i32
        %scan3A_426 = arith.constant 0 : i32
        %scan3A_427 = arith.constant 24 : i32
        %scan3A_428 = arith.addi %scan3A_426, %scan3A_427 : i32
        %scan3A_429 = arith.constant 1 : i32
        scf.for %scan3A_672 = %scan3A_426 to %scan3A_428 step %scan3A_429  : i32 {
          %mul3A_673 = arith.constant 16 : i32
          %mul3A_674 = arith.muli %scan3A_672, %mul3A_673 : i32
          %jit3A_675 = arith.constant 8 : i32
          %div3A_676 = arith.divsi %scan3A_672, %jit3A_675 : i32
          %sign3A_677 = arith.constant 0 : i32
          %sign3A_678 = arith.cmpi sgt, %scan3A_672, %sign3A_677 : i32
          %sign3A_679 = arith.extui %sign3A_678 : i1 to i32
          %sign3A_680 = arith.constant 0 : i32
          %sign3A_681 = arith.cmpi slt, %scan3A_672, %sign3A_680 : i32
          %sign3A_682 = arith.extui %sign3A_681 : i1 to i32
          %sign3A_683 = arith.subi %sign3A_679, %sign3A_682 : i32
          %sign3A_684 = arith.constant 0 : i32
          %sign3A_685 = arith.cmpi sgt, %jit3A_675, %sign3A_684 : i32
          %sign3A_686 = arith.extui %sign3A_685 : i1 to i32
          %sign3A_687 = arith.constant 0 : i32
          %sign3A_688 = arith.cmpi slt, %jit3A_675, %sign3A_687 : i32
          %sign3A_689 = arith.extui %sign3A_688 : i1 to i32
          %sign3A_690 = arith.subi %sign3A_686, %sign3A_689 : i32
          %ne3A_691 = arith.cmpi ne, %sign3A_683, %sign3A_690 : i32
          %rem3A_692 = arith.remsi %scan3A_672, %jit3A_675 : i32
          %ne3A_693 = arith.constant 0 : i32
          %ne3A_694 = arith.cmpi ne, %rem3A_692, %ne3A_693 : i32
          %and3A_695 = arith.andi %ne3A_691, %ne3A_694 : i1
          %sub3A_696 = arith.constant 1 : i32
          %sub3A_697 = arith.subi %div3A_676, %sub3A_696 : i32
          %select_n3A_698 = arith.select %and3A_695, %sub3A_697, %div3A_676 : i32
          %rem3A_699 = arith.constant 128 : i32
          %rem3A_700 = arith.remsi %mul3A_674, %rem3A_699 : i32
          %add3A_701 = arith.constant 384 : i32
          %add3A_702 = arith.addi %add3A_701, %mul3A_674 : i32
          %add3A_703 = vector.broadcast %add3A_702 : i32 to vector<16xi32>
          %add3A_704 = arith.addi %iota3A, %add3A_703 : vector<16xi32>
          %get3A = arith.constant 3 : i32
          %get3A_705 = arith.index_cast %get3A : i32 to index
          %get3A_706 = arith.index_cast %add3A_702 : i32 to index
          %get3A_707 = tpu.vector_load %arg10[%get3A_705, %get3A_706] {strides = array<i32>} : memref<4x768xf32, #tpu.memory_space<vmem>>, vector<16xf32>,
          %get3A_708 = arith.constant 0 : i32
          %get3A_709 = arith.constant 1 : i32
          %get3A_710 = arith.index_cast %get3A_708 : i32 to index
          %get3A_711 = arith.index_cast %select_n3A_698 : i32 to index
          %get3A_712 = arith.index_cast %get3A_709 : i32 to index
          %get3A_713 = arith.index_cast %rem3A_700 : i32 to index
          %get3A_714 = tpu.vector_load %arg8[%get3A_710, %get3A_711, %get3A_712, %get3A_713] {strides = array<i32>} : memref<8x3x2x128xf32, #tpu.memory_space<vmem>>, vector<16xf32>,
          %mul3A_715 = arith.mulf %get3A_714, %get3A_707 : vector<16xf32>
          tpu.vector_store_idx %arg14[%add3A_704, %broadcast_in_dim3A_3], %mul3A_715 : memref<768x8xf32, #tpu.memory_space<vmem>>[vector<16xi32>, vector<16xi32>], vector<16xf32>,
          %get3A_716 = arith.constant 1 : i32
          %get3A_717 = arith.constant 1 : i32
          %get3A_718 = arith.index_cast %get3A_716 : i32 to index
          %get3A_719 = arith.index_cast %select_n3A_698 : i32 to index
          %get3A_720 = arith.index_cast %get3A_717 : i32 to index
          %get3A_721 = arith.index_cast %rem3A_700 : i32 to index
          %get3A_722 = tpu.vector_load %arg8[%get3A_718, %get3A_719, %get3A_720, %get3A_721] {strides = array<i32>} : memref<8x3x2x128xf32, #tpu.memory_space<vmem>>, vector<16xf32>,
          %mul3A_723 = arith.mulf %get3A_722, %get3A_707 : vector<16xf32>
          tpu.vector_store_idx %arg14[%add3A_704, %broadcast_in_dim3A_5], %mul3A_723 : memref<768x8xf32, #tpu.memory_space<vmem>>[vector<16xi32>, vector<16xi32>], vector<16xf32>,
          %get3A_724 = arith.constant 2 : i32
          %get3A_725 = arith.constant 1 : i32
          %get3A_726 = arith.index_cast %get3A_724 : i32 to index
          %get3A_727 = arith.index_cast %select_n3A_698 : i32 to index
          %get3A_728 = arith.index_cast %get3A_725 : i32 to index
          %get3A_729 = arith.index_cast %rem3A_700 : i32 to index
          %get3A_730 = tpu.vector_load %arg8[%get3A_726, %get3A_727, %get3A_728, %get3A_729] {strides = array<i32>} : memref<8x3x2x128xf32, #tpu.memory_space<vmem>>, vector<16xf32>,
          %mul3A_731 = arith.mulf %get3A_730, %get3A_707 : vector<16xf32>
          tpu.vector_store_idx %arg14[%add3A_704, %broadcast_in_dim3A_7], %mul3A_731 : memref<768x8xf32, #tpu.memory_space<vmem>>[vector<16xi32>, vector<16xi32>], vector<16xf32>,
          %get3A_732 = arith.constant 3 : i32
          %get3A_733 = arith.constant 1 : i32
          %get3A_734 = arith.index_cast %get3A_732 : i32 to index
          %get3A_735 = arith.index_cast %select_n3A_698 : i32 to index
          %get3A_736 = arith.index_cast %get3A_733 : i32 to index
          %get3A_737 = arith.index_cast %rem3A_700 : i32 to index
          %get3A_738 = tpu.vector_load %arg8[%get3A_734, %get3A_735, %get3A_736, %get3A_737] {strides = array<i32>} : memref<8x3x2x128xf32, #tpu.memory_space<vmem>>, vector<16xf32>,
          %mul3A_739 = arith.mulf %get3A_738, %get3A_707 : vector<16xf32>
          tpu.vector_store_idx %arg14[%add3A_704, %broadcast_in_dim3A_9], %mul3A_739 : memref<768x8xf32, #tpu.memory_space<vmem>>[vector<16xi32>, vector<16xi32>], vector<16xf32>,
          %get3A_740 = arith.constant 4 : i32
          %get3A_741 = arith.constant 1 : i32
          %get3A_742 = arith.index_cast %get3A_740 : i32 to index
          %get3A_743 = arith.index_cast %select_n3A_698 : i32 to index
          %get3A_744 = arith.index_cast %get3A_741 : i32 to index
          %get3A_745 = arith.index_cast %rem3A_700 : i32 to index
          %get3A_746 = tpu.vector_load %arg8[%get3A_742, %get3A_743, %get3A_744, %get3A_745] {strides = array<i32>} : memref<8x3x2x128xf32, #tpu.memory_space<vmem>>, vector<16xf32>,
          %mul3A_747 = arith.mulf %get3A_746, %get3A_707 : vector<16xf32>
          tpu.vector_store_idx %arg14[%add3A_704, %broadcast_in_dim3A_11], %mul3A_747 : memref<768x8xf32, #tpu.memory_space<vmem>>[vector<16xi32>, vector<16xi32>], vector<16xf32>,
          %get3A_748 = arith.constant 5 : i32
          %get3A_749 = arith.constant 1 : i32
          %get3A_750 = arith.index_cast %get3A_748 : i32 to index
          %get3A_751 = arith.index_cast %select_n3A_698 : i32 to index
          %get3A_752 = arith.index_cast %get3A_749 : i32 to index
          %get3A_753 = arith.index_cast %rem3A_700 : i32 to index
          %get3A_754 = tpu.vector_load %arg8[%get3A_750, %get3A_751, %get3A_752, %get3A_753] {strides = array<i32>} : memref<8x3x2x128xf32, #tpu.memory_space<vmem>>, vector<16xf32>,
          %mul3A_755 = arith.mulf %get3A_754, %get3A_707 : vector<16xf32>
          tpu.vector_store_idx %arg14[%add3A_704, %broadcast_in_dim3A_13], %mul3A_755 : memref<768x8xf32, #tpu.memory_space<vmem>>[vector<16xi32>, vector<16xi32>], vector<16xf32>,
          %get3A_756 = arith.constant 6 : i32
          %get3A_757 = arith.constant 1 : i32
          %get3A_758 = arith.index_cast %get3A_756 : i32 to index
          %get3A_759 = arith.index_cast %select_n3A_698 : i32 to index
          %get3A_760 = arith.index_cast %get3A_757 : i32 to index
          %get3A_761 = arith.index_cast %rem3A_700 : i32 to index
          %get3A_762 = tpu.vector_load %arg8[%get3A_758, %get3A_759, %get3A_760, %get3A_761] {strides = array<i32>} : memref<8x3x2x128xf32, #tpu.memory_space<vmem>>, vector<16xf32>,
          %mul3A_763 = arith.mulf %get3A_762, %get3A_707 : vector<16xf32>
          tpu.vector_store_idx %arg14[%add3A_704, %broadcast_in_dim3A_15], %mul3A_763 : memref<768x8xf32, #tpu.memory_space<vmem>>[vector<16xi32>, vector<16xi32>], vector<16xf32>,
          %get3A_764 = arith.constant 7 : i32
          %get3A_765 = arith.constant 1 : i32
          %get3A_766 = arith.index_cast %get3A_764 : i32 to index
          %get3A_767 = arith.index_cast %select_n3A_698 : i32 to index
          %get3A_768 = arith.index_cast %get3A_765 : i32 to index
          %get3A_769 = arith.index_cast %rem3A_700 : i32 to index
          %get3A_770 = tpu.vector_load %arg8[%get3A_766, %get3A_767, %get3A_768, %get3A_769] {strides = array<i32>} : memref<8x3x2x128xf32, #tpu.memory_space<vmem>>, vector<16xf32>,
          %mul3A_771 = arith.mulf %get3A_770, %get3A_707 : vector<16xf32>
          tpu.vector_store_idx %arg14[%add3A_704, %broadcast_in_dim3A_17], %mul3A_771 : memref<768x8xf32, #tpu.memory_space<vmem>>[vector<16xi32>, vector<16xi32>], vector<16xf32>,
        }
        %scan3A_430 = arith.constant 24 : i32
        %jit3A_431 = arith.constant 3 : i32
        %eq3A_432 = arith.constant 0 : i32
        %eq3A_433 = arith.cmpi eq, %jit3A_431, %eq3A_432 : i32
        %jit3A_434 = arith.constant 1 : i32
        %select_n3A_435 = arith.select %eq3A_433, %jit3A_434, %jit3A_431 : i32
        %rem3A_436 = arith.remsi %add3A_255, %select_n3A_435 : i32
        %ne3A_437 = arith.constant 0 : i32
        %ne3A_438 = arith.cmpi ne, %rem3A_436, %ne3A_437 : i32
        %lt3A_439 = arith.constant 0 : i32
        %lt3A_440 = arith.cmpi slt, %rem3A_436, %lt3A_439 : i32
        %lt3A_441 = arith.constant 0 : i32
        %lt3A_442 = arith.cmpi slt, %select_n3A_435, %lt3A_441 : i32
        %ne3A_443 = arith.xori %lt3A_440, %lt3A_442 : i1
        %and3A_444 = arith.andi %ne3A_443, %ne3A_438 : i1
        %add3A_445 = arith.addi %rem3A_436, %select_n3A_435 : i32
        %select_n3A_446 = arith.select %and3A_444, %add3A_445, %rem3A_436 : i32
        %dma_start3A_447 = arith.constant 3 : i32
        %dma_start3A_448 = arith.constant 0 : i32
        %dma_start3A_449 = tpu.memref_slice %arg12[%select_n3A_446, %dma_start3A_447, %dma_start3A_448] : memref<3x4x768xi32, #tpu.memory_space<vmem>> -> memref<1x1x768xi32, #tpu.memory_space<vmem>>
        %dma_start3A_450 = tpu.memref_squeeze %dma_start3A_449 : memref<1x1x768xi32, #tpu.memory_space<vmem>> -> memref<768xi32, #tpu.memory_space<vmem>>
        %dma_start3A_451 = arith.constant 0 : i32
        %dma_start3A_452 = arith.constant 0 : i32
        %dma_start3A_453 = tpu.memref_slice %arg7[%dma_start3A_451, %dma_start3A_452] : memref<147456x8xf32, #tpu.memory_space<vmem_shared>> -> memref<147456x8xf32, #tpu.memory_space<vmem_shared>>
        tpu.enqueue_indirect_dma source(%arg14 : memref<768x8xf32, #tpu.memory_space<vmem>>) target(%dma_start3A_453 : memref<147456x8xf32, #tpu.memory_space<vmem_shared>>) offsets(%dma_start3A_450 : memref<768xi32, #tpu.memory_space<vmem>>) semaphore(%arg18 : memref<!tpu.dma_semaphore, #tpu.memory_space<semaphore_mem>>) {add = true}
        %add3A_454 = arith.constant 2 : i32
        %add3A_455 = arith.addi %add3A_255, %add3A_454 : i32
        %lt3A_456 = arith.constant 12 : i32
        %lt3A_457 = arith.cmpi slt, %add3A_455, %lt3A_456 : i32
        %convert_element_type3A_458 = arith.extui %lt3A_457 : i1 to i32
        %cond3A_459 = arith.constant 0 : i32
        %cond3A_460 = arith.cmpi ne, %convert_element_type3A_458, %cond3A_459 : i32
        scf.if %cond3A_460 {
          %add3A_672 = arith.constant 2 : i32
          %add3A_673 = arith.addi %add3A_255, %add3A_672 : i32
          %mul3A_674 = arith.constant 768 : i32
          %mul3A_675 = arith.muli %add3A_673, %mul3A_674 : i32
          %add3A_676 = arith.addi %mul3A_0, %mul3A_675 : i32
          %mul3A_677 = arith.constant 2 : i32
          %mul3A_678 = arith.muli %add3A_673, %mul3A_677 : i32
          %add3A_679 = arith.addi %mul3A_2, %mul3A_678 : i32
          %jit3A_680 = arith.constant 8 : i32
          %div3A_681 = arith.divsi %add3A_679, %jit3A_680 : i32
          %sign3A_682 = arith.constant 0 : i32
          %sign3A_683 = arith.cmpi sgt, %add3A_679, %sign3A_682 : i32
          %sign3A_684 = arith.extui %sign3A_683 : i1 to i32
          %sign3A_685 = arith.constant 0 : i32
          %sign3A_686 = arith.cmpi slt, %add3A_679, %sign3A_685 : i32
          %sign3A_687 = arith.extui %sign3A_686 : i1 to i32
          %sign3A_688 = arith.subi %sign3A_684, %sign3A_687 : i32
          %sign3A_689 = arith.constant 0 : i32
          %sign3A_690 = arith.cmpi sgt, %jit3A_680, %sign3A_689 : i32
          %sign3A_691 = arith.extui %sign3A_690 : i1 to i32
          %sign3A_692 = arith.constant 0 : i32
          %sign3A_693 = arith.cmpi slt, %jit3A_680, %sign3A_692 : i32
          %sign3A_694 = arith.extui %sign3A_693 : i1 to i32
          %sign3A_695 = arith.subi %sign3A_691, %sign3A_694 : i32
          %ne3A_696 = arith.cmpi ne, %sign3A_688, %sign3A_695 : i32
          %rem3A_697 = arith.remsi %add3A_679, %jit3A_680 : i32
          %ne3A_698 = arith.constant 0 : i32
          %ne3A_699 = arith.cmpi ne, %rem3A_697, %ne3A_698 : i32
          %and3A_700 = arith.andi %ne3A_696, %ne3A_699 : i1
          %sub3A_701 = arith.constant 1 : i32
          %sub3A_702 = arith.subi %div3A_681, %sub3A_701 : i32
          %select_n3A_703 = arith.select %and3A_700, %sub3A_702, %div3A_681 : i32
          %rem3A_704 = arith.constant 8 : i32
          %rem3A_705 = arith.remsi %add3A_679, %rem3A_704 : i32
          %mul3A_706 = arith.constant 8 : i32
          %mul3A_707 = arith.muli %add3A, %mul3A_706 : i32
          %dma_start3A_708 = arith.constant 0 : i32
          %dma_start3A_709 = arith.constant 0 : i32
          %dma_start3A_710 = tpu.memref_slice %arg2[%select_n3A, %mul3A_707, %select_n3A_703, %dma_start3A_708, %rem3A_705, %dma_start3A_709] : memref<2x96x48x3x8x128xf32, #tpu.memory_space<hbm>> -> memref<1x8x1x3x2x128xf32, #tpu.memory_space<hbm>>
          %dma_start3A_711 = tpu.memref_squeeze %dma_start3A_710 : memref<1x8x1x3x2x128xf32, #tpu.memory_space<hbm>> -> memref<8x3x2x128xf32, #tpu.memory_space<hbm>>
          %dma_start3A_712 = arith.constant 0 : i32
          %dma_start3A_713 = arith.constant 0 : i32
          %dma_start3A_714 = tpu.memref_slice %arg2[%select_n3A, %mul3A_707, %select_n3A_703, %dma_start3A_712, %rem3A_705, %dma_start3A_713] : memref<2x96x48x3x8x128xf32, #tpu.memory_space<hbm>> -> memref<1x8x1x3x2x128xf32, #tpu.memory_space<hbm>>
          %dma_start3A_715 = tpu.memref_squeeze %dma_start3A_714 : memref<1x8x1x3x2x128xf32, #tpu.memory_space<hbm>> -> memref<8x3x2x128xf32, #tpu.memory_space<hbm>>
          tpu.enqueue_dma source(%dma_start3A_715 : memref<8x3x2x128xf32, #tpu.memory_space<hbm>>) target(%arg8 : memref<8x3x2x128xf32, #tpu.memory_space<vmem>>) target_semaphore(%arg15 : memref<!tpu.dma_semaphore, #tpu.memory_space<semaphore_mem>>)
          %dma_start3A_716 = arith.constant 0 : i32
          %dma_start3A_717 = tpu.memref_slice %arg4[%select_n3A, %dma_start3A_716, %add3A_676] : memref<2x4x147456xf32, #tpu.memory_space<hbm>> -> memref<1x4x768xf32, #tpu.memory_space<hbm>>
          %dma_start3A_718 = tpu.memref_squeeze %dma_start3A_717 : memref<1x4x768xf32, #tpu.memory_space<hbm>> -> memref<4x768xf32, #tpu.memory_space<hbm>>
          %dma_start3A_719 = arith.constant 0 : i32
          %dma_start3A_720 = tpu.memref_slice %arg4[%select_n3A, %dma_start3A_719, %add3A_676] : memref<2x4x147456xf32, #tpu.memory_space<hbm>> -> memref<1x4x768xf32, #tpu.memory_space<hbm>>
          %dma_start3A_721 = tpu.memref_squeeze %dma_start3A_720 : memref<1x4x768xf32, #tpu.memory_space<hbm>> -> memref<4x768xf32, #tpu.memory_space<hbm>>
          tpu.enqueue_dma source(%dma_start3A_721 : memref<4x768xf32, #tpu.memory_space<hbm>>) target(%arg10 : memref<4x768xf32, #tpu.memory_space<vmem>>) target_semaphore(%arg15 : memref<!tpu.dma_semaphore, #tpu.memory_space<semaphore_mem>>)
          %jit3A_722 = arith.constant 3 : i32
          %eq3A_723 = arith.constant 0 : i32
          %eq3A_724 = arith.cmpi eq, %jit3A_722, %eq3A_723 : i32
          %jit3A_725 = arith.constant 1 : i32
          %select_n3A_726 = arith.select %eq3A_724, %jit3A_725, %jit3A_722 : i32
          %rem3A_727 = arith.remsi %add3A_673, %select_n3A_726 : i32
          %ne3A_728 = arith.constant 0 : i32
          %ne3A_729 = arith.cmpi ne, %rem3A_727, %ne3A_728 : i32
          %lt3A_730 = arith.constant 0 : i32
          %lt3A_731 = arith.cmpi slt, %rem3A_727, %lt3A_730 : i32
          %lt3A_732 = arith.constant 0 : i32
          %lt3A_733 = arith.cmpi slt, %select_n3A_726, %lt3A_732 : i32
          %ne3A_734 = arith.xori %lt3A_731, %lt3A_733 : i1
          %and3A_735 = arith.andi %ne3A_734, %ne3A_729 : i1
          %add3A_736 = arith.addi %rem3A_727, %select_n3A_726 : i32
          %select_n3A_737 = arith.select %and3A_735, %add3A_736, %rem3A_727 : i32
          %dma_start3A_738 = arith.constant 0 : i32
          %dma_start3A_739 = arith.constant 0 : i32
          %dma_start3A_740 = tpu.memref_slice %arg12[%select_n3A_737, %dma_start3A_738, %dma_start3A_739] : memref<3x4x768xi32, #tpu.memory_space<vmem>> -> memref<1x4x768xi32, #tpu.memory_space<vmem>>
          %dma_start3A_741 = tpu.memref_squeeze %dma_start3A_740 : memref<1x4x768xi32, #tpu.memory_space<vmem>> -> memref<4x768xi32, #tpu.memory_space<vmem>>
          %dma_start3A_742 = arith.constant 0 : i32
          %dma_start3A_743 = tpu.memref_slice %arg3[%select_n3A, %dma_start3A_742, %add3A_676] : memref<2x4x147456xi32, #tpu.memory_space<hbm>> -> memref<1x4x768xi32, #tpu.memory_space<hbm>>
          %dma_start3A_744 = tpu.memref_squeeze %dma_start3A_743 : memref<1x4x768xi32, #tpu.memory_space<hbm>> -> memref<4x768xi32, #tpu.memory_space<hbm>>
          %dma_start3A_745 = arith.constant 0 : i32
          %dma_start3A_746 = arith.constant 0 : i32
          %dma_start3A_747 = tpu.memref_slice %arg12[%select_n3A_737, %dma_start3A_745, %dma_start3A_746] : memref<3x4x768xi32, #tpu.memory_space<vmem>> -> memref<1x4x768xi32, #tpu.memory_space<vmem>>
          %dma_start3A_748 = tpu.memref_squeeze %dma_start3A_747 : memref<1x4x768xi32, #tpu.memory_space<vmem>> -> memref<4x768xi32, #tpu.memory_space<vmem>>
          %dma_start3A_749 = arith.constant 0 : i32
          %dma_start3A_750 = tpu.memref_slice %arg3[%select_n3A, %dma_start3A_749, %add3A_676] : memref<2x4x147456xi32, #tpu.memory_space<hbm>> -> memref<1x4x768xi32, #tpu.memory_space<hbm>>
          %dma_start3A_751 = tpu.memref_squeeze %dma_start3A_750 : memref<1x4x768xi32, #tpu.memory_space<hbm>> -> memref<4x768xi32, #tpu.memory_space<hbm>>
          tpu.enqueue_dma source(%dma_start3A_751 : memref<4x768xi32, #tpu.memory_space<hbm>>) target(%dma_start3A_748 : memref<4x768xi32, #tpu.memory_space<vmem>>) target_semaphore(%arg15 : memref<!tpu.dma_semaphore, #tpu.memory_space<semaphore_mem>>)
        } else {
        }
        %mul3A_461 = arith.constant 2 : i32
        %mul3A_462 = arith.muli %mul3A_461, %scan3A_251 : i32
        %add3A_463 = arith.constant 1 : i32
        %add3A_464 = arith.addi %mul3A_462, %add3A_463 : i32
        %mul3A_465 = arith.constant 8 : i32
        %mul3A_466 = arith.muli %add3A, %mul3A_465 : i32
        %dma_wait3A_467 = arith.constant 0 : i32
        %dma_wait3A_468 = arith.constant 0 : i32
        %dma_wait3A_469 = arith.constant 0 : i32
        %dma_wait3A_470 = arith.constant 0 : i32
        %dma_wait3A_471 = tpu.memref_slice %arg2[%select_n3A, %mul3A_466, %dma_wait3A_467, %dma_wait3A_468, %dma_wait3A_469, %dma_wait3A_470] : memref<2x96x48x3x8x128xf32, #tpu.memory_space<hbm>> -> memref<1x8x1x3x2x128xf32, #tpu.memory_space<hbm>>
        %dma_wait3A_472 = tpu.memref_squeeze %dma_wait3A_471 : memref<1x8x1x3x2x128xf32, #tpu.memory_space<hbm>> -> memref<8x3x2x128xf32, #tpu.memory_space<hbm>>
        %dma_wait3A_473 = arith.constant 0 : i32
        %dma_wait3A_474 = arith.constant 0 : i32
        %dma_wait3A_475 = arith.constant 0 : i32
        %dma_wait3A_476 = tpu.memref_slice %arg2[%select_n3A, %mul3A_466, %dma_wait3A_467, %dma_wait3A_473, %dma_wait3A_474, %dma_wait3A_475] : memref<2x96x48x3x8x128xf32, #tpu.memory_space<hbm>> -> memref<1x8x1x3x2x128xf32, #tpu.memory_space<hbm>>
        %dma_wait3A_477 = tpu.memref_squeeze %dma_wait3A_476 : memref<1x8x1x3x2x128xf32, #tpu.memory_space<hbm>> -> memref<8x3x2x128xf32, #tpu.memory_space<hbm>>
        tpu.wait_dma2 semaphore(%arg16 : memref<!tpu.dma_semaphore, #tpu.memory_space<semaphore_mem>>) src(%dma_wait3A_477 : memref<8x3x2x128xf32, #tpu.memory_space<hbm>>) dst(%arg9 : memref<8x3x2x128xf32, #tpu.memory_space<vmem>>)
        %dma_wait3A_478 = arith.constant 0 : i32
        %dma_wait3A_479 = tpu.memref_slice %arg4[%select_n3A, %dma_wait3A_478, %mul3A_0] : memref<2x4x147456xf32, #tpu.memory_space<hbm>> -> memref<1x4x768xf32, #tpu.memory_space<hbm>>
        %dma_wait3A_480 = tpu.memref_squeeze %dma_wait3A_479 : memref<1x4x768xf32, #tpu.memory_space<hbm>> -> memref<4x768xf32, #tpu.memory_space<hbm>>
        %dma_wait3A_481 = arith.constant 0 : i32
        %dma_wait3A_482 = tpu.memref_slice %arg4[%select_n3A, %dma_wait3A_481, %mul3A_0] : memref<2x4x147456xf32, #tpu.memory_space<hbm>> -> memref<1x4x768xf32, #tpu.memory_space<hbm>>
        %dma_wait3A_483 = tpu.memref_squeeze %dma_wait3A_482 : memref<1x4x768xf32, #tpu.memory_space<hbm>> -> memref<4x768xf32, #tpu.memory_space<hbm>>
        tpu.wait_dma2 semaphore(%arg16 : memref<!tpu.dma_semaphore, #tpu.memory_space<semaphore_mem>>) src(%dma_wait3A_483 : memref<4x768xf32, #tpu.memory_space<hbm>>) dst(%arg11 : memref<4x768xf32, #tpu.memory_space<vmem>>)
        %dma_wait3A_484 = arith.constant 0 : i32
        %dma_wait3A_485 = arith.constant 0 : i32
        %dma_wait3A_486 = arith.constant 0 : i32
        %dma_wait3A_487 = tpu.memref_slice %arg12[%dma_wait3A_484, %dma_wait3A_485, %dma_wait3A_486] : memref<3x4x768xi32, #tpu.memory_space<vmem>> -> memref<1x4x768xi32, #tpu.memory_space<vmem>>
        %dma_wait3A_488 = tpu.memref_squeeze %dma_wait3A_487 : memref<1x4x768xi32, #tpu.memory_space<vmem>> -> memref<4x768xi32, #tpu.memory_space<vmem>>
        %dma_wait3A_489 = arith.constant 0 : i32
        %dma_wait3A_490 = tpu.memref_slice %arg3[%select_n3A, %dma_wait3A_489, %mul3A_0] : memref<2x4x147456xi32, #tpu.memory_space<hbm>> -> memref<1x4x768xi32, #tpu.memory_space<hbm>>
        %dma_wait3A_491 = tpu.memref_squeeze %dma_wait3A_490 : memref<1x4x768xi32, #tpu.memory_space<hbm>> -> memref<4x768xi32, #tpu.memory_space<hbm>>
        %dma_wait3A_492 = arith.constant 0 : i32
        %dma_wait3A_493 = arith.constant 0 : i32
        %dma_wait3A_494 = tpu.memref_slice %arg12[%dma_wait3A_484, %dma_wait3A_492, %dma_wait3A_493] : memref<3x4x768xi32, #tpu.memory_space<vmem>> -> memref<1x4x768xi32, #tpu.memory_space<vmem>>
        %dma_wait3A_495 = tpu.memref_squeeze %dma_wait3A_494 : memref<1x4x768xi32, #tpu.memory_space<vmem>> -> memref<4x768xi32, #tpu.memory_space<vmem>>
        %dma_wait3A_496 = arith.constant 0 : i32
        %dma_wait3A_497 = tpu.memref_slice %arg3[%select_n3A, %dma_wait3A_496, %mul3A_0] : memref<2x4x147456xi32, #tpu.memory_space<hbm>> -> memref<1x4x768xi32, #tpu.memory_space<hbm>>
        %dma_wait3A_498 = tpu.memref_squeeze %dma_wait3A_497 : memref<1x4x768xi32, #tpu.memory_space<hbm>> -> memref<4x768xi32, #tpu.memory_space<hbm>>
        tpu.wait_dma2 semaphore(%arg16 : memref<!tpu.dma_semaphore, #tpu.memory_space<semaphore_mem>>) src(%dma_wait3A_498 : memref<4x768xi32, #tpu.memory_space<hbm>>) dst(%dma_wait3A_495 : memref<4x768xi32, #tpu.memory_space<vmem>>)
        %ge3A_499 = arith.constant 1 : i32
        %ge3A_500 = arith.cmpi sge, %add3A_464, %ge3A_499 : i32
        %convert_element_type3A_501 = arith.extui %ge3A_500 : i1 to i32
        %cond3A_502 = arith.constant 0 : i32
        %cond3A_503 = arith.cmpi ne, %convert_element_type3A_501, %cond3A_502 : i32
        scf.if %cond3A_503 {
          %dma_wait3A_672 = arith.constant 0 : i32
          %dma_wait3A_673 = arith.constant 0 : i32
          %dma_wait3A_674 = arith.constant 0 : i32
          %dma_wait3A_675 = tpu.memref_slice %arg12[%dma_wait3A_672, %dma_wait3A_673, %dma_wait3A_674] : memref<3x4x768xi32, #tpu.memory_space<vmem>> -> memref<1x1x768xi32, #tpu.memory_space<vmem>>
          %dma_wait3A_676 = tpu.memref_squeeze %dma_wait3A_675 : memref<1x1x768xi32, #tpu.memory_space<vmem>> -> memref<768xi32, #tpu.memory_space<vmem>>
          %dma_wait3A_677 = arith.constant 0 : i32
          %dma_wait3A_678 = arith.constant 0 : i32
          %dma_wait3A_679 = tpu.memref_slice %arg7[%dma_wait3A_677, %dma_wait3A_678] : memref<147456x8xf32, #tpu.memory_space<vmem_shared>> -> memref<147456x8xf32, #tpu.memory_space<vmem_shared>>
          tpu.wait_indirect_dma semaphore(%arg17 : memref<!tpu.dma_semaphore, #tpu.memory_space<semaphore_mem>>) src(%arg13 : memref<768x8xf32, #tpu.memory_space<vmem>>) dst(%dma_wait3A_679 : memref<147456x8xf32, #tpu.memory_space<vmem_shared>>)
        } else {
        }
        %scan3A_504 = arith.constant 0 : i32
        %scan3A_505 = arith.constant 0 : i32
        %scan3A_506 = arith.constant 24 : i32
        %scan3A_507 = arith.addi %scan3A_505, %scan3A_506 : i32
        %scan3A_508 = arith.constant 1 : i32
        scf.for %scan3A_672 = %scan3A_505 to %scan3A_507 step %scan3A_508  : i32 {
          %mul3A_673 = arith.constant 16 : i32
          %mul3A_674 = arith.muli %scan3A_672, %mul3A_673 : i32
          %jit3A_675 = arith.constant 8 : i32
          %div3A_676 = arith.divsi %scan3A_672, %jit3A_675 : i32
          %sign3A_677 = arith.constant 0 : i32
          %sign3A_678 = arith.cmpi sgt, %scan3A_672, %sign3A_677 : i32
          %sign3A_679 = arith.extui %sign3A_678 : i1 to i32
          %sign3A_680 = arith.constant 0 : i32
          %sign3A_681 = arith.cmpi slt, %scan3A_672, %sign3A_680 : i32
          %sign3A_682 = arith.extui %sign3A_681 : i1 to i32
          %sign3A_683 = arith.subi %sign3A_679, %sign3A_682 : i32
          %sign3A_684 = arith.constant 0 : i32
          %sign3A_685 = arith.cmpi sgt, %jit3A_675, %sign3A_684 : i32
          %sign3A_686 = arith.extui %sign3A_685 : i1 to i32
          %sign3A_687 = arith.constant 0 : i32
          %sign3A_688 = arith.cmpi slt, %jit3A_675, %sign3A_687 : i32
          %sign3A_689 = arith.extui %sign3A_688 : i1 to i32
          %sign3A_690 = arith.subi %sign3A_686, %sign3A_689 : i32
          %ne3A_691 = arith.cmpi ne, %sign3A_683, %sign3A_690 : i32
          %rem3A_692 = arith.remsi %scan3A_672, %jit3A_675 : i32
          %ne3A_693 = arith.constant 0 : i32
          %ne3A_694 = arith.cmpi ne, %rem3A_692, %ne3A_693 : i32
          %and3A_695 = arith.andi %ne3A_691, %ne3A_694 : i1
          %sub3A_696 = arith.constant 1 : i32
          %sub3A_697 = arith.subi %div3A_676, %sub3A_696 : i32
          %select_n3A_698 = arith.select %and3A_695, %sub3A_697, %div3A_676 : i32
          %rem3A_699 = arith.constant 128 : i32
          %rem3A_700 = arith.remsi %mul3A_674, %rem3A_699 : i32
          %add3A_701 = arith.constant 0 : i32
          %add3A_702 = arith.addi %add3A_701, %mul3A_674 : i32
          %add3A_703 = vector.broadcast %add3A_702 : i32 to vector<16xi32>
          %add3A_704 = arith.addi %iota3A, %add3A_703 : vector<16xi32>
          %get3A = arith.constant 0 : i32
          %get3A_705 = arith.index_cast %get3A : i32 to index
          %get3A_706 = arith.index_cast %add3A_702 : i32 to index
          %get3A_707 = tpu.vector_load %arg11[%get3A_705, %get3A_706] {strides = array<i32>} : memref<4x768xf32, #tpu.memory_space<vmem>>, vector<16xf32>,
          %get3A_708 = arith.constant 0 : i32
          %get3A_709 = arith.constant 0 : i32
          %get3A_710 = arith.index_cast %get3A_708 : i32 to index
          %get3A_711 = arith.index_cast %select_n3A_698 : i32 to index
          %get3A_712 = arith.index_cast %get3A_709 : i32 to index
          %get3A_713 = arith.index_cast %rem3A_700 : i32 to index
          %get3A_714 = tpu.vector_load %arg9[%get3A_710, %get3A_711, %get3A_712, %get3A_713] {strides = array<i32>} : memref<8x3x2x128xf32, #tpu.memory_space<vmem>>, vector<16xf32>,
          %mul3A_715 = arith.mulf %get3A_714, %get3A_707 : vector<16xf32>
          tpu.vector_store_idx %arg13[%add3A_704, %broadcast_in_dim3A_3], %mul3A_715 : memref<768x8xf32, #tpu.memory_space<vmem>>[vector<16xi32>, vector<16xi32>], vector<16xf32>,
          %get3A_716 = arith.constant 1 : i32
          %get3A_717 = arith.constant 0 : i32
          %get3A_718 = arith.index_cast %get3A_716 : i32 to index
          %get3A_719 = arith.index_cast %select_n3A_698 : i32 to index
          %get3A_720 = arith.index_cast %get3A_717 : i32 to index
          %get3A_721 = arith.index_cast %rem3A_700 : i32 to index
          %get3A_722 = tpu.vector_load %arg9[%get3A_718, %get3A_719, %get3A_720, %get3A_721] {strides = array<i32>} : memref<8x3x2x128xf32, #tpu.memory_space<vmem>>, vector<16xf32>,
          %mul3A_723 = arith.mulf %get3A_722, %get3A_707 : vector<16xf32>
          tpu.vector_store_idx %arg13[%add3A_704, %broadcast_in_dim3A_5], %mul3A_723 : memref<768x8xf32, #tpu.memory_space<vmem>>[vector<16xi32>, vector<16xi32>], vector<16xf32>,
          %get3A_724 = arith.constant 2 : i32
          %get3A_725 = arith.constant 0 : i32
          %get3A_726 = arith.index_cast %get3A_724 : i32 to index
          %get3A_727 = arith.index_cast %select_n3A_698 : i32 to index
          %get3A_728 = arith.index_cast %get3A_725 : i32 to index
          %get3A_729 = arith.index_cast %rem3A_700 : i32 to index
          %get3A_730 = tpu.vector_load %arg9[%get3A_726, %get3A_727, %get3A_728, %get3A_729] {strides = array<i32>} : memref<8x3x2x128xf32, #tpu.memory_space<vmem>>, vector<16xf32>,
          %mul3A_731 = arith.mulf %get3A_730, %get3A_707 : vector<16xf32>
          tpu.vector_store_idx %arg13[%add3A_704, %broadcast_in_dim3A_7], %mul3A_731 : memref<768x8xf32, #tpu.memory_space<vmem>>[vector<16xi32>, vector<16xi32>], vector<16xf32>,
          %get3A_732 = arith.constant 3 : i32
          %get3A_733 = arith.constant 0 : i32
          %get3A_734 = arith.index_cast %get3A_732 : i32 to index
          %get3A_735 = arith.index_cast %select_n3A_698 : i32 to index
          %get3A_736 = arith.index_cast %get3A_733 : i32 to index
          %get3A_737 = arith.index_cast %rem3A_700 : i32 to index
          %get3A_738 = tpu.vector_load %arg9[%get3A_734, %get3A_735, %get3A_736, %get3A_737] {strides = array<i32>} : memref<8x3x2x128xf32, #tpu.memory_space<vmem>>, vector<16xf32>,
          %mul3A_739 = arith.mulf %get3A_738, %get3A_707 : vector<16xf32>
          tpu.vector_store_idx %arg13[%add3A_704, %broadcast_in_dim3A_9], %mul3A_739 : memref<768x8xf32, #tpu.memory_space<vmem>>[vector<16xi32>, vector<16xi32>], vector<16xf32>,
          %get3A_740 = arith.constant 4 : i32
          %get3A_741 = arith.constant 0 : i32
          %get3A_742 = arith.index_cast %get3A_740 : i32 to index
          %get3A_743 = arith.index_cast %select_n3A_698 : i32 to index
          %get3A_744 = arith.index_cast %get3A_741 : i32 to index
          %get3A_745 = arith.index_cast %rem3A_700 : i32 to index
          %get3A_746 = tpu.vector_load %arg9[%get3A_742, %get3A_743, %get3A_744, %get3A_745] {strides = array<i32>} : memref<8x3x2x128xf32, #tpu.memory_space<vmem>>, vector<16xf32>,
          %mul3A_747 = arith.mulf %get3A_746, %get3A_707 : vector<16xf32>
          tpu.vector_store_idx %arg13[%add3A_704, %broadcast_in_dim3A_11], %mul3A_747 : memref<768x8xf32, #tpu.memory_space<vmem>>[vector<16xi32>, vector<16xi32>], vector<16xf32>,
          %get3A_748 = arith.constant 5 : i32
          %get3A_749 = arith.constant 0 : i32
          %get3A_750 = arith.index_cast %get3A_748 : i32 to index
          %get3A_751 = arith.index_cast %select_n3A_698 : i32 to index
          %get3A_752 = arith.index_cast %get3A_749 : i32 to index
          %get3A_753 = arith.index_cast %rem3A_700 : i32 to index
          %get3A_754 = tpu.vector_load %arg9[%get3A_750, %get3A_751, %get3A_752, %get3A_753] {strides = array<i32>} : memref<8x3x2x128xf32, #tpu.memory_space<vmem>>, vector<16xf32>,
          %mul3A_755 = arith.mulf %get3A_754, %get3A_707 : vector<16xf32>
          tpu.vector_store_idx %arg13[%add3A_704, %broadcast_in_dim3A_13], %mul3A_755 : memref<768x8xf32, #tpu.memory_space<vmem>>[vector<16xi32>, vector<16xi32>], vector<16xf32>,
          %get3A_756 = arith.constant 6 : i32
          %get3A_757 = arith.constant 0 : i32
          %get3A_758 = arith.index_cast %get3A_756 : i32 to index
          %get3A_759 = arith.index_cast %select_n3A_698 : i32 to index
          %get3A_760 = arith.index_cast %get3A_757 : i32 to index
          %get3A_761 = arith.index_cast %rem3A_700 : i32 to index
          %get3A_762 = tpu.vector_load %arg9[%get3A_758, %get3A_759, %get3A_760, %get3A_761] {strides = array<i32>} : memref<8x3x2x128xf32, #tpu.memory_space<vmem>>, vector<16xf32>,
          %mul3A_763 = arith.mulf %get3A_762, %get3A_707 : vector<16xf32>
          tpu.vector_store_idx %arg13[%add3A_704, %broadcast_in_dim3A_15], %mul3A_763 : memref<768x8xf32, #tpu.memory_space<vmem>>[vector<16xi32>, vector<16xi32>], vector<16xf32>,
          %get3A_764 = arith.constant 7 : i32
          %get3A_765 = arith.constant 0 : i32
          %get3A_766 = arith.index_cast %get3A_764 : i32 to index
          %get3A_767 = arith.index_cast %select_n3A_698 : i32 to index
          %get3A_768 = arith.index_cast %get3A_765 : i32 to index
          %get3A_769 = arith.index_cast %rem3A_700 : i32 to index
          %get3A_770 = tpu.vector_load %arg9[%get3A_766, %get3A_767, %get3A_768, %get3A_769] {strides = array<i32>} : memref<8x3x2x128xf32, #tpu.memory_space<vmem>>, vector<16xf32>,
          %mul3A_771 = arith.mulf %get3A_770, %get3A_707 : vector<16xf32>
          tpu.vector_store_idx %arg13[%add3A_704, %broadcast_in_dim3A_17], %mul3A_771 : memref<768x8xf32, #tpu.memory_space<vmem>>[vector<16xi32>, vector<16xi32>], vector<16xf32>,
        }
        %scan3A_509 = arith.constant 24 : i32
        %scan3A_510 = arith.constant 0 : i32
        %scan3A_511 = arith.constant 0 : i32
        %scan3A_512 = arith.constant 24 : i32
        %scan3A_513 = arith.addi %scan3A_511, %scan3A_512 : i32
        %scan3A_514 = arith.constant 1 : i32
        scf.for %scan3A_672 = %scan3A_511 to %scan3A_513 step %scan3A_514  : i32 {
          %mul3A_673 = arith.constant 16 : i32
          %mul3A_674 = arith.muli %scan3A_672, %mul3A_673 : i32
          %jit3A_675 = arith.constant 8 : i32
          %div3A_676 = arith.divsi %scan3A_672, %jit3A_675 : i32
          %sign3A_677 = arith.constant 0 : i32
          %sign3A_678 = arith.cmpi sgt, %scan3A_672, %sign3A_677 : i32
          %sign3A_679 = arith.extui %sign3A_678 : i1 to i32
          %sign3A_680 = arith.constant 0 : i32
          %sign3A_681 = arith.cmpi slt, %scan3A_672, %sign3A_680 : i32
          %sign3A_682 = arith.extui %sign3A_681 : i1 to i32
          %sign3A_683 = arith.subi %sign3A_679, %sign3A_682 : i32
          %sign3A_684 = arith.constant 0 : i32
          %sign3A_685 = arith.cmpi sgt, %jit3A_675, %sign3A_684 : i32
          %sign3A_686 = arith.extui %sign3A_685 : i1 to i32
          %sign3A_687 = arith.constant 0 : i32
          %sign3A_688 = arith.cmpi slt, %jit3A_675, %sign3A_687 : i32
          %sign3A_689 = arith.extui %sign3A_688 : i1 to i32
          %sign3A_690 = arith.subi %sign3A_686, %sign3A_689 : i32
          %ne3A_691 = arith.cmpi ne, %sign3A_683, %sign3A_690 : i32
          %rem3A_692 = arith.remsi %scan3A_672, %jit3A_675 : i32
          %ne3A_693 = arith.constant 0 : i32
          %ne3A_694 = arith.cmpi ne, %rem3A_692, %ne3A_693 : i32
          %and3A_695 = arith.andi %ne3A_691, %ne3A_694 : i1
          %sub3A_696 = arith.constant 1 : i32
          %sub3A_697 = arith.subi %div3A_676, %sub3A_696 : i32
          %select_n3A_698 = arith.select %and3A_695, %sub3A_697, %div3A_676 : i32
          %rem3A_699 = arith.constant 128 : i32
          %rem3A_700 = arith.remsi %mul3A_674, %rem3A_699 : i32
          %add3A_701 = arith.constant 384 : i32
          %add3A_702 = arith.addi %add3A_701, %mul3A_674 : i32
          %add3A_703 = vector.broadcast %add3A_702 : i32 to vector<16xi32>
          %add3A_704 = arith.addi %iota3A, %add3A_703 : vector<16xi32>
          %get3A = arith.constant 0 : i32
          %get3A_705 = arith.index_cast %get3A : i32 to index
          %get3A_706 = arith.index_cast %add3A_702 : i32 to index
          %get3A_707 = tpu.vector_load %arg11[%get3A_705, %get3A_706] {strides = array<i32>} : memref<4x768xf32, #tpu.memory_space<vmem>>, vector<16xf32>,
          %get3A_708 = arith.constant 0 : i32
          %get3A_709 = arith.constant 1 : i32
          %get3A_710 = arith.index_cast %get3A_708 : i32 to index
          %get3A_711 = arith.index_cast %select_n3A_698 : i32 to index
          %get3A_712 = arith.index_cast %get3A_709 : i32 to index
          %get3A_713 = arith.index_cast %rem3A_700 : i32 to index
          %get3A_714 = tpu.vector_load %arg9[%get3A_710, %get3A_711, %get3A_712, %get3A_713] {strides = array<i32>} : memref<8x3x2x128xf32, #tpu.memory_space<vmem>>, vector<16xf32>,
          %mul3A_715 = arith.mulf %get3A_714, %get3A_707 : vector<16xf32>
          tpu.vector_store_idx %arg13[%add3A_704, %broadcast_in_dim3A_3], %mul3A_715 : memref<768x8xf32, #tpu.memory_space<vmem>>[vector<16xi32>, vector<16xi32>], vector<16xf32>,
          %get3A_716 = arith.constant 1 : i32
          %get3A_717 = arith.constant 1 : i32
          %get3A_718 = arith.index_cast %get3A_716 : i32 to index
          %get3A_719 = arith.index_cast %select_n3A_698 : i32 to index
          %get3A_720 = arith.index_cast %get3A_717 : i32 to index
          %get3A_721 = arith.index_cast %rem3A_700 : i32 to index
          %get3A_722 = tpu.vector_load %arg9[%get3A_718, %get3A_719, %get3A_720, %get3A_721] {strides = array<i32>} : memref<8x3x2x128xf32, #tpu.memory_space<vmem>>, vector<16xf32>,
          %mul3A_723 = arith.mulf %get3A_722, %get3A_707 : vector<16xf32>
          tpu.vector_store_idx %arg13[%add3A_704, %broadcast_in_dim3A_5], %mul3A_723 : memref<768x8xf32, #tpu.memory_space<vmem>>[vector<16xi32>, vector<16xi32>], vector<16xf32>,
          %get3A_724 = arith.constant 2 : i32
          %get3A_725 = arith.constant 1 : i32
          %get3A_726 = arith.index_cast %get3A_724 : i32 to index
          %get3A_727 = arith.index_cast %select_n3A_698 : i32 to index
          %get3A_728 = arith.index_cast %get3A_725 : i32 to index
          %get3A_729 = arith.index_cast %rem3A_700 : i32 to index
          %get3A_730 = tpu.vector_load %arg9[%get3A_726, %get3A_727, %get3A_728, %get3A_729] {strides = array<i32>} : memref<8x3x2x128xf32, #tpu.memory_space<vmem>>, vector<16xf32>,
          %mul3A_731 = arith.mulf %get3A_730, %get3A_707 : vector<16xf32>
          tpu.vector_store_idx %arg13[%add3A_704, %broadcast_in_dim3A_7], %mul3A_731 : memref<768x8xf32, #tpu.memory_space<vmem>>[vector<16xi32>, vector<16xi32>], vector<16xf32>,
          %get3A_732 = arith.constant 3 : i32
          %get3A_733 = arith.constant 1 : i32
          %get3A_734 = arith.index_cast %get3A_732 : i32 to index
          %get3A_735 = arith.index_cast %select_n3A_698 : i32 to index
          %get3A_736 = arith.index_cast %get3A_733 : i32 to index
          %get3A_737 = arith.index_cast %rem3A_700 : i32 to index
          %get3A_738 = tpu.vector_load %arg9[%get3A_734, %get3A_735, %get3A_736, %get3A_737] {strides = array<i32>} : memref<8x3x2x128xf32, #tpu.memory_space<vmem>>, vector<16xf32>,
          %mul3A_739 = arith.mulf %get3A_738, %get3A_707 : vector<16xf32>
          tpu.vector_store_idx %arg13[%add3A_704, %broadcast_in_dim3A_9], %mul3A_739 : memref<768x8xf32, #tpu.memory_space<vmem>>[vector<16xi32>, vector<16xi32>], vector<16xf32>,
          %get3A_740 = arith.constant 4 : i32
          %get3A_741 = arith.constant 1 : i32
          %get3A_742 = arith.index_cast %get3A_740 : i32 to index
          %get3A_743 = arith.index_cast %select_n3A_698 : i32 to index
          %get3A_744 = arith.index_cast %get3A_741 : i32 to index
          %get3A_745 = arith.index_cast %rem3A_700 : i32 to index
          %get3A_746 = tpu.vector_load %arg9[%get3A_742, %get3A_743, %get3A_744, %get3A_745] {strides = array<i32>} : memref<8x3x2x128xf32, #tpu.memory_space<vmem>>, vector<16xf32>,
          %mul3A_747 = arith.mulf %get3A_746, %get3A_707 : vector<16xf32>
          tpu.vector_store_idx %arg13[%add3A_704, %broadcast_in_dim3A_11], %mul3A_747 : memref<768x8xf32, #tpu.memory_space<vmem>>[vector<16xi32>, vector<16xi32>], vector<16xf32>,
          %get3A_748 = arith.constant 5 : i32
          %get3A_749 = arith.constant 1 : i32
          %get3A_750 = arith.index_cast %get3A_748 : i32 to index
          %get3A_751 = arith.index_cast %select_n3A_698 : i32 to index
          %get3A_752 = arith.index_cast %get3A_749 : i32 to index
          %get3A_753 = arith.index_cast %rem3A_700 : i32 to index
          %get3A_754 = tpu.vector_load %arg9[%get3A_750, %get3A_751, %get3A_752, %get3A_753] {strides = array<i32>} : memref<8x3x2x128xf32, #tpu.memory_space<vmem>>, vector<16xf32>,
          %mul3A_755 = arith.mulf %get3A_754, %get3A_707 : vector<16xf32>
          tpu.vector_store_idx %arg13[%add3A_704, %broadcast_in_dim3A_13], %mul3A_755 : memref<768x8xf32, #tpu.memory_space<vmem>>[vector<16xi32>, vector<16xi32>], vector<16xf32>,
          %get3A_756 = arith.constant 6 : i32
          %get3A_757 = arith.constant 1 : i32
          %get3A_758 = arith.index_cast %get3A_756 : i32 to index
          %get3A_759 = arith.index_cast %select_n3A_698 : i32 to index
          %get3A_760 = arith.index_cast %get3A_757 : i32 to index
          %get3A_761 = arith.index_cast %rem3A_700 : i32 to index
          %get3A_762 = tpu.vector_load %arg9[%get3A_758, %get3A_759, %get3A_760, %get3A_761] {strides = array<i32>} : memref<8x3x2x128xf32, #tpu.memory_space<vmem>>, vector<16xf32>,
          %mul3A_763 = arith.mulf %get3A_762, %get3A_707 : vector<16xf32>
          tpu.vector_store_idx %arg13[%add3A_704, %broadcast_in_dim3A_15], %mul3A_763 : memref<768x8xf32, #tpu.memory_space<vmem>>[vector<16xi32>, vector<16xi32>], vector<16xf32>,
          %get3A_764 = arith.constant 7 : i32
          %get3A_765 = arith.constant 1 : i32
          %get3A_766 = arith.index_cast %get3A_764 : i32 to index
          %get3A_767 = arith.index_cast %select_n3A_698 : i32 to index
          %get3A_768 = arith.index_cast %get3A_765 : i32 to index
          %get3A_769 = arith.index_cast %rem3A_700 : i32 to index
          %get3A_770 = tpu.vector_load %arg9[%get3A_766, %get3A_767, %get3A_768, %get3A_769] {strides = array<i32>} : memref<8x3x2x128xf32, #tpu.memory_space<vmem>>, vector<16xf32>,
          %mul3A_771 = arith.mulf %get3A_770, %get3A_707 : vector<16xf32>
          tpu.vector_store_idx %arg13[%add3A_704, %broadcast_in_dim3A_17], %mul3A_771 : memref<768x8xf32, #tpu.memory_space<vmem>>[vector<16xi32>, vector<16xi32>], vector<16xf32>,
        }
        %scan3A_515 = arith.constant 24 : i32
        %jit3A_516 = arith.constant 3 : i32
        %eq3A_517 = arith.constant 0 : i32
        %eq3A_518 = arith.cmpi eq, %jit3A_516, %eq3A_517 : i32
        %jit3A_519 = arith.constant 1 : i32
        %select_n3A_520 = arith.select %eq3A_518, %jit3A_519, %jit3A_516 : i32
        %rem3A_521 = arith.remsi %add3A_464, %select_n3A_520 : i32
        %ne3A_522 = arith.constant 0 : i32
        %ne3A_523 = arith.cmpi ne, %rem3A_521, %ne3A_522 : i32
        %lt3A_524 = arith.constant 0 : i32
        %lt3A_525 = arith.cmpi slt, %rem3A_521, %lt3A_524 : i32
        %lt3A_526 = arith.constant 0 : i32
        %lt3A_527 = arith.cmpi slt, %select_n3A_520, %lt3A_526 : i32
        %ne3A_528 = arith.xori %lt3A_525, %lt3A_527 : i1
        %and3A_529 = arith.andi %ne3A_528, %ne3A_523 : i1
        %add3A_530 = arith.addi %rem3A_521, %select_n3A_520 : i32
        %select_n3A_531 = arith.select %and3A_529, %add3A_530, %rem3A_521 : i32
        %dma_start3A_532 = arith.constant 0 : i32
        %dma_start3A_533 = arith.constant 0 : i32
        %dma_start3A_534 = tpu.memref_slice %arg12[%select_n3A_531, %dma_start3A_532, %dma_start3A_533] : memref<3x4x768xi32, #tpu.memory_space<vmem>> -> memref<1x1x768xi32, #tpu.memory_space<vmem>>
        %dma_start3A_535 = tpu.memref_squeeze %dma_start3A_534 : memref<1x1x768xi32, #tpu.memory_space<vmem>> -> memref<768xi32, #tpu.memory_space<vmem>>
        %dma_start3A_536 = arith.constant 0 : i32
        %dma_start3A_537 = arith.constant 0 : i32
        %dma_start3A_538 = tpu.memref_slice %arg7[%dma_start3A_536, %dma_start3A_537] : memref<147456x8xf32, #tpu.memory_space<vmem_shared>> -> memref<147456x8xf32, #tpu.memory_space<vmem_shared>>
        tpu.enqueue_indirect_dma source(%arg13 : memref<768x8xf32, #tpu.memory_space<vmem>>) target(%dma_start3A_538 : memref<147456x8xf32, #tpu.memory_space<vmem_shared>>) offsets(%dma_start3A_535 : memref<768xi32, #tpu.memory_space<vmem>>) semaphore(%arg17 : memref<!tpu.dma_semaphore, #tpu.memory_space<semaphore_mem>>) {add = true}
        %ge3A_539 = arith.constant 1 : i32
        %ge3A_540 = arith.cmpi sge, %add3A_464, %ge3A_539 : i32
        %convert_element_type3A_541 = arith.extui %ge3A_540 : i1 to i32
        %cond3A_542 = arith.constant 0 : i32
        %cond3A_543 = arith.cmpi ne, %convert_element_type3A_541, %cond3A_542 : i32
        scf.if %cond3A_543 {
          %dma_wait3A_672 = arith.constant 0 : i32
          %dma_wait3A_673 = arith.constant 1 : i32
          %dma_wait3A_674 = arith.constant 0 : i32
          %dma_wait3A_675 = tpu.memref_slice %arg12[%dma_wait3A_672, %dma_wait3A_673, %dma_wait3A_674] : memref<3x4x768xi32, #tpu.memory_space<vmem>> -> memref<1x1x768xi32, #tpu.memory_space<vmem>>
          %dma_wait3A_676 = tpu.memref_squeeze %dma_wait3A_675 : memref<1x1x768xi32, #tpu.memory_space<vmem>> -> memref<768xi32, #tpu.memory_space<vmem>>
          %dma_wait3A_677 = arith.constant 0 : i32
          %dma_wait3A_678 = arith.constant 0 : i32
          %dma_wait3A_679 = tpu.memref_slice %arg7[%dma_wait3A_677, %dma_wait3A_678] : memref<147456x8xf32, #tpu.memory_space<vmem_shared>> -> memref<147456x8xf32, #tpu.memory_space<vmem_shared>>
          tpu.wait_indirect_dma semaphore(%arg18 : memref<!tpu.dma_semaphore, #tpu.memory_space<semaphore_mem>>) src(%arg14 : memref<768x8xf32, #tpu.memory_space<vmem>>) dst(%dma_wait3A_679 : memref<147456x8xf32, #tpu.memory_space<vmem_shared>>)
        } else {
        }
        %scan3A_544 = arith.constant 0 : i32
        %scan3A_545 = arith.constant 0 : i32
        %scan3A_546 = arith.constant 24 : i32
        %scan3A_547 = arith.addi %scan3A_545, %scan3A_546 : i32
        %scan3A_548 = arith.constant 1 : i32
        scf.for %scan3A_672 = %scan3A_545 to %scan3A_547 step %scan3A_548  : i32 {
          %mul3A_673 = arith.constant 16 : i32
          %mul3A_674 = arith.muli %scan3A_672, %mul3A_673 : i32
          %jit3A_675 = arith.constant 8 : i32
          %div3A_676 = arith.divsi %scan3A_672, %jit3A_675 : i32
          %sign3A_677 = arith.constant 0 : i32
          %sign3A_678 = arith.cmpi sgt, %scan3A_672, %sign3A_677 : i32
          %sign3A_679 = arith.extui %sign3A_678 : i1 to i32
          %sign3A_680 = arith.constant 0 : i32
          %sign3A_681 = arith.cmpi slt, %scan3A_672, %sign3A_680 : i32
          %sign3A_682 = arith.extui %sign3A_681 : i1 to i32
          %sign3A_683 = arith.subi %sign3A_679, %sign3A_682 : i32
          %sign3A_684 = arith.constant 0 : i32
          %sign3A_685 = arith.cmpi sgt, %jit3A_675, %sign3A_684 : i32
          %sign3A_686 = arith.extui %sign3A_685 : i1 to i32
          %sign3A_687 = arith.constant 0 : i32
          %sign3A_688 = arith.cmpi slt, %jit3A_675, %sign3A_687 : i32
          %sign3A_689 = arith.extui %sign3A_688 : i1 to i32
          %sign3A_690 = arith.subi %sign3A_686, %sign3A_689 : i32
          %ne3A_691 = arith.cmpi ne, %sign3A_683, %sign3A_690 : i32
          %rem3A_692 = arith.remsi %scan3A_672, %jit3A_675 : i32
          %ne3A_693 = arith.constant 0 : i32
          %ne3A_694 = arith.cmpi ne, %rem3A_692, %ne3A_693 : i32
          %and3A_695 = arith.andi %ne3A_691, %ne3A_694 : i1
          %sub3A_696 = arith.constant 1 : i32
          %sub3A_697 = arith.subi %div3A_676, %sub3A_696 : i32
          %select_n3A_698 = arith.select %and3A_695, %sub3A_697, %div3A_676 : i32
          %rem3A_699 = arith.constant 128 : i32
          %rem3A_700 = arith.remsi %mul3A_674, %rem3A_699 : i32
          %add3A_701 = arith.constant 0 : i32
          %add3A_702 = arith.addi %add3A_701, %mul3A_674 : i32
          %add3A_703 = vector.broadcast %add3A_702 : i32 to vector<16xi32>
          %add3A_704 = arith.addi %iota3A, %add3A_703 : vector<16xi32>
          %get3A = arith.constant 1 : i32
          %get3A_705 = arith.index_cast %get3A : i32 to index
          %get3A_706 = arith.index_cast %add3A_702 : i32 to index
          %get3A_707 = tpu.vector_load %arg11[%get3A_705, %get3A_706] {strides = array<i32>} : memref<4x768xf32, #tpu.memory_space<vmem>>, vector<16xf32>,
          %get3A_708 = arith.constant 0 : i32
          %get3A_709 = arith.constant 0 : i32
          %get3A_710 = arith.index_cast %get3A_708 : i32 to index
          %get3A_711 = arith.index_cast %select_n3A_698 : i32 to index
          %get3A_712 = arith.index_cast %get3A_709 : i32 to index
          %get3A_713 = arith.index_cast %rem3A_700 : i32 to index
          %get3A_714 = tpu.vector_load %arg9[%get3A_710, %get3A_711, %get3A_712, %get3A_713] {strides = array<i32>} : memref<8x3x2x128xf32, #tpu.memory_space<vmem>>, vector<16xf32>,
          %mul3A_715 = arith.mulf %get3A_714, %get3A_707 : vector<16xf32>
          tpu.vector_store_idx %arg14[%add3A_704, %broadcast_in_dim3A_3], %mul3A_715 : memref<768x8xf32, #tpu.memory_space<vmem>>[vector<16xi32>, vector<16xi32>], vector<16xf32>,
          %get3A_716 = arith.constant 1 : i32
          %get3A_717 = arith.constant 0 : i32
          %get3A_718 = arith.index_cast %get3A_716 : i32 to index
          %get3A_719 = arith.index_cast %select_n3A_698 : i32 to index
          %get3A_720 = arith.index_cast %get3A_717 : i32 to index
          %get3A_721 = arith.index_cast %rem3A_700 : i32 to index
          %get3A_722 = tpu.vector_load %arg9[%get3A_718, %get3A_719, %get3A_720, %get3A_721] {strides = array<i32>} : memref<8x3x2x128xf32, #tpu.memory_space<vmem>>, vector<16xf32>,
          %mul3A_723 = arith.mulf %get3A_722, %get3A_707 : vector<16xf32>
          tpu.vector_store_idx %arg14[%add3A_704, %broadcast_in_dim3A_5], %mul3A_723 : memref<768x8xf32, #tpu.memory_space<vmem>>[vector<16xi32>, vector<16xi32>], vector<16xf32>,
          %get3A_724 = arith.constant 2 : i32
          %get3A_725 = arith.constant 0 : i32
          %get3A_726 = arith.index_cast %get3A_724 : i32 to index
          %get3A_727 = arith.index_cast %select_n3A_698 : i32 to index
          %get3A_728 = arith.index_cast %get3A_725 : i32 to index
          %get3A_729 = arith.index_cast %rem3A_700 : i32 to index
          %get3A_730 = tpu.vector_load %arg9[%get3A_726, %get3A_727, %get3A_728, %get3A_729] {strides = array<i32>} : memref<8x3x2x128xf32, #tpu.memory_space<vmem>>, vector<16xf32>,
          %mul3A_731 = arith.mulf %get3A_730, %get3A_707 : vector<16xf32>
          tpu.vector_store_idx %arg14[%add3A_704, %broadcast_in_dim3A_7], %mul3A_731 : memref<768x8xf32, #tpu.memory_space<vmem>>[vector<16xi32>, vector<16xi32>], vector<16xf32>,
          %get3A_732 = arith.constant 3 : i32
          %get3A_733 = arith.constant 0 : i32
          %get3A_734 = arith.index_cast %get3A_732 : i32 to index
          %get3A_735 = arith.index_cast %select_n3A_698 : i32 to index
          %get3A_736 = arith.index_cast %get3A_733 : i32 to index
          %get3A_737 = arith.index_cast %rem3A_700 : i32 to index
          %get3A_738 = tpu.vector_load %arg9[%get3A_734, %get3A_735, %get3A_736, %get3A_737] {strides = array<i32>} : memref<8x3x2x128xf32, #tpu.memory_space<vmem>>, vector<16xf32>,
          %mul3A_739 = arith.mulf %get3A_738, %get3A_707 : vector<16xf32>
          tpu.vector_store_idx %arg14[%add3A_704, %broadcast_in_dim3A_9], %mul3A_739 : memref<768x8xf32, #tpu.memory_space<vmem>>[vector<16xi32>, vector<16xi32>], vector<16xf32>,
          %get3A_740 = arith.constant 4 : i32
          %get3A_741 = arith.constant 0 : i32
          %get3A_742 = arith.index_cast %get3A_740 : i32 to index
          %get3A_743 = arith.index_cast %select_n3A_698 : i32 to index
          %get3A_744 = arith.index_cast %get3A_741 : i32 to index
          %get3A_745 = arith.index_cast %rem3A_700 : i32 to index
          %get3A_746 = tpu.vector_load %arg9[%get3A_742, %get3A_743, %get3A_744, %get3A_745] {strides = array<i32>} : memref<8x3x2x128xf32, #tpu.memory_space<vmem>>, vector<16xf32>,
          %mul3A_747 = arith.mulf %get3A_746, %get3A_707 : vector<16xf32>
          tpu.vector_store_idx %arg14[%add3A_704, %broadcast_in_dim3A_11], %mul3A_747 : memref<768x8xf32, #tpu.memory_space<vmem>>[vector<16xi32>, vector<16xi32>], vector<16xf32>,
          %get3A_748 = arith.constant 5 : i32
          %get3A_749 = arith.constant 0 : i32
          %get3A_750 = arith.index_cast %get3A_748 : i32 to index
          %get3A_751 = arith.index_cast %select_n3A_698 : i32 to index
          %get3A_752 = arith.index_cast %get3A_749 : i32 to index
          %get3A_753 = arith.index_cast %rem3A_700 : i32 to index
          %get3A_754 = tpu.vector_load %arg9[%get3A_750, %get3A_751, %get3A_752, %get3A_753] {strides = array<i32>} : memref<8x3x2x128xf32, #tpu.memory_space<vmem>>, vector<16xf32>,
          %mul3A_755 = arith.mulf %get3A_754, %get3A_707 : vector<16xf32>
          tpu.vector_store_idx %arg14[%add3A_704, %broadcast_in_dim3A_13], %mul3A_755 : memref<768x8xf32, #tpu.memory_space<vmem>>[vector<16xi32>, vector<16xi32>], vector<16xf32>,
          %get3A_756 = arith.constant 6 : i32
          %get3A_757 = arith.constant 0 : i32
          %get3A_758 = arith.index_cast %get3A_756 : i32 to index
          %get3A_759 = arith.index_cast %select_n3A_698 : i32 to index
          %get3A_760 = arith.index_cast %get3A_757 : i32 to index
          %get3A_761 = arith.index_cast %rem3A_700 : i32 to index
          %get3A_762 = tpu.vector_load %arg9[%get3A_758, %get3A_759, %get3A_760, %get3A_761] {strides = array<i32>} : memref<8x3x2x128xf32, #tpu.memory_space<vmem>>, vector<16xf32>,
          %mul3A_763 = arith.mulf %get3A_762, %get3A_707 : vector<16xf32>
          tpu.vector_store_idx %arg14[%add3A_704, %broadcast_in_dim3A_15], %mul3A_763 : memref<768x8xf32, #tpu.memory_space<vmem>>[vector<16xi32>, vector<16xi32>], vector<16xf32>,
          %get3A_764 = arith.constant 7 : i32
          %get3A_765 = arith.constant 0 : i32
          %get3A_766 = arith.index_cast %get3A_764 : i32 to index
          %get3A_767 = arith.index_cast %select_n3A_698 : i32 to index
          %get3A_768 = arith.index_cast %get3A_765 : i32 to index
          %get3A_769 = arith.index_cast %rem3A_700 : i32 to index
          %get3A_770 = tpu.vector_load %arg9[%get3A_766, %get3A_767, %get3A_768, %get3A_769] {strides = array<i32>} : memref<8x3x2x128xf32, #tpu.memory_space<vmem>>, vector<16xf32>,
          %mul3A_771 = arith.mulf %get3A_770, %get3A_707 : vector<16xf32>
          tpu.vector_store_idx %arg14[%add3A_704, %broadcast_in_dim3A_17], %mul3A_771 : memref<768x8xf32, #tpu.memory_space<vmem>>[vector<16xi32>, vector<16xi32>], vector<16xf32>,
        }
        %scan3A_549 = arith.constant 24 : i32
        %scan3A_550 = arith.constant 0 : i32
        %scan3A_551 = arith.constant 0 : i32
        %scan3A_552 = arith.constant 24 : i32
        %scan3A_553 = arith.addi %scan3A_551, %scan3A_552 : i32
        %scan3A_554 = arith.constant 1 : i32
        scf.for %scan3A_672 = %scan3A_551 to %scan3A_553 step %scan3A_554  : i32 {
          %mul3A_673 = arith.constant 16 : i32
          %mul3A_674 = arith.muli %scan3A_672, %mul3A_673 : i32
          %jit3A_675 = arith.constant 8 : i32
          %div3A_676 = arith.divsi %scan3A_672, %jit3A_675 : i32
          %sign3A_677 = arith.constant 0 : i32
          %sign3A_678 = arith.cmpi sgt, %scan3A_672, %sign3A_677 : i32
          %sign3A_679 = arith.extui %sign3A_678 : i1 to i32
          %sign3A_680 = arith.constant 0 : i32
          %sign3A_681 = arith.cmpi slt, %scan3A_672, %sign3A_680 : i32
          %sign3A_682 = arith.extui %sign3A_681 : i1 to i32
          %sign3A_683 = arith.subi %sign3A_679, %sign3A_682 : i32
          %sign3A_684 = arith.constant 0 : i32
          %sign3A_685 = arith.cmpi sgt, %jit3A_675, %sign3A_684 : i32
          %sign3A_686 = arith.extui %sign3A_685 : i1 to i32
          %sign3A_687 = arith.constant 0 : i32
          %sign3A_688 = arith.cmpi slt, %jit3A_675, %sign3A_687 : i32
          %sign3A_689 = arith.extui %sign3A_688 : i1 to i32
          %sign3A_690 = arith.subi %sign3A_686, %sign3A_689 : i32
          %ne3A_691 = arith.cmpi ne, %sign3A_683, %sign3A_690 : i32
          %rem3A_692 = arith.remsi %scan3A_672, %jit3A_675 : i32
          %ne3A_693 = arith.constant 0 : i32
          %ne3A_694 = arith.cmpi ne, %rem3A_692, %ne3A_693 : i32
          %and3A_695 = arith.andi %ne3A_691, %ne3A_694 : i1
          %sub3A_696 = arith.constant 1 : i32
          %sub3A_697 = arith.subi %div3A_676, %sub3A_696 : i32
          %select_n3A_698 = arith.select %and3A_695, %sub3A_697, %div3A_676 : i32
          %rem3A_699 = arith.constant 128 : i32
          %rem3A_700 = arith.remsi %mul3A_674, %rem3A_699 : i32
          %add3A_701 = arith.constant 384 : i32
          %add3A_702 = arith.addi %add3A_701, %mul3A_674 : i32
          %add3A_703 = vector.broadcast %add3A_702 : i32 to vector<16xi32>
          %add3A_704 = arith.addi %iota3A, %add3A_703 : vector<16xi32>
          %get3A = arith.constant 1 : i32
          %get3A_705 = arith.index_cast %get3A : i32 to index
          %get3A_706 = arith.index_cast %add3A_702 : i32 to index
          %get3A_707 = tpu.vector_load %arg11[%get3A_705, %get3A_706] {strides = array<i32>} : memref<4x768xf32, #tpu.memory_space<vmem>>, vector<16xf32>,
          %get3A_708 = arith.constant 0 : i32
          %get3A_709 = arith.constant 1 : i32
          %get3A_710 = arith.index_cast %get3A_708 : i32 to index
          %get3A_711 = arith.index_cast %select_n3A_698 : i32 to index
          %get3A_712 = arith.index_cast %get3A_709 : i32 to index
          %get3A_713 = arith.index_cast %rem3A_700 : i32 to index
          %get3A_714 = tpu.vector_load %arg9[%get3A_710, %get3A_711, %get3A_712, %get3A_713] {strides = array<i32>} : memref<8x3x2x128xf32, #tpu.memory_space<vmem>>, vector<16xf32>,
          %mul3A_715 = arith.mulf %get3A_714, %get3A_707 : vector<16xf32>
          tpu.vector_store_idx %arg14[%add3A_704, %broadcast_in_dim3A_3], %mul3A_715 : memref<768x8xf32, #tpu.memory_space<vmem>>[vector<16xi32>, vector<16xi32>], vector<16xf32>,
          %get3A_716 = arith.constant 1 : i32
          %get3A_717 = arith.constant 1 : i32
          %get3A_718 = arith.index_cast %get3A_716 : i32 to index
          %get3A_719 = arith.index_cast %select_n3A_698 : i32 to index
          %get3A_720 = arith.index_cast %get3A_717 : i32 to index
          %get3A_721 = arith.index_cast %rem3A_700 : i32 to index
          %get3A_722 = tpu.vector_load %arg9[%get3A_718, %get3A_719, %get3A_720, %get3A_721] {strides = array<i32>} : memref<8x3x2x128xf32, #tpu.memory_space<vmem>>, vector<16xf32>,
          %mul3A_723 = arith.mulf %get3A_722, %get3A_707 : vector<16xf32>
          tpu.vector_store_idx %arg14[%add3A_704, %broadcast_in_dim3A_5], %mul3A_723 : memref<768x8xf32, #tpu.memory_space<vmem>>[vector<16xi32>, vector<16xi32>], vector<16xf32>,
          %get3A_724 = arith.constant 2 : i32
          %get3A_725 = arith.constant 1 : i32
          %get3A_726 = arith.index_cast %get3A_724 : i32 to index
          %get3A_727 = arith.index_cast %select_n3A_698 : i32 to index
          %get3A_728 = arith.index_cast %get3A_725 : i32 to index
          %get3A_729 = arith.index_cast %rem3A_700 : i32 to index
          %get3A_730 = tpu.vector_load %arg9[%get3A_726, %get3A_727, %get3A_728, %get3A_729] {strides = array<i32>} : memref<8x3x2x128xf32, #tpu.memory_space<vmem>>, vector<16xf32>,
          %mul3A_731 = arith.mulf %get3A_730, %get3A_707 : vector<16xf32>
          tpu.vector_store_idx %arg14[%add3A_704, %broadcast_in_dim3A_7], %mul3A_731 : memref<768x8xf32, #tpu.memory_space<vmem>>[vector<16xi32>, vector<16xi32>], vector<16xf32>,
          %get3A_732 = arith.constant 3 : i32
          %get3A_733 = arith.constant 1 : i32
          %get3A_734 = arith.index_cast %get3A_732 : i32 to index
          %get3A_735 = arith.index_cast %select_n3A_698 : i32 to index
          %get3A_736 = arith.index_cast %get3A_733 : i32 to index
          %get3A_737 = arith.index_cast %rem3A_700 : i32 to index
          %get3A_738 = tpu.vector_load %arg9[%get3A_734, %get3A_735, %get3A_736, %get3A_737] {strides = array<i32>} : memref<8x3x2x128xf32, #tpu.memory_space<vmem>>, vector<16xf32>,
          %mul3A_739 = arith.mulf %get3A_738, %get3A_707 : vector<16xf32>
          tpu.vector_store_idx %arg14[%add3A_704, %broadcast_in_dim3A_9], %mul3A_739 : memref<768x8xf32, #tpu.memory_space<vmem>>[vector<16xi32>, vector<16xi32>], vector<16xf32>,
          %get3A_740 = arith.constant 4 : i32
          %get3A_741 = arith.constant 1 : i32
          %get3A_742 = arith.index_cast %get3A_740 : i32 to index
          %get3A_743 = arith.index_cast %select_n3A_698 : i32 to index
          %get3A_744 = arith.index_cast %get3A_741 : i32 to index
          %get3A_745 = arith.index_cast %rem3A_700 : i32 to index
          %get3A_746 = tpu.vector_load %arg9[%get3A_742, %get3A_743, %get3A_744, %get3A_745] {strides = array<i32>} : memref<8x3x2x128xf32, #tpu.memory_space<vmem>>, vector<16xf32>,
          %mul3A_747 = arith.mulf %get3A_746, %get3A_707 : vector<16xf32>
          tpu.vector_store_idx %arg14[%add3A_704, %broadcast_in_dim3A_11], %mul3A_747 : memref<768x8xf32, #tpu.memory_space<vmem>>[vector<16xi32>, vector<16xi32>], vector<16xf32>,
          %get3A_748 = arith.constant 5 : i32
          %get3A_749 = arith.constant 1 : i32
          %get3A_750 = arith.index_cast %get3A_748 : i32 to index
          %get3A_751 = arith.index_cast %select_n3A_698 : i32 to index
          %get3A_752 = arith.index_cast %get3A_749 : i32 to index
          %get3A_753 = arith.index_cast %rem3A_700 : i32 to index
          %get3A_754 = tpu.vector_load %arg9[%get3A_750, %get3A_751, %get3A_752, %get3A_753] {strides = array<i32>} : memref<8x3x2x128xf32, #tpu.memory_space<vmem>>, vector<16xf32>,
          %mul3A_755 = arith.mulf %get3A_754, %get3A_707 : vector<16xf32>
          tpu.vector_store_idx %arg14[%add3A_704, %broadcast_in_dim3A_13], %mul3A_755 : memref<768x8xf32, #tpu.memory_space<vmem>>[vector<16xi32>, vector<16xi32>], vector<16xf32>,
          %get3A_756 = arith.constant 6 : i32
          %get3A_757 = arith.constant 1 : i32
          %get3A_758 = arith.index_cast %get3A_756 : i32 to index
          %get3A_759 = arith.index_cast %select_n3A_698 : i32 to index
          %get3A_760 = arith.index_cast %get3A_757 : i32 to index
          %get3A_761 = arith.index_cast %rem3A_700 : i32 to index
          %get3A_762 = tpu.vector_load %arg9[%get3A_758, %get3A_759, %get3A_760, %get3A_761] {strides = array<i32>} : memref<8x3x2x128xf32, #tpu.memory_space<vmem>>, vector<16xf32>,
          %mul3A_763 = arith.mulf %get3A_762, %get3A_707 : vector<16xf32>
          tpu.vector_store_idx %arg14[%add3A_704, %broadcast_in_dim3A_15], %mul3A_763 : memref<768x8xf32, #tpu.memory_space<vmem>>[vector<16xi32>, vector<16xi32>], vector<16xf32>,
          %get3A_764 = arith.constant 7 : i32
          %get3A_765 = arith.constant 1 : i32
          %get3A_766 = arith.index_cast %get3A_764 : i32 to index
          %get3A_767 = arith.index_cast %select_n3A_698 : i32 to index
          %get3A_768 = arith.index_cast %get3A_765 : i32 to index
          %get3A_769 = arith.index_cast %rem3A_700 : i32 to index
          %get3A_770 = tpu.vector_load %arg9[%get3A_766, %get3A_767, %get3A_768, %get3A_769] {strides = array<i32>} : memref<8x3x2x128xf32, #tpu.memory_space<vmem>>, vector<16xf32>,
          %mul3A_771 = arith.mulf %get3A_770, %get3A_707 : vector<16xf32>
          tpu.vector_store_idx %arg14[%add3A_704, %broadcast_in_dim3A_17], %mul3A_771 : memref<768x8xf32, #tpu.memory_space<vmem>>[vector<16xi32>, vector<16xi32>], vector<16xf32>,
        }
        %scan3A_555 = arith.constant 24 : i32
        %jit3A_556 = arith.constant 3 : i32
        %eq3A_557 = arith.constant 0 : i32
        %eq3A_558 = arith.cmpi eq, %jit3A_556, %eq3A_557 : i32
        %jit3A_559 = arith.constant 1 : i32
        %select_n3A_560 = arith.select %eq3A_558, %jit3A_559, %jit3A_556 : i32
        %rem3A_561 = arith.remsi %add3A_464, %select_n3A_560 : i32
        %ne3A_562 = arith.constant 0 : i32
        %ne3A_563 = arith.cmpi ne, %rem3A_561, %ne3A_562 : i32
        %lt3A_564 = arith.constant 0 : i32
        %lt3A_565 = arith.cmpi slt, %rem3A_561, %lt3A_564 : i32
        %lt3A_566 = arith.constant 0 : i32
        %lt3A_567 = arith.cmpi slt, %select_n3A_560, %lt3A_566 : i32
        %ne3A_568 = arith.xori %lt3A_565, %lt3A_567 : i1
        %and3A_569 = arith.andi %ne3A_568, %ne3A_563 : i1
        %add3A_570 = arith.addi %rem3A_561, %select_n3A_560 : i32
        %select_n3A_571 = arith.select %and3A_569, %add3A_570, %rem3A_561 : i32
        %dma_start3A_572 = arith.constant 1 : i32
        %dma_start3A_573 = arith.constant 0 : i32
        %dma_start3A_574 = tpu.memref_slice %arg12[%select_n3A_571, %dma_start3A_572, %dma_start3A_573] : memref<3x4x768xi32, #tpu.memory_space<vmem>> -> memref<1x1x768xi32, #tpu.memory_space<vmem>>
        %dma_start3A_575 = tpu.memref_squeeze %dma_start3A_574 : memref<1x1x768xi32, #tpu.memory_space<vmem>> -> memref<768xi32, #tpu.memory_space<vmem>>
        %dma_start3A_576 = arith.constant 0 : i32
        %dma_start3A_577 = arith.constant 0 : i32
        %dma_start3A_578 = tpu.memref_slice %arg7[%dma_start3A_576, %dma_start3A_577] : memref<147456x8xf32, #tpu.memory_space<vmem_shared>> -> memref<147456x8xf32, #tpu.memory_space<vmem_shared>>
        tpu.enqueue_indirect_dma source(%arg14 : memref<768x8xf32, #tpu.memory_space<vmem>>) target(%dma_start3A_578 : memref<147456x8xf32, #tpu.memory_space<vmem_shared>>) offsets(%dma_start3A_575 : memref<768xi32, #tpu.memory_space<vmem>>) semaphore(%arg18 : memref<!tpu.dma_semaphore, #tpu.memory_space<semaphore_mem>>) {add = true}
        %dma_wait3A_579 = arith.constant 0 : i32
        %dma_wait3A_580 = arith.constant 2 : i32
        %dma_wait3A_581 = arith.constant 0 : i32
        %dma_wait3A_582 = tpu.memref_slice %arg12[%dma_wait3A_579, %dma_wait3A_580, %dma_wait3A_581] : memref<3x4x768xi32, #tpu.memory_space<vmem>> -> memref<1x1x768xi32, #tpu.memory_space<vmem>>
        %dma_wait3A_583 = tpu.memref_squeeze %dma_wait3A_582 : memref<1x1x768xi32, #tpu.memory_space<vmem>> -> memref<768xi32, #tpu.memory_space<vmem>>
        %dma_wait3A_584 = arith.constant 0 : i32
        %dma_wait3A_585 = arith.constant 0 : i32
        %dma_wait3A_586 = tpu.memref_slice %arg7[%dma_wait3A_584, %dma_wait3A_585] : memref<147456x8xf32, #tpu.memory_space<vmem_shared>> -> memref<147456x8xf32, #tpu.memory_space<vmem_shared>>
        tpu.wait_indirect_dma semaphore(%arg17 : memref<!tpu.dma_semaphore, #tpu.memory_space<semaphore_mem>>) src(%arg13 : memref<768x8xf32, #tpu.memory_space<vmem>>) dst(%dma_wait3A_586 : memref<147456x8xf32, #tpu.memory_space<vmem_shared>>)
        %scan3A_587 = arith.constant 0 : i32
        %scan3A_588 = arith.constant 0 : i32
        %scan3A_589 = arith.constant 24 : i32
        %scan3A_590 = arith.addi %scan3A_588, %scan3A_589 : i32
        %scan3A_591 = arith.constant 1 : i32
        scf.for %scan3A_672 = %scan3A_588 to %scan3A_590 step %scan3A_591  : i32 {
          %mul3A_673 = arith.constant 16 : i32
          %mul3A_674 = arith.muli %scan3A_672, %mul3A_673 : i32
          %jit3A_675 = arith.constant 8 : i32
          %div3A_676 = arith.divsi %scan3A_672, %jit3A_675 : i32
          %sign3A_677 = arith.constant 0 : i32
          %sign3A_678 = arith.cmpi sgt, %scan3A_672, %sign3A_677 : i32
          %sign3A_679 = arith.extui %sign3A_678 : i1 to i32
          %sign3A_680 = arith.constant 0 : i32
          %sign3A_681 = arith.cmpi slt, %scan3A_672, %sign3A_680 : i32
          %sign3A_682 = arith.extui %sign3A_681 : i1 to i32
          %sign3A_683 = arith.subi %sign3A_679, %sign3A_682 : i32
          %sign3A_684 = arith.constant 0 : i32
          %sign3A_685 = arith.cmpi sgt, %jit3A_675, %sign3A_684 : i32
          %sign3A_686 = arith.extui %sign3A_685 : i1 to i32
          %sign3A_687 = arith.constant 0 : i32
          %sign3A_688 = arith.cmpi slt, %jit3A_675, %sign3A_687 : i32
          %sign3A_689 = arith.extui %sign3A_688 : i1 to i32
          %sign3A_690 = arith.subi %sign3A_686, %sign3A_689 : i32
          %ne3A_691 = arith.cmpi ne, %sign3A_683, %sign3A_690 : i32
          %rem3A_692 = arith.remsi %scan3A_672, %jit3A_675 : i32
          %ne3A_693 = arith.constant 0 : i32
          %ne3A_694 = arith.cmpi ne, %rem3A_692, %ne3A_693 : i32
          %and3A_695 = arith.andi %ne3A_691, %ne3A_694 : i1
          %sub3A_696 = arith.constant 1 : i32
          %sub3A_697 = arith.subi %div3A_676, %sub3A_696 : i32
          %select_n3A_698 = arith.select %and3A_695, %sub3A_697, %div3A_676 : i32
          %rem3A_699 = arith.constant 128 : i32
          %rem3A_700 = arith.remsi %mul3A_674, %rem3A_699 : i32
          %add3A_701 = arith.constant 0 : i32
          %add3A_702 = arith.addi %add3A_701, %mul3A_674 : i32
          %add3A_703 = vector.broadcast %add3A_702 : i32 to vector<16xi32>
          %add3A_704 = arith.addi %iota3A, %add3A_703 : vector<16xi32>
          %get3A = arith.constant 2 : i32
          %get3A_705 = arith.index_cast %get3A : i32 to index
          %get3A_706 = arith.index_cast %add3A_702 : i32 to index
          %get3A_707 = tpu.vector_load %arg11[%get3A_705, %get3A_706] {strides = array<i32>} : memref<4x768xf32, #tpu.memory_space<vmem>>, vector<16xf32>,
          %get3A_708 = arith.constant 0 : i32
          %get3A_709 = arith.constant 0 : i32
          %get3A_710 = arith.index_cast %get3A_708 : i32 to index
          %get3A_711 = arith.index_cast %select_n3A_698 : i32 to index
          %get3A_712 = arith.index_cast %get3A_709 : i32 to index
          %get3A_713 = arith.index_cast %rem3A_700 : i32 to index
          %get3A_714 = tpu.vector_load %arg9[%get3A_710, %get3A_711, %get3A_712, %get3A_713] {strides = array<i32>} : memref<8x3x2x128xf32, #tpu.memory_space<vmem>>, vector<16xf32>,
          %mul3A_715 = arith.mulf %get3A_714, %get3A_707 : vector<16xf32>
          tpu.vector_store_idx %arg13[%add3A_704, %broadcast_in_dim3A_3], %mul3A_715 : memref<768x8xf32, #tpu.memory_space<vmem>>[vector<16xi32>, vector<16xi32>], vector<16xf32>,
          %get3A_716 = arith.constant 1 : i32
          %get3A_717 = arith.constant 0 : i32
          %get3A_718 = arith.index_cast %get3A_716 : i32 to index
          %get3A_719 = arith.index_cast %select_n3A_698 : i32 to index
          %get3A_720 = arith.index_cast %get3A_717 : i32 to index
          %get3A_721 = arith.index_cast %rem3A_700 : i32 to index
          %get3A_722 = tpu.vector_load %arg9[%get3A_718, %get3A_719, %get3A_720, %get3A_721] {strides = array<i32>} : memref<8x3x2x128xf32, #tpu.memory_space<vmem>>, vector<16xf32>,
          %mul3A_723 = arith.mulf %get3A_722, %get3A_707 : vector<16xf32>
          tpu.vector_store_idx %arg13[%add3A_704, %broadcast_in_dim3A_5], %mul3A_723 : memref<768x8xf32, #tpu.memory_space<vmem>>[vector<16xi32>, vector<16xi32>], vector<16xf32>,
          %get3A_724 = arith.constant 2 : i32
          %get3A_725 = arith.constant 0 : i32
          %get3A_726 = arith.index_cast %get3A_724 : i32 to index
          %get3A_727 = arith.index_cast %select_n3A_698 : i32 to index
          %get3A_728 = arith.index_cast %get3A_725 : i32 to index
          %get3A_729 = arith.index_cast %rem3A_700 : i32 to index
          %get3A_730 = tpu.vector_load %arg9[%get3A_726, %get3A_727, %get3A_728, %get3A_729] {strides = array<i32>} : memref<8x3x2x128xf32, #tpu.memory_space<vmem>>, vector<16xf32>,
          %mul3A_731 = arith.mulf %get3A_730, %get3A_707 : vector<16xf32>
          tpu.vector_store_idx %arg13[%add3A_704, %broadcast_in_dim3A_7], %mul3A_731 : memref<768x8xf32, #tpu.memory_space<vmem>>[vector<16xi32>, vector<16xi32>], vector<16xf32>,
          %get3A_732 = arith.constant 3 : i32
          %get3A_733 = arith.constant 0 : i32
          %get3A_734 = arith.index_cast %get3A_732 : i32 to index
          %get3A_735 = arith.index_cast %select_n3A_698 : i32 to index
          %get3A_736 = arith.index_cast %get3A_733 : i32 to index
          %get3A_737 = arith.index_cast %rem3A_700 : i32 to index
          %get3A_738 = tpu.vector_load %arg9[%get3A_734, %get3A_735, %get3A_736, %get3A_737] {strides = array<i32>} : memref<8x3x2x128xf32, #tpu.memory_space<vmem>>, vector<16xf32>,
          %mul3A_739 = arith.mulf %get3A_738, %get3A_707 : vector<16xf32>
          tpu.vector_store_idx %arg13[%add3A_704, %broadcast_in_dim3A_9], %mul3A_739 : memref<768x8xf32, #tpu.memory_space<vmem>>[vector<16xi32>, vector<16xi32>], vector<16xf32>,
          %get3A_740 = arith.constant 4 : i32
          %get3A_741 = arith.constant 0 : i32
          %get3A_742 = arith.index_cast %get3A_740 : i32 to index
          %get3A_743 = arith.index_cast %select_n3A_698 : i32 to index
          %get3A_744 = arith.index_cast %get3A_741 : i32 to index
          %get3A_745 = arith.index_cast %rem3A_700 : i32 to index
          %get3A_746 = tpu.vector_load %arg9[%get3A_742, %get3A_743, %get3A_744, %get3A_745] {strides = array<i32>} : memref<8x3x2x128xf32, #tpu.memory_space<vmem>>, vector<16xf32>,
          %mul3A_747 = arith.mulf %get3A_746, %get3A_707 : vector<16xf32>
          tpu.vector_store_idx %arg13[%add3A_704, %broadcast_in_dim3A_11], %mul3A_747 : memref<768x8xf32, #tpu.memory_space<vmem>>[vector<16xi32>, vector<16xi32>], vector<16xf32>,
          %get3A_748 = arith.constant 5 : i32
          %get3A_749 = arith.constant 0 : i32
          %get3A_750 = arith.index_cast %get3A_748 : i32 to index
          %get3A_751 = arith.index_cast %select_n3A_698 : i32 to index
          %get3A_752 = arith.index_cast %get3A_749 : i32 to index
          %get3A_753 = arith.index_cast %rem3A_700 : i32 to index
          %get3A_754 = tpu.vector_load %arg9[%get3A_750, %get3A_751, %get3A_752, %get3A_753] {strides = array<i32>} : memref<8x3x2x128xf32, #tpu.memory_space<vmem>>, vector<16xf32>,
          %mul3A_755 = arith.mulf %get3A_754, %get3A_707 : vector<16xf32>
          tpu.vector_store_idx %arg13[%add3A_704, %broadcast_in_dim3A_13], %mul3A_755 : memref<768x8xf32, #tpu.memory_space<vmem>>[vector<16xi32>, vector<16xi32>], vector<16xf32>,
          %get3A_756 = arith.constant 6 : i32
          %get3A_757 = arith.constant 0 : i32
          %get3A_758 = arith.index_cast %get3A_756 : i32 to index
          %get3A_759 = arith.index_cast %select_n3A_698 : i32 to index
          %get3A_760 = arith.index_cast %get3A_757 : i32 to index
          %get3A_761 = arith.index_cast %rem3A_700 : i32 to index
          %get3A_762 = tpu.vector_load %arg9[%get3A_758, %get3A_759, %get3A_760, %get3A_761] {strides = array<i32>} : memref<8x3x2x128xf32, #tpu.memory_space<vmem>>, vector<16xf32>,
          %mul3A_763 = arith.mulf %get3A_762, %get3A_707 : vector<16xf32>
          tpu.vector_store_idx %arg13[%add3A_704, %broadcast_in_dim3A_15], %mul3A_763 : memref<768x8xf32, #tpu.memory_space<vmem>>[vector<16xi32>, vector<16xi32>], vector<16xf32>,
          %get3A_764 = arith.constant 7 : i32
          %get3A_765 = arith.constant 0 : i32
          %get3A_766 = arith.index_cast %get3A_764 : i32 to index
          %get3A_767 = arith.index_cast %select_n3A_698 : i32 to index
          %get3A_768 = arith.index_cast %get3A_765 : i32 to index
          %get3A_769 = arith.index_cast %rem3A_700 : i32 to index
          %get3A_770 = tpu.vector_load %arg9[%get3A_766, %get3A_767, %get3A_768, %get3A_769] {strides = array<i32>} : memref<8x3x2x128xf32, #tpu.memory_space<vmem>>, vector<16xf32>,
          %mul3A_771 = arith.mulf %get3A_770, %get3A_707 : vector<16xf32>
          tpu.vector_store_idx %arg13[%add3A_704, %broadcast_in_dim3A_17], %mul3A_771 : memref<768x8xf32, #tpu.memory_space<vmem>>[vector<16xi32>, vector<16xi32>], vector<16xf32>,
        }
        %scan3A_592 = arith.constant 24 : i32
        %scan3A_593 = arith.constant 0 : i32
        %scan3A_594 = arith.constant 0 : i32
        %scan3A_595 = arith.constant 24 : i32
        %scan3A_596 = arith.addi %scan3A_594, %scan3A_595 : i32
        %scan3A_597 = arith.constant 1 : i32
        scf.for %scan3A_672 = %scan3A_594 to %scan3A_596 step %scan3A_597  : i32 {
          %mul3A_673 = arith.constant 16 : i32
          %mul3A_674 = arith.muli %scan3A_672, %mul3A_673 : i32
          %jit3A_675 = arith.constant 8 : i32
          %div3A_676 = arith.divsi %scan3A_672, %jit3A_675 : i32
          %sign3A_677 = arith.constant 0 : i32
          %sign3A_678 = arith.cmpi sgt, %scan3A_672, %sign3A_677 : i32
          %sign3A_679 = arith.extui %sign3A_678 : i1 to i32
          %sign3A_680 = arith.constant 0 : i32
          %sign3A_681 = arith.cmpi slt, %scan3A_672, %sign3A_680 : i32
          %sign3A_682 = arith.extui %sign3A_681 : i1 to i32
          %sign3A_683 = arith.subi %sign3A_679, %sign3A_682 : i32
          %sign3A_684 = arith.constant 0 : i32
          %sign3A_685 = arith.cmpi sgt, %jit3A_675, %sign3A_684 : i32
          %sign3A_686 = arith.extui %sign3A_685 : i1 to i32
          %sign3A_687 = arith.constant 0 : i32
          %sign3A_688 = arith.cmpi slt, %jit3A_675, %sign3A_687 : i32
          %sign3A_689 = arith.extui %sign3A_688 : i1 to i32
          %sign3A_690 = arith.subi %sign3A_686, %sign3A_689 : i32
          %ne3A_691 = arith.cmpi ne, %sign3A_683, %sign3A_690 : i32
          %rem3A_692 = arith.remsi %scan3A_672, %jit3A_675 : i32
          %ne3A_693 = arith.constant 0 : i32
          %ne3A_694 = arith.cmpi ne, %rem3A_692, %ne3A_693 : i32
          %and3A_695 = arith.andi %ne3A_691, %ne3A_694 : i1
          %sub3A_696 = arith.constant 1 : i32
          %sub3A_697 = arith.subi %div3A_676, %sub3A_696 : i32
          %select_n3A_698 = arith.select %and3A_695, %sub3A_697, %div3A_676 : i32
          %rem3A_699 = arith.constant 128 : i32
          %rem3A_700 = arith.remsi %mul3A_674, %rem3A_699 : i32
          %add3A_701 = arith.constant 384 : i32
          %add3A_702 = arith.addi %add3A_701, %mul3A_674 : i32
          %add3A_703 = vector.broadcast %add3A_702 : i32 to vector<16xi32>
          %add3A_704 = arith.addi %iota3A, %add3A_703 : vector<16xi32>
          %get3A = arith.constant 2 : i32
          %get3A_705 = arith.index_cast %get3A : i32 to index
          %get3A_706 = arith.index_cast %add3A_702 : i32 to index
          %get3A_707 = tpu.vector_load %arg11[%get3A_705, %get3A_706] {strides = array<i32>} : memref<4x768xf32, #tpu.memory_space<vmem>>, vector<16xf32>,
          %get3A_708 = arith.constant 0 : i32
          %get3A_709 = arith.constant 1 : i32
          %get3A_710 = arith.index_cast %get3A_708 : i32 to index
          %get3A_711 = arith.index_cast %select_n3A_698 : i32 to index
          %get3A_712 = arith.index_cast %get3A_709 : i32 to index
          %get3A_713 = arith.index_cast %rem3A_700 : i32 to index
          %get3A_714 = tpu.vector_load %arg9[%get3A_710, %get3A_711, %get3A_712, %get3A_713] {strides = array<i32>} : memref<8x3x2x128xf32, #tpu.memory_space<vmem>>, vector<16xf32>,
          %mul3A_715 = arith.mulf %get3A_714, %get3A_707 : vector<16xf32>
          tpu.vector_store_idx %arg13[%add3A_704, %broadcast_in_dim3A_3], %mul3A_715 : memref<768x8xf32, #tpu.memory_space<vmem>>[vector<16xi32>, vector<16xi32>], vector<16xf32>,
          %get3A_716 = arith.constant 1 : i32
          %get3A_717 = arith.constant 1 : i32
          %get3A_718 = arith.index_cast %get3A_716 : i32 to index
          %get3A_719 = arith.index_cast %select_n3A_698 : i32 to index
          %get3A_720 = arith.index_cast %get3A_717 : i32 to index
          %get3A_721 = arith.index_cast %rem3A_700 : i32 to index
          %get3A_722 = tpu.vector_load %arg9[%get3A_718, %get3A_719, %get3A_720, %get3A_721] {strides = array<i32>} : memref<8x3x2x128xf32, #tpu.memory_space<vmem>>, vector<16xf32>,
          %mul3A_723 = arith.mulf %get3A_722, %get3A_707 : vector<16xf32>
          tpu.vector_store_idx %arg13[%add3A_704, %broadcast_in_dim3A_5], %mul3A_723 : memref<768x8xf32, #tpu.memory_space<vmem>>[vector<16xi32>, vector<16xi32>], vector<16xf32>,
          %get3A_724 = arith.constant 2 : i32
          %get3A_725 = arith.constant 1 : i32
          %get3A_726 = arith.index_cast %get3A_724 : i32 to index
          %get3A_727 = arith.index_cast %select_n3A_698 : i32 to index
          %get3A_728 = arith.index_cast %get3A_725 : i32 to index
          %get3A_729 = arith.index_cast %rem3A_700 : i32 to index
          %get3A_730 = tpu.vector_load %arg9[%get3A_726, %get3A_727, %get3A_728, %get3A_729] {strides = array<i32>} : memref<8x3x2x128xf32, #tpu.memory_space<vmem>>, vector<16xf32>,
          %mul3A_731 = arith.mulf %get3A_730, %get3A_707 : vector<16xf32>
          tpu.vector_store_idx %arg13[%add3A_704, %broadcast_in_dim3A_7], %mul3A_731 : memref<768x8xf32, #tpu.memory_space<vmem>>[vector<16xi32>, vector<16xi32>], vector<16xf32>,
          %get3A_732 = arith.constant 3 : i32
          %get3A_733 = arith.constant 1 : i32
          %get3A_734 = arith.index_cast %get3A_732 : i32 to index
          %get3A_735 = arith.index_cast %select_n3A_698 : i32 to index
          %get3A_736 = arith.index_cast %get3A_733 : i32 to index
          %get3A_737 = arith.index_cast %rem3A_700 : i32 to index
          %get3A_738 = tpu.vector_load %arg9[%get3A_734, %get3A_735, %get3A_736, %get3A_737] {strides = array<i32>} : memref<8x3x2x128xf32, #tpu.memory_space<vmem>>, vector<16xf32>,
          %mul3A_739 = arith.mulf %get3A_738, %get3A_707 : vector<16xf32>
          tpu.vector_store_idx %arg13[%add3A_704, %broadcast_in_dim3A_9], %mul3A_739 : memref<768x8xf32, #tpu.memory_space<vmem>>[vector<16xi32>, vector<16xi32>], vector<16xf32>,
          %get3A_740 = arith.constant 4 : i32
          %get3A_741 = arith.constant 1 : i32
          %get3A_742 = arith.index_cast %get3A_740 : i32 to index
          %get3A_743 = arith.index_cast %select_n3A_698 : i32 to index
          %get3A_744 = arith.index_cast %get3A_741 : i32 to index
          %get3A_745 = arith.index_cast %rem3A_700 : i32 to index
          %get3A_746 = tpu.vector_load %arg9[%get3A_742, %get3A_743, %get3A_744, %get3A_745] {strides = array<i32>} : memref<8x3x2x128xf32, #tpu.memory_space<vmem>>, vector<16xf32>,
          %mul3A_747 = arith.mulf %get3A_746, %get3A_707 : vector<16xf32>
          tpu.vector_store_idx %arg13[%add3A_704, %broadcast_in_dim3A_11], %mul3A_747 : memref<768x8xf32, #tpu.memory_space<vmem>>[vector<16xi32>, vector<16xi32>], vector<16xf32>,
          %get3A_748 = arith.constant 5 : i32
          %get3A_749 = arith.constant 1 : i32
          %get3A_750 = arith.index_cast %get3A_748 : i32 to index
          %get3A_751 = arith.index_cast %select_n3A_698 : i32 to index
          %get3A_752 = arith.index_cast %get3A_749 : i32 to index
          %get3A_753 = arith.index_cast %rem3A_700 : i32 to index
          %get3A_754 = tpu.vector_load %arg9[%get3A_750, %get3A_751, %get3A_752, %get3A_753] {strides = array<i32>} : memref<8x3x2x128xf32, #tpu.memory_space<vmem>>, vector<16xf32>,
          %mul3A_755 = arith.mulf %get3A_754, %get3A_707 : vector<16xf32>
          tpu.vector_store_idx %arg13[%add3A_704, %broadcast_in_dim3A_13], %mul3A_755 : memref<768x8xf32, #tpu.memory_space<vmem>>[vector<16xi32>, vector<16xi32>], vector<16xf32>,
          %get3A_756 = arith.constant 6 : i32
          %get3A_757 = arith.constant 1 : i32
          %get3A_758 = arith.index_cast %get3A_756 : i32 to index
          %get3A_759 = arith.index_cast %select_n3A_698 : i32 to index
          %get3A_760 = arith.index_cast %get3A_757 : i32 to index
          %get3A_761 = arith.index_cast %rem3A_700 : i32 to index
          %get3A_762 = tpu.vector_load %arg9[%get3A_758, %get3A_759, %get3A_760, %get3A_761] {strides = array<i32>} : memref<8x3x2x128xf32, #tpu.memory_space<vmem>>, vector<16xf32>,
          %mul3A_763 = arith.mulf %get3A_762, %get3A_707 : vector<16xf32>
          tpu.vector_store_idx %arg13[%add3A_704, %broadcast_in_dim3A_15], %mul3A_763 : memref<768x8xf32, #tpu.memory_space<vmem>>[vector<16xi32>, vector<16xi32>], vector<16xf32>,
          %get3A_764 = arith.constant 7 : i32
          %get3A_765 = arith.constant 1 : i32
          %get3A_766 = arith.index_cast %get3A_764 : i32 to index
          %get3A_767 = arith.index_cast %select_n3A_698 : i32 to index
          %get3A_768 = arith.index_cast %get3A_765 : i32 to index
          %get3A_769 = arith.index_cast %rem3A_700 : i32 to index
          %get3A_770 = tpu.vector_load %arg9[%get3A_766, %get3A_767, %get3A_768, %get3A_769] {strides = array<i32>} : memref<8x3x2x128xf32, #tpu.memory_space<vmem>>, vector<16xf32>,
          %mul3A_771 = arith.mulf %get3A_770, %get3A_707 : vector<16xf32>
          tpu.vector_store_idx %arg13[%add3A_704, %broadcast_in_dim3A_17], %mul3A_771 : memref<768x8xf32, #tpu.memory_space<vmem>>[vector<16xi32>, vector<16xi32>], vector<16xf32>,
        }
        %scan3A_598 = arith.constant 24 : i32
        %jit3A_599 = arith.constant 3 : i32
        %eq3A_600 = arith.constant 0 : i32
        %eq3A_601 = arith.cmpi eq, %jit3A_599, %eq3A_600 : i32
        %jit3A_602 = arith.constant 1 : i32
        %select_n3A_603 = arith.select %eq3A_601, %jit3A_602, %jit3A_599 : i32
        %rem3A_604 = arith.remsi %add3A_464, %select_n3A_603 : i32
        %ne3A_605 = arith.constant 0 : i32
        %ne3A_606 = arith.cmpi ne, %rem3A_604, %ne3A_605 : i32
        %lt3A_607 = arith.constant 0 : i32
        %lt3A_608 = arith.cmpi slt, %rem3A_604, %lt3A_607 : i32
        %lt3A_609 = arith.constant 0 : i32
        %lt3A_610 = arith.cmpi slt, %select_n3A_603, %lt3A_609 : i32
        %ne3A_611 = arith.xori %lt3A_608, %lt3A_610 : i1
        %and3A_612 = arith.andi %ne3A_611, %ne3A_606 : i1
        %add3A_613 = arith.addi %rem3A_604, %select_n3A_603 : i32
        %select_n3A_614 = arith.select %and3A_612, %add3A_613, %rem3A_604 : i32
        %dma_start3A_615 = arith.constant 2 : i32
        %dma_start3A_616 = arith.constant 0 : i32
        %dma_start3A_617 = tpu.memref_slice %arg12[%select_n3A_614, %dma_start3A_615, %dma_start3A_616] : memref<3x4x768xi32, #tpu.memory_space<vmem>> -> memref<1x1x768xi32, #tpu.memory_space<vmem>>
        %dma_start3A_618 = tpu.memref_squeeze %dma_start3A_617 : memref<1x1x768xi32, #tpu.memory_space<vmem>> -> memref<768xi32, #tpu.memory_space<vmem>>
        %dma_start3A_619 = arith.constant 0 : i32
        %dma_start3A_620 = arith.constant 0 : i32
        %dma_start3A_621 = tpu.memref_slice %arg7[%dma_start3A_619, %dma_start3A_620] : memref<147456x8xf32, #tpu.memory_space<vmem_shared>> -> memref<147456x8xf32, #tpu.memory_space<vmem_shared>>
        tpu.enqueue_indirect_dma source(%arg13 : memref<768x8xf32, #tpu.memory_space<vmem>>) target(%dma_start3A_621 : memref<147456x8xf32, #tpu.memory_space<vmem_shared>>) offsets(%dma_start3A_618 : memref<768xi32, #tpu.memory_space<vmem>>) semaphore(%arg17 : memref<!tpu.dma_semaphore, #tpu.memory_space<semaphore_mem>>) {add = true}
        %dma_wait3A_622 = arith.constant 0 : i32
        %dma_wait3A_623 = arith.constant 3 : i32
        %dma_wait3A_624 = arith.constant 0 : i32
        %dma_wait3A_625 = tpu.memref_slice %arg12[%dma_wait3A_622, %dma_wait3A_623, %dma_wait3A_624] : memref<3x4x768xi32, #tpu.memory_space<vmem>> -> memref<1x1x768xi32, #tpu.memory_space<vmem>>
        %dma_wait3A_626 = tpu.memref_squeeze %dma_wait3A_625 : memref<1x1x768xi32, #tpu.memory_space<vmem>> -> memref<768xi32, #tpu.memory_space<vmem>>
        %dma_wait3A_627 = arith.constant 0 : i32
        %dma_wait3A_628 = arith.constant 0 : i32
        %dma_wait3A_629 = tpu.memref_slice %arg7[%dma_wait3A_627, %dma_wait3A_628] : memref<147456x8xf32, #tpu.memory_space<vmem_shared>> -> memref<147456x8xf32, #tpu.memory_space<vmem_shared>>
        tpu.wait_indirect_dma semaphore(%arg18 : memref<!tpu.dma_semaphore, #tpu.memory_space<semaphore_mem>>) src(%arg14 : memref<768x8xf32, #tpu.memory_space<vmem>>) dst(%dma_wait3A_629 : memref<147456x8xf32, #tpu.memory_space<vmem_shared>>)
        %scan3A_630 = arith.constant 0 : i32
        %scan3A_631 = arith.constant 0 : i32
        %scan3A_632 = arith.constant 24 : i32
        %scan3A_633 = arith.addi %scan3A_631, %scan3A_632 : i32
        %scan3A_634 = arith.constant 1 : i32
        scf.for %scan3A_672 = %scan3A_631 to %scan3A_633 step %scan3A_634  : i32 {
          %mul3A_673 = arith.constant 16 : i32
          %mul3A_674 = arith.muli %scan3A_672, %mul3A_673 : i32
          %jit3A_675 = arith.constant 8 : i32
          %div3A_676 = arith.divsi %scan3A_672, %jit3A_675 : i32
          %sign3A_677 = arith.constant 0 : i32
          %sign3A_678 = arith.cmpi sgt, %scan3A_672, %sign3A_677 : i32
          %sign3A_679 = arith.extui %sign3A_678 : i1 to i32
          %sign3A_680 = arith.constant 0 : i32
          %sign3A_681 = arith.cmpi slt, %scan3A_672, %sign3A_680 : i32
          %sign3A_682 = arith.extui %sign3A_681 : i1 to i32
          %sign3A_683 = arith.subi %sign3A_679, %sign3A_682 : i32
          %sign3A_684 = arith.constant 0 : i32
          %sign3A_685 = arith.cmpi sgt, %jit3A_675, %sign3A_684 : i32
          %sign3A_686 = arith.extui %sign3A_685 : i1 to i32
          %sign3A_687 = arith.constant 0 : i32
          %sign3A_688 = arith.cmpi slt, %jit3A_675, %sign3A_687 : i32
          %sign3A_689 = arith.extui %sign3A_688 : i1 to i32
          %sign3A_690 = arith.subi %sign3A_686, %sign3A_689 : i32
          %ne3A_691 = arith.cmpi ne, %sign3A_683, %sign3A_690 : i32
          %rem3A_692 = arith.remsi %scan3A_672, %jit3A_675 : i32
          %ne3A_693 = arith.constant 0 : i32
          %ne3A_694 = arith.cmpi ne, %rem3A_692, %ne3A_693 : i32
          %and3A_695 = arith.andi %ne3A_691, %ne3A_694 : i1
          %sub3A_696 = arith.constant 1 : i32
          %sub3A_697 = arith.subi %div3A_676, %sub3A_696 : i32
          %select_n3A_698 = arith.select %and3A_695, %sub3A_697, %div3A_676 : i32
          %rem3A_699 = arith.constant 128 : i32
          %rem3A_700 = arith.remsi %mul3A_674, %rem3A_699 : i32
          %add3A_701 = arith.constant 0 : i32
          %add3A_702 = arith.addi %add3A_701, %mul3A_674 : i32
          %add3A_703 = vector.broadcast %add3A_702 : i32 to vector<16xi32>
          %add3A_704 = arith.addi %iota3A, %add3A_703 : vector<16xi32>
          %get3A = arith.constant 3 : i32
          %get3A_705 = arith.index_cast %get3A : i32 to index
          %get3A_706 = arith.index_cast %add3A_702 : i32 to index
          %get3A_707 = tpu.vector_load %arg11[%get3A_705, %get3A_706] {strides = array<i32>} : memref<4x768xf32, #tpu.memory_space<vmem>>, vector<16xf32>,
          %get3A_708 = arith.constant 0 : i32
          %get3A_709 = arith.constant 0 : i32
          %get3A_710 = arith.index_cast %get3A_708 : i32 to index
          %get3A_711 = arith.index_cast %select_n3A_698 : i32 to index
          %get3A_712 = arith.index_cast %get3A_709 : i32 to index
          %get3A_713 = arith.index_cast %rem3A_700 : i32 to index
          %get3A_714 = tpu.vector_load %arg9[%get3A_710, %get3A_711, %get3A_712, %get3A_713] {strides = array<i32>} : memref<8x3x2x128xf32, #tpu.memory_space<vmem>>, vector<16xf32>,
          %mul3A_715 = arith.mulf %get3A_714, %get3A_707 : vector<16xf32>
          tpu.vector_store_idx %arg14[%add3A_704, %broadcast_in_dim3A_3], %mul3A_715 : memref<768x8xf32, #tpu.memory_space<vmem>>[vector<16xi32>, vector<16xi32>], vector<16xf32>,
          %get3A_716 = arith.constant 1 : i32
          %get3A_717 = arith.constant 0 : i32
          %get3A_718 = arith.index_cast %get3A_716 : i32 to index
          %get3A_719 = arith.index_cast %select_n3A_698 : i32 to index
          %get3A_720 = arith.index_cast %get3A_717 : i32 to index
          %get3A_721 = arith.index_cast %rem3A_700 : i32 to index
          %get3A_722 = tpu.vector_load %arg9[%get3A_718, %get3A_719, %get3A_720, %get3A_721] {strides = array<i32>} : memref<8x3x2x128xf32, #tpu.memory_space<vmem>>, vector<16xf32>,
          %mul3A_723 = arith.mulf %get3A_722, %get3A_707 : vector<16xf32>
          tpu.vector_store_idx %arg14[%add3A_704, %broadcast_in_dim3A_5], %mul3A_723 : memref<768x8xf32, #tpu.memory_space<vmem>>[vector<16xi32>, vector<16xi32>], vector<16xf32>,
          %get3A_724 = arith.constant 2 : i32
          %get3A_725 = arith.constant 0 : i32
          %get3A_726 = arith.index_cast %get3A_724 : i32 to index
          %get3A_727 = arith.index_cast %select_n3A_698 : i32 to index
          %get3A_728 = arith.index_cast %get3A_725 : i32 to index
          %get3A_729 = arith.index_cast %rem3A_700 : i32 to index
          %get3A_730 = tpu.vector_load %arg9[%get3A_726, %get3A_727, %get3A_728, %get3A_729] {strides = array<i32>} : memref<8x3x2x128xf32, #tpu.memory_space<vmem>>, vector<16xf32>,
          %mul3A_731 = arith.mulf %get3A_730, %get3A_707 : vector<16xf32>
          tpu.vector_store_idx %arg14[%add3A_704, %broadcast_in_dim3A_7], %mul3A_731 : memref<768x8xf32, #tpu.memory_space<vmem>>[vector<16xi32>, vector<16xi32>], vector<16xf32>,
          %get3A_732 = arith.constant 3 : i32
          %get3A_733 = arith.constant 0 : i32
          %get3A_734 = arith.index_cast %get3A_732 : i32 to index
          %get3A_735 = arith.index_cast %select_n3A_698 : i32 to index
          %get3A_736 = arith.index_cast %get3A_733 : i32 to index
          %get3A_737 = arith.index_cast %rem3A_700 : i32 to index
          %get3A_738 = tpu.vector_load %arg9[%get3A_734, %get3A_735, %get3A_736, %get3A_737] {strides = array<i32>} : memref<8x3x2x128xf32, #tpu.memory_space<vmem>>, vector<16xf32>,
          %mul3A_739 = arith.mulf %get3A_738, %get3A_707 : vector<16xf32>
          tpu.vector_store_idx %arg14[%add3A_704, %broadcast_in_dim3A_9], %mul3A_739 : memref<768x8xf32, #tpu.memory_space<vmem>>[vector<16xi32>, vector<16xi32>], vector<16xf32>,
          %get3A_740 = arith.constant 4 : i32
          %get3A_741 = arith.constant 0 : i32
          %get3A_742 = arith.index_cast %get3A_740 : i32 to index
          %get3A_743 = arith.index_cast %select_n3A_698 : i32 to index
          %get3A_744 = arith.index_cast %get3A_741 : i32 to index
          %get3A_745 = arith.index_cast %rem3A_700 : i32 to index
          %get3A_746 = tpu.vector_load %arg9[%get3A_742, %get3A_743, %get3A_744, %get3A_745] {strides = array<i32>} : memref<8x3x2x128xf32, #tpu.memory_space<vmem>>, vector<16xf32>,
          %mul3A_747 = arith.mulf %get3A_746, %get3A_707 : vector<16xf32>
          tpu.vector_store_idx %arg14[%add3A_704, %broadcast_in_dim3A_11], %mul3A_747 : memref<768x8xf32, #tpu.memory_space<vmem>>[vector<16xi32>, vector<16xi32>], vector<16xf32>,
          %get3A_748 = arith.constant 5 : i32
          %get3A_749 = arith.constant 0 : i32
          %get3A_750 = arith.index_cast %get3A_748 : i32 to index
          %get3A_751 = arith.index_cast %select_n3A_698 : i32 to index
          %get3A_752 = arith.index_cast %get3A_749 : i32 to index
          %get3A_753 = arith.index_cast %rem3A_700 : i32 to index
          %get3A_754 = tpu.vector_load %arg9[%get3A_750, %get3A_751, %get3A_752, %get3A_753] {strides = array<i32>} : memref<8x3x2x128xf32, #tpu.memory_space<vmem>>, vector<16xf32>,
          %mul3A_755 = arith.mulf %get3A_754, %get3A_707 : vector<16xf32>
          tpu.vector_store_idx %arg14[%add3A_704, %broadcast_in_dim3A_13], %mul3A_755 : memref<768x8xf32, #tpu.memory_space<vmem>>[vector<16xi32>, vector<16xi32>], vector<16xf32>,
          %get3A_756 = arith.constant 6 : i32
          %get3A_757 = arith.constant 0 : i32
          %get3A_758 = arith.index_cast %get3A_756 : i32 to index
          %get3A_759 = arith.index_cast %select_n3A_698 : i32 to index
          %get3A_760 = arith.index_cast %get3A_757 : i32 to index
          %get3A_761 = arith.index_cast %rem3A_700 : i32 to index
          %get3A_762 = tpu.vector_load %arg9[%get3A_758, %get3A_759, %get3A_760, %get3A_761] {strides = array<i32>} : memref<8x3x2x128xf32, #tpu.memory_space<vmem>>, vector<16xf32>,
          %mul3A_763 = arith.mulf %get3A_762, %get3A_707 : vector<16xf32>
          tpu.vector_store_idx %arg14[%add3A_704, %broadcast_in_dim3A_15], %mul3A_763 : memref<768x8xf32, #tpu.memory_space<vmem>>[vector<16xi32>, vector<16xi32>], vector<16xf32>,
          %get3A_764 = arith.constant 7 : i32
          %get3A_765 = arith.constant 0 : i32
          %get3A_766 = arith.index_cast %get3A_764 : i32 to index
          %get3A_767 = arith.index_cast %select_n3A_698 : i32 to index
          %get3A_768 = arith.index_cast %get3A_765 : i32 to index
          %get3A_769 = arith.index_cast %rem3A_700 : i32 to index
          %get3A_770 = tpu.vector_load %arg9[%get3A_766, %get3A_767, %get3A_768, %get3A_769] {strides = array<i32>} : memref<8x3x2x128xf32, #tpu.memory_space<vmem>>, vector<16xf32>,
          %mul3A_771 = arith.mulf %get3A_770, %get3A_707 : vector<16xf32>
          tpu.vector_store_idx %arg14[%add3A_704, %broadcast_in_dim3A_17], %mul3A_771 : memref<768x8xf32, #tpu.memory_space<vmem>>[vector<16xi32>, vector<16xi32>], vector<16xf32>,
        }
        %scan3A_635 = arith.constant 24 : i32
        %scan3A_636 = arith.constant 0 : i32
        %scan3A_637 = arith.constant 0 : i32
        %scan3A_638 = arith.constant 24 : i32
        %scan3A_639 = arith.addi %scan3A_637, %scan3A_638 : i32
        %scan3A_640 = arith.constant 1 : i32
        scf.for %scan3A_672 = %scan3A_637 to %scan3A_639 step %scan3A_640  : i32 {
          %mul3A_673 = arith.constant 16 : i32
          %mul3A_674 = arith.muli %scan3A_672, %mul3A_673 : i32
          %jit3A_675 = arith.constant 8 : i32
          %div3A_676 = arith.divsi %scan3A_672, %jit3A_675 : i32
          %sign3A_677 = arith.constant 0 : i32
          %sign3A_678 = arith.cmpi sgt, %scan3A_672, %sign3A_677 : i32
          %sign3A_679 = arith.extui %sign3A_678 : i1 to i32
          %sign3A_680 = arith.constant 0 : i32
          %sign3A_681 = arith.cmpi slt, %scan3A_672, %sign3A_680 : i32
          %sign3A_682 = arith.extui %sign3A_681 : i1 to i32
          %sign3A_683 = arith.subi %sign3A_679, %sign3A_682 : i32
          %sign3A_684 = arith.constant 0 : i32
          %sign3A_685 = arith.cmpi sgt, %jit3A_675, %sign3A_684 : i32
          %sign3A_686 = arith.extui %sign3A_685 : i1 to i32
          %sign3A_687 = arith.constant 0 : i32
          %sign3A_688 = arith.cmpi slt, %jit3A_675, %sign3A_687 : i32
          %sign3A_689 = arith.extui %sign3A_688 : i1 to i32
          %sign3A_690 = arith.subi %sign3A_686, %sign3A_689 : i32
          %ne3A_691 = arith.cmpi ne, %sign3A_683, %sign3A_690 : i32
          %rem3A_692 = arith.remsi %scan3A_672, %jit3A_675 : i32
          %ne3A_693 = arith.constant 0 : i32
          %ne3A_694 = arith.cmpi ne, %rem3A_692, %ne3A_693 : i32
          %and3A_695 = arith.andi %ne3A_691, %ne3A_694 : i1
          %sub3A_696 = arith.constant 1 : i32
          %sub3A_697 = arith.subi %div3A_676, %sub3A_696 : i32
          %select_n3A_698 = arith.select %and3A_695, %sub3A_697, %div3A_676 : i32
          %rem3A_699 = arith.constant 128 : i32
          %rem3A_700 = arith.remsi %mul3A_674, %rem3A_699 : i32
          %add3A_701 = arith.constant 384 : i32
          %add3A_702 = arith.addi %add3A_701, %mul3A_674 : i32
          %add3A_703 = vector.broadcast %add3A_702 : i32 to vector<16xi32>
          %add3A_704 = arith.addi %iota3A, %add3A_703 : vector<16xi32>
          %get3A = arith.constant 3 : i32
          %get3A_705 = arith.index_cast %get3A : i32 to index
          %get3A_706 = arith.index_cast %add3A_702 : i32 to index
          %get3A_707 = tpu.vector_load %arg11[%get3A_705, %get3A_706] {strides = array<i32>} : memref<4x768xf32, #tpu.memory_space<vmem>>, vector<16xf32>,
          %get3A_708 = arith.constant 0 : i32
          %get3A_709 = arith.constant 1 : i32
          %get3A_710 = arith.index_cast %get3A_708 : i32 to index
          %get3A_711 = arith.index_cast %select_n3A_698 : i32 to index
          %get3A_712 = arith.index_cast %get3A_709 : i32 to index
          %get3A_713 = arith.index_cast %rem3A_700 : i32 to index
          %get3A_714 = tpu.vector_load %arg9[%get3A_710, %get3A_711, %get3A_712, %get3A_713] {strides = array<i32>} : memref<8x3x2x128xf32, #tpu.memory_space<vmem>>, vector<16xf32>,
          %mul3A_715 = arith.mulf %get3A_714, %get3A_707 : vector<16xf32>
          tpu.vector_store_idx %arg14[%add3A_704, %broadcast_in_dim3A_3], %mul3A_715 : memref<768x8xf32, #tpu.memory_space<vmem>>[vector<16xi32>, vector<16xi32>], vector<16xf32>,
          %get3A_716 = arith.constant 1 : i32
          %get3A_717 = arith.constant 1 : i32
          %get3A_718 = arith.index_cast %get3A_716 : i32 to index
          %get3A_719 = arith.index_cast %select_n3A_698 : i32 to index
          %get3A_720 = arith.index_cast %get3A_717 : i32 to index
          %get3A_721 = arith.index_cast %rem3A_700 : i32 to index
          %get3A_722 = tpu.vector_load %arg9[%get3A_718, %get3A_719, %get3A_720, %get3A_721] {strides = array<i32>} : memref<8x3x2x128xf32, #tpu.memory_space<vmem>>, vector<16xf32>,
          %mul3A_723 = arith.mulf %get3A_722, %get3A_707 : vector<16xf32>
          tpu.vector_store_idx %arg14[%add3A_704, %broadcast_in_dim3A_5], %mul3A_723 : memref<768x8xf32, #tpu.memory_space<vmem>>[vector<16xi32>, vector<16xi32>], vector<16xf32>,
          %get3A_724 = arith.constant 2 : i32
          %get3A_725 = arith.constant 1 : i32
          %get3A_726 = arith.index_cast %get3A_724 : i32 to index
          %get3A_727 = arith.index_cast %select_n3A_698 : i32 to index
          %get3A_728 = arith.index_cast %get3A_725 : i32 to index
          %get3A_729 = arith.index_cast %rem3A_700 : i32 to index
          %get3A_730 = tpu.vector_load %arg9[%get3A_726, %get3A_727, %get3A_728, %get3A_729] {strides = array<i32>} : memref<8x3x2x128xf32, #tpu.memory_space<vmem>>, vector<16xf32>,
          %mul3A_731 = arith.mulf %get3A_730, %get3A_707 : vector<16xf32>
          tpu.vector_store_idx %arg14[%add3A_704, %broadcast_in_dim3A_7], %mul3A_731 : memref<768x8xf32, #tpu.memory_space<vmem>>[vector<16xi32>, vector<16xi32>], vector<16xf32>,
          %get3A_732 = arith.constant 3 : i32
          %get3A_733 = arith.constant 1 : i32
          %get3A_734 = arith.index_cast %get3A_732 : i32 to index
          %get3A_735 = arith.index_cast %select_n3A_698 : i32 to index
          %get3A_736 = arith.index_cast %get3A_733 : i32 to index
          %get3A_737 = arith.index_cast %rem3A_700 : i32 to index
          %get3A_738 = tpu.vector_load %arg9[%get3A_734, %get3A_735, %get3A_736, %get3A_737] {strides = array<i32>} : memref<8x3x2x128xf32, #tpu.memory_space<vmem>>, vector<16xf32>,
          %mul3A_739 = arith.mulf %get3A_738, %get3A_707 : vector<16xf32>
          tpu.vector_store_idx %arg14[%add3A_704, %broadcast_in_dim3A_9], %mul3A_739 : memref<768x8xf32, #tpu.memory_space<vmem>>[vector<16xi32>, vector<16xi32>], vector<16xf32>,
          %get3A_740 = arith.constant 4 : i32
          %get3A_741 = arith.constant 1 : i32
          %get3A_742 = arith.index_cast %get3A_740 : i32 to index
          %get3A_743 = arith.index_cast %select_n3A_698 : i32 to index
          %get3A_744 = arith.index_cast %get3A_741 : i32 to index
          %get3A_745 = arith.index_cast %rem3A_700 : i32 to index
          %get3A_746 = tpu.vector_load %arg9[%get3A_742, %get3A_743, %get3A_744, %get3A_745] {strides = array<i32>} : memref<8x3x2x128xf32, #tpu.memory_space<vmem>>, vector<16xf32>,
          %mul3A_747 = arith.mulf %get3A_746, %get3A_707 : vector<16xf32>
          tpu.vector_store_idx %arg14[%add3A_704, %broadcast_in_dim3A_11], %mul3A_747 : memref<768x8xf32, #tpu.memory_space<vmem>>[vector<16xi32>, vector<16xi32>], vector<16xf32>,
          %get3A_748 = arith.constant 5 : i32
          %get3A_749 = arith.constant 1 : i32
          %get3A_750 = arith.index_cast %get3A_748 : i32 to index
          %get3A_751 = arith.index_cast %select_n3A_698 : i32 to index
          %get3A_752 = arith.index_cast %get3A_749 : i32 to index
          %get3A_753 = arith.index_cast %rem3A_700 : i32 to index
          %get3A_754 = tpu.vector_load %arg9[%get3A_750, %get3A_751, %get3A_752, %get3A_753] {strides = array<i32>} : memref<8x3x2x128xf32, #tpu.memory_space<vmem>>, vector<16xf32>,
          %mul3A_755 = arith.mulf %get3A_754, %get3A_707 : vector<16xf32>
          tpu.vector_store_idx %arg14[%add3A_704, %broadcast_in_dim3A_13], %mul3A_755 : memref<768x8xf32, #tpu.memory_space<vmem>>[vector<16xi32>, vector<16xi32>], vector<16xf32>,
          %get3A_756 = arith.constant 6 : i32
          %get3A_757 = arith.constant 1 : i32
          %get3A_758 = arith.index_cast %get3A_756 : i32 to index
          %get3A_759 = arith.index_cast %select_n3A_698 : i32 to index
          %get3A_760 = arith.index_cast %get3A_757 : i32 to index
          %get3A_761 = arith.index_cast %rem3A_700 : i32 to index
          %get3A_762 = tpu.vector_load %arg9[%get3A_758, %get3A_759, %get3A_760, %get3A_761] {strides = array<i32>} : memref<8x3x2x128xf32, #tpu.memory_space<vmem>>, vector<16xf32>,
          %mul3A_763 = arith.mulf %get3A_762, %get3A_707 : vector<16xf32>
          tpu.vector_store_idx %arg14[%add3A_704, %broadcast_in_dim3A_15], %mul3A_763 : memref<768x8xf32, #tpu.memory_space<vmem>>[vector<16xi32>, vector<16xi32>], vector<16xf32>,
          %get3A_764 = arith.constant 7 : i32
          %get3A_765 = arith.constant 1 : i32
          %get3A_766 = arith.index_cast %get3A_764 : i32 to index
          %get3A_767 = arith.index_cast %select_n3A_698 : i32 to index
          %get3A_768 = arith.index_cast %get3A_765 : i32 to index
          %get3A_769 = arith.index_cast %rem3A_700 : i32 to index
          %get3A_770 = tpu.vector_load %arg9[%get3A_766, %get3A_767, %get3A_768, %get3A_769] {strides = array<i32>} : memref<8x3x2x128xf32, #tpu.memory_space<vmem>>, vector<16xf32>,
          %mul3A_771 = arith.mulf %get3A_770, %get3A_707 : vector<16xf32>
          tpu.vector_store_idx %arg14[%add3A_704, %broadcast_in_dim3A_17], %mul3A_771 : memref<768x8xf32, #tpu.memory_space<vmem>>[vector<16xi32>, vector<16xi32>], vector<16xf32>,
        }
        %scan3A_641 = arith.constant 24 : i32
        %jit3A_642 = arith.constant 3 : i32
        %eq3A_643 = arith.constant 0 : i32
        %eq3A_644 = arith.cmpi eq, %jit3A_642, %eq3A_643 : i32
        %jit3A_645 = arith.constant 1 : i32
        %select_n3A_646 = arith.select %eq3A_644, %jit3A_645, %jit3A_642 : i32
        %rem3A_647 = arith.remsi %add3A_464, %select_n3A_646 : i32
        %ne3A_648 = arith.constant 0 : i32
        %ne3A_649 = arith.cmpi ne, %rem3A_647, %ne3A_648 : i32
        %lt3A_650 = arith.constant 0 : i32
        %lt3A_651 = arith.cmpi slt, %rem3A_647, %lt3A_650 : i32
        %lt3A_652 = arith.constant 0 : i32
        %lt3A_653 = arith.cmpi slt, %select_n3A_646, %lt3A_652 : i32
        %ne3A_654 = arith.xori %lt3A_651, %lt3A_653 : i1
        %and3A_655 = arith.andi %ne3A_654, %ne3A_649 : i1
        %add3A_656 = arith.addi %rem3A_647, %select_n3A_646 : i32
        %select_n3A_657 = arith.select %and3A_655, %add3A_656, %rem3A_647 : i32
        %dma_start3A_658 = arith.constant 3 : i32
        %dma_start3A_659 = arith.constant 0 : i32
        %dma_start3A_660 = tpu.memref_slice %arg12[%select_n3A_657, %dma_start3A_658, %dma_start3A_659] : memref<3x4x768xi32, #tpu.memory_space<vmem>> -> memref<1x1x768xi32, #tpu.memory_space<vmem>>
        %dma_start3A_661 = tpu.memref_squeeze %dma_start3A_660 : memref<1x1x768xi32, #tpu.memory_space<vmem>> -> memref<768xi32, #tpu.memory_space<vmem>>
        %dma_start3A_662 = arith.constant 0 : i32
        %dma_start3A_663 = arith.constant 0 : i32
        %dma_start3A_664 = tpu.memref_slice %arg7[%dma_start3A_662, %dma_start3A_663] : memref<147456x8xf32, #tpu.memory_space<vmem_shared>> -> memref<147456x8xf32, #tpu.memory_space<vmem_shared>>
        tpu.enqueue_indirect_dma source(%arg14 : memref<768x8xf32, #tpu.memory_space<vmem>>) target(%dma_start3A_664 : memref<147456x8xf32, #tpu.memory_space<vmem_shared>>) offsets(%dma_start3A_661 : memref<768xi32, #tpu.memory_space<vmem>>) semaphore(%arg18 : memref<!tpu.dma_semaphore, #tpu.memory_space<semaphore_mem>>) {add = true}
        %add3A_665 = arith.constant 2 : i32
        %add3A_666 = arith.addi %add3A_464, %add3A_665 : i32
        %lt3A_667 = arith.constant 12 : i32
        %lt3A_668 = arith.cmpi slt, %add3A_666, %lt3A_667 : i32
        %convert_element_type3A_669 = arith.extui %lt3A_668 : i1 to i32
        %cond3A_670 = arith.constant 0 : i32
        %cond3A_671 = arith.cmpi ne, %convert_element_type3A_669, %cond3A_670 : i32
        scf.if %cond3A_671 {
          %add3A_672 = arith.constant 2 : i32
          %add3A_673 = arith.addi %add3A_464, %add3A_672 : i32
          %mul3A_674 = arith.constant 768 : i32
          %mul3A_675 = arith.muli %add3A_673, %mul3A_674 : i32
          %add3A_676 = arith.addi %mul3A_0, %mul3A_675 : i32
          %mul3A_677 = arith.constant 2 : i32
          %mul3A_678 = arith.muli %add3A_673, %mul3A_677 : i32
          %add3A_679 = arith.addi %mul3A_2, %mul3A_678 : i32
          %jit3A_680 = arith.constant 8 : i32
          %div3A_681 = arith.divsi %add3A_679, %jit3A_680 : i32
          %sign3A_682 = arith.constant 0 : i32
          %sign3A_683 = arith.cmpi sgt, %add3A_679, %sign3A_682 : i32
          %sign3A_684 = arith.extui %sign3A_683 : i1 to i32
          %sign3A_685 = arith.constant 0 : i32
          %sign3A_686 = arith.cmpi slt, %add3A_679, %sign3A_685 : i32
          %sign3A_687 = arith.extui %sign3A_686 : i1 to i32
          %sign3A_688 = arith.subi %sign3A_684, %sign3A_687 : i32
          %sign3A_689 = arith.constant 0 : i32
          %sign3A_690 = arith.cmpi sgt, %jit3A_680, %sign3A_689 : i32
          %sign3A_691 = arith.extui %sign3A_690 : i1 to i32
          %sign3A_692 = arith.constant 0 : i32
          %sign3A_693 = arith.cmpi slt, %jit3A_680, %sign3A_692 : i32
          %sign3A_694 = arith.extui %sign3A_693 : i1 to i32
          %sign3A_695 = arith.subi %sign3A_691, %sign3A_694 : i32
          %ne3A_696 = arith.cmpi ne, %sign3A_688, %sign3A_695 : i32
          %rem3A_697 = arith.remsi %add3A_679, %jit3A_680 : i32
          %ne3A_698 = arith.constant 0 : i32
          %ne3A_699 = arith.cmpi ne, %rem3A_697, %ne3A_698 : i32
          %and3A_700 = arith.andi %ne3A_696, %ne3A_699 : i1
          %sub3A_701 = arith.constant 1 : i32
          %sub3A_702 = arith.subi %div3A_681, %sub3A_701 : i32
          %select_n3A_703 = arith.select %and3A_700, %sub3A_702, %div3A_681 : i32
          %rem3A_704 = arith.constant 8 : i32
          %rem3A_705 = arith.remsi %add3A_679, %rem3A_704 : i32
          %mul3A_706 = arith.constant 8 : i32
          %mul3A_707 = arith.muli %add3A, %mul3A_706 : i32
          %dma_start3A_708 = arith.constant 0 : i32
          %dma_start3A_709 = arith.constant 0 : i32
          %dma_start3A_710 = tpu.memref_slice %arg2[%select_n3A, %mul3A_707, %select_n3A_703, %dma_start3A_708, %rem3A_705, %dma_start3A_709] : memref<2x96x48x3x8x128xf32, #tpu.memory_space<hbm>> -> memref<1x8x1x3x2x128xf32, #tpu.memory_space<hbm>>
          %dma_start3A_711 = tpu.memref_squeeze %dma_start3A_710 : memref<1x8x1x3x2x128xf32, #tpu.memory_space<hbm>> -> memref<8x3x2x128xf32, #tpu.memory_space<hbm>>
          %dma_start3A_712 = arith.constant 0 : i32
          %dma_start3A_713 = arith.constant 0 : i32
          %dma_start3A_714 = tpu.memref_slice %arg2[%select_n3A, %mul3A_707, %select_n3A_703, %dma_start3A_712, %rem3A_705, %dma_start3A_713] : memref<2x96x48x3x8x128xf32, #tpu.memory_space<hbm>> -> memref<1x8x1x3x2x128xf32, #tpu.memory_space<hbm>>
          %dma_start3A_715 = tpu.memref_squeeze %dma_start3A_714 : memref<1x8x1x3x2x128xf32, #tpu.memory_space<hbm>> -> memref<8x3x2x128xf32, #tpu.memory_space<hbm>>
          tpu.enqueue_dma source(%dma_start3A_715 : memref<8x3x2x128xf32, #tpu.memory_space<hbm>>) target(%arg9 : memref<8x3x2x128xf32, #tpu.memory_space<vmem>>) target_semaphore(%arg16 : memref<!tpu.dma_semaphore, #tpu.memory_space<semaphore_mem>>)
          %dma_start3A_716 = arith.constant 0 : i32
          %dma_start3A_717 = tpu.memref_slice %arg4[%select_n3A, %dma_start3A_716, %add3A_676] : memref<2x4x147456xf32, #tpu.memory_space<hbm>> -> memref<1x4x768xf32, #tpu.memory_space<hbm>>
          %dma_start3A_718 = tpu.memref_squeeze %dma_start3A_717 : memref<1x4x768xf32, #tpu.memory_space<hbm>> -> memref<4x768xf32, #tpu.memory_space<hbm>>
          %dma_start3A_719 = arith.constant 0 : i32
          %dma_start3A_720 = tpu.memref_slice %arg4[%select_n3A, %dma_start3A_719, %add3A_676] : memref<2x4x147456xf32, #tpu.memory_space<hbm>> -> memref<1x4x768xf32, #tpu.memory_space<hbm>>
          %dma_start3A_721 = tpu.memref_squeeze %dma_start3A_720 : memref<1x4x768xf32, #tpu.memory_space<hbm>> -> memref<4x768xf32, #tpu.memory_space<hbm>>
          tpu.enqueue_dma source(%dma_start3A_721 : memref<4x768xf32, #tpu.memory_space<hbm>>) target(%arg11 : memref<4x768xf32, #tpu.memory_space<vmem>>) target_semaphore(%arg16 : memref<!tpu.dma_semaphore, #tpu.memory_space<semaphore_mem>>)
          %jit3A_722 = arith.constant 3 : i32
          %eq3A_723 = arith.constant 0 : i32
          %eq3A_724 = arith.cmpi eq, %jit3A_722, %eq3A_723 : i32
          %jit3A_725 = arith.constant 1 : i32
          %select_n3A_726 = arith.select %eq3A_724, %jit3A_725, %jit3A_722 : i32
          %rem3A_727 = arith.remsi %add3A_673, %select_n3A_726 : i32
          %ne3A_728 = arith.constant 0 : i32
          %ne3A_729 = arith.cmpi ne, %rem3A_727, %ne3A_728 : i32
          %lt3A_730 = arith.constant 0 : i32
          %lt3A_731 = arith.cmpi slt, %rem3A_727, %lt3A_730 : i32
          %lt3A_732 = arith.constant 0 : i32
          %lt3A_733 = arith.cmpi slt, %select_n3A_726, %lt3A_732 : i32
          %ne3A_734 = arith.xori %lt3A_731, %lt3A_733 : i1
          %and3A_735 = arith.andi %ne3A_734, %ne3A_729 : i1
          %add3A_736 = arith.addi %rem3A_727, %select_n3A_726 : i32
          %select_n3A_737 = arith.select %and3A_735, %add3A_736, %rem3A_727 : i32
          %dma_start3A_738 = arith.constant 0 : i32
          %dma_start3A_739 = arith.constant 0 : i32
          %dma_start3A_740 = tpu.memref_slice %arg12[%select_n3A_737, %dma_start3A_738, %dma_start3A_739] : memref<3x4x768xi32, #tpu.memory_space<vmem>> -> memref<1x4x768xi32, #tpu.memory_space<vmem>>
          %dma_start3A_741 = tpu.memref_squeeze %dma_start3A_740 : memref<1x4x768xi32, #tpu.memory_space<vmem>> -> memref<4x768xi32, #tpu.memory_space<vmem>>
          %dma_start3A_742 = arith.constant 0 : i32
          %dma_start3A_743 = tpu.memref_slice %arg3[%select_n3A, %dma_start3A_742, %add3A_676] : memref<2x4x147456xi32, #tpu.memory_space<hbm>> -> memref<1x4x768xi32, #tpu.memory_space<hbm>>
          %dma_start3A_744 = tpu.memref_squeeze %dma_start3A_743 : memref<1x4x768xi32, #tpu.memory_space<hbm>> -> memref<4x768xi32, #tpu.memory_space<hbm>>
          %dma_start3A_745 = arith.constant 0 : i32
          %dma_start3A_746 = arith.constant 0 : i32
          %dma_start3A_747 = tpu.memref_slice %arg12[%select_n3A_737, %dma_start3A_745, %dma_start3A_746] : memref<3x4x768xi32, #tpu.memory_space<vmem>> -> memref<1x4x768xi32, #tpu.memory_space<vmem>>
          %dma_start3A_748 = tpu.memref_squeeze %dma_start3A_747 : memref<1x4x768xi32, #tpu.memory_space<vmem>> -> memref<4x768xi32, #tpu.memory_space<vmem>>
          %dma_start3A_749 = arith.constant 0 : i32
          %dma_start3A_750 = tpu.memref_slice %arg3[%select_n3A, %dma_start3A_749, %add3A_676] : memref<2x4x147456xi32, #tpu.memory_space<hbm>> -> memref<1x4x768xi32, #tpu.memory_space<hbm>>
          %dma_start3A_751 = tpu.memref_squeeze %dma_start3A_750 : memref<1x4x768xi32, #tpu.memory_space<hbm>> -> memref<4x768xi32, #tpu.memory_space<hbm>>
          tpu.enqueue_dma source(%dma_start3A_751 : memref<4x768xi32, #tpu.memory_space<hbm>>) target(%dma_start3A_748 : memref<4x768xi32, #tpu.memory_space<vmem>>) target_semaphore(%arg16 : memref<!tpu.dma_semaphore, #tpu.memory_space<semaphore_mem>>)
        } else {
        }
      }
      %scan3A_172 = arith.constant 6 : i32
      %dma_wait3A = arith.constant 0 : i32
      %dma_wait3A_173 = arith.constant 2 : i32
      %dma_wait3A_174 = arith.constant 0 : i32
      %dma_wait3A_175 = tpu.memref_slice %arg12[%dma_wait3A, %dma_wait3A_173, %dma_wait3A_174] : memref<3x4x768xi32, #tpu.memory_space<vmem>> -> memref<1x1x768xi32, #tpu.memory_space<vmem>>
      %dma_wait3A_176 = tpu.memref_squeeze %dma_wait3A_175 : memref<1x1x768xi32, #tpu.memory_space<vmem>> -> memref<768xi32, #tpu.memory_space<vmem>>
      %dma_wait3A_177 = arith.constant 0 : i32
      %dma_wait3A_178 = arith.constant 0 : i32
      %dma_wait3A_179 = tpu.memref_slice %arg7[%dma_wait3A_177, %dma_wait3A_178] : memref<147456x8xf32, #tpu.memory_space<vmem_shared>> -> memref<147456x8xf32, #tpu.memory_space<vmem_shared>>
      tpu.wait_indirect_dma semaphore(%arg17 : memref<!tpu.dma_semaphore, #tpu.memory_space<semaphore_mem>>) src(%arg13 : memref<768x8xf32, #tpu.memory_space<vmem>>) dst(%dma_wait3A_179 : memref<147456x8xf32, #tpu.memory_space<vmem_shared>>)
      %dma_wait3A_180 = arith.constant 0 : i32
      %dma_wait3A_181 = arith.constant 3 : i32
      %dma_wait3A_182 = arith.constant 0 : i32
      %dma_wait3A_183 = tpu.memref_slice %arg12[%dma_wait3A_180, %dma_wait3A_181, %dma_wait3A_182] : memref<3x4x768xi32, #tpu.memory_space<vmem>> -> memref<1x1x768xi32, #tpu.memory_space<vmem>>
      %dma_wait3A_184 = tpu.memref_squeeze %dma_wait3A_183 : memref<1x1x768xi32, #tpu.memory_space<vmem>> -> memref<768xi32, #tpu.memory_space<vmem>>
      %dma_wait3A_185 = arith.constant 0 : i32
      %dma_wait3A_186 = arith.constant 0 : i32
      %dma_wait3A_187 = tpu.memref_slice %arg7[%dma_wait3A_185, %dma_wait3A_186] : memref<147456x8xf32, #tpu.memory_space<vmem_shared>> -> memref<147456x8xf32, #tpu.memory_space<vmem_shared>>
      tpu.wait_indirect_dma semaphore(%arg18 : memref<!tpu.dma_semaphore, #tpu.memory_space<semaphore_mem>>) src(%arg14 : memref<768x8xf32, #tpu.memory_space<vmem>>) dst(%dma_wait3A_187 : memref<147456x8xf32, #tpu.memory_space<vmem_shared>>)
      %barrier3A_188 = arith.constant 0 : index
      tpu.barrier barrier_id(%barrier3A_188)
      %add3A_189 = arith.constant 0 : i32
      %add3A_190 = arith.addi %mul3A_0, %add3A_189 : i32
      %dma_start3A_191 = arith.constant 0 : i32
      %dma_start3A_192 = tpu.memref_slice %arg7[%add3A_190, %dma_start3A_191] : memref<147456x8xf32, #tpu.memory_space<vmem_shared>> -> memref<768x8xf32, #tpu.memory_space<vmem_shared>>
      %dma_start3A_193 = arith.constant 0 : i32
      %dma_start3A_194 = tpu.memref_slice %arg7[%add3A_190, %dma_start3A_193] : memref<147456x8xf32, #tpu.memory_space<vmem_shared>> -> memref<768x8xf32, #tpu.memory_space<vmem_shared>>
      tpu.enqueue_dma source(%dma_start3A_194 : memref<768x8xf32, #tpu.memory_space<vmem_shared>>) target(%arg13 : memref<768x8xf32, #tpu.memory_space<vmem>>) target_semaphore(%arg15 : memref<!tpu.dma_semaphore, #tpu.memory_space<semaphore_mem>>)
      %scan3A_195 = arith.constant 0 : i32
      %scan3A_196 = arith.constant 0 : i32
      %scan3A_197 = arith.constant 6 : i32
      %scan3A_198 = arith.addi %scan3A_196, %scan3A_197 : i32
      %scan3A_199 = arith.constant 1 : i32
      scf.for %scan3A_251 = %scan3A_196 to %scan3A_198 step %scan3A_199  : i32 {
        %mul3A_252 = arith.constant 2 : i32
        %mul3A_253 = arith.muli %mul3A_252, %scan3A_251 : i32
        %add3A_254 = arith.constant 0 : i32
        %add3A_255 = arith.addi %mul3A_253, %add3A_254 : i32
        %add3A_256 = arith.constant 1 : i32
        %add3A_257 = arith.addi %add3A_255, %add3A_256 : i32
        %lt3A = arith.constant 12 : i32
        %lt3A_258 = arith.cmpi slt, %add3A_257, %lt3A : i32
        %convert_element_type3A_259 = arith.extui %lt3A_258 : i1 to i32
        %cond3A_260 = arith.constant 0 : i32
        %cond3A_261 = arith.cmpi ne, %convert_element_type3A_259, %cond3A_260 : i32
        scf.if %cond3A_261 {
          %add3A_402 = arith.constant 1 : i32
          %add3A_403 = arith.addi %add3A_255, %add3A_402 : i32
          %mul3A_404 = arith.constant 768 : i32
          %mul3A_405 = arith.muli %add3A_403, %mul3A_404 : i32
          %add3A_406 = arith.addi %mul3A_0, %mul3A_405 : i32
          %dma_start3A_407 = arith.constant 0 : i32
          %dma_start3A_408 = tpu.memref_slice %arg7[%add3A_406, %dma_start3A_407] : memref<147456x8xf32, #tpu.memory_space<vmem_shared>> -> memref<768x8xf32, #tpu.memory_space<vmem_shared>>
          %dma_start3A_409 = arith.constant 0 : i32
          %dma_start3A_410 = tpu.memref_slice %arg7[%add3A_406, %dma_start3A_409] : memref<147456x8xf32, #tpu.memory_space<vmem_shared>> -> memref<768x8xf32, #tpu.memory_space<vmem_shared>>
          tpu.enqueue_dma source(%dma_start3A_410 : memref<768x8xf32, #tpu.memory_space<vmem_shared>>) target(%arg14 : memref<768x8xf32, #tpu.memory_space<vmem>>) target_semaphore(%arg16 : memref<!tpu.dma_semaphore, #tpu.memory_space<semaphore_mem>>)
        } else {
        }
        %dma_wait3A_262 = arith.constant 0 : i32
        %dma_wait3A_263 = tpu.memref_slice %arg7[%mul3A_0, %dma_wait3A_262] : memref<147456x8xf32, #tpu.memory_space<vmem_shared>> -> memref<768x8xf32, #tpu.memory_space<vmem_shared>>
        %dma_wait3A_264 = arith.constant 0 : i32
        %dma_wait3A_265 = tpu.memref_slice %arg7[%mul3A_0, %dma_wait3A_264] : memref<147456x8xf32, #tpu.memory_space<vmem_shared>> -> memref<768x8xf32, #tpu.memory_space<vmem_shared>>
        tpu.wait_dma2 semaphore(%arg15 : memref<!tpu.dma_semaphore, #tpu.memory_space<semaphore_mem>>) src(%dma_wait3A_265 : memref<768x8xf32, #tpu.memory_space<vmem_shared>>) dst(%arg13 : memref<768x8xf32, #tpu.memory_space<vmem>>)
        %mul3A_266 = arith.constant 768 : i32
        %mul3A_267 = arith.muli %add3A_255, %mul3A_266 : i32
        %add3A_268 = arith.addi %mul3A_0, %mul3A_267 : i32
        %dma_start3A_269 = arith.constant 0 : i32
        %dma_start3A_270 = tpu.memref_slice %arg7[%add3A_268, %dma_start3A_269] : memref<147456x8xf32, #tpu.memory_space<vmem_shared>> -> memref<768x8xf32, #tpu.memory_space<vmem_shared>>
        tpu.enqueue_dma source(%arg5 : memref<768x8xf32, #tpu.memory_space<hbm>>) target(%dma_start3A_270 : memref<768x8xf32, #tpu.memory_space<vmem_shared>>) target_semaphore(%arg19 : memref<!tpu.dma_semaphore, #tpu.memory_space<semaphore_mem>>)
        %ge3A = arith.constant 2 : i32
        %ge3A_271 = arith.cmpi sge, %add3A_255, %ge3A : i32
        %convert_element_type3A_272 = arith.extui %ge3A_271 : i1 to i32
        %cond3A_273 = arith.constant 0 : i32
        %cond3A_274 = arith.cmpi ne, %convert_element_type3A_272, %cond3A_273 : i32
        scf.if %cond3A_274 {
          %mul3A_402 = arith.constant 8 : i32
          %mul3A_403 = arith.muli %add3A, %mul3A_402 : i32
          %dma_wait3A_404 = arith.constant 0 : i32
          %dma_wait3A_405 = arith.constant 0 : i32
          %dma_wait3A_406 = arith.constant 0 : i32
          %dma_wait3A_407 = arith.constant 0 : i32
          %dma_wait3A_408 = tpu.memref_slice %arg6[%select_n3A, %mul3A_403, %dma_wait3A_404, %dma_wait3A_405, %dma_wait3A_406, %dma_wait3A_407] : memref<2x96x48x3x8x128xf32, #tpu.memory_space<hbm>> -> memref<1x8x1x3x2x128xf32, #tpu.memory_space<hbm>>
          %dma_wait3A_409 = tpu.memref_squeeze %dma_wait3A_408 : memref<1x8x1x3x2x128xf32, #tpu.memory_space<hbm>> -> memref<8x3x2x128xf32, #tpu.memory_space<hbm>>
          %dma_wait3A_410 = arith.constant 0 : i32
          %dma_wait3A_411 = arith.constant 0 : i32
          %dma_wait3A_412 = arith.constant 0 : i32
          %dma_wait3A_413 = tpu.memref_slice %arg6[%select_n3A, %mul3A_403, %dma_wait3A_404, %dma_wait3A_410, %dma_wait3A_411, %dma_wait3A_412] : memref<2x96x48x3x8x128xf32, #tpu.memory_space<hbm>> -> memref<1x8x1x3x2x128xf32, #tpu.memory_space<hbm>>
          %dma_wait3A_414 = tpu.memref_squeeze %dma_wait3A_413 : memref<1x8x1x3x2x128xf32, #tpu.memory_space<hbm>> -> memref<8x3x2x128xf32, #tpu.memory_space<hbm>>
          tpu.wait_dma2 semaphore(%arg17 : memref<!tpu.dma_semaphore, #tpu.memory_space<semaphore_mem>>) src(%arg8 : memref<8x3x2x128xf32, #tpu.memory_space<vmem>>) dst(%dma_wait3A_414 : memref<8x3x2x128xf32, #tpu.memory_space<hbm>>)
        } else {
        }
        %scan3A_275 = arith.constant 0 : i32
        %scan3A_276 = arith.constant 0 : i32
        %scan3A_277 = arith.constant 24 : i32
        %scan3A_278 = arith.addi %scan3A_276, %scan3A_277 : i32
        %scan3A_279 = arith.constant 1 : i32
        scf.for %scan3A_402 = %scan3A_276 to %scan3A_278 step %scan3A_279  : i32 {
          %mul3A_403 = arith.constant 16 : i32
          %mul3A_404 = arith.muli %scan3A_402, %mul3A_403 : i32
          %jit3A_405 = arith.constant 8 : i32
          %div3A_406 = arith.divsi %scan3A_402, %jit3A_405 : i32
          %sign3A_407 = arith.constant 0 : i32
          %sign3A_408 = arith.cmpi sgt, %scan3A_402, %sign3A_407 : i32
          %sign3A_409 = arith.extui %sign3A_408 : i1 to i32
          %sign3A_410 = arith.constant 0 : i32
          %sign3A_411 = arith.cmpi slt, %scan3A_402, %sign3A_410 : i32
          %sign3A_412 = arith.extui %sign3A_411 : i1 to i32
          %sign3A_413 = arith.subi %sign3A_409, %sign3A_412 : i32
          %sign3A_414 = arith.constant 0 : i32
          %sign3A_415 = arith.cmpi sgt, %jit3A_405, %sign3A_414 : i32
          %sign3A_416 = arith.extui %sign3A_415 : i1 to i32
          %sign3A_417 = arith.constant 0 : i32
          %sign3A_418 = arith.cmpi slt, %jit3A_405, %sign3A_417 : i32
          %sign3A_419 = arith.extui %sign3A_418 : i1 to i32
          %sign3A_420 = arith.subi %sign3A_416, %sign3A_419 : i32
          %ne3A_421 = arith.cmpi ne, %sign3A_413, %sign3A_420 : i32
          %rem3A_422 = arith.remsi %scan3A_402, %jit3A_405 : i32
          %ne3A_423 = arith.constant 0 : i32
          %ne3A_424 = arith.cmpi ne, %rem3A_422, %ne3A_423 : i32
          %and3A_425 = arith.andi %ne3A_421, %ne3A_424 : i1
          %sub3A_426 = arith.constant 1 : i32
          %sub3A_427 = arith.subi %div3A_406, %sub3A_426 : i32
          %select_n3A_428 = arith.select %and3A_425, %sub3A_427, %div3A_406 : i32
          %rem3A_429 = arith.constant 128 : i32
          %rem3A_430 = arith.remsi %mul3A_404, %rem3A_429 : i32
          %add3A_431 = arith.constant 0 : i32
          %add3A_432 = arith.addi %add3A_431, %mul3A_404 : i32
          %add3A_433 = vector.broadcast %add3A_432 : i32 to vector<16xi32>
          %add3A_434 = arith.addi %iota3A, %add3A_433 : vector<16xi32>
          %gather3A = tpu.vector_load_idx %arg13[%add3A_434, %broadcast_in_dim3A_3] : memref<768x8xf32, #tpu.memory_space<vmem>>[vector<16xi32>, vector<16xi32>], vector<16xf32>,
          %swap3A = arith.constant 0 : i32
          %swap3A_435 = arith.constant 0 : i32
          %swap3A_436 = arith.index_cast %swap3A : i32 to index
          %swap3A_437 = arith.index_cast %select_n3A_428 : i32 to index
          %swap3A_438 = arith.index_cast %swap3A_435 : i32 to index
          %swap3A_439 = arith.index_cast %rem3A_430 : i32 to index
          %swap3A_440 = tpu.vector_load %arg8[%swap3A_436, %swap3A_437, %swap3A_438, %swap3A_439] {strides = array<i32>} : memref<8x3x2x128xf32, #tpu.memory_space<vmem>>, vector<16xf32>,
          tpu.vector_store %arg8[%swap3A_436, %swap3A_437, %swap3A_438, %swap3A_439], %gather3A {strides = array<i32>} : memref<8x3x2x128xf32, #tpu.memory_space<vmem>>, vector<16xf32>,
          %gather3A_441 = tpu.vector_load_idx %arg13[%add3A_434, %broadcast_in_dim3A_5] : memref<768x8xf32, #tpu.memory_space<vmem>>[vector<16xi32>, vector<16xi32>], vector<16xf32>,
          %swap3A_442 = arith.constant 1 : i32
          %swap3A_443 = arith.constant 0 : i32
          %swap3A_444 = arith.index_cast %swap3A_442 : i32 to index
          %swap3A_445 = arith.index_cast %select_n3A_428 : i32 to index
          %swap3A_446 = arith.index_cast %swap3A_443 : i32 to index
          %swap3A_447 = arith.index_cast %rem3A_430 : i32 to index
          %swap3A_448 = tpu.vector_load %arg8[%swap3A_444, %swap3A_445, %swap3A_446, %swap3A_447] {strides = array<i32>} : memref<8x3x2x128xf32, #tpu.memory_space<vmem>>, vector<16xf32>,
          tpu.vector_store %arg8[%swap3A_444, %swap3A_445, %swap3A_446, %swap3A_447], %gather3A_441 {strides = array<i32>} : memref<8x3x2x128xf32, #tpu.memory_space<vmem>>, vector<16xf32>,
          %gather3A_449 = tpu.vector_load_idx %arg13[%add3A_434, %broadcast_in_dim3A_7] : memref<768x8xf32, #tpu.memory_space<vmem>>[vector<16xi32>, vector<16xi32>], vector<16xf32>,
          %swap3A_450 = arith.constant 2 : i32
          %swap3A_451 = arith.constant 0 : i32
          %swap3A_452 = arith.index_cast %swap3A_450 : i32 to index
          %swap3A_453 = arith.index_cast %select_n3A_428 : i32 to index
          %swap3A_454 = arith.index_cast %swap3A_451 : i32 to index
          %swap3A_455 = arith.index_cast %rem3A_430 : i32 to index
          %swap3A_456 = tpu.vector_load %arg8[%swap3A_452, %swap3A_453, %swap3A_454, %swap3A_455] {strides = array<i32>} : memref<8x3x2x128xf32, #tpu.memory_space<vmem>>, vector<16xf32>,
          tpu.vector_store %arg8[%swap3A_452, %swap3A_453, %swap3A_454, %swap3A_455], %gather3A_449 {strides = array<i32>} : memref<8x3x2x128xf32, #tpu.memory_space<vmem>>, vector<16xf32>,
          %gather3A_457 = tpu.vector_load_idx %arg13[%add3A_434, %broadcast_in_dim3A_9] : memref<768x8xf32, #tpu.memory_space<vmem>>[vector<16xi32>, vector<16xi32>], vector<16xf32>,
          %swap3A_458 = arith.constant 3 : i32
          %swap3A_459 = arith.constant 0 : i32
          %swap3A_460 = arith.index_cast %swap3A_458 : i32 to index
          %swap3A_461 = arith.index_cast %select_n3A_428 : i32 to index
          %swap3A_462 = arith.index_cast %swap3A_459 : i32 to index
          %swap3A_463 = arith.index_cast %rem3A_430 : i32 to index
          %swap3A_464 = tpu.vector_load %arg8[%swap3A_460, %swap3A_461, %swap3A_462, %swap3A_463] {strides = array<i32>} : memref<8x3x2x128xf32, #tpu.memory_space<vmem>>, vector<16xf32>,
          tpu.vector_store %arg8[%swap3A_460, %swap3A_461, %swap3A_462, %swap3A_463], %gather3A_457 {strides = array<i32>} : memref<8x3x2x128xf32, #tpu.memory_space<vmem>>, vector<16xf32>,
          %gather3A_465 = tpu.vector_load_idx %arg13[%add3A_434, %broadcast_in_dim3A_11] : memref<768x8xf32, #tpu.memory_space<vmem>>[vector<16xi32>, vector<16xi32>], vector<16xf32>,
          %swap3A_466 = arith.constant 4 : i32
          %swap3A_467 = arith.constant 0 : i32
          %swap3A_468 = arith.index_cast %swap3A_466 : i32 to index
          %swap3A_469 = arith.index_cast %select_n3A_428 : i32 to index
          %swap3A_470 = arith.index_cast %swap3A_467 : i32 to index
          %swap3A_471 = arith.index_cast %rem3A_430 : i32 to index
          %swap3A_472 = tpu.vector_load %arg8[%swap3A_468, %swap3A_469, %swap3A_470, %swap3A_471] {strides = array<i32>} : memref<8x3x2x128xf32, #tpu.memory_space<vmem>>, vector<16xf32>,
          tpu.vector_store %arg8[%swap3A_468, %swap3A_469, %swap3A_470, %swap3A_471], %gather3A_465 {strides = array<i32>} : memref<8x3x2x128xf32, #tpu.memory_space<vmem>>, vector<16xf32>,
          %gather3A_473 = tpu.vector_load_idx %arg13[%add3A_434, %broadcast_in_dim3A_13] : memref<768x8xf32, #tpu.memory_space<vmem>>[vector<16xi32>, vector<16xi32>], vector<16xf32>,
          %swap3A_474 = arith.constant 5 : i32
          %swap3A_475 = arith.constant 0 : i32
          %swap3A_476 = arith.index_cast %swap3A_474 : i32 to index
          %swap3A_477 = arith.index_cast %select_n3A_428 : i32 to index
          %swap3A_478 = arith.index_cast %swap3A_475 : i32 to index
          %swap3A_479 = arith.index_cast %rem3A_430 : i32 to index
          %swap3A_480 = tpu.vector_load %arg8[%swap3A_476, %swap3A_477, %swap3A_478, %swap3A_479] {strides = array<i32>} : memref<8x3x2x128xf32, #tpu.memory_space<vmem>>, vector<16xf32>,
          tpu.vector_store %arg8[%swap3A_476, %swap3A_477, %swap3A_478, %swap3A_479], %gather3A_473 {strides = array<i32>} : memref<8x3x2x128xf32, #tpu.memory_space<vmem>>, vector<16xf32>,
          %gather3A_481 = tpu.vector_load_idx %arg13[%add3A_434, %broadcast_in_dim3A_15] : memref<768x8xf32, #tpu.memory_space<vmem>>[vector<16xi32>, vector<16xi32>], vector<16xf32>,
          %swap3A_482 = arith.constant 6 : i32
          %swap3A_483 = arith.constant 0 : i32
          %swap3A_484 = arith.index_cast %swap3A_482 : i32 to index
          %swap3A_485 = arith.index_cast %select_n3A_428 : i32 to index
          %swap3A_486 = arith.index_cast %swap3A_483 : i32 to index
          %swap3A_487 = arith.index_cast %rem3A_430 : i32 to index
          %swap3A_488 = tpu.vector_load %arg8[%swap3A_484, %swap3A_485, %swap3A_486, %swap3A_487] {strides = array<i32>} : memref<8x3x2x128xf32, #tpu.memory_space<vmem>>, vector<16xf32>,
          tpu.vector_store %arg8[%swap3A_484, %swap3A_485, %swap3A_486, %swap3A_487], %gather3A_481 {strides = array<i32>} : memref<8x3x2x128xf32, #tpu.memory_space<vmem>>, vector<16xf32>,
          %gather3A_489 = tpu.vector_load_idx %arg13[%add3A_434, %broadcast_in_dim3A_17] : memref<768x8xf32, #tpu.memory_space<vmem>>[vector<16xi32>, vector<16xi32>], vector<16xf32>,
          %swap3A_490 = arith.constant 7 : i32
          %swap3A_491 = arith.constant 0 : i32
          %swap3A_492 = arith.index_cast %swap3A_490 : i32 to index
          %swap3A_493 = arith.index_cast %select_n3A_428 : i32 to index
          %swap3A_494 = arith.index_cast %swap3A_491 : i32 to index
          %swap3A_495 = arith.index_cast %rem3A_430 : i32 to index
          %swap3A_496 = tpu.vector_load %arg8[%swap3A_492, %swap3A_493, %swap3A_494, %swap3A_495] {strides = array<i32>} : memref<8x3x2x128xf32, #tpu.memory_space<vmem>>, vector<16xf32>,
          tpu.vector_store %arg8[%swap3A_492, %swap3A_493, %swap3A_494, %swap3A_495], %gather3A_489 {strides = array<i32>} : memref<8x3x2x128xf32, #tpu.memory_space<vmem>>, vector<16xf32>,
        }
        %scan3A_280 = arith.constant 24 : i32
        %scan3A_281 = arith.constant 0 : i32
        %scan3A_282 = arith.constant 0 : i32
        %scan3A_283 = arith.constant 24 : i32
        %scan3A_284 = arith.addi %scan3A_282, %scan3A_283 : i32
        %scan3A_285 = arith.constant 1 : i32
        scf.for %scan3A_402 = %scan3A_282 to %scan3A_284 step %scan3A_285  : i32 {
          %mul3A_403 = arith.constant 16 : i32
          %mul3A_404 = arith.muli %scan3A_402, %mul3A_403 : i32
          %jit3A_405 = arith.constant 8 : i32
          %div3A_406 = arith.divsi %scan3A_402, %jit3A_405 : i32
          %sign3A_407 = arith.constant 0 : i32
          %sign3A_408 = arith.cmpi sgt, %scan3A_402, %sign3A_407 : i32
          %sign3A_409 = arith.extui %sign3A_408 : i1 to i32
          %sign3A_410 = arith.constant 0 : i32
          %sign3A_411 = arith.cmpi slt, %scan3A_402, %sign3A_410 : i32
          %sign3A_412 = arith.extui %sign3A_411 : i1 to i32
          %sign3A_413 = arith.subi %sign3A_409, %sign3A_412 : i32
          %sign3A_414 = arith.constant 0 : i32
          %sign3A_415 = arith.cmpi sgt, %jit3A_405, %sign3A_414 : i32
          %sign3A_416 = arith.extui %sign3A_415 : i1 to i32
          %sign3A_417 = arith.constant 0 : i32
          %sign3A_418 = arith.cmpi slt, %jit3A_405, %sign3A_417 : i32
          %sign3A_419 = arith.extui %sign3A_418 : i1 to i32
          %sign3A_420 = arith.subi %sign3A_416, %sign3A_419 : i32
          %ne3A_421 = arith.cmpi ne, %sign3A_413, %sign3A_420 : i32
          %rem3A_422 = arith.remsi %scan3A_402, %jit3A_405 : i32
          %ne3A_423 = arith.constant 0 : i32
          %ne3A_424 = arith.cmpi ne, %rem3A_422, %ne3A_423 : i32
          %and3A_425 = arith.andi %ne3A_421, %ne3A_424 : i1
          %sub3A_426 = arith.constant 1 : i32
          %sub3A_427 = arith.subi %div3A_406, %sub3A_426 : i32
          %select_n3A_428 = arith.select %and3A_425, %sub3A_427, %div3A_406 : i32
          %rem3A_429 = arith.constant 128 : i32
          %rem3A_430 = arith.remsi %mul3A_404, %rem3A_429 : i32
          %add3A_431 = arith.constant 384 : i32
          %add3A_432 = arith.addi %add3A_431, %mul3A_404 : i32
          %add3A_433 = vector.broadcast %add3A_432 : i32 to vector<16xi32>
          %add3A_434 = arith.addi %iota3A, %add3A_433 : vector<16xi32>
          %gather3A = tpu.vector_load_idx %arg13[%add3A_434, %broadcast_in_dim3A_3] : memref<768x8xf32, #tpu.memory_space<vmem>>[vector<16xi32>, vector<16xi32>], vector<16xf32>,
          %swap3A = arith.constant 0 : i32
          %swap3A_435 = arith.constant 1 : i32
          %swap3A_436 = arith.index_cast %swap3A : i32 to index
          %swap3A_437 = arith.index_cast %select_n3A_428 : i32 to index
          %swap3A_438 = arith.index_cast %swap3A_435 : i32 to index
          %swap3A_439 = arith.index_cast %rem3A_430 : i32 to index
          %swap3A_440 = tpu.vector_load %arg8[%swap3A_436, %swap3A_437, %swap3A_438, %swap3A_439] {strides = array<i32>} : memref<8x3x2x128xf32, #tpu.memory_space<vmem>>, vector<16xf32>,
          tpu.vector_store %arg8[%swap3A_436, %swap3A_437, %swap3A_438, %swap3A_439], %gather3A {strides = array<i32>} : memref<8x3x2x128xf32, #tpu.memory_space<vmem>>, vector<16xf32>,
          %gather3A_441 = tpu.vector_load_idx %arg13[%add3A_434, %broadcast_in_dim3A_5] : memref<768x8xf32, #tpu.memory_space<vmem>>[vector<16xi32>, vector<16xi32>], vector<16xf32>,
          %swap3A_442 = arith.constant 1 : i32
          %swap3A_443 = arith.constant 1 : i32
          %swap3A_444 = arith.index_cast %swap3A_442 : i32 to index
          %swap3A_445 = arith.index_cast %select_n3A_428 : i32 to index
          %swap3A_446 = arith.index_cast %swap3A_443 : i32 to index
          %swap3A_447 = arith.index_cast %rem3A_430 : i32 to index
          %swap3A_448 = tpu.vector_load %arg8[%swap3A_444, %swap3A_445, %swap3A_446, %swap3A_447] {strides = array<i32>} : memref<8x3x2x128xf32, #tpu.memory_space<vmem>>, vector<16xf32>,
          tpu.vector_store %arg8[%swap3A_444, %swap3A_445, %swap3A_446, %swap3A_447], %gather3A_441 {strides = array<i32>} : memref<8x3x2x128xf32, #tpu.memory_space<vmem>>, vector<16xf32>,
          %gather3A_449 = tpu.vector_load_idx %arg13[%add3A_434, %broadcast_in_dim3A_7] : memref<768x8xf32, #tpu.memory_space<vmem>>[vector<16xi32>, vector<16xi32>], vector<16xf32>,
          %swap3A_450 = arith.constant 2 : i32
          %swap3A_451 = arith.constant 1 : i32
          %swap3A_452 = arith.index_cast %swap3A_450 : i32 to index
          %swap3A_453 = arith.index_cast %select_n3A_428 : i32 to index
          %swap3A_454 = arith.index_cast %swap3A_451 : i32 to index
          %swap3A_455 = arith.index_cast %rem3A_430 : i32 to index
          %swap3A_456 = tpu.vector_load %arg8[%swap3A_452, %swap3A_453, %swap3A_454, %swap3A_455] {strides = array<i32>} : memref<8x3x2x128xf32, #tpu.memory_space<vmem>>, vector<16xf32>,
          tpu.vector_store %arg8[%swap3A_452, %swap3A_453, %swap3A_454, %swap3A_455], %gather3A_449 {strides = array<i32>} : memref<8x3x2x128xf32, #tpu.memory_space<vmem>>, vector<16xf32>,
          %gather3A_457 = tpu.vector_load_idx %arg13[%add3A_434, %broadcast_in_dim3A_9] : memref<768x8xf32, #tpu.memory_space<vmem>>[vector<16xi32>, vector<16xi32>], vector<16xf32>,
          %swap3A_458 = arith.constant 3 : i32
          %swap3A_459 = arith.constant 1 : i32
          %swap3A_460 = arith.index_cast %swap3A_458 : i32 to index
          %swap3A_461 = arith.index_cast %select_n3A_428 : i32 to index
          %swap3A_462 = arith.index_cast %swap3A_459 : i32 to index
          %swap3A_463 = arith.index_cast %rem3A_430 : i32 to index
          %swap3A_464 = tpu.vector_load %arg8[%swap3A_460, %swap3A_461, %swap3A_462, %swap3A_463] {strides = array<i32>} : memref<8x3x2x128xf32, #tpu.memory_space<vmem>>, vector<16xf32>,
          tpu.vector_store %arg8[%swap3A_460, %swap3A_461, %swap3A_462, %swap3A_463], %gather3A_457 {strides = array<i32>} : memref<8x3x2x128xf32, #tpu.memory_space<vmem>>, vector<16xf32>,
          %gather3A_465 = tpu.vector_load_idx %arg13[%add3A_434, %broadcast_in_dim3A_11] : memref<768x8xf32, #tpu.memory_space<vmem>>[vector<16xi32>, vector<16xi32>], vector<16xf32>,
          %swap3A_466 = arith.constant 4 : i32
          %swap3A_467 = arith.constant 1 : i32
          %swap3A_468 = arith.index_cast %swap3A_466 : i32 to index
          %swap3A_469 = arith.index_cast %select_n3A_428 : i32 to index
          %swap3A_470 = arith.index_cast %swap3A_467 : i32 to index
          %swap3A_471 = arith.index_cast %rem3A_430 : i32 to index
          %swap3A_472 = tpu.vector_load %arg8[%swap3A_468, %swap3A_469, %swap3A_470, %swap3A_471] {strides = array<i32>} : memref<8x3x2x128xf32, #tpu.memory_space<vmem>>, vector<16xf32>,
          tpu.vector_store %arg8[%swap3A_468, %swap3A_469, %swap3A_470, %swap3A_471], %gather3A_465 {strides = array<i32>} : memref<8x3x2x128xf32, #tpu.memory_space<vmem>>, vector<16xf32>,
          %gather3A_473 = tpu.vector_load_idx %arg13[%add3A_434, %broadcast_in_dim3A_13] : memref<768x8xf32, #tpu.memory_space<vmem>>[vector<16xi32>, vector<16xi32>], vector<16xf32>,
          %swap3A_474 = arith.constant 5 : i32
          %swap3A_475 = arith.constant 1 : i32
          %swap3A_476 = arith.index_cast %swap3A_474 : i32 to index
          %swap3A_477 = arith.index_cast %select_n3A_428 : i32 to index
          %swap3A_478 = arith.index_cast %swap3A_475 : i32 to index
          %swap3A_479 = arith.index_cast %rem3A_430 : i32 to index
          %swap3A_480 = tpu.vector_load %arg8[%swap3A_476, %swap3A_477, %swap3A_478, %swap3A_479] {strides = array<i32>} : memref<8x3x2x128xf32, #tpu.memory_space<vmem>>, vector<16xf32>,
          tpu.vector_store %arg8[%swap3A_476, %swap3A_477, %swap3A_478, %swap3A_479], %gather3A_473 {strides = array<i32>} : memref<8x3x2x128xf32, #tpu.memory_space<vmem>>, vector<16xf32>,
          %gather3A_481 = tpu.vector_load_idx %arg13[%add3A_434, %broadcast_in_dim3A_15] : memref<768x8xf32, #tpu.memory_space<vmem>>[vector<16xi32>, vector<16xi32>], vector<16xf32>,
          %swap3A_482 = arith.constant 6 : i32
          %swap3A_483 = arith.constant 1 : i32
          %swap3A_484 = arith.index_cast %swap3A_482 : i32 to index
          %swap3A_485 = arith.index_cast %select_n3A_428 : i32 to index
          %swap3A_486 = arith.index_cast %swap3A_483 : i32 to index
          %swap3A_487 = arith.index_cast %rem3A_430 : i32 to index
          %swap3A_488 = tpu.vector_load %arg8[%swap3A_484, %swap3A_485, %swap3A_486, %swap3A_487] {strides = array<i32>} : memref<8x3x2x128xf32, #tpu.memory_space<vmem>>, vector<16xf32>,
          tpu.vector_store %arg8[%swap3A_484, %swap3A_485, %swap3A_486, %swap3A_487], %gather3A_481 {strides = array<i32>} : memref<8x3x2x128xf32, #tpu.memory_space<vmem>>, vector<16xf32>,
          %gather3A_489 = tpu.vector_load_idx %arg13[%add3A_434, %broadcast_in_dim3A_17] : memref<768x8xf32, #tpu.memory_space<vmem>>[vector<16xi32>, vector<16xi32>], vector<16xf32>,
          %swap3A_490 = arith.constant 7 : i32
          %swap3A_491 = arith.constant 1 : i32
          %swap3A_492 = arith.index_cast %swap3A_490 : i32 to index
          %swap3A_493 = arith.index_cast %select_n3A_428 : i32 to index
          %swap3A_494 = arith.index_cast %swap3A_491 : i32 to index
          %swap3A_495 = arith.index_cast %rem3A_430 : i32 to index
          %swap3A_496 = tpu.vector_load %arg8[%swap3A_492, %swap3A_493, %swap3A_494, %swap3A_495] {strides = array<i32>} : memref<8x3x2x128xf32, #tpu.memory_space<vmem>>, vector<16xf32>,
          tpu.vector_store %arg8[%swap3A_492, %swap3A_493, %swap3A_494, %swap3A_495], %gather3A_489 {strides = array<i32>} : memref<8x3x2x128xf32, #tpu.memory_space<vmem>>, vector<16xf32>,
        }
        %scan3A_286 = arith.constant 24 : i32
        %mul3A_287 = arith.constant 2 : i32
        %mul3A_288 = arith.muli %add3A_255, %mul3A_287 : i32
        %add3A_289 = arith.addi %mul3A_2, %mul3A_288 : i32
        %jit3A_290 = arith.constant 8 : i32
        %div3A_291 = arith.divsi %add3A_289, %jit3A_290 : i32
        %sign3A_292 = arith.constant 0 : i32
        %sign3A_293 = arith.cmpi sgt, %add3A_289, %sign3A_292 : i32
        %sign3A_294 = arith.extui %sign3A_293 : i1 to i32
        %sign3A_295 = arith.constant 0 : i32
        %sign3A_296 = arith.cmpi slt, %add3A_289, %sign3A_295 : i32
        %sign3A_297 = arith.extui %sign3A_296 : i1 to i32
        %sign3A_298 = arith.subi %sign3A_294, %sign3A_297 : i32
        %sign3A_299 = arith.constant 0 : i32
        %sign3A_300 = arith.cmpi sgt, %jit3A_290, %sign3A_299 : i32
        %sign3A_301 = arith.extui %sign3A_300 : i1 to i32
        %sign3A_302 = arith.constant 0 : i32
        %sign3A_303 = arith.cmpi slt, %jit3A_290, %sign3A_302 : i32
        %sign3A_304 = arith.extui %sign3A_303 : i1 to i32
        %sign3A_305 = arith.subi %sign3A_301, %sign3A_304 : i32
        %ne3A_306 = arith.cmpi ne, %sign3A_298, %sign3A_305 : i32
        %rem3A_307 = arith.remsi %add3A_289, %jit3A_290 : i32
        %ne3A_308 = arith.constant 0 : i32
        %ne3A_309 = arith.cmpi ne, %rem3A_307, %ne3A_308 : i32
        %and3A_310 = arith.andi %ne3A_306, %ne3A_309 : i1
        %sub3A_311 = arith.constant 1 : i32
        %sub3A_312 = arith.subi %div3A_291, %sub3A_311 : i32
        %select_n3A_313 = arith.select %and3A_310, %sub3A_312, %div3A_291 : i32
        %rem3A_314 = arith.constant 8 : i32
        %rem3A_315 = arith.remsi %add3A_289, %rem3A_314 : i32
        %mul3A_316 = arith.constant 8 : i32
        %mul3A_317 = arith.muli %add3A, %mul3A_316 : i32
        %dma_start3A_318 = arith.constant 0 : i32
        %dma_start3A_319 = arith.constant 0 : i32
        %dma_start3A_320 = tpu.memref_slice %arg6[%select_n3A, %mul3A_317, %select_n3A_313, %dma_start3A_318, %rem3A_315, %dma_start3A_319] : memref<2x96x48x3x8x128xf32, #tpu.memory_space<hbm>> -> memref<1x8x1x3x2x128xf32, #tpu.memory_space<hbm>>
        %dma_start3A_321 = tpu.memref_squeeze %dma_start3A_320 : memref<1x8x1x3x2x128xf32, #tpu.memory_space<hbm>> -> memref<8x3x2x128xf32, #tpu.memory_space<hbm>>
        %dma_start3A_322 = arith.constant 0 : i32
        %dma_start3A_323 = arith.constant 0 : i32
        %dma_start3A_324 = tpu.memref_slice %arg6[%select_n3A, %mul3A_317, %select_n3A_313, %dma_start3A_322, %rem3A_315, %dma_start3A_323] : memref<2x96x48x3x8x128xf32, #tpu.memory_space<hbm>> -> memref<1x8x1x3x2x128xf32, #tpu.memory_space<hbm>>
        %dma_start3A_325 = tpu.memref_squeeze %dma_start3A_324 : memref<1x8x1x3x2x128xf32, #tpu.memory_space<hbm>> -> memref<8x3x2x128xf32, #tpu.memory_space<hbm>>
        tpu.enqueue_dma source(%arg8 : memref<8x3x2x128xf32, #tpu.memory_space<vmem>>) target(%dma_start3A_325 : memref<8x3x2x128xf32, #tpu.memory_space<hbm>>) target_semaphore(%arg17 : memref<!tpu.dma_semaphore, #tpu.memory_space<semaphore_mem>>)
        %mul3A_326 = arith.constant 2 : i32
        %mul3A_327 = arith.muli %mul3A_326, %scan3A_251 : i32
        %add3A_328 = arith.constant 1 : i32
        %add3A_329 = arith.addi %mul3A_327, %add3A_328 : i32
        %add3A_330 = arith.constant 1 : i32
        %add3A_331 = arith.addi %add3A_329, %add3A_330 : i32
        %lt3A_332 = arith.constant 12 : i32
        %lt3A_333 = arith.cmpi slt, %add3A_331, %lt3A_332 : i32
        %convert_element_type3A_334 = arith.extui %lt3A_333 : i1 to i32
        %cond3A_335 = arith.constant 0 : i32
        %cond3A_336 = arith.cmpi ne, %convert_element_type3A_334, %cond3A_335 : i32
        scf.if %cond3A_336 {
          %add3A_402 = arith.constant 1 : i32
          %add3A_403 = arith.addi %add3A_329, %add3A_402 : i32
          %mul3A_404 = arith.constant 768 : i32
          %mul3A_405 = arith.muli %add3A_403, %mul3A_404 : i32
          %add3A_406 = arith.addi %mul3A_0, %mul3A_405 : i32
          %dma_start3A_407 = arith.constant 0 : i32
          %dma_start3A_408 = tpu.memref_slice %arg7[%add3A_406, %dma_start3A_407] : memref<147456x8xf32, #tpu.memory_space<vmem_shared>> -> memref<768x8xf32, #tpu.memory_space<vmem_shared>>
          %dma_start3A_409 = arith.constant 0 : i32
          %dma_start3A_410 = tpu.memref_slice %arg7[%add3A_406, %dma_start3A_409] : memref<147456x8xf32, #tpu.memory_space<vmem_shared>> -> memref<768x8xf32, #tpu.memory_space<vmem_shared>>
          tpu.enqueue_dma source(%dma_start3A_410 : memref<768x8xf32, #tpu.memory_space<vmem_shared>>) target(%arg13 : memref<768x8xf32, #tpu.memory_space<vmem>>) target_semaphore(%arg15 : memref<!tpu.dma_semaphore, #tpu.memory_space<semaphore_mem>>)
        } else {
        }
        %dma_wait3A_337 = arith.constant 0 : i32
        %dma_wait3A_338 = tpu.memref_slice %arg7[%mul3A_0, %dma_wait3A_337] : memref<147456x8xf32, #tpu.memory_space<vmem_shared>> -> memref<768x8xf32, #tpu.memory_space<vmem_shared>>
        %dma_wait3A_339 = arith.constant 0 : i32
        %dma_wait3A_340 = tpu.memref_slice %arg7[%mul3A_0, %dma_wait3A_339] : memref<147456x8xf32, #tpu.memory_space<vmem_shared>> -> memref<768x8xf32, #tpu.memory_space<vmem_shared>>
        tpu.wait_dma2 semaphore(%arg16 : memref<!tpu.dma_semaphore, #tpu.memory_space<semaphore_mem>>) src(%dma_wait3A_340 : memref<768x8xf32, #tpu.memory_space<vmem_shared>>) dst(%arg14 : memref<768x8xf32, #tpu.memory_space<vmem>>)
        %mul3A_341 = arith.constant 768 : i32
        %mul3A_342 = arith.muli %add3A_329, %mul3A_341 : i32
        %add3A_343 = arith.addi %mul3A_0, %mul3A_342 : i32
        %dma_start3A_344 = arith.constant 0 : i32
        %dma_start3A_345 = tpu.memref_slice %arg7[%add3A_343, %dma_start3A_344] : memref<147456x8xf32, #tpu.memory_space<vmem_shared>> -> memref<768x8xf32, #tpu.memory_space<vmem_shared>>
        tpu.enqueue_dma source(%arg5 : memref<768x8xf32, #tpu.memory_space<hbm>>) target(%dma_start3A_345 : memref<768x8xf32, #tpu.memory_space<vmem_shared>>) target_semaphore(%arg19 : memref<!tpu.dma_semaphore, #tpu.memory_space<semaphore_mem>>)
        %ge3A_346 = arith.constant 2 : i32
        %ge3A_347 = arith.cmpi sge, %add3A_329, %ge3A_346 : i32
        %convert_element_type3A_348 = arith.extui %ge3A_347 : i1 to i32
        %cond3A_349 = arith.constant 0 : i32
        %cond3A_350 = arith.cmpi ne, %convert_element_type3A_348, %cond3A_349 : i32
        scf.if %cond3A_350 {
          %mul3A_402 = arith.constant 8 : i32
          %mul3A_403 = arith.muli %add3A, %mul3A_402 : i32
          %dma_wait3A_404 = arith.constant 0 : i32
          %dma_wait3A_405 = arith.constant 0 : i32
          %dma_wait3A_406 = arith.constant 0 : i32
          %dma_wait3A_407 = arith.constant 0 : i32
          %dma_wait3A_408 = tpu.memref_slice %arg6[%select_n3A, %mul3A_403, %dma_wait3A_404, %dma_wait3A_405, %dma_wait3A_406, %dma_wait3A_407] : memref<2x96x48x3x8x128xf32, #tpu.memory_space<hbm>> -> memref<1x8x1x3x2x128xf32, #tpu.memory_space<hbm>>
          %dma_wait3A_409 = tpu.memref_squeeze %dma_wait3A_408 : memref<1x8x1x3x2x128xf32, #tpu.memory_space<hbm>> -> memref<8x3x2x128xf32, #tpu.memory_space<hbm>>
          %dma_wait3A_410 = arith.constant 0 : i32
          %dma_wait3A_411 = arith.constant 0 : i32
          %dma_wait3A_412 = arith.constant 0 : i32
          %dma_wait3A_413 = tpu.memref_slice %arg6[%select_n3A, %mul3A_403, %dma_wait3A_404, %dma_wait3A_410, %dma_wait3A_411, %dma_wait3A_412] : memref<2x96x48x3x8x128xf32, #tpu.memory_space<hbm>> -> memref<1x8x1x3x2x128xf32, #tpu.memory_space<hbm>>
          %dma_wait3A_414 = tpu.memref_squeeze %dma_wait3A_413 : memref<1x8x1x3x2x128xf32, #tpu.memory_space<hbm>> -> memref<8x3x2x128xf32, #tpu.memory_space<hbm>>
          tpu.wait_dma2 semaphore(%arg18 : memref<!tpu.dma_semaphore, #tpu.memory_space<semaphore_mem>>) src(%arg9 : memref<8x3x2x128xf32, #tpu.memory_space<vmem>>) dst(%dma_wait3A_414 : memref<8x3x2x128xf32, #tpu.memory_space<hbm>>)
        } else {
        }
        %scan3A_351 = arith.constant 0 : i32
        %scan3A_352 = arith.constant 0 : i32
        %scan3A_353 = arith.constant 24 : i32
        %scan3A_354 = arith.addi %scan3A_352, %scan3A_353 : i32
        %scan3A_355 = arith.constant 1 : i32
        scf.for %scan3A_402 = %scan3A_352 to %scan3A_354 step %scan3A_355  : i32 {
          %mul3A_403 = arith.constant 16 : i32
          %mul3A_404 = arith.muli %scan3A_402, %mul3A_403 : i32
          %jit3A_405 = arith.constant 8 : i32
          %div3A_406 = arith.divsi %scan3A_402, %jit3A_405 : i32
          %sign3A_407 = arith.constant 0 : i32
          %sign3A_408 = arith.cmpi sgt, %scan3A_402, %sign3A_407 : i32
          %sign3A_409 = arith.extui %sign3A_408 : i1 to i32
          %sign3A_410 = arith.constant 0 : i32
          %sign3A_411 = arith.cmpi slt, %scan3A_402, %sign3A_410 : i32
          %sign3A_412 = arith.extui %sign3A_411 : i1 to i32
          %sign3A_413 = arith.subi %sign3A_409, %sign3A_412 : i32
          %sign3A_414 = arith.constant 0 : i32
          %sign3A_415 = arith.cmpi sgt, %jit3A_405, %sign3A_414 : i32
          %sign3A_416 = arith.extui %sign3A_415 : i1 to i32
          %sign3A_417 = arith.constant 0 : i32
          %sign3A_418 = arith.cmpi slt, %jit3A_405, %sign3A_417 : i32
          %sign3A_419 = arith.extui %sign3A_418 : i1 to i32
          %sign3A_420 = arith.subi %sign3A_416, %sign3A_419 : i32
          %ne3A_421 = arith.cmpi ne, %sign3A_413, %sign3A_420 : i32
          %rem3A_422 = arith.remsi %scan3A_402, %jit3A_405 : i32
          %ne3A_423 = arith.constant 0 : i32
          %ne3A_424 = arith.cmpi ne, %rem3A_422, %ne3A_423 : i32
          %and3A_425 = arith.andi %ne3A_421, %ne3A_424 : i1
          %sub3A_426 = arith.constant 1 : i32
          %sub3A_427 = arith.subi %div3A_406, %sub3A_426 : i32
          %select_n3A_428 = arith.select %and3A_425, %sub3A_427, %div3A_406 : i32
          %rem3A_429 = arith.constant 128 : i32
          %rem3A_430 = arith.remsi %mul3A_404, %rem3A_429 : i32
          %add3A_431 = arith.constant 0 : i32
          %add3A_432 = arith.addi %add3A_431, %mul3A_404 : i32
          %add3A_433 = vector.broadcast %add3A_432 : i32 to vector<16xi32>
          %add3A_434 = arith.addi %iota3A, %add3A_433 : vector<16xi32>
          %gather3A = tpu.vector_load_idx %arg14[%add3A_434, %broadcast_in_dim3A_3] : memref<768x8xf32, #tpu.memory_space<vmem>>[vector<16xi32>, vector<16xi32>], vector<16xf32>,
          %swap3A = arith.constant 0 : i32
          %swap3A_435 = arith.constant 0 : i32
          %swap3A_436 = arith.index_cast %swap3A : i32 to index
          %swap3A_437 = arith.index_cast %select_n3A_428 : i32 to index
          %swap3A_438 = arith.index_cast %swap3A_435 : i32 to index
          %swap3A_439 = arith.index_cast %rem3A_430 : i32 to index
          %swap3A_440 = tpu.vector_load %arg9[%swap3A_436, %swap3A_437, %swap3A_438, %swap3A_439] {strides = array<i32>} : memref<8x3x2x128xf32, #tpu.memory_space<vmem>>, vector<16xf32>,
          tpu.vector_store %arg9[%swap3A_436, %swap3A_437, %swap3A_438, %swap3A_439], %gather3A {strides = array<i32>} : memref<8x3x2x128xf32, #tpu.memory_space<vmem>>, vector<16xf32>,
          %gather3A_441 = tpu.vector_load_idx %arg14[%add3A_434, %broadcast_in_dim3A_5] : memref<768x8xf32, #tpu.memory_space<vmem>>[vector<16xi32>, vector<16xi32>], vector<16xf32>,
          %swap3A_442 = arith.constant 1 : i32
          %swap3A_443 = arith.constant 0 : i32
          %swap3A_444 = arith.index_cast %swap3A_442 : i32 to index
          %swap3A_445 = arith.index_cast %select_n3A_428 : i32 to index
          %swap3A_446 = arith.index_cast %swap3A_443 : i32 to index
          %swap3A_447 = arith.index_cast %rem3A_430 : i32 to index
          %swap3A_448 = tpu.vector_load %arg9[%swap3A_444, %swap3A_445, %swap3A_446, %swap3A_447] {strides = array<i32>} : memref<8x3x2x128xf32, #tpu.memory_space<vmem>>, vector<16xf32>,
          tpu.vector_store %arg9[%swap3A_444, %swap3A_445, %swap3A_446, %swap3A_447], %gather3A_441 {strides = array<i32>} : memref<8x3x2x128xf32, #tpu.memory_space<vmem>>, vector<16xf32>,
          %gather3A_449 = tpu.vector_load_idx %arg14[%add3A_434, %broadcast_in_dim3A_7] : memref<768x8xf32, #tpu.memory_space<vmem>>[vector<16xi32>, vector<16xi32>], vector<16xf32>,
          %swap3A_450 = arith.constant 2 : i32
          %swap3A_451 = arith.constant 0 : i32
          %swap3A_452 = arith.index_cast %swap3A_450 : i32 to index
          %swap3A_453 = arith.index_cast %select_n3A_428 : i32 to index
          %swap3A_454 = arith.index_cast %swap3A_451 : i32 to index
          %swap3A_455 = arith.index_cast %rem3A_430 : i32 to index
          %swap3A_456 = tpu.vector_load %arg9[%swap3A_452, %swap3A_453, %swap3A_454, %swap3A_455] {strides = array<i32>} : memref<8x3x2x128xf32, #tpu.memory_space<vmem>>, vector<16xf32>,
          tpu.vector_store %arg9[%swap3A_452, %swap3A_453, %swap3A_454, %swap3A_455], %gather3A_449 {strides = array<i32>} : memref<8x3x2x128xf32, #tpu.memory_space<vmem>>, vector<16xf32>,
          %gather3A_457 = tpu.vector_load_idx %arg14[%add3A_434, %broadcast_in_dim3A_9] : memref<768x8xf32, #tpu.memory_space<vmem>>[vector<16xi32>, vector<16xi32>], vector<16xf32>,
          %swap3A_458 = arith.constant 3 : i32
          %swap3A_459 = arith.constant 0 : i32
          %swap3A_460 = arith.index_cast %swap3A_458 : i32 to index
          %swap3A_461 = arith.index_cast %select_n3A_428 : i32 to index
          %swap3A_462 = arith.index_cast %swap3A_459 : i32 to index
          %swap3A_463 = arith.index_cast %rem3A_430 : i32 to index
          %swap3A_464 = tpu.vector_load %arg9[%swap3A_460, %swap3A_461, %swap3A_462, %swap3A_463] {strides = array<i32>} : memref<8x3x2x128xf32, #tpu.memory_space<vmem>>, vector<16xf32>,
          tpu.vector_store %arg9[%swap3A_460, %swap3A_461, %swap3A_462, %swap3A_463], %gather3A_457 {strides = array<i32>} : memref<8x3x2x128xf32, #tpu.memory_space<vmem>>, vector<16xf32>,
          %gather3A_465 = tpu.vector_load_idx %arg14[%add3A_434, %broadcast_in_dim3A_11] : memref<768x8xf32, #tpu.memory_space<vmem>>[vector<16xi32>, vector<16xi32>], vector<16xf32>,
          %swap3A_466 = arith.constant 4 : i32
          %swap3A_467 = arith.constant 0 : i32
          %swap3A_468 = arith.index_cast %swap3A_466 : i32 to index
          %swap3A_469 = arith.index_cast %select_n3A_428 : i32 to index
          %swap3A_470 = arith.index_cast %swap3A_467 : i32 to index
          %swap3A_471 = arith.index_cast %rem3A_430 : i32 to index
          %swap3A_472 = tpu.vector_load %arg9[%swap3A_468, %swap3A_469, %swap3A_470, %swap3A_471] {strides = array<i32>} : memref<8x3x2x128xf32, #tpu.memory_space<vmem>>, vector<16xf32>,
          tpu.vector_store %arg9[%swap3A_468, %swap3A_469, %swap3A_470, %swap3A_471], %gather3A_465 {strides = array<i32>} : memref<8x3x2x128xf32, #tpu.memory_space<vmem>>, vector<16xf32>,
          %gather3A_473 = tpu.vector_load_idx %arg14[%add3A_434, %broadcast_in_dim3A_13] : memref<768x8xf32, #tpu.memory_space<vmem>>[vector<16xi32>, vector<16xi32>], vector<16xf32>,
          %swap3A_474 = arith.constant 5 : i32
          %swap3A_475 = arith.constant 0 : i32
          %swap3A_476 = arith.index_cast %swap3A_474 : i32 to index
          %swap3A_477 = arith.index_cast %select_n3A_428 : i32 to index
          %swap3A_478 = arith.index_cast %swap3A_475 : i32 to index
          %swap3A_479 = arith.index_cast %rem3A_430 : i32 to index
          %swap3A_480 = tpu.vector_load %arg9[%swap3A_476, %swap3A_477, %swap3A_478, %swap3A_479] {strides = array<i32>} : memref<8x3x2x128xf32, #tpu.memory_space<vmem>>, vector<16xf32>,
          tpu.vector_store %arg9[%swap3A_476, %swap3A_477, %swap3A_478, %swap3A_479], %gather3A_473 {strides = array<i32>} : memref<8x3x2x128xf32, #tpu.memory_space<vmem>>, vector<16xf32>,
          %gather3A_481 = tpu.vector_load_idx %arg14[%add3A_434, %broadcast_in_dim3A_15] : memref<768x8xf32, #tpu.memory_space<vmem>>[vector<16xi32>, vector<16xi32>], vector<16xf32>,
          %swap3A_482 = arith.constant 6 : i32
          %swap3A_483 = arith.constant 0 : i32
          %swap3A_484 = arith.index_cast %swap3A_482 : i32 to index
          %swap3A_485 = arith.index_cast %select_n3A_428 : i32 to index
          %swap3A_486 = arith.index_cast %swap3A_483 : i32 to index
          %swap3A_487 = arith.index_cast %rem3A_430 : i32 to index
          %swap3A_488 = tpu.vector_load %arg9[%swap3A_484, %swap3A_485, %swap3A_486, %swap3A_487] {strides = array<i32>} : memref<8x3x2x128xf32, #tpu.memory_space<vmem>>, vector<16xf32>,
          tpu.vector_store %arg9[%swap3A_484, %swap3A_485, %swap3A_486, %swap3A_487], %gather3A_481 {strides = array<i32>} : memref<8x3x2x128xf32, #tpu.memory_space<vmem>>, vector<16xf32>,
          %gather3A_489 = tpu.vector_load_idx %arg14[%add3A_434, %broadcast_in_dim3A_17] : memref<768x8xf32, #tpu.memory_space<vmem>>[vector<16xi32>, vector<16xi32>], vector<16xf32>,
          %swap3A_490 = arith.constant 7 : i32
          %swap3A_491 = arith.constant 0 : i32
          %swap3A_492 = arith.index_cast %swap3A_490 : i32 to index
          %swap3A_493 = arith.index_cast %select_n3A_428 : i32 to index
          %swap3A_494 = arith.index_cast %swap3A_491 : i32 to index
          %swap3A_495 = arith.index_cast %rem3A_430 : i32 to index
          %swap3A_496 = tpu.vector_load %arg9[%swap3A_492, %swap3A_493, %swap3A_494, %swap3A_495] {strides = array<i32>} : memref<8x3x2x128xf32, #tpu.memory_space<vmem>>, vector<16xf32>,
          tpu.vector_store %arg9[%swap3A_492, %swap3A_493, %swap3A_494, %swap3A_495], %gather3A_489 {strides = array<i32>} : memref<8x3x2x128xf32, #tpu.memory_space<vmem>>, vector<16xf32>,
        }
        %scan3A_356 = arith.constant 24 : i32
        %scan3A_357 = arith.constant 0 : i32
        %scan3A_358 = arith.constant 0 : i32
        %scan3A_359 = arith.constant 24 : i32
        %scan3A_360 = arith.addi %scan3A_358, %scan3A_359 : i32
        %scan3A_361 = arith.constant 1 : i32
        scf.for %scan3A_402 = %scan3A_358 to %scan3A_360 step %scan3A_361  : i32 {
          %mul3A_403 = arith.constant 16 : i32
          %mul3A_404 = arith.muli %scan3A_402, %mul3A_403 : i32
          %jit3A_405 = arith.constant 8 : i32
          %div3A_406 = arith.divsi %scan3A_402, %jit3A_405 : i32
          %sign3A_407 = arith.constant 0 : i32
          %sign3A_408 = arith.cmpi sgt, %scan3A_402, %sign3A_407 : i32
          %sign3A_409 = arith.extui %sign3A_408 : i1 to i32
          %sign3A_410 = arith.constant 0 : i32
          %sign3A_411 = arith.cmpi slt, %scan3A_402, %sign3A_410 : i32
          %sign3A_412 = arith.extui %sign3A_411 : i1 to i32
          %sign3A_413 = arith.subi %sign3A_409, %sign3A_412 : i32
          %sign3A_414 = arith.constant 0 : i32
          %sign3A_415 = arith.cmpi sgt, %jit3A_405, %sign3A_414 : i32
          %sign3A_416 = arith.extui %sign3A_415 : i1 to i32
          %sign3A_417 = arith.constant 0 : i32
          %sign3A_418 = arith.cmpi slt, %jit3A_405, %sign3A_417 : i32
          %sign3A_419 = arith.extui %sign3A_418 : i1 to i32
          %sign3A_420 = arith.subi %sign3A_416, %sign3A_419 : i32
          %ne3A_421 = arith.cmpi ne, %sign3A_413, %sign3A_420 : i32
          %rem3A_422 = arith.remsi %scan3A_402, %jit3A_405 : i32
          %ne3A_423 = arith.constant 0 : i32
          %ne3A_424 = arith.cmpi ne, %rem3A_422, %ne3A_423 : i32
          %and3A_425 = arith.andi %ne3A_421, %ne3A_424 : i1
          %sub3A_426 = arith.constant 1 : i32
          %sub3A_427 = arith.subi %div3A_406, %sub3A_426 : i32
          %select_n3A_428 = arith.select %and3A_425, %sub3A_427, %div3A_406 : i32
          %rem3A_429 = arith.constant 128 : i32
          %rem3A_430 = arith.remsi %mul3A_404, %rem3A_429 : i32
          %add3A_431 = arith.constant 384 : i32
          %add3A_432 = arith.addi %add3A_431, %mul3A_404 : i32
          %add3A_433 = vector.broadcast %add3A_432 : i32 to vector<16xi32>
          %add3A_434 = arith.addi %iota3A, %add3A_433 : vector<16xi32>
          %gather3A = tpu.vector_load_idx %arg14[%add3A_434, %broadcast_in_dim3A_3] : memref<768x8xf32, #tpu.memory_space<vmem>>[vector<16xi32>, vector<16xi32>], vector<16xf32>,
          %swap3A = arith.constant 0 : i32
          %swap3A_435 = arith.constant 1 : i32
          %swap3A_436 = arith.index_cast %swap3A : i32 to index
          %swap3A_437 = arith.index_cast %select_n3A_428 : i32 to index
          %swap3A_438 = arith.index_cast %swap3A_435 : i32 to index
          %swap3A_439 = arith.index_cast %rem3A_430 : i32 to index
          %swap3A_440 = tpu.vector_load %arg9[%swap3A_436, %swap3A_437, %swap3A_438, %swap3A_439] {strides = array<i32>} : memref<8x3x2x128xf32, #tpu.memory_space<vmem>>, vector<16xf32>,
          tpu.vector_store %arg9[%swap3A_436, %swap3A_437, %swap3A_438, %swap3A_439], %gather3A {strides = array<i32>} : memref<8x3x2x128xf32, #tpu.memory_space<vmem>>, vector<16xf32>,
          %gather3A_441 = tpu.vector_load_idx %arg14[%add3A_434, %broadcast_in_dim3A_5] : memref<768x8xf32, #tpu.memory_space<vmem>>[vector<16xi32>, vector<16xi32>], vector<16xf32>,
          %swap3A_442 = arith.constant 1 : i32
          %swap3A_443 = arith.constant 1 : i32
          %swap3A_444 = arith.index_cast %swap3A_442 : i32 to index
          %swap3A_445 = arith.index_cast %select_n3A_428 : i32 to index
          %swap3A_446 = arith.index_cast %swap3A_443 : i32 to index
          %swap3A_447 = arith.index_cast %rem3A_430 : i32 to index
          %swap3A_448 = tpu.vector_load %arg9[%swap3A_444, %swap3A_445, %swap3A_446, %swap3A_447] {strides = array<i32>} : memref<8x3x2x128xf32, #tpu.memory_space<vmem>>, vector<16xf32>,
          tpu.vector_store %arg9[%swap3A_444, %swap3A_445, %swap3A_446, %swap3A_447], %gather3A_441 {strides = array<i32>} : memref<8x3x2x128xf32, #tpu.memory_space<vmem>>, vector<16xf32>,
          %gather3A_449 = tpu.vector_load_idx %arg14[%add3A_434, %broadcast_in_dim3A_7] : memref<768x8xf32, #tpu.memory_space<vmem>>[vector<16xi32>, vector<16xi32>], vector<16xf32>,
          %swap3A_450 = arith.constant 2 : i32
          %swap3A_451 = arith.constant 1 : i32
          %swap3A_452 = arith.index_cast %swap3A_450 : i32 to index
          %swap3A_453 = arith.index_cast %select_n3A_428 : i32 to index
          %swap3A_454 = arith.index_cast %swap3A_451 : i32 to index
          %swap3A_455 = arith.index_cast %rem3A_430 : i32 to index
          %swap3A_456 = tpu.vector_load %arg9[%swap3A_452, %swap3A_453, %swap3A_454, %swap3A_455] {strides = array<i32>} : memref<8x3x2x128xf32, #tpu.memory_space<vmem>>, vector<16xf32>,
          tpu.vector_store %arg9[%swap3A_452, %swap3A_453, %swap3A_454, %swap3A_455], %gather3A_449 {strides = array<i32>} : memref<8x3x2x128xf32, #tpu.memory_space<vmem>>, vector<16xf32>,
          %gather3A_457 = tpu.vector_load_idx %arg14[%add3A_434, %broadcast_in_dim3A_9] : memref<768x8xf32, #tpu.memory_space<vmem>>[vector<16xi32>, vector<16xi32>], vector<16xf32>,
          %swap3A_458 = arith.constant 3 : i32
          %swap3A_459 = arith.constant 1 : i32
          %swap3A_460 = arith.index_cast %swap3A_458 : i32 to index
          %swap3A_461 = arith.index_cast %select_n3A_428 : i32 to index
          %swap3A_462 = arith.index_cast %swap3A_459 : i32 to index
          %swap3A_463 = arith.index_cast %rem3A_430 : i32 to index
          %swap3A_464 = tpu.vector_load %arg9[%swap3A_460, %swap3A_461, %swap3A_462, %swap3A_463] {strides = array<i32>} : memref<8x3x2x128xf32, #tpu.memory_space<vmem>>, vector<16xf32>,
          tpu.vector_store %arg9[%swap3A_460, %swap3A_461, %swap3A_462, %swap3A_463], %gather3A_457 {strides = array<i32>} : memref<8x3x2x128xf32, #tpu.memory_space<vmem>>, vector<16xf32>,
          %gather3A_465 = tpu.vector_load_idx %arg14[%add3A_434, %broadcast_in_dim3A_11] : memref<768x8xf32, #tpu.memory_space<vmem>>[vector<16xi32>, vector<16xi32>], vector<16xf32>,
          %swap3A_466 = arith.constant 4 : i32
          %swap3A_467 = arith.constant 1 : i32
          %swap3A_468 = arith.index_cast %swap3A_466 : i32 to index
          %swap3A_469 = arith.index_cast %select_n3A_428 : i32 to index
          %swap3A_470 = arith.index_cast %swap3A_467 : i32 to index
          %swap3A_471 = arith.index_cast %rem3A_430 : i32 to index
          %swap3A_472 = tpu.vector_load %arg9[%swap3A_468, %swap3A_469, %swap3A_470, %swap3A_471] {strides = array<i32>} : memref<8x3x2x128xf32, #tpu.memory_space<vmem>>, vector<16xf32>,
          tpu.vector_store %arg9[%swap3A_468, %swap3A_469, %swap3A_470, %swap3A_471], %gather3A_465 {strides = array<i32>} : memref<8x3x2x128xf32, #tpu.memory_space<vmem>>, vector<16xf32>,
          %gather3A_473 = tpu.vector_load_idx %arg14[%add3A_434, %broadcast_in_dim3A_13] : memref<768x8xf32, #tpu.memory_space<vmem>>[vector<16xi32>, vector<16xi32>], vector<16xf32>,
          %swap3A_474 = arith.constant 5 : i32
          %swap3A_475 = arith.constant 1 : i32
          %swap3A_476 = arith.index_cast %swap3A_474 : i32 to index
          %swap3A_477 = arith.index_cast %select_n3A_428 : i32 to index
          %swap3A_478 = arith.index_cast %swap3A_475 : i32 to index
          %swap3A_479 = arith.index_cast %rem3A_430 : i32 to index
          %swap3A_480 = tpu.vector_load %arg9[%swap3A_476, %swap3A_477, %swap3A_478, %swap3A_479] {strides = array<i32>} : memref<8x3x2x128xf32, #tpu.memory_space<vmem>>, vector<16xf32>,
          tpu.vector_store %arg9[%swap3A_476, %swap3A_477, %swap3A_478, %swap3A_479], %gather3A_473 {strides = array<i32>} : memref<8x3x2x128xf32, #tpu.memory_space<vmem>>, vector<16xf32>,
          %gather3A_481 = tpu.vector_load_idx %arg14[%add3A_434, %broadcast_in_dim3A_15] : memref<768x8xf32, #tpu.memory_space<vmem>>[vector<16xi32>, vector<16xi32>], vector<16xf32>,
          %swap3A_482 = arith.constant 6 : i32
          %swap3A_483 = arith.constant 1 : i32
          %swap3A_484 = arith.index_cast %swap3A_482 : i32 to index
          %swap3A_485 = arith.index_cast %select_n3A_428 : i32 to index
          %swap3A_486 = arith.index_cast %swap3A_483 : i32 to index
          %swap3A_487 = arith.index_cast %rem3A_430 : i32 to index
          %swap3A_488 = tpu.vector_load %arg9[%swap3A_484, %swap3A_485, %swap3A_486, %swap3A_487] {strides = array<i32>} : memref<8x3x2x128xf32, #tpu.memory_space<vmem>>, vector<16xf32>,
          tpu.vector_store %arg9[%swap3A_484, %swap3A_485, %swap3A_486, %swap3A_487], %gather3A_481 {strides = array<i32>} : memref<8x3x2x128xf32, #tpu.memory_space<vmem>>, vector<16xf32>,
          %gather3A_489 = tpu.vector_load_idx %arg14[%add3A_434, %broadcast_in_dim3A_17] : memref<768x8xf32, #tpu.memory_space<vmem>>[vector<16xi32>, vector<16xi32>], vector<16xf32>,
          %swap3A_490 = arith.constant 7 : i32
          %swap3A_491 = arith.constant 1 : i32
          %swap3A_492 = arith.index_cast %swap3A_490 : i32 to index
          %swap3A_493 = arith.index_cast %select_n3A_428 : i32 to index
          %swap3A_494 = arith.index_cast %swap3A_491 : i32 to index
          %swap3A_495 = arith.index_cast %rem3A_430 : i32 to index
          %swap3A_496 = tpu.vector_load %arg9[%swap3A_492, %swap3A_493, %swap3A_494, %swap3A_495] {strides = array<i32>} : memref<8x3x2x128xf32, #tpu.memory_space<vmem>>, vector<16xf32>,
          tpu.vector_store %arg9[%swap3A_492, %swap3A_493, %swap3A_494, %swap3A_495], %gather3A_489 {strides = array<i32>} : memref<8x3x2x128xf32, #tpu.memory_space<vmem>>, vector<16xf32>,
        }
        %scan3A_362 = arith.constant 24 : i32
        %mul3A_363 = arith.constant 2 : i32
        %mul3A_364 = arith.muli %add3A_329, %mul3A_363 : i32
        %add3A_365 = arith.addi %mul3A_2, %mul3A_364 : i32
        %jit3A_366 = arith.constant 8 : i32
        %div3A_367 = arith.divsi %add3A_365, %jit3A_366 : i32
        %sign3A_368 = arith.constant 0 : i32
        %sign3A_369 = arith.cmpi sgt, %add3A_365, %sign3A_368 : i32
        %sign3A_370 = arith.extui %sign3A_369 : i1 to i32
        %sign3A_371 = arith.constant 0 : i32
        %sign3A_372 = arith.cmpi slt, %add3A_365, %sign3A_371 : i32
        %sign3A_373 = arith.extui %sign3A_372 : i1 to i32
        %sign3A_374 = arith.subi %sign3A_370, %sign3A_373 : i32
        %sign3A_375 = arith.constant 0 : i32
        %sign3A_376 = arith.cmpi sgt, %jit3A_366, %sign3A_375 : i32
        %sign3A_377 = arith.extui %sign3A_376 : i1 to i32
        %sign3A_378 = arith.constant 0 : i32
        %sign3A_379 = arith.cmpi slt, %jit3A_366, %sign3A_378 : i32
        %sign3A_380 = arith.extui %sign3A_379 : i1 to i32
        %sign3A_381 = arith.subi %sign3A_377, %sign3A_380 : i32
        %ne3A_382 = arith.cmpi ne, %sign3A_374, %sign3A_381 : i32
        %rem3A_383 = arith.remsi %add3A_365, %jit3A_366 : i32
        %ne3A_384 = arith.constant 0 : i32
        %ne3A_385 = arith.cmpi ne, %rem3A_383, %ne3A_384 : i32
        %and3A_386 = arith.andi %ne3A_382, %ne3A_385 : i1
        %sub3A_387 = arith.constant 1 : i32
        %sub3A_388 = arith.subi %div3A_367, %sub3A_387 : i32
        %select_n3A_389 = arith.select %and3A_386, %sub3A_388, %div3A_367 : i32
        %rem3A_390 = arith.constant 8 : i32
        %rem3A_391 = arith.remsi %add3A_365, %rem3A_390 : i32
        %mul3A_392 = arith.constant 8 : i32
        %mul3A_393 = arith.muli %add3A, %mul3A_392 : i32
        %dma_start3A_394 = arith.constant 0 : i32
        %dma_start3A_395 = arith.constant 0 : i32
        %dma_start3A_396 = tpu.memref_slice %arg6[%select_n3A, %mul3A_393, %select_n3A_389, %dma_start3A_394, %rem3A_391, %dma_start3A_395] : memref<2x96x48x3x8x128xf32, #tpu.memory_space<hbm>> -> memref<1x8x1x3x2x128xf32, #tpu.memory_space<hbm>>
        %dma_start3A_397 = tpu.memref_squeeze %dma_start3A_396 : memref<1x8x1x3x2x128xf32, #tpu.memory_space<hbm>> -> memref<8x3x2x128xf32, #tpu.memory_space<hbm>>
        %dma_start3A_398 = arith.constant 0 : i32
        %dma_start3A_399 = arith.constant 0 : i32
        %dma_start3A_400 = tpu.memref_slice %arg6[%select_n3A, %mul3A_393, %select_n3A_389, %dma_start3A_398, %rem3A_391, %dma_start3A_399] : memref<2x96x48x3x8x128xf32, #tpu.memory_space<hbm>> -> memref<1x8x1x3x2x128xf32, #tpu.memory_space<hbm>>
        %dma_start3A_401 = tpu.memref_squeeze %dma_start3A_400 : memref<1x8x1x3x2x128xf32, #tpu.memory_space<hbm>> -> memref<8x3x2x128xf32, #tpu.memory_space<hbm>>
        tpu.enqueue_dma source(%arg9 : memref<8x3x2x128xf32, #tpu.memory_space<vmem>>) target(%dma_start3A_401 : memref<8x3x2x128xf32, #tpu.memory_space<hbm>>) target_semaphore(%arg18 : memref<!tpu.dma_semaphore, #tpu.memory_space<semaphore_mem>>)
      }
      %scan3A_200 = arith.constant 6 : i32
      %mul3A_201 = arith.constant 8 : i32
      %mul3A_202 = arith.muli %add3A, %mul3A_201 : i32
      %dma_wait3A_203 = arith.constant 0 : i32
      %dma_wait3A_204 = arith.constant 0 : i32
      %dma_wait3A_205 = arith.constant 0 : i32
      %dma_wait3A_206 = arith.constant 0 : i32
      %dma_wait3A_207 = tpu.memref_slice %arg6[%select_n3A, %mul3A_202, %dma_wait3A_203, %dma_wait3A_204, %dma_wait3A_205, %dma_wait3A_206] : memref<2x96x48x3x8x128xf32, #tpu.memory_space<hbm>> -> memref<1x8x1x3x2x128xf32, #tpu.memory_space<hbm>>
      %dma_wait3A_208 = tpu.memref_squeeze %dma_wait3A_207 : memref<1x8x1x3x2x128xf32, #tpu.memory_space<hbm>> -> memref<8x3x2x128xf32, #tpu.memory_space<hbm>>
      %dma_wait3A_209 = arith.constant 0 : i32
      %dma_wait3A_210 = arith.constant 0 : i32
      %dma_wait3A_211 = arith.constant 0 : i32
      %dma_wait3A_212 = tpu.memref_slice %arg6[%select_n3A, %mul3A_202, %dma_wait3A_203, %dma_wait3A_209, %dma_wait3A_210, %dma_wait3A_211] : memref<2x96x48x3x8x128xf32, #tpu.memory_space<hbm>> -> memref<1x8x1x3x2x128xf32, #tpu.memory_space<hbm>>
      %dma_wait3A_213 = tpu.memref_squeeze %dma_wait3A_212 : memref<1x8x1x3x2x128xf32, #tpu.memory_space<hbm>> -> memref<8x3x2x128xf32, #tpu.memory_space<hbm>>
      tpu.wait_dma2 semaphore(%arg17 : memref<!tpu.dma_semaphore, #tpu.memory_space<semaphore_mem>>) src(%arg8 : memref<8x3x2x128xf32, #tpu.memory_space<vmem>>) dst(%dma_wait3A_213 : memref<8x3x2x128xf32, #tpu.memory_space<hbm>>)
      %mul3A_214 = arith.constant 8 : i32
      %mul3A_215 = arith.muli %add3A, %mul3A_214 : i32
      %dma_wait3A_216 = arith.constant 0 : i32
      %dma_wait3A_217 = arith.constant 0 : i32
      %dma_wait3A_218 = arith.constant 0 : i32
      %dma_wait3A_219 = arith.constant 0 : i32
      %dma_wait3A_220 = tpu.memref_slice %arg6[%select_n3A, %mul3A_215, %dma_wait3A_216, %dma_wait3A_217, %dma_wait3A_218, %dma_wait3A_219] : memref<2x96x48x3x8x128xf32, #tpu.memory_space<hbm>> -> memref<1x8x1x3x2x128xf32, #tpu.memory_space<hbm>>
      %dma_wait3A_221 = tpu.memref_squeeze %dma_wait3A_220 : memref<1x8x1x3x2x128xf32, #tpu.memory_space<hbm>> -> memref<8x3x2x128xf32, #tpu.memory_space<hbm>>
      %dma_wait3A_222 = arith.constant 0 : i32
      %dma_wait3A_223 = arith.constant 0 : i32
      %dma_wait3A_224 = arith.constant 0 : i32
      %dma_wait3A_225 = tpu.memref_slice %arg6[%select_n3A, %mul3A_215, %dma_wait3A_216, %dma_wait3A_222, %dma_wait3A_223, %dma_wait3A_224] : memref<2x96x48x3x8x128xf32, #tpu.memory_space<hbm>> -> memref<1x8x1x3x2x128xf32, #tpu.memory_space<hbm>>
      %dma_wait3A_226 = tpu.memref_squeeze %dma_wait3A_225 : memref<1x8x1x3x2x128xf32, #tpu.memory_space<hbm>> -> memref<8x3x2x128xf32, #tpu.memory_space<hbm>>
      tpu.wait_dma2 semaphore(%arg18 : memref<!tpu.dma_semaphore, #tpu.memory_space<semaphore_mem>>) src(%arg9 : memref<8x3x2x128xf32, #tpu.memory_space<vmem>>) dst(%dma_wait3A_226 : memref<8x3x2x128xf32, #tpu.memory_space<hbm>>)
      %dma_wait3A_227 = arith.constant 0 : i32
      %dma_wait3A_228 = tpu.memref_slice %arg7[%mul3A_0, %dma_wait3A_227] : memref<147456x8xf32, #tpu.memory_space<vmem_shared>> -> memref<768x8xf32, #tpu.memory_space<vmem_shared>>
      tpu.wait_dma2 semaphore(%arg19 : memref<!tpu.dma_semaphore, #tpu.memory_space<semaphore_mem>>) src(%arg5 : memref<768x8xf32, #tpu.memory_space<hbm>>) dst(%dma_wait3A_228 : memref<768x8xf32, #tpu.memory_space<vmem_shared>>)
      %dma_wait3A_229 = arith.constant 0 : i32
      %dma_wait3A_230 = tpu.memref_slice %arg7[%mul3A_0, %dma_wait3A_229] : memref<147456x8xf32, #tpu.memory_space<vmem_shared>> -> memref<768x8xf32, #tpu.memory_space<vmem_shared>>
      tpu.wait_dma2 semaphore(%arg19 : memref<!tpu.dma_semaphore, #tpu.memory_space<semaphore_mem>>) src(%arg5 : memref<768x8xf32, #tpu.memory_space<hbm>>) dst(%dma_wait3A_230 : memref<768x8xf32, #tpu.memory_space<vmem_shared>>)
      %dma_wait3A_231 = arith.constant 0 : i32
      %dma_wait3A_232 = tpu.memref_slice %arg7[%mul3A_0, %dma_wait3A_231] : memref<147456x8xf32, #tpu.memory_space<vmem_shared>> -> memref<768x8xf32, #tpu.memory_space<vmem_shared>>
      tpu.wait_dma2 semaphore(%arg19 : memref<!tpu.dma_semaphore, #tpu.memory_space<semaphore_mem>>) src(%arg5 : memref<768x8xf32, #tpu.memory_space<hbm>>) dst(%dma_wait3A_232 : memref<768x8xf32, #tpu.memory_space<vmem_shared>>)
      %dma_wait3A_233 = arith.constant 0 : i32
      %dma_wait3A_234 = tpu.memref_slice %arg7[%mul3A_0, %dma_wait3A_233] : memref<147456x8xf32, #tpu.memory_space<vmem_shared>> -> memref<768x8xf32, #tpu.memory_space<vmem_shared>>
      tpu.wait_dma2 semaphore(%arg19 : memref<!tpu.dma_semaphore, #tpu.memory_space<semaphore_mem>>) src(%arg5 : memref<768x8xf32, #tpu.memory_space<hbm>>) dst(%dma_wait3A_234 : memref<768x8xf32, #tpu.memory_space<vmem_shared>>)
      %dma_wait3A_235 = arith.constant 0 : i32
      %dma_wait3A_236 = tpu.memref_slice %arg7[%mul3A_0, %dma_wait3A_235] : memref<147456x8xf32, #tpu.memory_space<vmem_shared>> -> memref<768x8xf32, #tpu.memory_space<vmem_shared>>
      tpu.wait_dma2 semaphore(%arg19 : memref<!tpu.dma_semaphore, #tpu.memory_space<semaphore_mem>>) src(%arg5 : memref<768x8xf32, #tpu.memory_space<hbm>>) dst(%dma_wait3A_236 : memref<768x8xf32, #tpu.memory_space<vmem_shared>>)
      %dma_wait3A_237 = arith.constant 0 : i32
      %dma_wait3A_238 = tpu.memref_slice %arg7[%mul3A_0, %dma_wait3A_237] : memref<147456x8xf32, #tpu.memory_space<vmem_shared>> -> memref<768x8xf32, #tpu.memory_space<vmem_shared>>
      tpu.wait_dma2 semaphore(%arg19 : memref<!tpu.dma_semaphore, #tpu.memory_space<semaphore_mem>>) src(%arg5 : memref<768x8xf32, #tpu.memory_space<hbm>>) dst(%dma_wait3A_238 : memref<768x8xf32, #tpu.memory_space<vmem_shared>>)
      %dma_wait3A_239 = arith.constant 0 : i32
      %dma_wait3A_240 = tpu.memref_slice %arg7[%mul3A_0, %dma_wait3A_239] : memref<147456x8xf32, #tpu.memory_space<vmem_shared>> -> memref<768x8xf32, #tpu.memory_space<vmem_shared>>
      tpu.wait_dma2 semaphore(%arg19 : memref<!tpu.dma_semaphore, #tpu.memory_space<semaphore_mem>>) src(%arg5 : memref<768x8xf32, #tpu.memory_space<hbm>>) dst(%dma_wait3A_240 : memref<768x8xf32, #tpu.memory_space<vmem_shared>>)
      %dma_wait3A_241 = arith.constant 0 : i32
      %dma_wait3A_242 = tpu.memref_slice %arg7[%mul3A_0, %dma_wait3A_241] : memref<147456x8xf32, #tpu.memory_space<vmem_shared>> -> memref<768x8xf32, #tpu.memory_space<vmem_shared>>
      tpu.wait_dma2 semaphore(%arg19 : memref<!tpu.dma_semaphore, #tpu.memory_space<semaphore_mem>>) src(%arg5 : memref<768x8xf32, #tpu.memory_space<hbm>>) dst(%dma_wait3A_242 : memref<768x8xf32, #tpu.memory_space<vmem_shared>>)
      %dma_wait3A_243 = arith.constant 0 : i32
      %dma_wait3A_244 = tpu.memref_slice %arg7[%mul3A_0, %dma_wait3A_243] : memref<147456x8xf32, #tpu.memory_space<vmem_shared>> -> memref<768x8xf32, #tpu.memory_space<vmem_shared>>
      tpu.wait_dma2 semaphore(%arg19 : memref<!tpu.dma_semaphore, #tpu.memory_space<semaphore_mem>>) src(%arg5 : memref<768x8xf32, #tpu.memory_space<hbm>>) dst(%dma_wait3A_244 : memref<768x8xf32, #tpu.memory_space<vmem_shared>>)
      %dma_wait3A_245 = arith.constant 0 : i32
      %dma_wait3A_246 = tpu.memref_slice %arg7[%mul3A_0, %dma_wait3A_245] : memref<147456x8xf32, #tpu.memory_space<vmem_shared>> -> memref<768x8xf32, #tpu.memory_space<vmem_shared>>
      tpu.wait_dma2 semaphore(%arg19 : memref<!tpu.dma_semaphore, #tpu.memory_space<semaphore_mem>>) src(%arg5 : memref<768x8xf32, #tpu.memory_space<hbm>>) dst(%dma_wait3A_246 : memref<768x8xf32, #tpu.memory_space<vmem_shared>>)
      %dma_wait3A_247 = arith.constant 0 : i32
      %dma_wait3A_248 = tpu.memref_slice %arg7[%mul3A_0, %dma_wait3A_247] : memref<147456x8xf32, #tpu.memory_space<vmem_shared>> -> memref<768x8xf32, #tpu.memory_space<vmem_shared>>
      tpu.wait_dma2 semaphore(%arg19 : memref<!tpu.dma_semaphore, #tpu.memory_space<semaphore_mem>>) src(%arg5 : memref<768x8xf32, #tpu.memory_space<hbm>>) dst(%dma_wait3A_248 : memref<768x8xf32, #tpu.memory_space<vmem_shared>>)
      %dma_wait3A_249 = arith.constant 0 : i32
      %dma_wait3A_250 = tpu.memref_slice %arg7[%mul3A_0, %dma_wait3A_249] : memref<147456x8xf32, #tpu.memory_space<vmem_shared>> -> memref<768x8xf32, #tpu.memory_space<vmem_shared>>
      tpu.wait_dma2 semaphore(%arg19 : memref<!tpu.dma_semaphore, #tpu.memory_space<semaphore_mem>>) src(%arg5 : memref<768x8xf32, #tpu.memory_space<hbm>>) dst(%dma_wait3A_250 : memref<768x8xf32, #tpu.memory_space<vmem_shared>>)
    }
    %scan3A_22 = arith.constant 12 : i32
    return
  }
}

module attributes {stable_mosaic.version = 14 : i64} {
  func.func @_taps_body(%arg0: i32, %arg1: i32, %arg2: memref<1x2x96x384xf32, #tpu.memory_space<vmem>>, %arg3: memref<1x4x96x384xi32, #tpu.memory_space<vmem>>, %arg4: memref<1x4x96x384xf32, #tpu.memory_space<vmem>>) attributes {dimension_semantics = [#tpu.dimension_semantics<arbitrary>, #tpu.dimension_semantics<arbitrary>], iteration_bounds = array<i64: 2, 4>, scalar_prefetch = 0 : i64, scratch_operands = 0 : i64, tpu.core_type = #tpu.core_type<tc>, window_params = [{transform_indices = @transform_0, window_bounds = array<i64: 1, 2, 96, 384>}, {transform_indices = @transform_1, window_bounds = array<i64: 1, 4, 96, 384>}, {transform_indices = @transform_2, window_bounds = array<i64: 1, 4, 96, 384>}]} {
    %get3A = arith.constant 0 : index
    %get3A_0 = arith.constant 0 : index
    %get3A_1 = arith.constant 0 : index
    %get3A_2 = arith.constant 0 : index
    %get3A_3 = vector.load %arg2[%get3A, %get3A_0, %get3A_1, %get3A_2] : memref<1x2x96x384xf32, #tpu.memory_space<vmem>>, vector<1x1x96x384xf32>
    %get3A_4 = vector.shape_cast %get3A_3 : vector<1x1x96x384xf32> to vector<96x384xf32>
    %get3A_5 = arith.constant 0 : index
    %get3A_6 = arith.constant 1 : index
    %get3A_7 = arith.constant 0 : index
    %get3A_8 = arith.constant 0 : index
    %get3A_9 = vector.load %arg2[%get3A_5, %get3A_6, %get3A_7, %get3A_8] : memref<1x2x96x384xf32, #tpu.memory_space<vmem>>, vector<1x1x96x384xf32>
    %get3A_10 = vector.shape_cast %get3A_9 : vector<1x1x96x384xf32> to vector<96x384xf32>
    %iota3A = tpu.iota {dimensions = array<i32: 1>} : vector<96x384xi32>
    %iota3A_11 = tpu.iota {dimensions = array<i32: 0>} : vector<96x384xi32>
    %mul3A = arith.constant 96 : i32
    %mul3A_12 = arith.muli %arg1, %mul3A : i32
    %add3A = vector.broadcast %mul3A_12 : i32 to vector<96x384xi32>
    %add3A_13 = arith.addi %iota3A_11, %add3A : vector<96x384xi32>
    %convert_element_type3A = arith.sitofp %iota3A : vector<96x384xi32> to vector<96x384xf32>
    %convert_element_type3A_14 = arith.sitofp %add3A_13 : vector<96x384xi32> to vector<96x384xf32>
    %mul3A_15 = arith.constant 384 : i32
    %mul3A_16 = vector.broadcast %mul3A_15 : i32 to vector<96x384xi32>
    %mul3A_17 = arith.muli %add3A_13, %mul3A_16 : vector<96x384xi32>
    %add3A_18 = arith.addi %mul3A_17, %iota3A : vector<96x384xi32>
    %add3A_19 = arith.addf %convert_element_type3A, %get3A_4 : vector<96x384xf32>
    %add3A_20 = arith.addf %convert_element_type3A_14, %get3A_10 : vector<96x384xf32>
    %floor3A = math.floor %add3A_19 : vector<96x384xf32>
    %floor3A_21 = math.floor %add3A_20 : vector<96x384xf32>
    %convert_element_type3A_22 = arith.fptosi %floor3A : vector<96x384xf32> to vector<96x384xi32>
    %convert_element_type3A_23 = arith.fptosi %floor3A_21 : vector<96x384xf32> to vector<96x384xi32>
    %sub3A = arith.subf %add3A_19, %floor3A : vector<96x384xf32>
    %sub3A_24 = arith.subf %add3A_20, %floor3A_21 : vector<96x384xf32>
    %sub3A_25 = arith.constant 1.000000e+00 : f32
    %sub3A_26 = vector.broadcast %sub3A_25 : f32 to vector<96x384xf32>
    %sub3A_27 = arith.subf %sub3A_26, %sub3A : vector<96x384xf32>
    %sub3A_28 = arith.constant 1.000000e+00 : f32
    %sub3A_29 = vector.broadcast %sub3A_28 : f32 to vector<96x384xf32>
    %sub3A_30 = arith.subf %sub3A_29, %sub3A_24 : vector<96x384xf32>
    %mul3A_31 = arith.mulf %sub3A_27, %sub3A_30 : vector<96x384xf32>
    %add3A_32 = arith.constant 1 : i32
    %add3A_33 = vector.broadcast %add3A_32 : i32 to vector<96x384xi32>
    %add3A_34 = arith.addi %convert_element_type3A_22, %add3A_33 : vector<96x384xi32>
    %mul3A_35 = arith.mulf %sub3A, %sub3A_30 : vector<96x384xf32>
    %add3A_36 = arith.constant 1 : i32
    %add3A_37 = vector.broadcast %add3A_36 : i32 to vector<96x384xi32>
    %add3A_38 = arith.addi %convert_element_type3A_23, %add3A_37 : vector<96x384xi32>
    %mul3A_39 = arith.mulf %sub3A_27, %sub3A_24 : vector<96x384xf32>
    %add3A_40 = arith.constant 1 : i32
    %add3A_41 = vector.broadcast %add3A_40 : i32 to vector<96x384xi32>
    %add3A_42 = arith.addi %convert_element_type3A_22, %add3A_41 : vector<96x384xi32>
    %add3A_43 = arith.constant 1 : i32
    %add3A_44 = vector.broadcast %add3A_43 : i32 to vector<96x384xi32>
    %add3A_45 = arith.addi %convert_element_type3A_23, %add3A_44 : vector<96x384xi32>
    %mul3A_46 = arith.mulf %sub3A, %sub3A_24 : vector<96x384xf32>
    %ge3A = arith.constant 0 : i32
    %ge3A_47 = vector.broadcast %ge3A : i32 to vector<96x384xi32>
    %ge3A_48 = arith.cmpi sge, %convert_element_type3A_22, %ge3A_47 : vector<96x384xi32>
    %lt3A = arith.constant 384 : i32
    %lt3A_49 = vector.broadcast %lt3A : i32 to vector<96x384xi32>
    %lt3A_50 = arith.cmpi slt, %convert_element_type3A_22, %lt3A_49 : vector<96x384xi32>
    %and3A = arith.andi %ge3A_48, %lt3A_50 : vector<96x384xi1>
    %ge3A_51 = arith.constant 0 : i32
    %ge3A_52 = vector.broadcast %ge3A_51 : i32 to vector<96x384xi32>
    %ge3A_53 = arith.cmpi sge, %convert_element_type3A_23, %ge3A_52 : vector<96x384xi32>
    %and3A_54 = arith.andi %and3A, %ge3A_53 : vector<96x384xi1>
    %lt3A_55 = arith.constant 384 : i32
    %lt3A_56 = vector.broadcast %lt3A_55 : i32 to vector<96x384xi32>
    %lt3A_57 = arith.cmpi slt, %convert_element_type3A_23, %lt3A_56 : vector<96x384xi32>
    %and3A_58 = arith.andi %and3A_54, %lt3A_57 : vector<96x384xi1>
    %mul3A_59 = arith.constant 384 : i32
    %mul3A_60 = vector.broadcast %mul3A_59 : i32 to vector<96x384xi32>
    %mul3A_61 = arith.muli %convert_element_type3A_23, %mul3A_60 : vector<96x384xi32>
    %add3A_62 = arith.addi %mul3A_61, %convert_element_type3A_22 : vector<96x384xi32>
    %select_n3A = arith.select %and3A_58, %add3A_62, %add3A_18 : vector<96x384xi1>, vector<96x384xi32>
    %swap3A = arith.constant 0 : index
    %swap3A_63 = arith.constant 0 : index
    %swap3A_64 = arith.constant 0 : index
    %swap3A_65 = arith.constant 0 : index
    %swap3A_66 = vector.load %arg3[%swap3A, %swap3A_63, %swap3A_64, %swap3A_65] : memref<1x4x96x384xi32, #tpu.memory_space<vmem>>, vector<1x1x96x384xi32>
    %swap3A_67 = vector.shape_cast %swap3A_66 : vector<1x1x96x384xi32> to vector<96x384xi32>
    %swap3A_68 = vector.shape_cast %select_n3A : vector<96x384xi32> to vector<1x1x96x384xi32>
    tpu.vector_store %arg3[%swap3A, %swap3A_63, %swap3A_64, %swap3A_65], %swap3A_68 {strides = array<i32>} : memref<1x4x96x384xi32, #tpu.memory_space<vmem>>, vector<1x1x96x384xi32>,
    %jit3A = arith.constant 0.000000e+00 : f32
    %broadcast_in_dim3A = vector.broadcast %jit3A : f32 to vector<96x384xf32>
    %select_n3A_69 = arith.select %and3A_58, %mul3A_31, %broadcast_in_dim3A : vector<96x384xi1>, vector<96x384xf32>
    %swap3A_70 = arith.constant 0 : index
    %swap3A_71 = arith.constant 0 : index
    %swap3A_72 = arith.constant 0 : index
    %swap3A_73 = arith.constant 0 : index
    %swap3A_74 = vector.load %arg4[%swap3A_70, %swap3A_71, %swap3A_72, %swap3A_73] : memref<1x4x96x384xf32, #tpu.memory_space<vmem>>, vector<1x1x96x384xf32>
    %swap3A_75 = vector.shape_cast %swap3A_74 : vector<1x1x96x384xf32> to vector<96x384xf32>
    %swap3A_76 = vector.shape_cast %select_n3A_69 : vector<96x384xf32> to vector<1x1x96x384xf32>
    tpu.vector_store %arg4[%swap3A_70, %swap3A_71, %swap3A_72, %swap3A_73], %swap3A_76 {strides = array<i32>} : memref<1x4x96x384xf32, #tpu.memory_space<vmem>>, vector<1x1x96x384xf32>,
    %ge3A_77 = arith.constant 0 : i32
    %ge3A_78 = vector.broadcast %ge3A_77 : i32 to vector<96x384xi32>
    %ge3A_79 = arith.cmpi sge, %add3A_34, %ge3A_78 : vector<96x384xi32>
    %lt3A_80 = arith.constant 384 : i32
    %lt3A_81 = vector.broadcast %lt3A_80 : i32 to vector<96x384xi32>
    %lt3A_82 = arith.cmpi slt, %add3A_34, %lt3A_81 : vector<96x384xi32>
    %and3A_83 = arith.andi %ge3A_79, %lt3A_82 : vector<96x384xi1>
    %ge3A_84 = arith.constant 0 : i32
    %ge3A_85 = vector.broadcast %ge3A_84 : i32 to vector<96x384xi32>
    %ge3A_86 = arith.cmpi sge, %convert_element_type3A_23, %ge3A_85 : vector<96x384xi32>
    %and3A_87 = arith.andi %and3A_83, %ge3A_86 : vector<96x384xi1>
    %lt3A_88 = arith.constant 384 : i32
    %lt3A_89 = vector.broadcast %lt3A_88 : i32 to vector<96x384xi32>
    %lt3A_90 = arith.cmpi slt, %convert_element_type3A_23, %lt3A_89 : vector<96x384xi32>
    %and3A_91 = arith.andi %and3A_87, %lt3A_90 : vector<96x384xi1>
    %mul3A_92 = arith.constant 384 : i32
    %mul3A_93 = vector.broadcast %mul3A_92 : i32 to vector<96x384xi32>
    %mul3A_94 = arith.muli %convert_element_type3A_23, %mul3A_93 : vector<96x384xi32>
    %add3A_95 = arith.addi %mul3A_94, %add3A_34 : vector<96x384xi32>
    %select_n3A_96 = arith.select %and3A_91, %add3A_95, %add3A_18 : vector<96x384xi1>, vector<96x384xi32>
    %swap3A_97 = arith.constant 0 : index
    %swap3A_98 = arith.constant 1 : index
    %swap3A_99 = arith.constant 0 : index
    %swap3A_100 = arith.constant 0 : index
    %swap3A_101 = vector.load %arg3[%swap3A_97, %swap3A_98, %swap3A_99, %swap3A_100] : memref<1x4x96x384xi32, #tpu.memory_space<vmem>>, vector<1x1x96x384xi32>
    %swap3A_102 = vector.shape_cast %swap3A_101 : vector<1x1x96x384xi32> to vector<96x384xi32>
    %swap3A_103 = vector.shape_cast %select_n3A_96 : vector<96x384xi32> to vector<1x1x96x384xi32>
    tpu.vector_store %arg3[%swap3A_97, %swap3A_98, %swap3A_99, %swap3A_100], %swap3A_103 {strides = array<i32>} : memref<1x4x96x384xi32, #tpu.memory_space<vmem>>, vector<1x1x96x384xi32>,
    %jit3A_104 = arith.constant 0.000000e+00 : f32
    %broadcast_in_dim3A_105 = vector.broadcast %jit3A_104 : f32 to vector<96x384xf32>
    %select_n3A_106 = arith.select %and3A_91, %mul3A_35, %broadcast_in_dim3A_105 : vector<96x384xi1>, vector<96x384xf32>
    %swap3A_107 = arith.constant 0 : index
    %swap3A_108 = arith.constant 1 : index
    %swap3A_109 = arith.constant 0 : index
    %swap3A_110 = arith.constant 0 : index
    %swap3A_111 = vector.load %arg4[%swap3A_107, %swap3A_108, %swap3A_109, %swap3A_110] : memref<1x4x96x384xf32, #tpu.memory_space<vmem>>, vector<1x1x96x384xf32>
    %swap3A_112 = vector.shape_cast %swap3A_111 : vector<1x1x96x384xf32> to vector<96x384xf32>
    %swap3A_113 = vector.shape_cast %select_n3A_106 : vector<96x384xf32> to vector<1x1x96x384xf32>
    tpu.vector_store %arg4[%swap3A_107, %swap3A_108, %swap3A_109, %swap3A_110], %swap3A_113 {strides = array<i32>} : memref<1x4x96x384xf32, #tpu.memory_space<vmem>>, vector<1x1x96x384xf32>,
    %ge3A_114 = arith.constant 0 : i32
    %ge3A_115 = vector.broadcast %ge3A_114 : i32 to vector<96x384xi32>
    %ge3A_116 = arith.cmpi sge, %convert_element_type3A_22, %ge3A_115 : vector<96x384xi32>
    %lt3A_117 = arith.constant 384 : i32
    %lt3A_118 = vector.broadcast %lt3A_117 : i32 to vector<96x384xi32>
    %lt3A_119 = arith.cmpi slt, %convert_element_type3A_22, %lt3A_118 : vector<96x384xi32>
    %and3A_120 = arith.andi %ge3A_116, %lt3A_119 : vector<96x384xi1>
    %ge3A_121 = arith.constant 0 : i32
    %ge3A_122 = vector.broadcast %ge3A_121 : i32 to vector<96x384xi32>
    %ge3A_123 = arith.cmpi sge, %add3A_38, %ge3A_122 : vector<96x384xi32>
    %and3A_124 = arith.andi %and3A_120, %ge3A_123 : vector<96x384xi1>
    %lt3A_125 = arith.constant 384 : i32
    %lt3A_126 = vector.broadcast %lt3A_125 : i32 to vector<96x384xi32>
    %lt3A_127 = arith.cmpi slt, %add3A_38, %lt3A_126 : vector<96x384xi32>
    %and3A_128 = arith.andi %and3A_124, %lt3A_127 : vector<96x384xi1>
    %mul3A_129 = arith.constant 384 : i32
    %mul3A_130 = vector.broadcast %mul3A_129 : i32 to vector<96x384xi32>
    %mul3A_131 = arith.muli %add3A_38, %mul3A_130 : vector<96x384xi32>
    %add3A_132 = arith.addi %mul3A_131, %convert_element_type3A_22 : vector<96x384xi32>
    %select_n3A_133 = arith.select %and3A_128, %add3A_132, %add3A_18 : vector<96x384xi1>, vector<96x384xi32>
    %swap3A_134 = arith.constant 0 : index
    %swap3A_135 = arith.constant 2 : index
    %swap3A_136 = arith.constant 0 : index
    %swap3A_137 = arith.constant 0 : index
    %swap3A_138 = vector.load %arg3[%swap3A_134, %swap3A_135, %swap3A_136, %swap3A_137] : memref<1x4x96x384xi32, #tpu.memory_space<vmem>>, vector<1x1x96x384xi32>
    %swap3A_139 = vector.shape_cast %swap3A_138 : vector<1x1x96x384xi32> to vector<96x384xi32>
    %swap3A_140 = vector.shape_cast %select_n3A_133 : vector<96x384xi32> to vector<1x1x96x384xi32>
    tpu.vector_store %arg3[%swap3A_134, %swap3A_135, %swap3A_136, %swap3A_137], %swap3A_140 {strides = array<i32>} : memref<1x4x96x384xi32, #tpu.memory_space<vmem>>, vector<1x1x96x384xi32>,
    %jit3A_141 = arith.constant 0.000000e+00 : f32
    %broadcast_in_dim3A_142 = vector.broadcast %jit3A_141 : f32 to vector<96x384xf32>
    %select_n3A_143 = arith.select %and3A_128, %mul3A_39, %broadcast_in_dim3A_142 : vector<96x384xi1>, vector<96x384xf32>
    %swap3A_144 = arith.constant 0 : index
    %swap3A_145 = arith.constant 2 : index
    %swap3A_146 = arith.constant 0 : index
    %swap3A_147 = arith.constant 0 : index
    %swap3A_148 = vector.load %arg4[%swap3A_144, %swap3A_145, %swap3A_146, %swap3A_147] : memref<1x4x96x384xf32, #tpu.memory_space<vmem>>, vector<1x1x96x384xf32>
    %swap3A_149 = vector.shape_cast %swap3A_148 : vector<1x1x96x384xf32> to vector<96x384xf32>
    %swap3A_150 = vector.shape_cast %select_n3A_143 : vector<96x384xf32> to vector<1x1x96x384xf32>
    tpu.vector_store %arg4[%swap3A_144, %swap3A_145, %swap3A_146, %swap3A_147], %swap3A_150 {strides = array<i32>} : memref<1x4x96x384xf32, #tpu.memory_space<vmem>>, vector<1x1x96x384xf32>,
    %ge3A_151 = arith.constant 0 : i32
    %ge3A_152 = vector.broadcast %ge3A_151 : i32 to vector<96x384xi32>
    %ge3A_153 = arith.cmpi sge, %add3A_42, %ge3A_152 : vector<96x384xi32>
    %lt3A_154 = arith.constant 384 : i32
    %lt3A_155 = vector.broadcast %lt3A_154 : i32 to vector<96x384xi32>
    %lt3A_156 = arith.cmpi slt, %add3A_42, %lt3A_155 : vector<96x384xi32>
    %and3A_157 = arith.andi %ge3A_153, %lt3A_156 : vector<96x384xi1>
    %ge3A_158 = arith.constant 0 : i32
    %ge3A_159 = vector.broadcast %ge3A_158 : i32 to vector<96x384xi32>
    %ge3A_160 = arith.cmpi sge, %add3A_45, %ge3A_159 : vector<96x384xi32>
    %and3A_161 = arith.andi %and3A_157, %ge3A_160 : vector<96x384xi1>
    %lt3A_162 = arith.constant 384 : i32
    %lt3A_163 = vector.broadcast %lt3A_162 : i32 to vector<96x384xi32>
    %lt3A_164 = arith.cmpi slt, %add3A_45, %lt3A_163 : vector<96x384xi32>
    %and3A_165 = arith.andi %and3A_161, %lt3A_164 : vector<96x384xi1>
    %mul3A_166 = arith.constant 384 : i32
    %mul3A_167 = vector.broadcast %mul3A_166 : i32 to vector<96x384xi32>
    %mul3A_168 = arith.muli %add3A_45, %mul3A_167 : vector<96x384xi32>
    %add3A_169 = arith.addi %mul3A_168, %add3A_42 : vector<96x384xi32>
    %select_n3A_170 = arith.select %and3A_165, %add3A_169, %add3A_18 : vector<96x384xi1>, vector<96x384xi32>
    %swap3A_171 = arith.constant 0 : index
    %swap3A_172 = arith.constant 3 : index
    %swap3A_173 = arith.constant 0 : index
    %swap3A_174 = arith.constant 0 : index
    %swap3A_175 = vector.load %arg3[%swap3A_171, %swap3A_172, %swap3A_173, %swap3A_174] : memref<1x4x96x384xi32, #tpu.memory_space<vmem>>, vector<1x1x96x384xi32>
    %swap3A_176 = vector.shape_cast %swap3A_175 : vector<1x1x96x384xi32> to vector<96x384xi32>
    %swap3A_177 = vector.shape_cast %select_n3A_170 : vector<96x384xi32> to vector<1x1x96x384xi32>
    tpu.vector_store %arg3[%swap3A_171, %swap3A_172, %swap3A_173, %swap3A_174], %swap3A_177 {strides = array<i32>} : memref<1x4x96x384xi32, #tpu.memory_space<vmem>>, vector<1x1x96x384xi32>,
    %jit3A_178 = arith.constant 0.000000e+00 : f32
    %broadcast_in_dim3A_179 = vector.broadcast %jit3A_178 : f32 to vector<96x384xf32>
    %select_n3A_180 = arith.select %and3A_165, %mul3A_46, %broadcast_in_dim3A_179 : vector<96x384xi1>, vector<96x384xf32>
    %swap3A_181 = arith.constant 0 : index
    %swap3A_182 = arith.constant 3 : index
    %swap3A_183 = arith.constant 0 : index
    %swap3A_184 = arith.constant 0 : index
    %swap3A_185 = vector.load %arg4[%swap3A_181, %swap3A_182, %swap3A_183, %swap3A_184] : memref<1x4x96x384xf32, #tpu.memory_space<vmem>>, vector<1x1x96x384xf32>
    %swap3A_186 = vector.shape_cast %swap3A_185 : vector<1x1x96x384xf32> to vector<96x384xf32>
    %swap3A_187 = vector.shape_cast %select_n3A_180 : vector<96x384xf32> to vector<1x1x96x384xf32>
    tpu.vector_store %arg4[%swap3A_181, %swap3A_182, %swap3A_183, %swap3A_184], %swap3A_187 {strides = array<i32>} : memref<1x4x96x384xf32, #tpu.memory_space<vmem>>, vector<1x1x96x384xf32>,
    return
  }
  func.func @transform_0(%arg0: i32, %arg1: i32) -> (i32, i32, i32, i32) {
    %c0_i32 = arith.constant 0 : i32
    %c0_i32_0 = arith.constant 0 : i32
    %c0_i32_1 = arith.constant 0 : i32
    return %arg0, %c0_i32, %arg1, %c0_i32_0 : i32, i32, i32, i32
  }
  func.func @transform_1(%arg0: i32, %arg1: i32) -> (i32, i32, i32, i32) {
    %c0_i32 = arith.constant 0 : i32
    %c0_i32_0 = arith.constant 0 : i32
    %c0_i32_1 = arith.constant 0 : i32
    return %arg0, %c0_i32, %arg1, %c0_i32_0 : i32, i32, i32, i32
  }
  func.func @transform_2(%arg0: i32, %arg1: i32) -> (i32, i32, i32, i32) {
    %c0_i32 = arith.constant 0 : i32
    %c0_i32_0 = arith.constant 0 : i32
    %c0_i32_1 = arith.constant 0 : i32
    return %arg0, %c0_i32, %arg1, %c0_i32_0 : i32, i32, i32, i32
  }
}

</mosaic_0001>

<sc_bundles>
// kernel: kernel.4.cloned.1.call-start
scs
__scs_entry_jumppad:
0x0: {  	(pc) =	sbr.rel $0x88, $3  }
0x1: {  	(tag) =	ssettag $0x0;
	lr =	simm.s32 $0x1  }
0x2: {  	[smem:$0x3F9F] =	sst lr;
	_ =	strace $0xD0000000  }
0x3: {  	_ = 	snop  }
0x4: {  	_ = 	snop  }
0x5: {  	_ = 	snop  }
0x6: {  	_ = 	snop  }
0x7: {  	_ = 	snop  }
__scs_overlays_trampoline_lowered:
0x8: {  	[smem:$0x3FAE] =	sst s0  }
0x9: {  	[smem:$0x3FAF] =	sst s1  }
0xa: {  	[smem:$0x3FB0] =	sst s2  }
0xb: {  	[smem:$0x3FB1] =	sst s3  }
0xc: {  	[smem:$0x3FB2] =	sst s4  }
0xd: {  	[smem:$0x3FB3] =	sst s5  }
0xe: {  	[smem:$0x3FB4] =	sst s6  }
0xf: {  	[smem:$0x3FB5] =	sst s7  }
0x10: {  	[smem:$0x3FB6] =	sst s8  }
0x11: {  	[smem:$0x3FB7] =	sst s9;
	s0 =	simm.s32 @!p0 $0x0  }
0x12: {  	s1 =	sld [smem:$0x3F9D];
	s0 =	simm.s32 @p0 $0x1  }
0x13: {  	[smem:$0x3FB8] =	sst s0;
	s0 =	simm.s32 @!p1 $0x0  }
0x14: {  	s2 =	sld [smem:$0x3F9C];
	s0 =	simm.s32 @p1 $0x1  }
0x15: {  	[smem:$0x3FB9] =	sst s0;
	s0 =	simm.s32 @!p2 $0x0  }
0x16: {  	s3 =	sld [smem:$0x3FDB];
	s0 =	simm.s32 @p2 $0x1  }
0x17: {  	s4 =	simm.s32 $0x1BF5;
	[smem:$0x3FBB] =	sst s0  }
0x18: {  	s0 =	sld [smem:$0x3F9E];
	_ =	swait.ge [sflag:s4], $0x0  }
0x19: {  	s7 =	sld [smem:$0x3F9F]  }
0x1a: {  	s8 =	sadd.s32 $0xFFFFE003, lr  }
0x1b: {  	s9 =	sadd.s32 $0xFFFFFEF7, lr;
	s5 =	simm.s32 $0xFFFFFFFF;
	p2 =	slt.u32 s8, $0xFFFFF086  }
0x1c: {  	p1 =	slt.u32 s9, $0xF7A;
	s5 =	simm.s32 @!p2 $0x0  }
0x1d: {  	s5 =	simm.s32 @p1 $0x1;
	p0 =	seq.s32 s7, s2  }
0x1e: {  	s7 =	smul.u32 @!p0 $0xF7A, s2;
	p2 =	seq.s32 @!p0 s5, $0x0  }
0x1f: {  	s9 =	smul.u32 $0xF7A, s1;
	s8 =	simm.s32 @!p0 $0x1BF5;
	p2 =	por !p2, p0  }
0x20: {  	[sflag:s8] =	ssyncset.s32 @!p0 $0xFFFFF086;
	s6 =	sadd.s32 @!p0 s3, s7;
	s7 =	simm.s32 @!p0 $0x108  }
0x21: {  	s3 =	sadd.s32 s3, s9;
	s6 =	sadd.s32 @!p0 $0x88, s6;
	s7 =	simm.s32 @p2 $0x1082  }
0x22: {  	[simem:s7], [sflag:s8] =	dma.local @!p0 [hbm:s6], $0xF7A  }
0x23: {  	s9 =	sor.u32 $0xD0000000, s2;
	s6 =	simm.s32 $0x108;
	_ =	swait.ge @!p0 [sflag:s8], $0x0  }
0x24: {  	s3 =	sadd.s32 $0x88, s3;
	s6 =	simm.s32 @!p1 $0x1082;
	[sflag:s4] =	ssyncset.s32 $0xFFFFF086  }
0x25: {  	[simem:s6], [sflag:s4] =	dma.local [hbm:s3], $0xF7A  }
0x26: {  	[smem:$0x3F9F] =	sst s1;
	(tag) =	ssettag s2;
	_ =	strace s9  }
0x27: {  	s1 =	sld [smem:$0x3FAF]  }
0x28: {  	s2 =	sld [smem:$0x3FB0]  }
0x29: {  	s4 =	sld [smem:$0x3FB2]  }
0x2a: {  	p0 =	seq.s32 s5, $0x0;
	s5 =	sld [smem:$0x3FB3]  }
0x2b: {  	s6 =	sld [smem:$0x3FB4]  }
0x2c: {  	s7 =	sld [smem:$0x3FB5]  }
0x2d: {  	s3 =	simm.s32 $0x108;
	s8 =	sld [smem:$0x3FB6]  }
0x2e: {  	s3 =	simm.s32 @!p0 $0x1082;
	s9 =	sld [smem:$0x3FB7]  }
0x2f: {  	lr =	sadd.s32 s0, s3;
	s0 =	sld [smem:$0x3FAE]  }
0x30: {  	s3 =	sld [smem:$0x3FB1]  }
0x31: {  	[smem:$0x3FBA] =	sst s10  }
0x32: {  	s10 =	sld [smem:$0x3FB8];
	_ =	sdelay $0x3  }
0x33: {  	p0 =	seq.s32 s10, $0x1;
	s10 =	sld [smem:$0x3FBA];
	_ =	sdelay $0x3  }
0x34: {  	[smem:$0x3FBA] =	sst s10  }
0x35: {  	s10 =	sld [smem:$0x3FB9];
	_ =	sdelay $0x3  }
0x36: {  	p1 =	seq.s32 s10, $0x1;
	s10 =	sld [smem:$0x3FBA];
	_ =	sdelay $0x3  }
0x37: {  	[smem:$0x3FBA] =	sst s10  }
0x38: {  	s10 =	sld [smem:$0x3FBB]  }
0x39: {  	_ = 	snop;
	(pc) =	sbr.ind lr, $3  }
0x3a: {  	_ = 	snop  }
0x3b: {  	_ = 	snop  }
0x3c: {  	p2 =	seq.s32 s10, $0x1;
	s10 =	sld [smem:$0x3FBA]  }
0x3d: {  	_ =	shalt  }
0x3e: {  	_ =	shalt  }
0x3f: {  	_ =	shalt  }
0x40: {  	_ =	shalt  }
0x41: {  	_ =	shalt  }
0x42: {  	_ =	shalt  }
0x43: {  	_ =	shalt  }
0x44: {  	_ =	shalt  }
0x45: {  	_ =	shalt  }
0x46: {  	_ =	shalt  }
0x47: {  	_ =	shalt  }
0x48: {  	_ =	shalt  }
0x49: {  	_ =	shalt  }
0x4a: {  	_ =	shalt  }
0x4b: {  	_ =	shalt  }
0x4c: {  	_ =	shalt  }
0x4d: {  	_ =	shalt  }
0x4e: {  	_ =	shalt  }
0x4f: {  	_ =	shalt  }
0x50: {  	_ =	shalt  }
0x51: {  	_ =	shalt  }
0x52: {  	_ =	shalt  }
0x53: {  	_ =	shalt  }
0x54: {  	_ =	shalt  }
0x55: {  	_ =	shalt  }
0x56: {  	_ =	shalt  }
0x57: {  	_ =	shalt  }
0x58: {  	_ =	shalt  }
0x59: {  	_ =	shalt  }
0x5a: {  	_ =	shalt  }
0x5b: {  	_ =	shalt  }
0x5c: {  	_ =	shalt  }
0x5d: {  	_ =	shalt  }
0x5e: {  	_ =	shalt  }
0x5f: {  	_ =	shalt  }
0x60: {  	_ =	shalt  }
0x61: {  	_ =	shalt  }
0x62: {  	_ =	shalt  }
0x63: {  	_ =	shalt  }
0x64: {  	_ =	shalt  }
0x65: {  	_ =	shalt  }
0x66: {  	_ =	shalt  }
0x67: {  	_ =	shalt  }
0x68: {  	_ =	shalt  }
0x69: {  	_ =	shalt  }
0x6a: {  	_ =	shalt  }
0x6b: {  	_ =	shalt  }
0x6c: {  	_ =	shalt  }
0x6d: {  	_ =	shalt  }
0x6e: {  	_ =	shalt  }
0x6f: {  	_ =	shalt  }
0x70: {  	_ =	shalt  }
0x71: {  	_ =	shalt  }
0x72: {  	_ =	shalt  }
0x73: {  	_ =	shalt  }
0x74: {  	_ =	shalt  }
0x75: {  	_ =	shalt  }
0x76: {  	_ =	shalt  }
0x77: {  	_ =	shalt  }
0x78: {  	_ =	shalt  }
0x79: {  	_ =	shalt  }
0x7a: {  	_ =	shalt  }
0x7b: {  	_ =	shalt  }
0x7c: {  	_ =	shalt  }
0x7d: {  	_ =	shalt  }
0x7e: {  	_ =	shalt  }
0x7f: {  	_ =	shalt  }
0x80: {  	_ =	shalt  }
0x81: {  	_ =	shalt  }
0x82: {  	_ =	shalt  }
0x83: {  	_ =	shalt  }
0x84: {  	_ =	shalt  }
0x85: {  	_ =	shalt  }
0x86: {  	_ =	shalt  }
0x87: {  	_ =	shalt  }
.Lfunc_end0:
.L_simem_size_0:
called_computation_lowered:
.L_overlay_start_0:
0x88: {  	s2 =	sld [smem:$0x3FD9]  }
0x89: {  	s3 =	sld [smem:$0x3FFE];
	_ =	sdelay $0x1  }
0x8a: {  	s1 =	srdreg.scid  }
0x8b: {  	s0 =	sand.u32 $0x1, s1  }
0x8c: {  	s17 =	sshll.u32 s0, $0xA;
	s2 =	sadd.s32 s3, s2  }
0x8d: {  	s2 =	sadd.s32 s2, s17  }
0x8e: {  	[smem:$0x3FC6] =	sst s2  }
0x8f: {  	_ = 	snop  }
0x90: {  	s2 =	sld [smem:$0x3FC9]  }
0x91: {  	s18 =	sld [smem:$0x3FD0];
	(tm) =	ssettm $0x1  }
0x92: {  	s4 =	sld [smem:$0x3FFB];
	_ =	sdelay $0x3  }
0x93: {  	_ =	strace s4  }
0x94: {  	s4 =	sld [smem:$0x3FFC];
	_ =	sdelay $0x3  }
0x95: {  	_ =	strace s4  }
0x96: {  	s4 =	sld [smem:$0x3FFD];
	_ =	sdelay $0x3  }
0x97: {  	_ =	strace s4  }
0x98: {  	_ =	strace $0x8FFFFFFF  }
0x99: {  	s19 =	sld [smem:$0x3FDB];
	_ =	sdelay $0x1  }
0x9a: {  	s5 =	simm.s32 $_scs_section_size  }
0x9b: {  	s6 =	simm.s32 $_size__tile_overlayer_lowered;
	s7 =	simm.s32 $_tile_overlayer_lowered  }
0x9c: {  	s22 =	simm.s32 $0x1BFF;
	s21 =	sshll.u32 s7, $0x1;
	s4 =	sadd.s32 s5, s19  }
0x9d: {  	s8 =	simm.s32 $0x0;
	s20 =	sshll.u32 s6, $0x1;
	s6 =	sadd.s32 s21, s4  }
0x9e: {  	[timem:s8], [sflag:s22] =	dma.local [hbm:s6], s20  }
0x9f: {  	_ =	swait.ge [sflag:s22], s20  }
0xa0: {  	s5 =	ssub.s32 $0x0, s20;
	[sflag:s22] =	ssyncset.done $0x0  }
0xa1: {  	[sflag:s22] =	ssyncadd.s32 s5;
	_ =	sdelay $0x1  }
0xa2: {  	s23 =	simm.s32 $0x1B8B  }
0xa3: {  	_ =	swait.ge [sflag:s23], $0x1  }
0xa4: {  	[sflag:s23] =	ssyncset.done $0x0  }
0xa5: {  	s25 =	simm.s32 $0x1B8E;
	s24 =	sld [smem:$0x3FFE];
	[sflag:s23] =	ssyncadd.s32 $0xFFFFFFFF  }
0xa6: {  	s26 =	simm.s32 $execute0_lowered;
	[smem:$0x3FD2] =	sst s25  }
0xa7: {  	s6 =	sshll.u32 s26, $0x1;
	_ =	strace $0x80000046;
	[dreg:$0x1] =	wrdreg $0xFFFFFFFF  }
0xa8: {  	s28 =	simm.s32 $_size_execute0_lowered;
	s4 =	sadd.s32 s4, s6;
	[dreg:$0x0] =	wrdreg $0x0  }
0xa9: {  	s6 =	sshll.u32 s28, $0x1;
	[dreg:$0x2] =	wrdreg s4  }
0xaa: {  	[dreg:$0x3] =	wrdreg s6  }
0xab: {  	[dreg:$0x4] =	wrdreg $0xC0  }
0xac: {  	_ =	task [dreg:s8], $0x5FFFF  }
0xad: {  	[dreg:$0x1] =	wrdreg $0xFFFFFFFF  }
0xae: {  	[dreg:$0x0] =	wrdreg $0x60  }
0xaf: {  	[dreg:$0x2] =	wrdreg s2  }
0xb0: {  	[dreg:$0x3] =	wrdreg s24  }
0xb1: {  	[dreg:$0x4] =	wrdreg s18  }
0xb2: {  	[dreg:$0x5] =	wrdreg $0x0  }
0xb3: {  	[dreg:$0x6] =	wrdreg $0x9  }
0xb4: {  	_ =	task.clear_ibuf [dreg:s8], $0x7FFFF;
	_ =	strace $0x90000046  }
0xb5: {  	s29 =	simm.s32 $0x9;
	_ =	strace $0x80000048  }
0xb6: {  	_ =	swait.ge [sflag:s29], $0x1  }
0xb7: {  	[sflag:s29] =	ssyncadd.s32 $0xFFFFFFFF  }
0xb8: {  	_ =	strace $0x90000048  }
0xb9: {  	_ =	sfence  }
0xba: {  	s30 =	sld [smem:$0x0];
	_ =	sdelay $0x2  }
0xbb: {  	s31 =	sshll.u32 s1, $0xD;
	s1 =	sshrl.u32 s1, $0x2  }
0xbc: {  	s3 =	sand.u32 $0x4000, s31;
	s1 =	sadd.s32 s1, s30  }
0xbd: {  	s0 =	sor.u32 s3, s0;
	s1 =	sshll.u32 s1, $0x11  }
0xbe: {  	s0 =	sor.u32 s1, s0  }
0xbf: {  	s0 =	sadd.s32 $0x8F2B, s0  }
0xc0: {  	[sflag:s0] =	ssyncadd.remote.s32 $0x1  }
0xc1: {  	_ =	sfence.sel $0xFFFF  }
0xc2: {  	[dreg:$0x0] =	wrdreg $0xFFFFFFFF;
	(pc) =	sbr.abs _section_cstart, $3  }
0xc3: {  	[dreg:$0x1] =	wrdreg $0xFFFFFFFF  }
0xc4: {  	_ =	task.clear_ibuf [dreg:s8], $0x2FFFF;
	_ =	strace $0x9FFFFFFF  }
0xc5: {  	(tm) =	ssettm $0x7FFFFFFF  }
tec
execute0_lowered:
.L_overlay_start_1:
0x0: {  	(tag) =	ssettag $0x1  }
0x1: {  	s5 =	rddreg [dreg:$0x0]  }
0x2: {  	s0 =	rddreg [dreg:$0x1]  }
0x3: {  	s4 =	rddreg [dreg:$0x3];
	s13 =	simm.s32 $0x0;
	s24 =	stileid.u32  }
0x4: {  	s1 =	srdreg.scid;
	[smem:$0x7FF] =	sst s13  }
0x5: {  	s2 =	smul.u32 $0x48000, s24;
	s6 =	sadd.s32 $0x800, s0;
	s7 =	sadd.s32 $0x24800, s0  }
0x6: {  	s1 =	sand.u32 $0x1, s1;
	s8 =	sadd.s32 $0x48800, s0;
	s9 =	smul.u32 $0x2400, s24  }
0x7: {  	s23 =	sadd.s32 $0x20, s5;
	_ =	strace $0x80000047;
	s29 =	ssub.s32 $0x2, s1  }
0x8: {  	s1 =	sshll.u32 s1, $0x3;
	[dreg:$0x15] =	wrdreg s23;
	s2 =	sshrl.u32 s2, $0x2  }
0x9: {  	s3 =	sshrl.u32 s29, $0x1;
	[dreg:$0x12] =	wrdreg s1;
	s25 =	sor.u32 $0x300, s9  }
0xa: {  	s0 =	ssub.s32 s29, s3;
	[dreg:$0x16] =	wrdreg s25;
	s29 =	sadd.s32 $0x600, s9  }
0xb: {  	s26 =	sadd.s32 s2, s4;
	[dreg:$0x17] =	wrdreg s29  }
0xc: {  	s2 =	sadd.s32 $0x1800, s26;
	[dreg:$0x6] =	wrdreg s26  }
0xd: {  	s10 =	sadd.s32 $0x3000, s26;
	[dreg:$0x7] =	wrdreg s2  }
0xe: {  	s12 =	sadd.s32 $0x4800, s26;
	[dreg:$0x8] =	wrdreg s10  }
0xf: {  	s14 =	sadd.s32 $0x6000, s26;
	[dreg:$0x9] =	wrdreg s12  }
0x10: {  	s15 =	sadd.s32 $0x7800, s26;
	[dreg:$0xa] =	wrdreg s14  }
0x11: {  	s16 =	sadd.s32 $0x9000, s26;
	[dreg:$0xb] =	wrdreg s15  }
0x12: {  	s30 =	simm.s32 $0x100;
	s17 =	sadd.s32 $0xA800, s26;
	[dreg:$0xc] =	wrdreg s16  }
0x13: {  	s11 =	smul.u32 $0x18, s24;
	s18 =	sadd.s32 $0xC000, s26;
	[dreg:$0xd] =	wrdreg s17  }
0x14: {  	s31 =	simm.s32 $0x400;
	s19 =	sadd.s32 $0xD800, s26;
	[dreg:$0xe] =	wrdreg s18  }
0x15: {  	s22 =	sshrl.u32 s11, $0x3;
	s20 =	sadd.s32 $0xF000, s26;
	[dreg:$0xf] =	wrdreg s19  }
0x16: {  	s1 =	smul.u32 $0xC00, s22;
	s21 =	sadd.s32 $0x10800, s26;
	[dreg:$0x10] =	wrdreg s20  }
0x17: {  	s28 =	simm.s32 $0x13800;
	s5 =	simm.s32 $0x4;
	[dreg:$0x11] =	wrdreg s21  }
0x18: {  	s3 =	simm.s32 $0x18C00;
	s0 =	smax.u32 s0, $0x1;
	[dreg:$0x13] =	wrdreg s1  }
0x19: {  	v0 =	vlaneseq.u32;
	s25 =	simm.s32 $0x3;
	[dreg:$0x14] =	wrdreg s0;
	s17 =	simm.s32 $0x300  }
0x1a: {  	v0 =	vmul.u32 $0x8, v0;
	s10 =	simm.s32 $0x1;
	s0 =	simm.s32 $0x1A400;
	s12 =	simm.s32 $0x2  }
.LBB2_1:
0x1b: {  	[dreg:$0x5] =	wrdreg s13;
	s14 =	simm.s32 $0x0  }
.LBB2_2:
0x1c: {  	p0 =	sne.s32 s14, $0x0  }
0x1d: {  	s1 =	sshll.u32 @!p0 s24, $0x6  }
0x1e: {  	s2 =	sshrl.u32 @!p0 s26, $0x3;
	s1 =	sor.u32 @!p0 $0x1C05, s1  }
0x1f: {  	[spmem:s2], [sflag:s1] =	dma.local @!p0 [hbm:s8], $0x300  }
0x20: {  	s2 =	rddreg [dreg:$0x7]  }
0x21: {  	s2 =	sshrl.u32 @!p0 s2, $0x3  }
0x22: {  	[spmem:s2], [sflag:s1] =	dma.local @!p0 [hbm:s8], $0x300  }
0x23: {  	s2 =	rddreg [dreg:$0x8]  }
0x24: {  	s2 =	sshrl.u32 @!p0 s2, $0x3  }
0x25: {  	[spmem:s2], [sflag:s1] =	dma.local @!p0 [hbm:s8], $0x300  }
0x26: {  	s2 =	rddreg [dreg:$0x9]  }
0x27: {  	s2 =	sshrl.u32 @!p0 s2, $0x3  }
0x28: {  	[spmem:s2], [sflag:s1] =	dma.local @!p0 [hbm:s8], $0x300  }
0x29: {  	s2 =	rddreg [dreg:$0xa]  }
0x2a: {  	s2 =	sshrl.u32 @!p0 s2, $0x3  }
0x2b: {  	[spmem:s2], [sflag:s1] =	dma.local @!p0 [hbm:s8], $0x300  }
0x2c: {  	s2 =	rddreg [dreg:$0xb]  }
0x2d: {  	s2 =	sshrl.u32 @!p0 s2, $0x3  }
0x2e: {  	[spmem:s2], [sflag:s1] =	dma.local @!p0 [hbm:s8], $0x300  }
0x2f: {  	s2 =	rddreg [dreg:$0xc]  }
0x30: {  	s2 =	sshrl.u32 @!p0 s2, $0x3  }
0x31: {  	[spmem:s2], [sflag:s1] =	dma.local @!p0 [hbm:s8], $0x300  }
0x32: {  	s2 =	rddreg [dreg:$0xd]  }
0x33: {  	s2 =	sshrl.u32 @!p0 s2, $0x3  }
0x34: {  	[spmem:s2], [sflag:s1] =	dma.local @!p0 [hbm:s8], $0x300  }
0x35: {  	s2 =	rddreg [dreg:$0xe]  }
0x36: {  	s2 =	sshrl.u32 @!p0 s2, $0x3  }
0x37: {  	[spmem:s2], [sflag:s1] =	dma.local @!p0 [hbm:s8], $0x300  }
0x38: {  	s2 =	rddreg [dreg:$0xf]  }
0x39: {  	s2 =	sshrl.u32 @!p0 s2, $0x3  }
0x3a: {  	[spmem:s2], [sflag:s1] =	dma.local @!p0 [hbm:s8], $0x300  }
0x3b: {  	s2 =	rddreg [dreg:$0x10]  }
0x3c: {  	s2 =	sshrl.u32 @!p0 s2, $0x3  }
0x3d: {  	[spmem:s2], [sflag:s1] =	dma.local @!p0 [hbm:s8], $0x300  }
0x3e: {  	s2 =	rddreg [dreg:$0x11]  }
0x3f: {  	s2 =	sshrl.u32 @!p0 s2, $0x3  }
0x40: {  	[spmem:s2], [sflag:s1] =	dma.local @!p0 [hbm:s8], $0x300  }
0x41: {  	s1 =	simm.s32 @!p0 $0x5  }
0x42: {  	_ =	swait.ge @!p0 [sflag:s1], $0x300  }
0x43: {  	[sflag:s1] =	ssyncset.done @!p0 $0x0  }
0x44: {  	[sflag:s1] =	ssyncadd.s32 @!p0 $0xFFFFFD00  }
0x45: {  	_ =	swait.ge @!p0 [sflag:s1], $0x300  }
0x46: {  	[sflag:s1] =	ssyncset.done @!p0 $0x0  }
0x47: {  	[sflag:s1] =	ssyncadd.s32 @!p0 $0xFFFFFD00  }
0x48: {  	_ =	swait.ge @!p0 [sflag:s1], $0x300  }
0x49: {  	[sflag:s1] =	ssyncset.done @!p0 $0x0  }
0x4a: {  	[sflag:s1] =	ssyncadd.s32 @!p0 $0xFFFFFD00  }
0x4b: {  	_ =	swait.ge @!p0 [sflag:s1], $0x300  }
0x4c: {  	[sflag:s1] =	ssyncset.done @!p0 $0x0  }
0x4d: {  	[sflag:s1] =	ssyncadd.s32 @!p0 $0xFFFFFD00  }
0x4e: {  	_ =	swait.ge @!p0 [sflag:s1], $0x300  }
0x4f: {  	[sflag:s1] =	ssyncset.done @!p0 $0x0  }
0x50: {  	[sflag:s1] =	ssyncadd.s32 @!p0 $0xFFFFFD00  }
0x51: {  	_ =	swait.ge @!p0 [sflag:s1], $0x300  }
0x52: {  	[sflag:s1] =	ssyncset.done @!p0 $0x0  }
0x53: {  	[sflag:s1] =	ssyncadd.s32 @!p0 $0xFFFFFD00  }
0x54: {  	_ =	swait.ge @!p0 [sflag:s1], $0x300  }
0x55: {  	[sflag:s1] =	ssyncset.done @!p0 $0x0  }
0x56: {  	[sflag:s1] =	ssyncadd.s32 @!p0 $0xFFFFFD00  }
0x57: {  	_ =	swait.ge @!p0 [sflag:s1], $0x300  }
0x58: {  	[sflag:s1] =	ssyncset.done @!p0 $0x0  }
0x59: {  	[sflag:s1] =	ssyncadd.s32 @!p0 $0xFFFFFD00  }
0x5a: {  	_ =	swait.ge @!p0 [sflag:s1], $0x300  }
0x5b: {  	[sflag:s1] =	ssyncset.done @!p0 $0x0  }
0x5c: {  	[sflag:s1] =	ssyncadd.s32 @!p0 $0xFFFFFD00  }
0x5d: {  	_ =	swait.ge @!p0 [sflag:s1], $0x300  }
0x5e: {  	[sflag:s1] =	ssyncset.done @!p0 $0x0  }
0x5f: {  	s2 =	sshll.u32 s14, $0x4;
	[sflag:s1] =	ssyncadd.s32 @!p0 $0xFFFFFD00  }
0x60: {  	p1 =	slt.u32 s14, $0x6;
	s13 =	sadd.s32 $0xFFFFFFA0, s2;
	_ =	swait.ge @!p0 [sflag:s1], $0x300  }
0x61: {  	s13 =	smov.u32 @p1 s2;
	p1 =	sgt.u32 s14, $0x5;
	s20 =	rddreg [dreg:$0x12]  }
0x62: {  	[dreg:$0x18] =	wrdreg s14;
	[sflag:s1] =	ssyncset.done @!p0 $0x0;
	s2 =	sor.u32 s20, s13  }
0x63: {  	s13 =	simm.s32 $0xD80000;
	[sflag:s1] =	ssyncadd.s32 @!p0 $0xFFFFFD00;
	s2 =	smul.u32 $0x24000, s2  }
0x64: {  	s13 =	simm.s32 @!p1 $0x0;
	_ =	swait.ge @!p0 [sflag:s1], $0x300  }
0x65: {  	s21 =	rddreg [dreg:$0x13];
	[sflag:s1] =	ssyncset.done @!p0 $0x0;
	s14 =	sadd.s32 s13, s2  }
0x66: {  	[sflag:s1] =	ssyncadd.s32 @!p0 $0xFFFFFD00;
	s2 =	sadd.s32 s21, s14  }
0x67: {  	s1 =	rddreg [dreg:$0x0];
	s2 =	sshrl.u32 s2, $0x3  }
0x68: {  	s22 =	simm.s32 $0x12000;
	s1 =	sadd.s32 s1, s2  }
0x69: {  	[tilespmem:s22], [sflag:$0x1] =	stream.strided.gather [hbm4b:s1+s30], $0x300, s31, s30, $0x38;
	[tilespmem:$0x1BC00] =	vst v63  }
0x6a: {  	s24 =	simm.s32 $0x12300;
	s23 =	sadd.s32 $0x4800, s1  }
0x6b: {  	[tilespmem:s24], [sflag:$0x1] =	stream.strided.gather [hbm4b:s23+s30], $0x300, s31, s30, $0x38;
	[tilespmem:$0x1BC00] =	vst v63  }
0x6c: {  	s29 =	simm.s32 $0x12600;
	s26 =	sadd.s32 $0x9000, s1  }
0x6d: {  	[tilespmem:s29], [sflag:$0x1] =	stream.strided.gather [hbm4b:s26+s30], $0x300, s31, s30, $0x38;
	[tilespmem:$0x1BC00] =	vst v63  }
0x6e: {  	s16 =	simm.s32 $0x12900;
	s15 =	sadd.s32 $0xD800, s1  }
0x6f: {  	[tilespmem:s16], [sflag:$0x1] =	stream.strided.gather [hbm4b:s15+s30], $0x300, s31, s30, $0x38;
	[tilespmem:$0x1BC00] =	vst v63  }
0x70: {  	s19 =	simm.s32 $0x12C00;
	s18 =	sadd.s32 $0x12000, s1  }
0x71: {  	[tilespmem:s19], [sflag:$0x1] =	stream.strided.gather [hbm4b:s18+s30], $0x300, s31, s30, $0x38;
	[tilespmem:$0x1BC00] =	vst v63  }
0x72: {  	s21 =	simm.s32 $0x12F00;
	s20 =	sadd.s32 $0x16800, s1  }
0x73: {  	[tilespmem:s21], [sflag:$0x1] =	stream.strided.gather [hbm4b:s20+s30], $0x300, s31, s30, $0x38;
	[tilespmem:$0x1BC00] =	vst v63  }
0x74: {  	s22 =	sadd.s32 $0x1B000, s1;
	s23 =	simm.s32 $0x13200  }
0x75: {  	[tilespmem:s23], [sflag:$0x1] =	stream.strided.gather [hbm4b:s22+s30], $0x300, s31, s30, $0x38;
	[tilespmem:$0x1BC00] =	vst v63  }
0x76: {  	s1 =	sadd.s32 $0x1F800, s1;
	s24 =	simm.s32 $0x13500  }
0x77: {  	[tilespmem:s24], [sflag:$0x1] =	stream.strided.gather [hbm4b:s1+s30], $0x300, s31, s30, $0x38;
	[tilespmem:$0x1BC00] =	vst v63  }
0x78: {  	s1 =	simm.s32 $0x90000  }
0x79: {  	s1 =	simm.s32 @!p1 $0x0  }
0x7a: {  	s15 =	sadd.s32 s9, s1  }
0x7b: {  	s26 =	sshrl.u32 s15, $0x3  }
0x7c: {  	s16 =	simm.s32 $0x24000;
	s18 =	simm.s32 $0x15000;
	s29 =	sadd.s32 s7, s26  }
0x7d: {  	[tilespmem:s18], [sflag:$0x1] =	stream.strided.gather [hbm4b:s29+s17], $0xC00, s16, s17, $0x38;
	[tilespmem:$0x1BC00] =	vst v63  }
0x7e: {  	s19 =	sadd.s32 s9, s14;
	s2 =	sadd.s32 s6, s26;
	s18 =	simm.s32 $0x16800  }
0x7f: {  	[tilespmem:s18], [sflag:$0x1] =	stream.strided.gather [hbm4b:s2+s17], $0xC00, s16, s17, $0x38;
	[tilespmem:$0x1BC00] =	vst v63  }
0x80: {  	s20 =	rddreg [dreg:$0x15];
	s2 =	sshrl.u32 s19, $0x3  }
0x81: {  	s2 =	sadd.s32 s2, s20  }
0x82: {  	[tilespmem:s28], [sflag:$0x2] =	stream.strided.gather [hbm4b:s2+s30], $0x300, s31, s30, $0x38;
	[tilespmem:$0x1BC00] =	vst v63  }
0x83: {  	s21 =	simm.s32 $0x13B00;
	s13 =	sadd.s32 $0x4800, s2  }
0x84: {  	[tilespmem:s21], [sflag:$0x2] =	stream.strided.gather [hbm4b:s13+s30], $0x300, s31, s30, $0x38;
	[tilespmem:$0x1BC00] =	vst v63  }
0x85: {  	s23 =	simm.s32 $0x13E00;
	s22 =	sadd.s32 $0x9000, s2  }
0x86: {  	[tilespmem:s23], [sflag:$0x2] =	stream.strided.gather [hbm4b:s22+s30], $0x300, s31, s30, $0x38;
	[tilespmem:$0x1BC00] =	vst v63  }
0x87: {  	s26 =	simm.s32 $0x14100;
	s24 =	sadd.s32 $0xD800, s2  }
0x88: {  	[tilespmem:s26], [sflag:$0x2] =	stream.strided.gather [hbm4b:s24+s30], $0x300, s31, s30, $0x38;
	[tilespmem:$0x1BC00] =	vst v63  }
0x89: {  	s29 =	simm.s32 $0x14400;
	s28 =	sadd.s32 $0x12000, s2  }
0x8a: {  	[tilespmem:s29], [sflag:$0x2] =	stream.strided.gather [hbm4b:s28+s30], $0x300, s31, s30, $0x38;
	[tilespmem:$0x1BC00] =	vst v63  }
0x8b: {  	s20 =	simm.s32 $0x14700;
	s19 =	sadd.s32 $0x16800, s2;
	s24 =	rddreg [dreg:$0x16]  }
0x8c: {  	[tilespmem:s20], [sflag:$0x2] =	stream.strided.gather [hbm4b:s19+s30], $0x300, s31, s30, $0x38;
	[tilespmem:$0x1BC00] =	vst v63  }
0x8d: {  	s21 =	sadd.s32 $0x1B000, s2;
	s22 =	simm.s32 $0x14A00;
	s1 =	sadd.s32 s1, s24  }
0x8e: {  	[tilespmem:s22], [sflag:$0x2] =	stream.strided.gather [hbm4b:s21+s30], $0x300, s31, s30, $0x38;
	[tilespmem:$0x1BC00] =	vst v63  }
0x8f: {  	s2 =	sadd.s32 $0x1F800, s2;
	s23 =	simm.s32 $0x14D00;
	s1 =	sshrl.u32 s1, $0x3  }
0x90: {  	[tilespmem:s23], [sflag:$0x2] =	stream.strided.gather [hbm4b:s2+s30], $0x300, s31, s30, $0x38;
	[tilespmem:$0x1BC00] =	vst v63  }
0x91: {  	s28 =	simm.s32 $0x15C00;
	s26 =	sadd.s32 s7, s1  }
0x92: {  	[tilespmem:s28], [sflag:$0x2] =	stream.strided.gather [hbm4b:s26+s17], $0xC00, s16, s17, $0x38;
	[tilespmem:$0x1BC00] =	vst v63  }
0x93: {  	s29 =	simm.s32 $0x17400;
	s1 =	sadd.s32 s6, s1  }
0x94: {  	[tilespmem:s29], [sflag:$0x2] =	stream.strided.gather [hbm4b:s1+s17], $0xC00, s16, s17, $0x38;
	[tilespmem:$0x1BC00] =	vst v63  }
0x95: {  	s13 =	simm.s32 $0x0;
	[bflag:$0x0] =	sbarrier.arrive $0xFFFF  }
.LBB2_3:
0x96: {  	_ =	swait.ge [sflag:s10], $0x1800  }
0x97: {  	[sflag:s10] =	ssyncset.done $0x0  }
0x98: {  	[sflag:s10] =	ssyncadd.s32 $0xFFFFE800  }
0x99: {  	_ =	swait.ge [sflag:s10], $0xC00  }
0x9a: {  	[sflag:s10] =	ssyncset.done $0x0  }
0x9b: {  	[sflag:s10] =	ssyncadd.s32 $0xFFFFF400  }
0x9c: {  	_ =	swait.ge [sflag:s10], $0xC00  }
0x9d: {  	p0 =	seq.s32 s13, $0x0;
	[sflag:s10] =	ssyncset.done $0x0  }
0x9e: {  	s1 =	simm.s32 @!p0 $0x3;
	[sflag:s10] =	ssyncadd.s32 $0xFFFFF400  }
0x9f: {  	_ =	swait.ge @!p0 [sflag:s1], $0x1800  }
0xa0: {  	s28 =	simm.s32 $0x15000;
	s16 =	simm.s32 $0x0;
	[sflag:s1] =	ssyncset.done @!p0 $0x0  }
0xa1: {  	s2 =	sand.u32 $0x70, s16;
	s19 =	sand.u32 $0x300, s16;
	[sflag:s1] =	ssyncadd.s32 @!p0 $0xFFFFE800  }
0xa2: {  	s29 =	sor.u32 s2, s19;
	v2 =	vld [tilespmem:s28+$0x0]  }
0xa3: {  	v1 =	vmov s16;
	v3 =	vld [tilespmem:s29+$0x12000]  }
0xa4: {  	v1 =	vshll.u32 v1, $0x3  }
0xa5: {  	v1 =	vor.u32 v0, v1;
	_ =	sdelay $0x2  }
0xa6: {  	v3 =	vmul.f32 v3, v2;
	_ =	sdelay $0x1  }
0xa7: {  	[tilespmem:v1+s3+$0x0] =	vst.idx.msk $0xffff, v3  }
0xa8: {  	v3 =	vld [tilespmem:s29+$0x12300];
	_ =	sdelay $0x1  }
0xa9: {  	v4 =	vor.u32 $0x1, v1;
	_ =	sdelay $0x2  }
0xaa: {  	v3 =	vmul.f32 v3, v2;
	_ =	sdelay $0x1  }
0xab: {  	[tilespmem:v4+s3+$0x0] =	vst.idx.msk $0xffff, v3  }
0xac: {  	v3 =	vld [tilespmem:s29+$0x12600];
	_ =	sdelay $0x1  }
0xad: {  	v59 =	vor.u32 $0x2, v1;
	_ =	sdelay $0x2  }
0xae: {  	v3 =	vmul.f32 v3, v2;
	_ =	sdelay $0x1  }
0xaf: {  	[tilespmem:v59+s3+$0x0] =	vst.idx.msk $0xffff, v3  }
0xb0: {  	v3 =	vld [tilespmem:s29+$0x12900];
	_ =	sdelay $0x1  }
0xb1: {  	v60 =	vor.u32 $0x3, v1;
	_ =	sdelay $0x2  }
0xb2: {  	v3 =	vmul.f32 v3, v2;
	_ =	sdelay $0x1  }
0xb3: {  	[tilespmem:v60+s3+$0x0] =	vst.idx.msk $0xffff, v3  }
0xb4: {  	v3 =	vld [tilespmem:s29+$0x12C00];
	_ =	sdelay $0x1  }
0xb5: {  	v61 =	vor.u32 $0x4, v1;
	_ =	sdelay $0x2  }
0xb6: {  	v3 =	vmul.f32 v3, v2;
	_ =	sdelay $0x1  }
0xb7: {  	[tilespmem:v61+s3+$0x0] =	vst.idx.msk $0xffff, v3  }
0xb8: {  	v3 =	vld [tilespmem:s29+$0x12F00];
	_ =	sdelay $0x1  }
0xb9: {  	v62 =	vor.u32 $0x5, v1;
	_ =	sdelay $0x2  }
0xba: {  	v3 =	vmul.f32 v3, v2;
	_ =	sdelay $0x1  }
0xbb: {  	[tilespmem:v62+s3+$0x0] =	vst.idx.msk $0xffff, v3  }
0xbc: {  	v3 =	vld [tilespmem:s29+$0x13200];
	_ =	sdelay $0x1  }
0xbd: {  	v63 =	vor.u32 $0x6, v1;
	_ =	sdelay $0x2  }
0xbe: {  	v3 =	vmul.f32 v3, v2;
	_ =	sdelay $0x1  }
0xbf: {  	[tilespmem:v63+s3+$0x0] =	vst.idx.msk $0xffff, v3  }
0xc0: {  	v3 =	vld [tilespmem:s29+$0x13500];
	_ =	sdelay $0x1  }
0xc1: {  	v1 =	vor.u32 $0x7, v1  }
0xc2: {  	s20 =	simm.s32 $0x20  }
0xc3: {  	s24 =	simm.s32 $0x40;
	s22 =	simm.s32 $0x20;
	s2 =	simm.s32 $0x10  }
0xc4: {  	s21 =	simm.s32 $0x15010;
	s19 =	sand.u32 $0x70, s2;
	s1 =	sshll.u32 s13, $0x1;
	v2 =	vmul.f32 v3, v2  }
.LBB2_4:
0xc5: {  	s26 =	sand.u32 $0x70, s22  }
0xc6: {  	s28 =	sand.u32 $0x300, s20;
	[tilespmem:v1+s3+$0x0] =	vst.idx.msk $0xffff, v2;
	s20 =	smov.u32 s24;
	s23 =	sadd.s32 $0x20, s24  }
0xc7: {  	p1 =	sne.s32 s24, $0x2E0;
	v2 =	vld [tilespmem:s21+$0x0];
	s24 =	sor.u32 s19, s28;
	s19 =	smov.u32 s26  }
0xc8: {  	v1 =	vmov s2;
	s2 =	smov.u32 s22;
	v3 =	vld [tilespmem:s24+$0x12000]  }
0xc9: {  	v1 =	vshll.u32 v1, $0x3  }
0xca: {  	v1 =	vor.u32 v0, v1;
	_ =	sdelay $0x2  }
0xcb: {  	v3 =	vmul.f32 v3, v2;
	_ =	sdelay $0x1  }
0xcc: {  	[tilespmem:v1+s3+$0x0] =	vst.idx.msk $0xffff, v3  }
0xcd: {  	v3 =	vld [tilespmem:s24+$0x12300];
	_ =	sdelay $0x1  }
0xce: {  	v4 =	vor.u32 $0x1, v1;
	_ =	sdelay $0x2  }
0xcf: {  	v3 =	vmul.f32 v3, v2;
	_ =	sdelay $0x1  }
0xd0: {  	[tilespmem:v4+s3+$0x0] =	vst.idx.msk $0xffff, v3  }
0xd1: {  	v3 =	vld [tilespmem:s24+$0x12600];
	_ =	sdelay $0x1  }
0xd2: {  	v4 =	vor.u32 $0x2, v1;
	_ =	sdelay $0x2  }
0xd3: {  	v3 =	vmul.f32 v3, v2;
	_ =	sdelay $0x1  }
0xd4: {  	[tilespmem:v4+s3+$0x0] =	vst.idx.msk $0xffff, v3  }
0xd5: {  	v3 =	vld [tilespmem:s24+$0x12900];
	_ =	sdelay $0x1  }
0xd6: {  	v4 =	vor.u32 $0x3, v1;
	_ =	sdelay $0x2  }
0xd7: {  	v3 =	vmul.f32 v3, v2;
	_ =	sdelay $0x1  }
0xd8: {  	[tilespmem:v4+s3+$0x0] =	vst.idx.msk $0xffff, v3  }
0xd9: {  	v3 =	vld [tilespmem:s24+$0x12C00];
	_ =	sdelay $0x1  }
0xda: {  	v4 =	vor.u32 $0x4, v1;
	_ =	sdelay $0x2  }
0xdb: {  	v3 =	vmul.f32 v3, v2;
	_ =	sdelay $0x1  }
0xdc: {  	[tilespmem:v4+s3+$0x0] =	vst.idx.msk $0xffff, v3  }
0xdd: {  	v3 =	vld [tilespmem:s24+$0x12F00];
	_ =	sdelay $0x1  }
0xde: {  	v4 =	vor.u32 $0x5, v1;
	_ =	sdelay $0x2  }
0xdf: {  	v3 =	vmul.f32 v3, v2;
	_ =	sdelay $0x1  }
0xe0: {  	[tilespmem:v4+s3+$0x0] =	vst.idx.msk $0xffff, v3  }
0xe1: {  	v3 =	vld [tilespmem:s24+$0x13200];
	_ =	sdelay $0x1  }
0xe2: {  	v4 =	vor.u32 $0x6, v1;
	_ =	sdelay $0x2  }
0xe3: {  	v3 =	vmul.f32 v3, v2;
	_ =	sdelay $0x1  }
0xe4: {  	[tilespmem:v4+s3+$0x0] =	vst.idx.msk $0xffff, v3  }
0xe5: {  	v3 =	vld [tilespmem:s24+$0x13500];
	_ =	sdelay $0x1  }
.Ltmp0:
0xe6: {  	v1 =	vor.u32 $0x7, v1;
	(pc) =	sbr.rel @p1 .LBB2_4-.Ltmp0, $3  }
0xe7: {  	_ =	sdelay $0x1  }
0xe8: {  	v2 =	vmul.f32 v3, v2  }
0xe9: {  	s22 =	sadd.s32 $0x10, s22;
	s21 =	sadd.s32 $0x10, s21;
	s24 =	smov.u32 s23  }
0xea: {  	_ =	sdelay $0x3  }
0xeb: {  	s20 =	sand.u32 $0x300, s20;
	[tilespmem:v1+s3+$0x0] =	vst.idx.msk $0xffff, v2  }
0xec: {  	v1 =	vld [tilespmem:s21+$0x0];
	s19 =	sor.u32 s19, s20  }
0xed: {  	v2 =	vmov s2;
	v3 =	vld [tilespmem:s19+$0x12000]  }
0xee: {  	v2 =	vshll.u32 v2, $0x3  }
0xef: {  	v2 =	vor.u32 v0, v2;
	_ =	sdelay $0x2  }
0xf0: {  	v3 =	vmul.f32 v3, v1;
	_ =	sdelay $0x1  }
0xf1: {  	[tilespmem:v2+s3+$0x0] =	vst.idx.msk $0xffff, v3  }
0xf2: {  	v3 =	vld [tilespmem:s19+$0x12300];
	_ =	sdelay $0x1  }
0xf3: {  	v4 =	vor.u32 $0x1, v2;
	_ =	sdelay $0x2  }
0xf4: {  	v3 =	vmul.f32 v3, v1;
	_ =	sdelay $0x1  }
0xf5: {  	[tilespmem:v4+s3+$0x0] =	vst.idx.msk $0xffff, v3  }
0xf6: {  	v3 =	vld [tilespmem:s19+$0x12600];
	_ =	sdelay $0x1  }
0xf7: {  	v53 =	vor.u32 $0x2, v2;
	_ =	sdelay $0x2  }
0xf8: {  	v3 =	vmul.f32 v3, v1;
	_ =	sdelay $0x1  }
0xf9: {  	[tilespmem:v53+s3+$0x0] =	vst.idx.msk $0xffff, v3  }
0xfa: {  	v3 =	vld [tilespmem:s19+$0x12900];
	_ =	sdelay $0x1  }
0xfb: {  	v54 =	vor.u32 $0x3, v2;
	_ =	sdelay $0x2  }
0xfc: {  	v3 =	vmul.f32 v3, v1;
	_ =	sdelay $0x1  }
0xfd: {  	[tilespmem:v54+s3+$0x0] =	vst.idx.msk $0xffff, v3  }
0xfe: {  	v3 =	vld [tilespmem:s19+$0x12C00];
	_ =	sdelay $0x1  }
0xff: {  	v55 =	vor.u32 $0x4, v2;
	_ =	sdelay $0x2  }
0x100: {  	v3 =	vmul.f32 v3, v1;
	_ =	sdelay $0x1  }
0x101: {  	[tilespmem:v55+s3+$0x0] =	vst.idx.msk $0xffff, v3  }
0x102: {  	v3 =	vld [tilespmem:s19+$0x12F00];
	_ =	sdelay $0x1  }
0x103: {  	v56 =	vor.u32 $0x5, v2;
	_ =	sdelay $0x2  }
0x104: {  	v3 =	vmul.f32 v3, v1;
	_ =	sdelay $0x1  }
0x105: {  	[tilespmem:v56+s3+$0x0] =	vst.idx.msk $0xffff, v3  }
0x106: {  	v3 =	vld [tilespmem:s19+$0x13200];
	_ =	sdelay $0x1  }
0x107: {  	v57 =	vor.u32 $0x6, v2;
	_ =	sdelay $0x2  }
0x108: {  	v3 =	vmul.f32 v3, v1;
	_ =	sdelay $0x1  }
0x109: {  	[tilespmem:v57+s3+$0x0] =	vst.idx.msk $0xffff, v3  }
0x10a: {  	v3 =	vld [tilespmem:s19+$0x13500];
	_ =	sdelay $0x1  }
0x10b: {  	v2 =	vor.u32 $0x7, v2;
	_ =	sdelay $0x2  }
0x10c: {  	v1 =	vmul.f32 v3, v1  }
0x10d: {  	s23 =	simm.s32 $0x0;
	s24 =	simm.s32 $0x0  }
0x10e: {  	s26 =	simm.s32 $0x15180;
	s2 =	sand.u32 $0x300, s23;
	s19 =	sand.u32 $0x70, s24;
	[tilespmem:v2+s3+$0x0] =	vst.idx.msk $0xffff, v1  }
0x10f: {  	s28 =	simm.s32 $0x180;
	s2 =	sor.u32 s19, s2;
	v2 =	vld [tilespmem:s26+$0x0]  }
0x110: {  	v1 =	vmov s28;
	v3 =	vld [tilespmem:s2+$0x12080]  }
0x111: {  	v1 =	vshll.u32 v1, $0x3  }
0x112: {  	v1 =	vor.u32 v0, v1;
	_ =	sdelay $0x2  }
0x113: {  	v3 =	vmul.f32 v3, v2;
	_ =	sdelay $0x1  }
0x114: {  	[tilespmem:v1+s3+$0x0] =	vst.idx.msk $0xffff, v3  }
0x115: {  	v3 =	vld [tilespmem:s2+$0x12380];
	_ =	sdelay $0x1  }
0x116: {  	v58 =	vor.u32 $0x1, v1;
	_ =	sdelay $0x2  }
0x117: {  	v3 =	vmul.f32 v3, v2;
	_ =	sdelay $0x1  }
0x118: {  	[tilespmem:v58+s3+$0x0] =	vst.idx.msk $0xffff, v3  }
0x119: {  	v3 =	vld [tilespmem:s2+$0x12680];
	_ =	sdelay $0x1  }
0x11a: {  	v59 =	vor.u32 $0x2, v1;
	_ =	sdelay $0x2  }
0x11b: {  	v3 =	vmul.f32 v3, v2;
	_ =	sdelay $0x1  }
0x11c: {  	[tilespmem:v59+s3+$0x0] =	vst.idx.msk $0xffff, v3  }
0x11d: {  	v3 =	vld [tilespmem:s2+$0x12980];
	_ =	sdelay $0x1  }
0x11e: {  	v60 =	vor.u32 $0x3, v1;
	_ =	sdelay $0x2  }
0x11f: {  	v3 =	vmul.f32 v3, v2;
	_ =	sdelay $0x1  }
0x120: {  	[tilespmem:v60+s3+$0x0] =	vst.idx.msk $0xffff, v3  }
0x121: {  	v3 =	vld [tilespmem:s2+$0x12C80];
	_ =	sdelay $0x1  }
0x122: {  	v61 =	vor.u32 $0x4, v1;
	_ =	sdelay $0x2  }
0x123: {  	v3 =	vmul.f32 v3, v2;
	_ =	sdelay $0x1  }
0x124: {  	[tilespmem:v61+s3+$0x0] =	vst.idx.msk $0xffff, v3  }
0x125: {  	v3 =	vld [tilespmem:s2+$0x12F80];
	_ =	sdelay $0x1  }
0x126: {  	v62 =	vor.u32 $0x5, v1;
	_ =	sdelay $0x2  }
0x127: {  	v3 =	vmul.f32 v3, v2;
	_ =	sdelay $0x1  }
0x128: {  	[tilespmem:v62+s3+$0x0] =	vst.idx.msk $0xffff, v3  }
0x129: {  	v3 =	vld [tilespmem:s2+$0x13280];
	_ =	sdelay $0x1  }
0x12a: {  	v63 =	vor.u32 $0x6, v1;
	_ =	sdelay $0x2  }
0x12b: {  	v3 =	vmul.f32 v3, v2;
	_ =	sdelay $0x1  }
0x12c: {  	[tilespmem:v63+s3+$0x0] =	vst.idx.msk $0xffff, v3  }
0x12d: {  	v3 =	vld [tilespmem:s2+$0x13580];
	_ =	sdelay $0x1  }
0x12e: {  	v1 =	vor.u32 $0x7, v1  }
0x12f: {  	s29 =	simm.s32 $0x20  }
0x130: {  	s23 =	simm.s32 $0x1A0;
	s21 =	simm.s32 $0x40;
	s20 =	simm.s32 $0x15190  }
0x131: {  	s24 =	simm.s32 $0x10;
	s19 =	sand.u32 $0x300, s29;
	s2 =	simm.s32 $0x190;
	v2 =	vmul.f32 v3, v2  }
.LBB2_6:
0x132: {  	s26 =	sand.u32 $0x300, s21  }
0x133: {  	s24 =	sand.u32 $0x70, s24;
	[tilespmem:v1+s3+$0x0] =	vst.idx.msk $0xffff, v2;
	s28 =	smov.u32 s23;
	s22 =	sadd.s32 $0x10, s23  }
0x134: {  	p1 =	sne.s32 s23, $0x2F0;
	v2 =	vld [tilespmem:s20+$0x0];
	s23 =	sor.u32 s24, s19;
	s19 =	smov.u32 s26  }
0x135: {  	v1 =	vmov s2;
	s2 =	smov.u32 s28;
	v3 =	vld [tilespmem:s23+$0x12080]  }
0x136: {  	v1 =	vshll.u32 v1, $0x3  }
0x137: {  	v1 =	vor.u32 v0, v1;
	_ =	sdelay $0x2  }
0x138: {  	v3 =	vmul.f32 v3, v2;
	_ =	sdelay $0x1  }
0x139: {  	[tilespmem:v1+s3+$0x0] =	vst.idx.msk $0xffff, v3  }
0x13a: {  	v3 =	vld [tilespmem:s23+$0x12380];
	_ =	sdelay $0x1  }
0x13b: {  	v4 =	vor.u32 $0x1, v1;
	_ =	sdelay $0x2  }
0x13c: {  	v3 =	vmul.f32 v3, v2;
	_ =	sdelay $0x1  }
0x13d: {  	[tilespmem:v4+s3+$0x0] =	vst.idx.msk $0xffff, v3  }
0x13e: {  	v3 =	vld [tilespmem:s23+$0x12680];
	_ =	sdelay $0x1  }
0x13f: {  	v4 =	vor.u32 $0x2, v1;
	_ =	sdelay $0x2  }
0x140: {  	v3 =	vmul.f32 v3, v2;
	_ =	sdelay $0x1  }
0x141: {  	[tilespmem:v4+s3+$0x0] =	vst.idx.msk $0xffff, v3  }
0x142: {  	v3 =	vld [tilespmem:s23+$0x12980];
	_ =	sdelay $0x1  }
0x143: {  	v4 =	vor.u32 $0x3, v1;
	_ =	sdelay $0x2  }
0x144: {  	v3 =	vmul.f32 v3, v2;
	_ =	sdelay $0x1  }
0x145: {  	[tilespmem:v4+s3+$0x0] =	vst.idx.msk $0xffff, v3  }
0x146: {  	v3 =	vld [tilespmem:s23+$0x12C80];
	_ =	sdelay $0x1  }
0x147: {  	v4 =	vor.u32 $0x4, v1;
	_ =	sdelay $0x2  }
0x148: {  	v3 =	vmul.f32 v3, v2;
	_ =	sdelay $0x1  }
0x149: {  	[tilespmem:v4+s3+$0x0] =	vst.idx.msk $0xffff, v3  }
0x14a: {  	v3 =	vld [tilespmem:s23+$0x12F80];
	_ =	sdelay $0x1  }
0x14b: {  	v4 =	vor.u32 $0x5, v1;
	_ =	sdelay $0x2  }
0x14c: {  	v3 =	vmul.f32 v3, v2;
	_ =	sdelay $0x1  }
0x14d: {  	[tilespmem:v4+s3+$0x0] =	vst.idx.msk $0xffff, v3  }
0x14e: {  	v3 =	vld [tilespmem:s23+$0x13280];
	_ =	sdelay $0x1  }
0x14f: {  	v4 =	vor.u32 $0x6, v1;
	_ =	sdelay $0x2  }
0x150: {  	v3 =	vmul.f32 v3, v2;
	_ =	sdelay $0x1  }
0x151: {  	[tilespmem:v4+s3+$0x0] =	vst.idx.msk $0xffff, v3  }
0x152: {  	v3 =	vld [tilespmem:s23+$0x13580];
	_ =	sdelay $0x1  }
.Ltmp1:
0x153: {  	v1 =	vor.u32 $0x7, v1;
	(pc) =	sbr.rel @p1 .LBB2_6-.Ltmp1, $3  }
0x154: {  	_ =	sdelay $0x1  }
0x155: {  	s21 =	sadd.s32 $0x20, s21;
	v2 =	vmul.f32 v3, v2  }
0x156: {  	s20 =	sadd.s32 $0x10, s20;
	s24 =	sadd.s32 $0xFFFFFE80, s2;
	s23 =	smov.u32 s22  }
0x157: {  	_ =	sdelay $0x3  }
0x158: {  	s21 =	sand.u32 $0x70, s24;
	[tilespmem:v1+s3+$0x0] =	vst.idx.msk $0xffff, v2  }
0x159: {  	v1 =	vld [tilespmem:s20+$0x0];
	s19 =	sor.u32 s21, s19  }
0x15a: {  	v2 =	vmov s2;
	v3 =	vld [tilespmem:s19+$0x12080]  }
0x15b: {  	v2 =	vshll.u32 v2, $0x3  }
0x15c: {  	v2 =	vor.u32 v0, v2;
	_ =	sdelay $0x2  }
0x15d: {  	v3 =	vmul.f32 v3, v1;
	_ =	sdelay $0x1  }
0x15e: {  	[tilespmem:v2+s3+$0x0] =	vst.idx.msk $0xffff, v3  }
0x15f: {  	v3 =	vld [tilespmem:s19+$0x12380];
	_ =	sdelay $0x1  }
0x160: {  	v4 =	vor.u32 $0x1, v2;
	_ =	sdelay $0x2  }
0x161: {  	v3 =	vmul.f32 v3, v1;
	_ =	sdelay $0x1  }
0x162: {  	[tilespmem:v4+s3+$0x0] =	vst.idx.msk $0xffff, v3  }
0x163: {  	v3 =	vld [tilespmem:s19+$0x12680];
	_ =	sdelay $0x1  }
0x164: {  	v53 =	vor.u32 $0x2, v2;
	_ =	sdelay $0x2  }
0x165: {  	v3 =	vmul.f32 v3, v1;
	_ =	sdelay $0x1  }
0x166: {  	[tilespmem:v53+s3+$0x0] =	vst.idx.msk $0xffff, v3  }
0x167: {  	v3 =	vld [tilespmem:s19+$0x12980];
	_ =	sdelay $0x1  }
0x168: {  	v54 =	vor.u32 $0x3, v2;
	_ =	sdelay $0x2  }
0x169: {  	v3 =	vmul.f32 v3, v1;
	_ =	sdelay $0x1  }
0x16a: {  	[tilespmem:v54+s3+$0x0] =	vst.idx.msk $0xffff, v3  }
0x16b: {  	v3 =	vld [tilespmem:s19+$0x12C80];
	_ =	sdelay $0x1  }
0x16c: {  	v55 =	vor.u32 $0x4, v2;
	_ =	sdelay $0x2  }
0x16d: {  	v3 =	vmul.f32 v3, v1;
	_ =	sdelay $0x1  }
0x16e: {  	[tilespmem:v55+s3+$0x0] =	vst.idx.msk $0xffff, v3  }
0x16f: {  	v3 =	vld [tilespmem:s19+$0x12F80];
	_ =	sdelay $0x1  }
0x170: {  	v56 =	vor.u32 $0x5, v2;
	_ =	sdelay $0x2  }
0x171: {  	v3 =	vmul.f32 v3, v1;
	_ =	sdelay $0x1  }
0x172: {  	[tilespmem:v56+s3+$0x0] =	vst.idx.msk $0xffff, v3  }
0x173: {  	v3 =	vld [tilespmem:s19+$0x13280];
	_ =	sdelay $0x1  }
0x174: {  	v57 =	vor.u32 $0x6, v2;
	_ =	sdelay $0x2  }
0x175: {  	v3 =	vmul.f32 v3, v1;
	_ =	sdelay $0x1  }
0x176: {  	s21 =	smulhi.u32 $0x55555556, s1;
	[tilespmem:v57+s3+$0x0] =	vst.idx.msk $0xffff, v3  }
0x177: {  	v3 =	vld [tilespmem:s19+$0x13580]  }
0x178: {  	s2 =	smul.u32 $0x3, s21  }
0x179: {  	v2 =	vor.u32 $0x7, v2  }
0x17a: {  	s2 =	ssub.s32 s1, s2  }
0x17b: {  	s2 =	smul.u32 $0x3000, s2  }
0x17c: {  	v1 =	vmul.f32 v3, v1  }
0x17d: {  	s2 =	sshrl.u32 s2, $0x2  }
0x17e: {  	s22 =	sadd.s32 $0x16800, s2;
	s19 =	simm.s32 @!p0 $0x4;
	[tilespmem:v2+s3+$0x0] =	vst.idx.msk $0xffff, v1  }
0x17f: {  	[spmem:s4] =	stream.indirect.scatter.add.f32 [tilespmem:s3], [sflag:$0x3], $0x8, s22, s17, $0xb8;
	[tilespmem:$0x1BC00] =	vst v63  }
0x180: {  	_ =	swait.ge @!p0 [sflag:s19], $0x1800  }
0x181: {  	[sflag:s19] =	ssyncset.done @!p0 $0x0  }
0x182: {  	[sflag:s19] =	ssyncadd.s32 @!p0 $0xFFFFE800;
	s19 =	simm.s32 $0x0  }
0x183: {  	s23 =	simm.s32 $0x15300;
	s24 =	sand.u32 $0x70, s19;
	s22 =	sand.u32 $0x300, s19  }
0x184: {  	v2 =	vld [tilespmem:s23+$0x0];
	s26 =	sor.u32 s24, s22  }
0x185: {  	v1 =	vmov s19;
	v3 =	vld [tilespmem:s26+$0x12000]  }
0x186: {  	v1 =	vshll.u32 v1, $0x3  }
0x187: {  	v1 =	vor.u32 v0, v1;
	_ =	sdelay $0x2  }
0x188: {  	v3 =	vmul.f32 v3, v2;
	_ =	sdelay $0x1  }
0x189: {  	[tilespmem:v1+s0+$0x0] =	vst.idx.msk $0xffff, v3  }
0x18a: {  	v3 =	vld [tilespmem:s26+$0x12300];
	_ =	sdelay $0x1  }
0x18b: {  	v58 =	vor.u32 $0x1, v1;
	_ =	sdelay $0x2  }
0x18c: {  	v3 =	vmul.f32 v3, v2;
	_ =	sdelay $0x1  }
0x18d: {  	[tilespmem:v58+s0+$0x0] =	vst.idx.msk $0xffff, v3  }
0x18e: {  	v3 =	vld [tilespmem:s26+$0x12600];
	_ =	sdelay $0x1  }
0x18f: {  	v59 =	vor.u32 $0x2, v1;
	_ =	sdelay $0x2  }
0x190: {  	v3 =	vmul.f32 v3, v2;
	_ =	sdelay $0x1  }
0x191: {  	[tilespmem:v59+s0+$0x0] =	vst.idx.msk $0xffff, v3  }
0x192: {  	v3 =	vld [tilespmem:s26+$0x12900];
	_ =	sdelay $0x1  }
0x193: {  	v60 =	vor.u32 $0x3, v1;
	_ =	sdelay $0x2  }
0x194: {  	v3 =	vmul.f32 v3, v2;
	_ =	sdelay $0x1  }
0x195: {  	[tilespmem:v60+s0+$0x0] =	vst.idx.msk $0xffff, v3  }
0x196: {  	v3 =	vld [tilespmem:s26+$0x12C00];
	_ =	sdelay $0x1  }
0x197: {  	v61 =	vor.u32 $0x4, v1;
	_ =	sdelay $0x2  }
0x198: {  	v3 =	vmul.f32 v3, v2;
	_ =	sdelay $0x1  }
0x199: {  	[tilespmem:v61+s0+$0x0] =	vst.idx.msk $0xffff, v3  }
0x19a: {  	v3 =	vld [tilespmem:s26+$0x12F00];
	_ =	sdelay $0x1  }
0x19b: {  	v62 =	vor.u32 $0x5, v1;
	_ =	sdelay $0x2  }
0x19c: {  	v3 =	vmul.f32 v3, v2;
	_ =	sdelay $0x1  }
0x19d: {  	[tilespmem:v62+s0+$0x0] =	vst.idx.msk $0xffff, v3  }
0x19e: {  	v3 =	vld [tilespmem:s26+$0x13200];
	_ =	sdelay $0x1  }
0x19f: {  	v63 =	vor.u32 $0x6, v1;
	_ =	sdelay $0x2  }
0x1a0: {  	v3 =	vmul.f32 v3, v2;
	_ =	sdelay $0x1  }
0x1a1: {  	[tilespmem:v63+s0+$0x0] =	vst.idx.msk $0xffff, v3  }
0x1a2: {  	v3 =	vld [tilespmem:s26+$0x13500];
	_ =	sdelay $0x1  }
0x1a3: {  	v1 =	vor.u32 $0x7, v1  }
0x1a4: {  	s20 =	simm.s32 $0x10  }
0x1a5: {  	s29 =	simm.s32 $0x20;
	s28 =	simm.s32 $0x40;
	s21 =	sand.u32 $0x70, s20  }
0x1a6: {  	s23 =	simm.s32 $0x20;
	s22 =	simm.s32 $0x15310;
	s24 =	simm.s32 $0x20;
	v2 =	vmul.f32 v3, v2  }
.LBB2_8:
0x1a7: {  	s18 =	sand.u32 $0x70, s23  }
0x1a8: {  	s16 =	sand.u32 $0x300, s24;
	[tilespmem:v1+s0+$0x0] =	vst.idx.msk $0xffff, v2;
	s24 =	smov.u32 s28;
	s26 =	sadd.s32 $0x20, s28  }
0x1a9: {  	p0 =	sne.s32 s28, $0x2E0;
	v2 =	vld [tilespmem:s22+$0x0];
	s28 =	sor.u32 s21, s16;
	s21 =	smov.u32 s18  }
0x1aa: {  	v1 =	vmov s20;
	s20 =	smov.u32 s23;
	v3 =	vld [tilespmem:s28+$0x12000]  }
0x1ab: {  	v1 =	vshll.u32 v1, $0x3  }
0x1ac: {  	v1 =	vor.u32 v0, v1;
	_ =	sdelay $0x2  }
0x1ad: {  	v3 =	vmul.f32 v3, v2;
	_ =	sdelay $0x1  }
0x1ae: {  	[tilespmem:v1+s0+$0x0] =	vst.idx.msk $0xffff, v3  }
0x1af: {  	v3 =	vld [tilespmem:s28+$0x12300];
	_ =	sdelay $0x1  }
0x1b0: {  	v4 =	vor.u32 $0x1, v1;
	_ =	sdelay $0x2  }
0x1b1: {  	v3 =	vmul.f32 v3, v2;
	_ =	sdelay $0x1  }
0x1b2: {  	[tilespmem:v4+s0+$0x0] =	vst.idx.msk $0xffff, v3  }
0x1b3: {  	v3 =	vld [tilespmem:s28+$0x12600];
	_ =	sdelay $0x1  }
0x1b4: {  	v4 =	vor.u32 $0x2, v1;
	_ =	sdelay $0x2  }
0x1b5: {  	v3 =	vmul.f32 v3, v2;
	_ =	sdelay $0x1  }
0x1b6: {  	[tilespmem:v4+s0+$0x0] =	vst.idx.msk $0xffff, v3  }
0x1b7: {  	v3 =	vld [tilespmem:s28+$0x12900];
	_ =	sdelay $0x1  }
0x1b8: {  	v4 =	vor.u32 $0x3, v1;
	_ =	sdelay $0x2  }
0x1b9: {  	v3 =	vmul.f32 v3, v2;
	_ =	sdelay $0x1  }
0x1ba: {  	[tilespmem:v4+s0+$0x0] =	vst.idx.msk $0xffff, v3  }
0x1bb: {  	v3 =	vld [tilespmem:s28+$0x12C00];
	_ =	sdelay $0x1  }
0x1bc: {  	v4 =	vor.u32 $0x4, v1;
	_ =	sdelay $0x2  }
0x1bd: {  	v3 =	vmul.f32 v3, v2;
	_ =	sdelay $0x1  }
0x1be: {  	[tilespmem:v4+s0+$0x0] =	vst.idx.msk $0xffff, v3  }
0x1bf: {  	v3 =	vld [tilespmem:s28+$0x12F00];
	_ =	sdelay $0x1  }
0x1c0: {  	v4 =	vor.u32 $0x5, v1;
	_ =	sdelay $0x2  }
0x1c1: {  	v3 =	vmul.f32 v3, v2;
	_ =	sdelay $0x1  }
0x1c2: {  	[tilespmem:v4+s0+$0x0] =	vst.idx.msk $0xffff, v3  }
0x1c3: {  	v3 =	vld [tilespmem:s28+$0x13200];
	_ =	sdelay $0x1  }
0x1c4: {  	v4 =	vor.u32 $0x6, v1;
	_ =	sdelay $0x2  }
0x1c5: {  	v3 =	vmul.f32 v3, v2;
	_ =	sdelay $0x1  }
0x1c6: {  	[tilespmem:v4+s0+$0x0] =	vst.idx.msk $0xffff, v3  }
0x1c7: {  	v3 =	vld [tilespmem:s28+$0x13500];
	_ =	sdelay $0x1  }
.Ltmp2:
0x1c8: {  	v1 =	vor.u32 $0x7, v1;
	(pc) =	sbr.rel @p0 .LBB2_8-.Ltmp2, $3  }
0x1c9: {  	_ =	sdelay $0x1  }
0x1ca: {  	v2 =	vmul.f32 v3, v2  }
0x1cb: {  	s23 =	sadd.s32 $0x10, s23;
	s22 =	sadd.s32 $0x10, s22;
	s28 =	smov.u32 s26  }
0x1cc: {  	_ =	sdelay $0x3  }
0x1cd: {  	s16 =	sand.u32 $0x300, s24;
	[tilespmem:v1+s0+$0x0] =	vst.idx.msk $0xffff, v2  }
0x1ce: {  	v1 =	vld [tilespmem:s22+$0x0];
	s16 =	sor.u32 s21, s16  }
0x1cf: {  	v2 =	vmov s20;
	v3 =	vld [tilespmem:s16+$0x12000]  }
0x1d0: {  	v2 =	vshll.u32 v2, $0x3  }
0x1d1: {  	v2 =	vor.u32 v0, v2;
	_ =	sdelay $0x2  }
0x1d2: {  	v3 =	vmul.f32 v3, v1;
	_ =	sdelay $0x1  }
0x1d3: {  	[tilespmem:v2+s0+$0x0] =	vst.idx.msk $0xffff, v3  }
0x1d4: {  	v3 =	vld [tilespmem:s16+$0x12300];
	_ =	sdelay $0x1  }
0x1d5: {  	v4 =	vor.u32 $0x1, v2;
	_ =	sdelay $0x2  }
0x1d6: {  	v3 =	vmul.f32 v3, v1;
	_ =	sdelay $0x1  }
0x1d7: {  	[tilespmem:v4+s0+$0x0] =	vst.idx.msk $0xffff, v3  }
0x1d8: {  	v3 =	vld [tilespmem:s16+$0x12600];
	_ =	sdelay $0x1  }
0x1d9: {  	v53 =	vor.u32 $0x2, v2;
	_ =	sdelay $0x2  }
0x1da: {  	v3 =	vmul.f32 v3, v1;
	_ =	sdelay $0x1  }
0x1db: {  	[tilespmem:v53+s0+$0x0] =	vst.idx.msk $0xffff, v3  }
0x1dc: {  	v3 =	vld [tilespmem:s16+$0x12900];
	_ =	sdelay $0x1  }
0x1dd: {  	v54 =	vor.u32 $0x3, v2;
	_ =	sdelay $0x2  }
0x1de: {  	v3 =	vmul.f32 v3, v1;
	_ =	sdelay $0x1  }
0x1df: {  	[tilespmem:v54+s0+$0x0] =	vst.idx.msk $0xffff, v3  }
0x1e0: {  	v3 =	vld [tilespmem:s16+$0x12C00];
	_ =	sdelay $0x1  }
0x1e1: {  	v55 =	vor.u32 $0x4, v2;
	_ =	sdelay $0x2  }
0x1e2: {  	v3 =	vmul.f32 v3, v1;
	_ =	sdelay $0x1  }
0x1e3: {  	[tilespmem:v55+s0+$0x0] =	vst.idx.msk $0xffff, v3  }
0x1e4: {  	v3 =	vld [tilespmem:s16+$0x12F00];
	_ =	sdelay $0x1  }
0x1e5: {  	v56 =	vor.u32 $0x5, v2;
	_ =	sdelay $0x2  }
0x1e6: {  	v3 =	vmul.f32 v3, v1;
	_ =	sdelay $0x1  }
0x1e7: {  	[tilespmem:v56+s0+$0x0] =	vst.idx.msk $0xffff, v3  }
0x1e8: {  	v3 =	vld [tilespmem:s16+$0x13200];
	_ =	sdelay $0x1  }
0x1e9: {  	v57 =	vor.u32 $0x6, v2;
	_ =	sdelay $0x2  }
0x1ea: {  	v3 =	vmul.f32 v3, v1;
	_ =	sdelay $0x1  }
0x1eb: {  	[tilespmem:v57+s0+$0x0] =	vst.idx.msk $0xffff, v3  }
0x1ec: {  	v3 =	vld [tilespmem:s16+$0x13500];
	_ =	sdelay $0x1  }
0x1ed: {  	v2 =	vor.u32 $0x7, v2;
	_ =	sdelay $0x2  }
0x1ee: {  	v1 =	vmul.f32 v3, v1  }
0x1ef: {  	s26 =	simm.s32 $0x0  }
0x1f0: {  	s18 =	simm.s32 $0x15480;
	s19 =	sand.u32 $0x300, s19;
	s16 =	sand.u32 $0x70, s26;
	[tilespmem:v2+s0+$0x0] =	vst.idx.msk $0xffff, v1  }
0x1f1: {  	s28 =	simm.s32 $0x180;
	s16 =	sor.u32 s16, s19;
	v2 =	vld [tilespmem:s18+$0x0]  }
0x1f2: {  	v1 =	vmov s28;
	v3 =	vld [tilespmem:s16+$0x12080]  }
0x1f3: {  	v1 =	vshll.u32 v1, $0x3  }
0x1f4: {  	v1 =	vor.u32 v0, v1;
	_ =	sdelay $0x2  }
0x1f5: {  	v3 =	vmul.f32 v3, v2;
	_ =	sdelay $0x1  }
0x1f6: {  	[tilespmem:v1+s0+$0x0] =	vst.idx.msk $0xffff, v3  }
0x1f7: {  	v3 =	vld [tilespmem:s16+$0x12380];
	_ =	sdelay $0x1  }
0x1f8: {  	v58 =	vor.u32 $0x1, v1;
	_ =	sdelay $0x2  }
0x1f9: {  	v3 =	vmul.f32 v3, v2;
	_ =	sdelay $0x1  }
0x1fa: {  	[tilespmem:v58+s0+$0x0] =	vst.idx.msk $0xffff, v3  }
0x1fb: {  	v3 =	vld [tilespmem:s16+$0x12680];
	_ =	sdelay $0x1  }
0x1fc: {  	v59 =	vor.u32 $0x2, v1;
	_ =	sdelay $0x2  }
0x1fd: {  	v3 =	vmul.f32 v3, v2;
	_ =	sdelay $0x1  }
0x1fe: {  	[tilespmem:v59+s0+$0x0] =	vst.idx.msk $0xffff, v3  }
0x1ff: {  	v3 =	vld [tilespmem:s16+$0x12980];
	_ =	sdelay $0x1  }
0x200: {  	v60 =	vor.u32 $0x3, v1;
	_ =	sdelay $0x2  }
0x201: {  	v3 =	vmul.f32 v3, v2;
	_ =	sdelay $0x1  }
0x202: {  	[tilespmem:v60+s0+$0x0] =	vst.idx.msk $0xffff, v3  }
0x203: {  	v3 =	vld [tilespmem:s16+$0x12C80];
	_ =	sdelay $0x1  }
0x204: {  	v61 =	vor.u32 $0x4, v1;
	_ =	sdelay $0x2  }
0x205: {  	v3 =	vmul.f32 v3, v2;
	_ =	sdelay $0x1  }
0x206: {  	[tilespmem:v61+s0+$0x0] =	vst.idx.msk $0xffff, v3  }
0x207: {  	v3 =	vld [tilespmem:s16+$0x12F80];
	_ =	sdelay $0x1  }
0x208: {  	v62 =	vor.u32 $0x5, v1;
	_ =	sdelay $0x2  }
0x209: {  	v3 =	vmul.f32 v3, v2;
	_ =	sdelay $0x1  }
0x20a: {  	[tilespmem:v62+s0+$0x0] =	vst.idx.msk $0xffff, v3  }
0x20b: {  	v3 =	vld [tilespmem:s16+$0x13280];
	_ =	sdelay $0x1  }
0x20c: {  	v63 =	vor.u32 $0x6, v1;
	_ =	sdelay $0x2  }
0x20d: {  	v3 =	vmul.f32 v3, v2;
	_ =	sdelay $0x1  }
0x20e: {  	[tilespmem:v63+s0+$0x0] =	vst.idx.msk $0xffff, v3  }
0x20f: {  	v3 =	vld [tilespmem:s16+$0x13580];
	_ =	sdelay $0x1  }
0x210: {  	v1 =	vor.u32 $0x7, v1;
	_ =	sdelay $0x1  }
0x211: {  	s20 =	sand.u32 $0x300, s29;
	s24 =	simm.s32 $0x1A0;
	s22 =	simm.s32 $0x40  }
0x212: {  	s21 =	simm.s32 $0x15490;
	s26 =	simm.s32 $0x10;
	s19 =	simm.s32 $0x190;
	v2 =	vmul.f32 v3, v2  }
.LBB2_10:
0x213: {  	s16 =	sand.u32 $0x300, s22  }
0x214: {  	s18 =	sand.u32 $0x70, s26;
	[tilespmem:v1+s0+$0x0] =	vst.idx.msk $0xffff, v2;
	s26 =	smov.u32 s24;
	s23 =	sadd.s32 $0x10, s24  }
0x215: {  	p0 =	sne.s32 s24, $0x2F0;
	v2 =	vld [tilespmem:s21+$0x0];
	s24 =	sor.u32 s18, s20;
	s20 =	smov.u32 s16  }
0x216: {  	v1 =	vmov s19;
	s19 =	smov.u32 s26;
	v3 =	vld [tilespmem:s24+$0x12080]  }
0x217: {  	v1 =	vshll.u32 v1, $0x3  }
0x218: {  	v1 =	vor.u32 v0, v1;
	_ =	sdelay $0x2  }
0x219: {  	v3 =	vmul.f32 v3, v2;
	_ =	sdelay $0x1  }
0x21a: {  	[tilespmem:v1+s0+$0x0] =	vst.idx.msk $0xffff, v3  }
0x21b: {  	v3 =	vld [tilespmem:s24+$0x12380];
	_ =	sdelay $0x1  }
0x21c: {  	v4 =	vor.u32 $0x1, v1;
	_ =	sdelay $0x2  }
0x21d: {  	v3 =	vmul.f32 v3, v2;
	_ =	sdelay $0x1  }
0x21e: {  	[tilespmem:v4+s0+$0x0] =	vst.idx.msk $0xffff, v3  }
0x21f: {  	v3 =	vld [tilespmem:s24+$0x12680];
	_ =	sdelay $0x1  }
0x220: {  	v4 =	vor.u32 $0x2, v1;
	_ =	sdelay $0x2  }
0x221: {  	v3 =	vmul.f32 v3, v2;
	_ =	sdelay $0x1  }
0x222: {  	[tilespmem:v4+s0+$0x0] =	vst.idx.msk $0xffff, v3  }
0x223: {  	v3 =	vld [tilespmem:s24+$0x12980];
	_ =	sdelay $0x1  }
0x224: {  	v4 =	vor.u32 $0x3, v1;
	_ =	sdelay $0x2  }
0x225: {  	v3 =	vmul.f32 v3, v2;
	_ =	sdelay $0x1  }
0x226: {  	[tilespmem:v4+s0+$0x0] =	vst.idx.msk $0xffff, v3  }
0x227: {  	v3 =	vld [tilespmem:s24+$0x12C80];
	_ =	sdelay $0x1  }
0x228: {  	v4 =	vor.u32 $0x4, v1;
	_ =	sdelay $0x2  }
0x229: {  	v3 =	vmul.f32 v3, v2;
	_ =	sdelay $0x1  }
0x22a: {  	[tilespmem:v4+s0+$0x0] =	vst.idx.msk $0xffff, v3  }
0x22b: {  	v3 =	vld [tilespmem:s24+$0x12F80];
	_ =	sdelay $0x1  }
0x22c: {  	v4 =	vor.u32 $0x5, v1;
	_ =	sdelay $0x2  }
0x22d: {  	v3 =	vmul.f32 v3, v2;
	_ =	sdelay $0x1  }
0x22e: {  	[tilespmem:v4+s0+$0x0] =	vst.idx.msk $0xffff, v3  }
0x22f: {  	v3 =	vld [tilespmem:s24+$0x13280];
	_ =	sdelay $0x1  }
0x230: {  	v4 =	vor.u32 $0x6, v1;
	_ =	sdelay $0x2  }
0x231: {  	v3 =	vmul.f32 v3, v2;
	_ =	sdelay $0x1  }
0x232: {  	[tilespmem:v4+s0+$0x0] =	vst.idx.msk $0xffff, v3  }
0x233: {  	v3 =	vld [tilespmem:s24+$0x13580];
	_ =	sdelay $0x1  }
.Ltmp3:
0x234: {  	v1 =	vor.u32 $0x7, v1;
	(pc) =	sbr.rel @p0 .LBB2_10-.Ltmp3, $3  }
0x235: {  	_ =	sdelay $0x1  }
0x236: {  	s22 =	sadd.s32 $0x20, s22;
	v2 =	vmul.f32 v3, v2  }
0x237: {  	s21 =	sadd.s32 $0x10, s21;
	s26 =	sadd.s32 $0xFFFFFE80, s19;
	s24 =	smov.u32 s23  }
0x238: {  	_ =	sdelay $0x3  }
0x239: {  	s16 =	sand.u32 $0x70, s26;
	[tilespmem:v1+s0+$0x0] =	vst.idx.msk $0xffff, v2  }
0x23a: {  	v1 =	vld [tilespmem:s21+$0x0];
	s16 =	sor.u32 s16, s20  }
0x23b: {  	v2 =	vmov s19;
	v3 =	vld [tilespmem:s16+$0x12080]  }
0x23c: {  	v2 =	vshll.u32 v2, $0x3  }
0x23d: {  	v2 =	vor.u32 v0, v2;
	_ =	sdelay $0x2  }
0x23e: {  	v3 =	vmul.f32 v3, v1;
	_ =	sdelay $0x1  }
0x23f: {  	[tilespmem:v2+s0+$0x0] =	vst.idx.msk $0xffff, v3  }
0x240: {  	v3 =	vld [tilespmem:s16+$0x12380];
	_ =	sdelay $0x1  }
0x241: {  	v4 =	vor.u32 $0x1, v2;
	_ =	sdelay $0x2  }
0x242: {  	v3 =	vmul.f32 v3, v1;
	_ =	sdelay $0x1  }
0x243: {  	[tilespmem:v4+s0+$0x0] =	vst.idx.msk $0xffff, v3  }
0x244: {  	v3 =	vld [tilespmem:s16+$0x12680];
	_ =	sdelay $0x1  }
0x245: {  	v53 =	vor.u32 $0x2, v2;
	_ =	sdelay $0x2  }
0x246: {  	v3 =	vmul.f32 v3, v1;
	_ =	sdelay $0x1  }
0x247: {  	[tilespmem:v53+s0+$0x0] =	vst.idx.msk $0xffff, v3  }
0x248: {  	v3 =	vld [tilespmem:s16+$0x12980];
	_ =	sdelay $0x1  }
0x249: {  	v54 =	vor.u32 $0x3, v2;
	_ =	sdelay $0x2  }
0x24a: {  	v3 =	vmul.f32 v3, v1;
	_ =	sdelay $0x1  }
0x24b: {  	[tilespmem:v54+s0+$0x0] =	vst.idx.msk $0xffff, v3  }
0x24c: {  	v3 =	vld [tilespmem:s16+$0x12C80];
	_ =	sdelay $0x1  }
0x24d: {  	v55 =	vor.u32 $0x4, v2;
	_ =	sdelay $0x2  }
0x24e: {  	v3 =	vmul.f32 v3, v1;
	_ =	sdelay $0x1  }
0x24f: {  	[tilespmem:v55+s0+$0x0] =	vst.idx.msk $0xffff, v3  }
0x250: {  	v3 =	vld [tilespmem:s16+$0x12F80];
	_ =	sdelay $0x1  }
0x251: {  	v56 =	vor.u32 $0x5, v2;
	_ =	sdelay $0x2  }
0x252: {  	v3 =	vmul.f32 v3, v1;
	_ =	sdelay $0x1  }
0x253: {  	[tilespmem:v56+s0+$0x0] =	vst.idx.msk $0xffff, v3  }
0x254: {  	v3 =	vld [tilespmem:s16+$0x13280];
	_ =	sdelay $0x1  }
0x255: {  	v57 =	vor.u32 $0x6, v2;
	_ =	sdelay $0x2  }
0x256: {  	v3 =	vmul.f32 v3, v1;
	_ =	sdelay $0x1  }
0x257: {  	[tilespmem:v57+s0+$0x0] =	vst.idx.msk $0xffff, v3  }
0x258: {  	v3 =	vld [tilespmem:s16+$0x13580];
	_ =	sdelay $0x1  }
0x259: {  	v2 =	vor.u32 $0x7, v2;
	_ =	sdelay $0x2  }
0x25a: {  	v1 =	vmul.f32 v3, v1;
	_ =	sdelay $0x1  }
0x25b: {  	s22 =	sadd.s32 $0x16B00, s2;
	[tilespmem:v2+s0+$0x0] =	vst.idx.msk $0xffff, v1  }
0x25c: {  	[spmem:s4] =	stream.indirect.scatter.add.f32 [tilespmem:s0], [sflag:$0x4], $0x8, s22, s17, $0xb8;
	[tilespmem:$0x1BC00] =	vst v63  }
0x25d: {  	_ =	swait.ge [sflag:s25], $0x1800  }
0x25e: {  	s19 =	simm.s32 $0x0;
	s23 =	simm.s32 $0x15600;
	[sflag:s25] =	ssyncset.done $0x0  }
0x25f: {  	s18 =	sand.u32 $0x70, s19;
	s24 =	sand.u32 $0x300, s19;
	[sflag:s25] =	ssyncadd.s32 $0xFFFFE800  }
0x260: {  	s26 =	sor.u32 s18, s24;
	v2 =	vld [tilespmem:s23+$0x0]  }
0x261: {  	v1 =	vmov s19;
	v3 =	vld [tilespmem:s26+$0x12000]  }
0x262: {  	v1 =	vshll.u32 v1, $0x3  }
0x263: {  	v1 =	vor.u32 v0, v1;
	_ =	sdelay $0x2  }
0x264: {  	v3 =	vmul.f32 v3, v2;
	_ =	sdelay $0x1  }
0x265: {  	[tilespmem:v1+s3+$0x0] =	vst.idx.msk $0xffff, v3  }
0x266: {  	v3 =	vld [tilespmem:s26+$0x12300];
	_ =	sdelay $0x1  }
0x267: {  	v58 =	vor.u32 $0x1, v1;
	_ =	sdelay $0x2  }
0x268: {  	v3 =	vmul.f32 v3, v2;
	_ =	sdelay $0x1  }
0x269: {  	[tilespmem:v58+s3+$0x0] =	vst.idx.msk $0xffff, v3  }
0x26a: {  	v3 =	vld [tilespmem:s26+$0x12600];
	_ =	sdelay $0x1  }
0x26b: {  	v59 =	vor.u32 $0x2, v1;
	_ =	sdelay $0x2  }
0x26c: {  	v3 =	vmul.f32 v3, v2;
	_ =	sdelay $0x1  }
0x26d: {  	[tilespmem:v59+s3+$0x0] =	vst.idx.msk $0xffff, v3  }
0x26e: {  	v3 =	vld [tilespmem:s26+$0x12900];
	_ =	sdelay $0x1  }
0x26f: {  	v60 =	vor.u32 $0x3, v1;
	_ =	sdelay $0x2  }
0x270: {  	v3 =	vmul.f32 v3, v2;
	_ =	sdelay $0x1  }
0x271: {  	[tilespmem:v60+s3+$0x0] =	vst.idx.msk $0xffff, v3  }
0x272: {  	v3 =	vld [tilespmem:s26+$0x12C00];
	_ =	sdelay $0x1  }
0x273: {  	v61 =	vor.u32 $0x4, v1;
	_ =	sdelay $0x2  }
0x274: {  	v3 =	vmul.f32 v3, v2;
	_ =	sdelay $0x1  }
0x275: {  	[tilespmem:v61+s3+$0x0] =	vst.idx.msk $0xffff, v3  }
0x276: {  	v3 =	vld [tilespmem:s26+$0x12F00];
	_ =	sdelay $0x1  }
0x277: {  	v62 =	vor.u32 $0x5, v1;
	_ =	sdelay $0x2  }
0x278: {  	v3 =	vmul.f32 v3, v2;
	_ =	sdelay $0x1  }
0x279: {  	[tilespmem:v62+s3+$0x0] =	vst.idx.msk $0xffff, v3  }
0x27a: {  	v3 =	vld [tilespmem:s26+$0x13200];
	_ =	sdelay $0x1  }
0x27b: {  	v63 =	vor.u32 $0x6, v1;
	_ =	sdelay $0x2  }
0x27c: {  	v3 =	vmul.f32 v3, v2;
	_ =	sdelay $0x1  }
0x27d: {  	[tilespmem:v63+s3+$0x0] =	vst.idx.msk $0xffff, v3  }
0x27e: {  	v3 =	vld [tilespmem:s26+$0x13500];
	_ =	sdelay $0x1  }
0x27f: {  	v1 =	vor.u32 $0x7, v1  }
0x280: {  	s20 =	simm.s32 $0x10  }
0x281: {  	s29 =	simm.s32 $0x20;
	s28 =	simm.s32 $0x40;
	s21 =	sand.u32 $0x70, s20  }
0x282: {  	s24 =	simm.s32 $0x20;
	s22 =	simm.s32 $0x15610;
	s23 =	simm.s32 $0x20;
	v2 =	vmul.f32 v3, v2  }
.LBB2_12:
0x283: {  	s16 =	sand.u32 $0x70, s23  }
0x284: {  	s18 =	sand.u32 $0x300, s24;
	[tilespmem:v1+s3+$0x0] =	vst.idx.msk $0xffff, v2;
	s24 =	smov.u32 s28;
	s26 =	sadd.s32 $0x20, s28  }
0x285: {  	p0 =	sne.s32 s28, $0x2E0;
	v2 =	vld [tilespmem:s22+$0x0];
	s28 =	sor.u32 s21, s18;
	s21 =	smov.u32 s16  }
0x286: {  	v1 =	vmov s20;
	s20 =	smov.u32 s23;
	v3 =	vld [tilespmem:s28+$0x12000]  }
0x287: {  	v1 =	vshll.u32 v1, $0x3  }
0x288: {  	v1 =	vor.u32 v0, v1;
	_ =	sdelay $0x2  }
0x289: {  	v3 =	vmul.f32 v3, v2;
	_ =	sdelay $0x1  }
0x28a: {  	[tilespmem:v1+s3+$0x0] =	vst.idx.msk $0xffff, v3  }
0x28b: {  	v3 =	vld [tilespmem:s28+$0x12300];
	_ =	sdelay $0x1  }
0x28c: {  	v4 =	vor.u32 $0x1, v1;
	_ =	sdelay $0x2  }
0x28d: {  	v3 =	vmul.f32 v3, v2;
	_ =	sdelay $0x1  }
0x28e: {  	[tilespmem:v4+s3+$0x0] =	vst.idx.msk $0xffff, v3  }
0x28f: {  	v3 =	vld [tilespmem:s28+$0x12600];
	_ =	sdelay $0x1  }
0x290: {  	v4 =	vor.u32 $0x2, v1;
	_ =	sdelay $0x2  }
0x291: {  	v3 =	vmul.f32 v3, v2;
	_ =	sdelay $0x1  }
0x292: {  	[tilespmem:v4+s3+$0x0] =	vst.idx.msk $0xffff, v3  }
0x293: {  	v3 =	vld [tilespmem:s28+$0x12900];
	_ =	sdelay $0x1  }
0x294: {  	v4 =	vor.u32 $0x3, v1;
	_ =	sdelay $0x2  }
0x295: {  	v3 =	vmul.f32 v3, v2;
	_ =	sdelay $0x1  }
0x296: {  	[tilespmem:v4+s3+$0x0] =	vst.idx.msk $0xffff, v3  }
0x297: {  	v3 =	vld [tilespmem:s28+$0x12C00];
	_ =	sdelay $0x1  }
0x298: {  	v4 =	vor.u32 $0x4, v1;
	_ =	sdelay $0x2  }
0x299: {  	v3 =	vmul.f32 v3, v2;
	_ =	sdelay $0x1  }
0x29a: {  	[tilespmem:v4+s3+$0x0] =	vst.idx.msk $0xffff, v3  }
0x29b: {  	v3 =	vld [tilespmem:s28+$0x12F00];
	_ =	sdelay $0x1  }
0x29c: {  	v4 =	vor.u32 $0x5, v1;
	_ =	sdelay $0x2  }
0x29d: {  	v3 =	vmul.f32 v3, v2;
	_ =	sdelay $0x1  }
0x29e: {  	[tilespmem:v4+s3+$0x0] =	vst.idx.msk $0xffff, v3  }
0x29f: {  	v3 =	vld [tilespmem:s28+$0x13200];
	_ =	sdelay $0x1  }
0x2a0: {  	v4 =	vor.u32 $0x6, v1;
	_ =	sdelay $0x2  }
0x2a1: {  	v3 =	vmul.f32 v3, v2;
	_ =	sdelay $0x1  }
0x2a2: {  	[tilespmem:v4+s3+$0x0] =	vst.idx.msk $0xffff, v3  }
0x2a3: {  	v3 =	vld [tilespmem:s28+$0x13500];
	_ =	sdelay $0x1  }
.Ltmp4:
0x2a4: {  	v1 =	vor.u32 $0x7, v1;
	(pc) =	sbr.rel @p0 .LBB2_12-.Ltmp4, $3  }
0x2a5: {  	_ =	sdelay $0x1  }
0x2a6: {  	v2 =	vmul.f32 v3, v2  }
0x2a7: {  	s23 =	sadd.s32 $0x10, s23;
	s22 =	sadd.s32 $0x10, s22;
	s28 =	smov.u32 s26  }
0x2a8: {  	_ =	sdelay $0x3  }
0x2a9: {  	s16 =	sand.u32 $0x300, s24;
	[tilespmem:v1+s3+$0x0] =	vst.idx.msk $0xffff, v2  }
0x2aa: {  	v1 =	vld [tilespmem:s22+$0x0];
	s16 =	sor.u32 s21, s16  }
0x2ab: {  	v2 =	vmov s20;
	v3 =	vld [tilespmem:s16+$0x12000]  }
0x2ac: {  	v2 =	vshll.u32 v2, $0x3  }
0x2ad: {  	v2 =	vor.u32 v0, v2;
	_ =	sdelay $0x2  }
0x2ae: {  	v3 =	vmul.f32 v3, v1;
	_ =	sdelay $0x1  }
0x2af: {  	[tilespmem:v2+s3+$0x0] =	vst.idx.msk $0xffff, v3  }
0x2b0: {  	v3 =	vld [tilespmem:s16+$0x12300];
	_ =	sdelay $0x1  }
0x2b1: {  	v4 =	vor.u32 $0x1, v2;
	_ =	sdelay $0x2  }
0x2b2: {  	v3 =	vmul.f32 v3, v1;
	_ =	sdelay $0x1  }
0x2b3: {  	[tilespmem:v4+s3+$0x0] =	vst.idx.msk $0xffff, v3  }
0x2b4: {  	v3 =	vld [tilespmem:s16+$0x12600];
	_ =	sdelay $0x1  }
0x2b5: {  	v53 =	vor.u32 $0x2, v2;
	_ =	sdelay $0x2  }
0x2b6: {  	v3 =	vmul.f32 v3, v1;
	_ =	sdelay $0x1  }
0x2b7: {  	[tilespmem:v53+s3+$0x0] =	vst.idx.msk $0xffff, v3  }
0x2b8: {  	v3 =	vld [tilespmem:s16+$0x12900];
	_ =	sdelay $0x1  }
0x2b9: {  	v54 =	vor.u32 $0x3, v2;
	_ =	sdelay $0x2  }
0x2ba: {  	v3 =	vmul.f32 v3, v1;
	_ =	sdelay $0x1  }
0x2bb: {  	[tilespmem:v54+s3+$0x0] =	vst.idx.msk $0xffff, v3  }
0x2bc: {  	v3 =	vld [tilespmem:s16+$0x12C00];
	_ =	sdelay $0x1  }
0x2bd: {  	v55 =	vor.u32 $0x4, v2;
	_ =	sdelay $0x2  }
0x2be: {  	v3 =	vmul.f32 v3, v1;
	_ =	sdelay $0x1  }
0x2bf: {  	[tilespmem:v55+s3+$0x0] =	vst.idx.msk $0xffff, v3  }
0x2c0: {  	v3 =	vld [tilespmem:s16+$0x12F00];
	_ =	sdelay $0x1  }
0x2c1: {  	v56 =	vor.u32 $0x5, v2;
	_ =	sdelay $0x2  }
0x2c2: {  	v3 =	vmul.f32 v3, v1;
	_ =	sdelay $0x1  }
0x2c3: {  	[tilespmem:v56+s3+$0x0] =	vst.idx.msk $0xffff, v3  }
0x2c4: {  	v3 =	vld [tilespmem:s16+$0x13200];
	_ =	sdelay $0x1  }
0x2c5: {  	v57 =	vor.u32 $0x6, v2;
	_ =	sdelay $0x2  }
0x2c6: {  	v3 =	vmul.f32 v3, v1;
	_ =	sdelay $0x1  }
0x2c7: {  	[tilespmem:v57+s3+$0x0] =	vst.idx.msk $0xffff, v3  }
0x2c8: {  	v3 =	vld [tilespmem:s16+$0x13500];
	_ =	sdelay $0x1  }
0x2c9: {  	v2 =	vor.u32 $0x7, v2;
	_ =	sdelay $0x2  }
0x2ca: {  	v1 =	vmul.f32 v3, v1  }
0x2cb: {  	s26 =	simm.s32 $0x0  }
0x2cc: {  	s18 =	simm.s32 $0x15780;
	s19 =	sand.u32 $0x300, s19;
	s16 =	sand.u32 $0x70, s26;
	[tilespmem:v2+s3+$0x0] =	vst.idx.msk $0xffff, v1  }
0x2cd: {  	s28 =	simm.s32 $0x180;
	s16 =	sor.u32 s16, s19;
	v2 =	vld [tilespmem:s18+$0x0]  }
0x2ce: {  	v1 =	vmov s28;
	v3 =	vld [tilespmem:s16+$0x12080]  }
0x2cf: {  	v1 =	vshll.u32 v1, $0x3  }
0x2d0: {  	v1 =	vor.u32 v0, v1;
	_ =	sdelay $0x2  }
0x2d1: {  	v3 =	vmul.f32 v3, v2;
	_ =	sdelay $0x1  }
0x2d2: {  	[tilespmem:v1+s3+$0x0] =	vst.idx.msk $0xffff, v3  }
0x2d3: {  	v3 =	vld [tilespmem:s16+$0x12380];
	_ =	sdelay $0x1  }
0x2d4: {  	v58 =	vor.u32 $0x1, v1;
	_ =	sdelay $0x2  }
0x2d5: {  	v3 =	vmul.f32 v3, v2;
	_ =	sdelay $0x1  }
0x2d6: {  	[tilespmem:v58+s3+$0x0] =	vst.idx.msk $0xffff, v3  }
0x2d7: {  	v3 =	vld [tilespmem:s16+$0x12680];
	_ =	sdelay $0x1  }
0x2d8: {  	v59 =	vor.u32 $0x2, v1;
	_ =	sdelay $0x2  }
0x2d9: {  	v3 =	vmul.f32 v3, v2;
	_ =	sdelay $0x1  }
0x2da: {  	[tilespmem:v59+s3+$0x0] =	vst.idx.msk $0xffff, v3  }
0x2db: {  	v3 =	vld [tilespmem:s16+$0x12980];
	_ =	sdelay $0x1  }
0x2dc: {  	v60 =	vor.u32 $0x3, v1;
	_ =	sdelay $0x2  }
0x2dd: {  	v3 =	vmul.f32 v3, v2;
	_ =	sdelay $0x1  }
0x2de: {  	[tilespmem:v60+s3+$0x0] =	vst.idx.msk $0xffff, v3  }
0x2df: {  	v3 =	vld [tilespmem:s16+$0x12C80];
	_ =	sdelay $0x1  }
0x2e0: {  	v61 =	vor.u32 $0x4, v1;
	_ =	sdelay $0x2  }
0x2e1: {  	v3 =	vmul.f32 v3, v2;
	_ =	sdelay $0x1  }
0x2e2: {  	[tilespmem:v61+s3+$0x0] =	vst.idx.msk $0xffff, v3  }
0x2e3: {  	v3 =	vld [tilespmem:s16+$0x12F80];
	_ =	sdelay $0x1  }
0x2e4: {  	v62 =	vor.u32 $0x5, v1;
	_ =	sdelay $0x2  }
0x2e5: {  	v3 =	vmul.f32 v3, v2;
	_ =	sdelay $0x1  }
0x2e6: {  	[tilespmem:v62+s3+$0x0] =	vst.idx.msk $0xffff, v3  }
0x2e7: {  	v3 =	vld [tilespmem:s16+$0x13280];
	_ =	sdelay $0x1  }
0x2e8: {  	v63 =	vor.u32 $0x6, v1;
	_ =	sdelay $0x2  }
0x2e9: {  	v3 =	vmul.f32 v3, v2;
	_ =	sdelay $0x1  }
0x2ea: {  	[tilespmem:v63+s3+$0x0] =	vst.idx.msk $0xffff, v3  }
0x2eb: {  	v3 =	vld [tilespmem:s16+$0x13580];
	_ =	sdelay $0x1  }
0x2ec: {  	v1 =	vor.u32 $0x7, v1;
	_ =	sdelay $0x1  }
0x2ed: {  	s20 =	sand.u32 $0x300, s29;
	s24 =	simm.s32 $0x1A0;
	s22 =	simm.s32 $0x40  }
0x2ee: {  	s21 =	simm.s32 $0x15790;
	s26 =	simm.s32 $0x10;
	s19 =	simm.s32 $0x190;
	v2 =	vmul.f32 v3, v2  }
.LBB2_14:
0x2ef: {  	s16 =	sand.u32 $0x300, s22  }
0x2f0: {  	s18 =	sand.u32 $0x70, s26;
	[tilespmem:v1+s3+$0x0] =	vst.idx.msk $0xffff, v2;
	s26 =	smov.u32 s24;
	s23 =	sadd.s32 $0x10, s24  }
0x2f1: {  	p0 =	sne.s32 s24, $0x2F0;
	v2 =	vld [tilespmem:s21+$0x0];
	s24 =	sor.u32 s18, s20;
	s20 =	smov.u32 s16  }
0x2f2: {  	v1 =	vmov s19;
	s19 =	smov.u32 s26;
	v3 =	vld [tilespmem:s24+$0x12080]  }
0x2f3: {  	v1 =	vshll.u32 v1, $0x3  }
0x2f4: {  	v1 =	vor.u32 v0, v1;
	_ =	sdelay $0x2  }
0x2f5: {  	v3 =	vmul.f32 v3, v2;
	_ =	sdelay $0x1  }
0x2f6: {  	[tilespmem:v1+s3+$0x0] =	vst.idx.msk $0xffff, v3  }
0x2f7: {  	v3 =	vld [tilespmem:s24+$0x12380];
	_ =	sdelay $0x1  }
0x2f8: {  	v4 =	vor.u32 $0x1, v1;
	_ =	sdelay $0x2  }
0x2f9: {  	v3 =	vmul.f32 v3, v2;
	_ =	sdelay $0x1  }
0x2fa: {  	[tilespmem:v4+s3+$0x0] =	vst.idx.msk $0xffff, v3  }
0x2fb: {  	v3 =	vld [tilespmem:s24+$0x12680];
	_ =	sdelay $0x1  }
0x2fc: {  	v4 =	vor.u32 $0x2, v1;
	_ =	sdelay $0x2  }
0x2fd: {  	v3 =	vmul.f32 v3, v2;
	_ =	sdelay $0x1  }
0x2fe: {  	[tilespmem:v4+s3+$0x0] =	vst.idx.msk $0xffff, v3  }
0x2ff: {  	v3 =	vld [tilespmem:s24+$0x12980];
	_ =	sdelay $0x1  }
0x300: {  	v4 =	vor.u32 $0x3, v1;
	_ =	sdelay $0x2  }
0x301: {  	v3 =	vmul.f32 v3, v2;
	_ =	sdelay $0x1  }
0x302: {  	[tilespmem:v4+s3+$0x0] =	vst.idx.msk $0xffff, v3  }
0x303: {  	v3 =	vld [tilespmem:s24+$0x12C80];
	_ =	sdelay $0x1  }
0x304: {  	v4 =	vor.u32 $0x4, v1;
	_ =	sdelay $0x2  }
0x305: {  	v3 =	vmul.f32 v3, v2;
	_ =	sdelay $0x1  }
0x306: {  	[tilespmem:v4+s3+$0x0] =	vst.idx.msk $0xffff, v3  }
0x307: {  	v3 =	vld [tilespmem:s24+$0x12F80];
	_ =	sdelay $0x1  }
0x308: {  	v4 =	vor.u32 $0x5, v1;
	_ =	sdelay $0x2  }
0x309: {  	v3 =	vmul.f32 v3, v2;
	_ =	sdelay $0x1  }
0x30a: {  	[tilespmem:v4+s3+$0x0] =	vst.idx.msk $0xffff, v3  }
0x30b: {  	v3 =	vld [tilespmem:s24+$0x13280];
	_ =	sdelay $0x1  }
0x30c: {  	v4 =	vor.u32 $0x6, v1;
	_ =	sdelay $0x2  }
0x30d: {  	v3 =	vmul.f32 v3, v2;
	_ =	sdelay $0x1  }
0x30e: {  	[tilespmem:v4+s3+$0x0] =	vst.idx.msk $0xffff, v3  }
0x30f: {  	v3 =	vld [tilespmem:s24+$0x13580];
	_ =	sdelay $0x1  }
.Ltmp5:
0x310: {  	v1 =	vor.u32 $0x7, v1;
	(pc) =	sbr.rel @p0 .LBB2_14-.Ltmp5, $3  }
0x311: {  	_ =	sdelay $0x1  }
0x312: {  	s22 =	sadd.s32 $0x20, s22;
	v2 =	vmul.f32 v3, v2  }
0x313: {  	s21 =	sadd.s32 $0x10, s21;
	s26 =	sadd.s32 $0xFFFFFE80, s19;
	s24 =	smov.u32 s23  }
0x314: {  	_ =	sdelay $0x3  }
0x315: {  	s16 =	sand.u32 $0x70, s26;
	[tilespmem:v1+s3+$0x0] =	vst.idx.msk $0xffff, v2  }
0x316: {  	v1 =	vld [tilespmem:s21+$0x0];
	s16 =	sor.u32 s16, s20  }
0x317: {  	v2 =	vmov s19;
	v3 =	vld [tilespmem:s16+$0x12080]  }
0x318: {  	v2 =	vshll.u32 v2, $0x3  }
0x319: {  	v2 =	vor.u32 v0, v2;
	_ =	sdelay $0x2  }
0x31a: {  	v3 =	vmul.f32 v3, v1;
	_ =	sdelay $0x1  }
0x31b: {  	[tilespmem:v2+s3+$0x0] =	vst.idx.msk $0xffff, v3  }
0x31c: {  	v3 =	vld [tilespmem:s16+$0x12380];
	_ =	sdelay $0x1  }
0x31d: {  	v4 =	vor.u32 $0x1, v2;
	_ =	sdelay $0x2  }
0x31e: {  	v3 =	vmul.f32 v3, v1;
	_ =	sdelay $0x1  }
0x31f: {  	[tilespmem:v4+s3+$0x0] =	vst.idx.msk $0xffff, v3  }
0x320: {  	v3 =	vld [tilespmem:s16+$0x12680];
	_ =	sdelay $0x1  }
0x321: {  	v53 =	vor.u32 $0x2, v2;
	_ =	sdelay $0x2  }
0x322: {  	v3 =	vmul.f32 v3, v1;
	_ =	sdelay $0x1  }
0x323: {  	[tilespmem:v53+s3+$0x0] =	vst.idx.msk $0xffff, v3  }
0x324: {  	v3 =	vld [tilespmem:s16+$0x12980];
	_ =	sdelay $0x1  }
0x325: {  	v54 =	vor.u32 $0x3, v2;
	_ =	sdelay $0x2  }
0x326: {  	v3 =	vmul.f32 v3, v1;
	_ =	sdelay $0x1  }
0x327: {  	[tilespmem:v54+s3+$0x0] =	vst.idx.msk $0xffff, v3  }
0x328: {  	v3 =	vld [tilespmem:s16+$0x12C80];
	_ =	sdelay $0x1  }
0x329: {  	v55 =	vor.u32 $0x4, v2;
	_ =	sdelay $0x2  }
0x32a: {  	v3 =	vmul.f32 v3, v1;
	_ =	sdelay $0x1  }
0x32b: {  	[tilespmem:v55+s3+$0x0] =	vst.idx.msk $0xffff, v3  }
0x32c: {  	v3 =	vld [tilespmem:s16+$0x12F80];
	_ =	sdelay $0x1  }
0x32d: {  	v56 =	vor.u32 $0x5, v2;
	_ =	sdelay $0x2  }
0x32e: {  	v3 =	vmul.f32 v3, v1;
	_ =	sdelay $0x1  }
0x32f: {  	[tilespmem:v56+s3+$0x0] =	vst.idx.msk $0xffff, v3  }
0x330: {  	v3 =	vld [tilespmem:s16+$0x13280];
	_ =	sdelay $0x1  }
0x331: {  	v57 =	vor.u32 $0x6, v2;
	_ =	sdelay $0x2  }
0x332: {  	v3 =	vmul.f32 v3, v1;
	_ =	sdelay $0x1  }
0x333: {  	[tilespmem:v57+s3+$0x0] =	vst.idx.msk $0xffff, v3  }
0x334: {  	v3 =	vld [tilespmem:s16+$0x13580];
	_ =	sdelay $0x1  }
0x335: {  	v2 =	vor.u32 $0x7, v2;
	_ =	sdelay $0x2  }
0x336: {  	v1 =	vmul.f32 v3, v1;
	_ =	sdelay $0x1  }
0x337: {  	s22 =	sadd.s32 $0x16E00, s2;
	[tilespmem:v2+s3+$0x0] =	vst.idx.msk $0xffff, v1  }
0x338: {  	[spmem:s4] =	stream.indirect.scatter.add.f32 [tilespmem:s3], [sflag:$0x3], $0x8, s22, s17, $0xb8;
	[tilespmem:$0x1BC00] =	vst v63  }
0x339: {  	_ =	swait.ge [sflag:s5], $0x1800  }
0x33a: {  	s19 =	simm.s32 $0x0;
	s23 =	simm.s32 $0x15900;
	[sflag:s5] =	ssyncset.done $0x0  }
0x33b: {  	s18 =	sand.u32 $0x70, s19;
	s24 =	sand.u32 $0x300, s19;
	[sflag:s5] =	ssyncadd.s32 $0xFFFFE800  }
0x33c: {  	s26 =	sor.u32 s18, s24;
	v2 =	vld [tilespmem:s23+$0x0]  }
0x33d: {  	v1 =	vmov s19;
	v3 =	vld [tilespmem:s26+$0x12000]  }
0x33e: {  	v1 =	vshll.u32 v1, $0x3  }
0x33f: {  	v1 =	vor.u32 v0, v1;
	_ =	sdelay $0x2  }
0x340: {  	v3 =	vmul.f32 v3, v2;
	_ =	sdelay $0x1  }
0x341: {  	[tilespmem:v1+s0+$0x0] =	vst.idx.msk $0xffff, v3  }
0x342: {  	v3 =	vld [tilespmem:s26+$0x12300];
	_ =	sdelay $0x1  }
0x343: {  	v58 =	vor.u32 $0x1, v1;
	_ =	sdelay $0x2  }
0x344: {  	v3 =	vmul.f32 v3, v2;
	_ =	sdelay $0x1  }
0x345: {  	[tilespmem:v58+s0+$0x0] =	vst.idx.msk $0xffff, v3  }
0x346: {  	v3 =	vld [tilespmem:s26+$0x12600];
	_ =	sdelay $0x1  }
0x347: {  	v59 =	vor.u32 $0x2, v1;
	_ =	sdelay $0x2  }
0x348: {  	v3 =	vmul.f32 v3, v2;
	_ =	sdelay $0x1  }
0x349: {  	[tilespmem:v59+s0+$0x0] =	vst.idx.msk $0xffff, v3  }
0x34a: {  	v3 =	vld [tilespmem:s26+$0x12900];
	_ =	sdelay $0x1  }
0x34b: {  	v60 =	vor.u32 $0x3, v1;
	_ =	sdelay $0x2  }
0x34c: {  	v3 =	vmul.f32 v3, v2;
	_ =	sdelay $0x1  }
0x34d: {  	[tilespmem:v60+s0+$0x0] =	vst.idx.msk $0xffff, v3  }
0x34e: {  	v3 =	vld [tilespmem:s26+$0x12C00];
	_ =	sdelay $0x1  }
0x34f: {  	v61 =	vor.u32 $0x4, v1;
	_ =	sdelay $0x2  }
0x350: {  	v3 =	vmul.f32 v3, v2;
	_ =	sdelay $0x1  }
0x351: {  	[tilespmem:v61+s0+$0x0] =	vst.idx.msk $0xffff, v3  }
0x352: {  	v3 =	vld [tilespmem:s26+$0x12F00];
	_ =	sdelay $0x1  }
0x353: {  	v62 =	vor.u32 $0x5, v1;
	_ =	sdelay $0x2  }
0x354: {  	v3 =	vmul.f32 v3, v2;
	_ =	sdelay $0x1  }
0x355: {  	[tilespmem:v62+s0+$0x0] =	vst.idx.msk $0xffff, v3  }
0x356: {  	v3 =	vld [tilespmem:s26+$0x13200];
	_ =	sdelay $0x1  }
0x357: {  	v63 =	vor.u32 $0x6, v1;
	_ =	sdelay $0x2  }
0x358: {  	v3 =	vmul.f32 v3, v2;
	_ =	sdelay $0x1  }
0x359: {  	[tilespmem:v63+s0+$0x0] =	vst.idx.msk $0xffff, v3  }
0x35a: {  	v3 =	vld [tilespmem:s26+$0x13500];
	_ =	sdelay $0x1  }
0x35b: {  	v1 =	vor.u32 $0x7, v1  }
0x35c: {  	s20 =	simm.s32 $0x10  }
0x35d: {  	s29 =	simm.s32 $0x20;
	s28 =	simm.s32 $0x40;
	s21 =	sand.u32 $0x70, s20  }
0x35e: {  	s24 =	simm.s32 $0x20;
	s22 =	simm.s32 $0x15910;
	s23 =	simm.s32 $0x20;
	v2 =	vmul.f32 v3, v2  }
.LBB2_16:
0x35f: {  	s16 =	sand.u32 $0x70, s23  }
0x360: {  	s18 =	sand.u32 $0x300, s24;
	[tilespmem:v1+s0+$0x0] =	vst.idx.msk $0xffff, v2;
	s24 =	smov.u32 s28;
	s26 =	sadd.s32 $0x20, s28  }
0x361: {  	p0 =	sne.s32 s28, $0x2E0;
	v2 =	vld [tilespmem:s22+$0x0];
	s28 =	sor.u32 s21, s18;
	s21 =	smov.u32 s16  }
0x362: {  	v1 =	vmov s20;
	s20 =	smov.u32 s23;
	v3 =	vld [tilespmem:s28+$0x12000]  }
0x363: {  	v1 =	vshll.u32 v1, $0x3  }
0x364: {  	v1 =	vor.u32 v0, v1;
	_ =	sdelay $0x2  }
0x365: {  	v3 =	vmul.f32 v3, v2;
	_ =	sdelay $0x1  }
0x366: {  	[tilespmem:v1+s0+$0x0] =	vst.idx.msk $0xffff, v3  }
0x367: {  	v3 =	vld [tilespmem:s28+$0x12300];
	_ =	sdelay $0x1  }
0x368: {  	v4 =	vor.u32 $0x1, v1;
	_ =	sdelay $0x2  }
0x369: {  	v3 =	vmul.f32 v3, v2;
	_ =	sdelay $0x1  }
0x36a: {  	[tilespmem:v4+s0+$0x0] =	vst.idx.msk $0xffff, v3  }
0x36b: {  	v3 =	vld [tilespmem:s28+$0x12600];
	_ =	sdelay $0x1  }
0x36c: {  	v4 =	vor.u32 $0x2, v1;
	_ =	sdelay $0x2  }
0x36d: {  	v3 =	vmul.f32 v3, v2;
	_ =	sdelay $0x1  }
0x36e: {  	[tilespmem:v4+s0+$0x0] =	vst.idx.msk $0xffff, v3  }
0x36f: {  	v3 =	vld [tilespmem:s28+$0x12900];
	_ =	sdelay $0x1  }
0x370: {  	v4 =	vor.u32 $0x3, v1;
	_ =	sdelay $0x2  }
0x371: {  	v3 =	vmul.f32 v3, v2;
	_ =	sdelay $0x1  }
0x372: {  	[tilespmem:v4+s0+$0x0] =	vst.idx.msk $0xffff, v3  }
0x373: {  	v3 =	vld [tilespmem:s28+$0x12C00];
	_ =	sdelay $0x1  }
0x374: {  	v4 =	vor.u32 $0x4, v1;
	_ =	sdelay $0x2  }
0x375: {  	v3 =	vmul.f32 v3, v2;
	_ =	sdelay $0x1  }
0x376: {  	[tilespmem:v4+s0+$0x0] =	vst.idx.msk $0xffff, v3  }
0x377: {  	v3 =	vld [tilespmem:s28+$0x12F00];
	_ =	sdelay $0x1  }
0x378: {  	v4 =	vor.u32 $0x5, v1;
	_ =	sdelay $0x2  }
0x379: {  	v3 =	vmul.f32 v3, v2;
	_ =	sdelay $0x1  }
0x37a: {  	[tilespmem:v4+s0+$0x0] =	vst.idx.msk $0xffff, v3  }
0x37b: {  	v3 =	vld [tilespmem:s28+$0x13200];
	_ =	sdelay $0x1  }
0x37c: {  	v4 =	vor.u32 $0x6, v1;
	_ =	sdelay $0x2  }
0x37d: {  	v3 =	vmul.f32 v3, v2;
	_ =	sdelay $0x1  }
0x37e: {  	[tilespmem:v4+s0+$0x0] =	vst.idx.msk $0xffff, v3  }
0x37f: {  	v3 =	vld [tilespmem:s28+$0x13500];
	_ =	sdelay $0x1  }
.Ltmp6:
0x380: {  	v1 =	vor.u32 $0x7, v1;
	(pc) =	sbr.rel @p0 .LBB2_16-.Ltmp6, $3  }
0x381: {  	_ =	sdelay $0x1  }
0x382: {  	v2 =	vmul.f32 v3, v2  }
0x383: {  	s23 =	sadd.s32 $0x10, s23;
	s22 =	sadd.s32 $0x10, s22;
	s28 =	smov.u32 s26  }
0x384: {  	_ =	sdelay $0x3  }
0x385: {  	s16 =	sand.u32 $0x300, s24;
	[tilespmem:v1+s0+$0x0] =	vst.idx.msk $0xffff, v2  }
0x386: {  	v1 =	vld [tilespmem:s22+$0x0];
	s16 =	sor.u32 s21, s16  }
0x387: {  	v2 =	vmov s20;
	v3 =	vld [tilespmem:s16+$0x12000]  }
0x388: {  	v2 =	vshll.u32 v2, $0x3  }
0x389: {  	v2 =	vor.u32 v0, v2;
	_ =	sdelay $0x2  }
0x38a: {  	v3 =	vmul.f32 v3, v1;
	_ =	sdelay $0x1  }
0x38b: {  	[tilespmem:v2+s0+$0x0] =	vst.idx.msk $0xffff, v3  }
0x38c: {  	v3 =	vld [tilespmem:s16+$0x12300];
	_ =	sdelay $0x1  }
0x38d: {  	v4 =	vor.u32 $0x1, v2;
	_ =	sdelay $0x2  }
0x38e: {  	v3 =	vmul.f32 v3, v1;
	_ =	sdelay $0x1  }
0x38f: {  	[tilespmem:v4+s0+$0x0] =	vst.idx.msk $0xffff, v3  }
0x390: {  	v3 =	vld [tilespmem:s16+$0x12600];
	_ =	sdelay $0x1  }
0x391: {  	v53 =	vor.u32 $0x2, v2;
	_ =	sdelay $0x2  }
0x392: {  	v3 =	vmul.f32 v3, v1;
	_ =	sdelay $0x1  }
0x393: {  	[tilespmem:v53+s0+$0x0] =	vst.idx.msk $0xffff, v3  }
0x394: {  	v3 =	vld [tilespmem:s16+$0x12900];
	_ =	sdelay $0x1  }
0x395: {  	v54 =	vor.u32 $0x3, v2;
	_ =	sdelay $0x2  }
0x396: {  	v3 =	vmul.f32 v3, v1;
	_ =	sdelay $0x1  }
0x397: {  	[tilespmem:v54+s0+$0x0] =	vst.idx.msk $0xffff, v3  }
0x398: {  	v3 =	vld [tilespmem:s16+$0x12C00];
	_ =	sdelay $0x1  }
0x399: {  	v55 =	vor.u32 $0x4, v2;
	_ =	sdelay $0x2  }
0x39a: {  	v3 =	vmul.f32 v3, v1;
	_ =	sdelay $0x1  }
0x39b: {  	[tilespmem:v55+s0+$0x0] =	vst.idx.msk $0xffff, v3  }
0x39c: {  	v3 =	vld [tilespmem:s16+$0x12F00];
	_ =	sdelay $0x1  }
0x39d: {  	v56 =	vor.u32 $0x5, v2;
	_ =	sdelay $0x2  }
0x39e: {  	v3 =	vmul.f32 v3, v1;
	_ =	sdelay $0x1  }
0x39f: {  	[tilespmem:v56+s0+$0x0] =	vst.idx.msk $0xffff, v3  }
0x3a0: {  	v3 =	vld [tilespmem:s16+$0x13200];
	_ =	sdelay $0x1  }
0x3a1: {  	v57 =	vor.u32 $0x6, v2;
	_ =	sdelay $0x2  }
0x3a2: {  	v3 =	vmul.f32 v3, v1;
	_ =	sdelay $0x1  }
0x3a3: {  	[tilespmem:v57+s0+$0x0] =	vst.idx.msk $0xffff, v3  }
0x3a4: {  	v3 =	vld [tilespmem:s16+$0x13500];
	_ =	sdelay $0x1  }
0x3a5: {  	v2 =	vor.u32 $0x7, v2;
	_ =	sdelay $0x2  }
0x3a6: {  	v1 =	vmul.f32 v3, v1  }
0x3a7: {  	s26 =	simm.s32 $0x0  }
0x3a8: {  	s18 =	simm.s32 $0x15A80;
	s19 =	sand.u32 $0x300, s19;
	s16 =	sand.u32 $0x70, s26;
	[tilespmem:v2+s0+$0x0] =	vst.idx.msk $0xffff, v1  }
0x3a9: {  	s28 =	simm.s32 $0x180;
	s16 =	sor.u32 s16, s19;
	v2 =	vld [tilespmem:s18+$0x0]  }
0x3aa: {  	v1 =	vmov s28;
	v3 =	vld [tilespmem:s16+$0x12080]  }
0x3ab: {  	v1 =	vshll.u32 v1, $0x3  }
0x3ac: {  	v1 =	vor.u32 v0, v1;
	_ =	sdelay $0x2  }
0x3ad: {  	v3 =	vmul.f32 v3, v2;
	_ =	sdelay $0x1  }
0x3ae: {  	[tilespmem:v1+s0+$0x0] =	vst.idx.msk $0xffff, v3  }
0x3af: {  	v3 =	vld [tilespmem:s16+$0x12380];
	_ =	sdelay $0x1  }
0x3b0: {  	v58 =	vor.u32 $0x1, v1;
	_ =	sdelay $0x2  }
0x3b1: {  	v3 =	vmul.f32 v3, v2;
	_ =	sdelay $0x1  }
0x3b2: {  	[tilespmem:v58+s0+$0x0] =	vst.idx.msk $0xffff, v3  }
0x3b3: {  	v3 =	vld [tilespmem:s16+$0x12680];
	_ =	sdelay $0x1  }
0x3b4: {  	v59 =	vor.u32 $0x2, v1;
	_ =	sdelay $0x2  }
0x3b5: {  	v3 =	vmul.f32 v3, v2;
	_ =	sdelay $0x1  }
0x3b6: {  	[tilespmem:v59+s0+$0x0] =	vst.idx.msk $0xffff, v3  }
0x3b7: {  	v3 =	vld [tilespmem:s16+$0x12980];
	_ =	sdelay $0x1  }
0x3b8: {  	v60 =	vor.u32 $0x3, v1;
	_ =	sdelay $0x2  }
0x3b9: {  	v3 =	vmul.f32 v3, v2;
	_ =	sdelay $0x1  }
0x3ba: {  	[tilespmem:v60+s0+$0x0] =	vst.idx.msk $0xffff, v3  }
0x3bb: {  	v3 =	vld [tilespmem:s16+$0x12C80];
	_ =	sdelay $0x1  }
0x3bc: {  	v61 =	vor.u32 $0x4, v1;
	_ =	sdelay $0x2  }
0x3bd: {  	v3 =	vmul.f32 v3, v2;
	_ =	sdelay $0x1  }
0x3be: {  	[tilespmem:v61+s0+$0x0] =	vst.idx.msk $0xffff, v3  }
0x3bf: {  	v3 =	vld [tilespmem:s16+$0x12F80];
	_ =	sdelay $0x1  }
0x3c0: {  	v62 =	vor.u32 $0x5, v1;
	_ =	sdelay $0x2  }
0x3c1: {  	v3 =	vmul.f32 v3, v2;
	_ =	sdelay $0x1  }
0x3c2: {  	[tilespmem:v62+s0+$0x0] =	vst.idx.msk $0xffff, v3  }
0x3c3: {  	v3 =	vld [tilespmem:s16+$0x13280];
	_ =	sdelay $0x1  }
0x3c4: {  	v63 =	vor.u32 $0x6, v1;
	_ =	sdelay $0x2  }
0x3c5: {  	v3 =	vmul.f32 v3, v2;
	_ =	sdelay $0x1  }
0x3c6: {  	[tilespmem:v63+s0+$0x0] =	vst.idx.msk $0xffff, v3  }
0x3c7: {  	v3 =	vld [tilespmem:s16+$0x13580];
	_ =	sdelay $0x1  }
0x3c8: {  	v1 =	vor.u32 $0x7, v1;
	_ =	sdelay $0x1  }
0x3c9: {  	s20 =	sand.u32 $0x300, s29;
	s24 =	simm.s32 $0x1A0;
	s22 =	simm.s32 $0x40  }
0x3ca: {  	s21 =	simm.s32 $0x15A90;
	s26 =	simm.s32 $0x10;
	s19 =	simm.s32 $0x190;
	v2 =	vmul.f32 v3, v2  }
.LBB2_18:
0x3cb: {  	s16 =	sand.u32 $0x300, s22  }
0x3cc: {  	s18 =	sand.u32 $0x70, s26;
	[tilespmem:v1+s0+$0x0] =	vst.idx.msk $0xffff, v2;
	s26 =	smov.u32 s24;
	s23 =	sadd.s32 $0x10, s24  }
0x3cd: {  	p0 =	sne.s32 s24, $0x2F0;
	v2 =	vld [tilespmem:s21+$0x0];
	s24 =	sor.u32 s18, s20;
	s20 =	smov.u32 s16  }
0x3ce: {  	v1 =	vmov s19;
	s19 =	smov.u32 s26;
	v3 =	vld [tilespmem:s24+$0x12080]  }
0x3cf: {  	v1 =	vshll.u32 v1, $0x3  }
0x3d0: {  	v1 =	vor.u32 v0, v1;
	_ =	sdelay $0x2  }
0x3d1: {  	v3 =	vmul.f32 v3, v2;
	_ =	sdelay $0x1  }
0x3d2: {  	[tilespmem:v1+s0+$0x0] =	vst.idx.msk $0xffff, v3  }
0x3d3: {  	v3 =	vld [tilespmem:s24+$0x12380];
	_ =	sdelay $0x1  }
0x3d4: {  	v4 =	vor.u32 $0x1, v1;
	_ =	sdelay $0x2  }
0x3d5: {  	v3 =	vmul.f32 v3, v2;
	_ =	sdelay $0x1  }
0x3d6: {  	[tilespmem:v4+s0+$0x0] =	vst.idx.msk $0xffff, v3  }
0x3d7: {  	v3 =	vld [tilespmem:s24+$0x12680];
	_ =	sdelay $0x1  }
0x3d8: {  	v4 =	vor.u32 $0x2, v1;
	_ =	sdelay $0x2  }
0x3d9: {  	v3 =	vmul.f32 v3, v2;
	_ =	sdelay $0x1  }
0x3da: {  	[tilespmem:v4+s0+$0x0] =	vst.idx.msk $0xffff, v3  }
0x3db: {  	v3 =	vld [tilespmem:s24+$0x12980];
	_ =	sdelay $0x1  }
0x3dc: {  	v4 =	vor.u32 $0x3, v1;
	_ =	sdelay $0x2  }
0x3dd: {  	v3 =	vmul.f32 v3, v2;
	_ =	sdelay $0x1  }
0x3de: {  	[tilespmem:v4+s0+$0x0] =	vst.idx.msk $0xffff, v3  }
0x3df: {  	v3 =	vld [tilespmem:s24+$0x12C80];
	_ =	sdelay $0x1  }
0x3e0: {  	v4 =	vor.u32 $0x4, v1;
	_ =	sdelay $0x2  }
0x3e1: {  	v3 =	vmul.f32 v3, v2;
	_ =	sdelay $0x1  }
0x3e2: {  	[tilespmem:v4+s0+$0x0] =	vst.idx.msk $0xffff, v3  }
0x3e3: {  	v3 =	vld [tilespmem:s24+$0x12F80];
	_ =	sdelay $0x1  }
0x3e4: {  	v4 =	vor.u32 $0x5, v1;
	_ =	sdelay $0x2  }
0x3e5: {  	v3 =	vmul.f32 v3, v2;
	_ =	sdelay $0x1  }
0x3e6: {  	[tilespmem:v4+s0+$0x0] =	vst.idx.msk $0xffff, v3  }
0x3e7: {  	v3 =	vld [tilespmem:s24+$0x13280];
	_ =	sdelay $0x1  }
0x3e8: {  	v4 =	vor.u32 $0x6, v1;
	_ =	sdelay $0x2  }
0x3e9: {  	v3 =	vmul.f32 v3, v2;
	_ =	sdelay $0x1  }
0x3ea: {  	[tilespmem:v4+s0+$0x0] =	vst.idx.msk $0xffff, v3  }
0x3eb: {  	v3 =	vld [tilespmem:s24+$0x13580];
	_ =	sdelay $0x1  }
.Ltmp7:
0x3ec: {  	v1 =	vor.u32 $0x7, v1;
	(pc) =	sbr.rel @p0 .LBB2_18-.Ltmp7, $3  }
0x3ed: {  	_ =	sdelay $0x1  }
0x3ee: {  	s22 =	sadd.s32 $0x20, s22;
	v2 =	vmul.f32 v3, v2  }
0x3ef: {  	s21 =	sadd.s32 $0x10, s21;
	s26 =	sadd.s32 $0xFFFFFE80, s19;
	s24 =	smov.u32 s23  }
0x3f0: {  	_ =	sdelay $0x3  }
0x3f1: {  	s16 =	sand.u32 $0x70, s26;
	[tilespmem:v1+s0+$0x0] =	vst.idx.msk $0xffff, v2  }
0x3f2: {  	v1 =	vld [tilespmem:s21+$0x0];
	s16 =	sor.u32 s16, s20  }
0x3f3: {  	v2 =	vmov s19;
	v3 =	vld [tilespmem:s16+$0x12080]  }
0x3f4: {  	v2 =	vshll.u32 v2, $0x3  }
0x3f5: {  	v2 =	vor.u32 v0, v2;
	_ =	sdelay $0x2  }
0x3f6: {  	v3 =	vmul.f32 v3, v1;
	_ =	sdelay $0x1  }
0x3f7: {  	[tilespmem:v2+s0+$0x0] =	vst.idx.msk $0xffff, v3  }
0x3f8: {  	v3 =	vld [tilespmem:s16+$0x12380];
	_ =	sdelay $0x1  }
0x3f9: {  	v4 =	vor.u32 $0x1, v2;
	_ =	sdelay $0x2  }
0x3fa: {  	v3 =	vmul.f32 v3, v1;
	_ =	sdelay $0x1  }
0x3fb: {  	[tilespmem:v4+s0+$0x0] =	vst.idx.msk $0xffff, v3  }
0x3fc: {  	v3 =	vld [tilespmem:s16+$0x12680];
	_ =	sdelay $0x1  }
0x3fd: {  	v53 =	vor.u32 $0x2, v2;
	_ =	sdelay $0x2  }
0x3fe: {  	v3 =	vmul.f32 v3, v1;
	_ =	sdelay $0x1  }
0x3ff: {  	[tilespmem:v53+s0+$0x0] =	vst.idx.msk $0xffff, v3  }
0x400: {  	v3 =	vld [tilespmem:s16+$0x12980];
	_ =	sdelay $0x1  }
0x401: {  	v54 =	vor.u32 $0x3, v2;
	_ =	sdelay $0x2  }
0x402: {  	v3 =	vmul.f32 v3, v1;
	_ =	sdelay $0x1  }
0x403: {  	[tilespmem:v54+s0+$0x0] =	vst.idx.msk $0xffff, v3  }
0x404: {  	v3 =	vld [tilespmem:s16+$0x12C80];
	_ =	sdelay $0x1  }
0x405: {  	v55 =	vor.u32 $0x4, v2;
	_ =	sdelay $0x2  }
0x406: {  	v3 =	vmul.f32 v3, v1;
	_ =	sdelay $0x1  }
0x407: {  	[tilespmem:v55+s0+$0x0] =	vst.idx.msk $0xffff, v3  }
0x408: {  	v3 =	vld [tilespmem:s16+$0x12F80];
	_ =	sdelay $0x1  }
0x409: {  	v56 =	vor.u32 $0x5, v2;
	_ =	sdelay $0x2  }
0x40a: {  	v3 =	vmul.f32 v3, v1;
	_ =	sdelay $0x1  }
0x40b: {  	[tilespmem:v56+s0+$0x0] =	vst.idx.msk $0xffff, v3  }
0x40c: {  	v3 =	vld [tilespmem:s16+$0x13280];
	_ =	sdelay $0x1  }
0x40d: {  	v57 =	vor.u32 $0x6, v2;
	_ =	sdelay $0x2  }
0x40e: {  	v3 =	vmul.f32 v3, v1;
	_ =	sdelay $0x1  }
0x40f: {  	[tilespmem:v57+s0+$0x0] =	vst.idx.msk $0xffff, v3  }
0x410: {  	v3 =	vld [tilespmem:s16+$0x13580];
	_ =	sdelay $0x1  }
0x411: {  	v2 =	vor.u32 $0x7, v2;
	_ =	sdelay $0x2  }
0x412: {  	v1 =	vmul.f32 v3, v1;
	_ =	sdelay $0x1  }
0x413: {  	s2 =	sadd.s32 $0x17100, s2;
	p0 =	seq.s32 s13, $0x5;
	[tilespmem:v2+s0+$0x0] =	vst.idx.msk $0xffff, v1  }
0x414: {  	[spmem:s4] =	stream.indirect.scatter.add.f32 [tilespmem:s0], [sflag:$0x4], $0x8, s2, s17, $0xb8;
	[tilespmem:$0x1BC00] =	vst v63  }
0x415: {  	s2 =	sadd.s32 @!p0 $0x2, s1  }
0x416: {  	s16 =	sshll.u32 @!p0 s2, $0x1  }
0x417: {  	s16 =	sadd.s32 @!p0 s11, s16  }
0x418: {  	s16 =	sshrl.u32 @!p0 s16, $0x3  }
0x419: {  	s16 =	smul.u32 @!p0 $0xC00, s16  }
0x41a: {  	s18 =	sshll.u32 @!p0 s2, $0x8  }
0x41b: {  	s18 =	sand.u32 @!p0 $0x200, s18;
	s16 =	sadd.s32 @!p0 s14, s16  }
0x41c: {  	s16 =	sor.u32 @!p0 s18, s16  }
0x41d: {  	s19 =	simm.s32 @!p0 $0x400;
	s18 =	rddreg [dreg:$0x0];
	s16 =	sshrl.u32 @!p0 s16, $0x3  }
0x41e: {  	s20 =	simm.s32 @!p0 $0x12000;
	s16 =	sadd.s32 @!p0 s18, s16;
	s18 =	simm.s32 @!p0 $0x100  }
0x41f: {  	[tilespmem:s20], [sflag:$0x1] =	stream.strided.gather @!p0 [hbm4b:s16+s18], $0x300, s19, s18, $0x38;
	[tilespmem:$0x1BC00] =	vst v63  }
0x420: {  	s21 =	simm.s32 @!p0 $0x12300;
	s20 =	sadd.s32 @!p0 $0x4800, s16  }
0x421: {  	[tilespmem:s21], [sflag:$0x1] =	stream.strided.gather @!p0 [hbm4b:s20+s18], $0x300, s19, s18, $0x38;
	[tilespmem:$0x1BC00] =	vst v63  }
0x422: {  	s20 =	sadd.s32 @!p0 $0x9000, s16;
	s21 =	simm.s32 @!p0 $0x12600  }
0x423: {  	[tilespmem:s21], [sflag:$0x1] =	stream.strided.gather @!p0 [hbm4b:s20+s18], $0x300, s19, s18, $0x38;
	[tilespmem:$0x1BC00] =	vst v63  }
0x424: {  	s20 =	sadd.s32 @!p0 $0xD800, s16;
	s21 =	simm.s32 @!p0 $0x12900  }
0x425: {  	[tilespmem:s21], [sflag:$0x1] =	stream.strided.gather @!p0 [hbm4b:s20+s18], $0x300, s19, s18, $0x38;
	[tilespmem:$0x1BC00] =	vst v63  }
0x426: {  	s20 =	sadd.s32 @!p0 $0x12000, s16;
	s21 =	simm.s32 @!p0 $0x12C00  }
0x427: {  	[tilespmem:s21], [sflag:$0x1] =	stream.strided.gather @!p0 [hbm4b:s20+s18], $0x300, s19, s18, $0x38;
	[tilespmem:$0x1BC00] =	vst v63  }
0x428: {  	s20 =	sadd.s32 @!p0 $0x16800, s16;
	s21 =	simm.s32 @!p0 $0x12F00  }
0x429: {  	[tilespmem:s21], [sflag:$0x1] =	stream.strided.gather @!p0 [hbm4b:s20+s18], $0x300, s19, s18, $0x38;
	[tilespmem:$0x1BC00] =	vst v63  }
0x42a: {  	s22 =	smulhi.u32 @!p0 $0x55555556, s2;
	s20 =	sadd.s32 @!p0 $0x1B000, s16;
	s21 =	simm.s32 @!p0 $0x13200  }
0x42b: {  	[tilespmem:s21], [sflag:$0x1] =	stream.strided.gather @!p0 [hbm4b:s20+s18], $0x300, s19, s18, $0x38;
	[tilespmem:$0x1BC00] =	vst v63  }
0x42c: {  	s16 =	sadd.s32 @!p0 $0x1F800, s16;
	s20 =	smul.u32 @!p0 $0x300, s2;
	s21 =	simm.s32 @!p0 $0x13500  }
0x42d: {  	[tilespmem:s21], [sflag:$0x1] =	stream.strided.gather @!p0 [hbm4b:s16+s18], $0x300, s19, s18, $0x38;
	[tilespmem:$0x1BC00] =	vst v63  }
0x42e: {  	s18 =	smul.u32 @!p0 $0x3, s22  }
0x42f: {  	s16 =	sadd.s32 @!p0 s20, s15;
	s20 =	simm.s32 @!p0 $0x300  }
0x430: {  	s21 =	simm.s32 @!p0 $0x15000;
	s16 =	sshrl.u32 @!p0 s16, $0x3;
	s2 =	ssub.s32 @!p0 s2, s18  }
0x431: {  	s19 =	sadd.s32 @!p0 s7, s16;
	s18 =	simm.s32 @!p0 $0x24000;
	s2 =	smul.u32 @!p0 $0x3000, s2  }
0x432: {  	[tilespmem:s21], [sflag:$0x1] =	stream.strided.gather @!p0 [hbm4b:s19+s20], $0xC00, s18, s20, $0x38;
	[tilespmem:$0x1BC00] =	vst v63  }
0x433: {  	s2 =	sshrl.u32 @!p0 s2, $0x2  }
0x434: {  	s16 =	sadd.s32 @!p0 s6, s16;
	s2 =	sadd.s32 @!p0 $0x16800, s2  }
0x435: {  	[tilespmem:s2], [sflag:$0x1] =	stream.strided.gather @!p0 [hbm4b:s16+s20], $0xC00, s18, s20, $0x38;
	[tilespmem:$0x1BC00] =	vst v63  }
0x436: {  	_ =	swait.ge [sflag:s12], $0x1800  }
0x437: {  	[sflag:s12] =	ssyncset.done $0x0  }
0x438: {  	[sflag:s12] =	ssyncadd.s32 $0xFFFFE800  }
0x439: {  	_ =	swait.ge [sflag:s12], $0xC00  }
0x43a: {  	[sflag:s12] =	ssyncset.done $0x0  }
0x43b: {  	[sflag:s12] =	ssyncadd.s32 $0xFFFFF400  }
0x43c: {  	_ =	swait.ge [sflag:s12], $0xC00  }
0x43d: {  	[sflag:s12] =	ssyncset.done $0x0  }
0x43e: {  	[sflag:s12] =	ssyncadd.s32 $0xFFFFF400  }
0x43f: {  	_ =	swait.ge [sflag:s25], $0x1800  }
0x440: {  	s23 =	simm.s32 $0x15C00;
	s2 =	simm.s32 $0x0;
	[sflag:s25] =	ssyncset.done $0x0  }
0x441: {  	s24 =	sand.u32 $0x70, s2;
	s26 =	sand.u32 $0x300, s2;
	[sflag:s25] =	ssyncadd.s32 $0xFFFFE800  }
0x442: {  	s29 =	sor.u32 s24, s26;
	v2 =	vld [tilespmem:s23+$0x0]  }
0x443: {  	v1 =	vmov s2;
	v3 =	vld [tilespmem:s29+$0x13800]  }
0x444: {  	v1 =	vshll.u32 v1, $0x3  }
0x445: {  	v1 =	vor.u32 v0, v1;
	_ =	sdelay $0x2  }
0x446: {  	v3 =	vmul.f32 v3, v2;
	_ =	sdelay $0x1  }
0x447: {  	[tilespmem:v1+s3+$0x0] =	vst.idx.msk $0xffff, v3  }
0x448: {  	v3 =	vld [tilespmem:s29+$0x13B00];
	_ =	sdelay $0x1  }
0x449: {  	v58 =	vor.u32 $0x1, v1;
	_ =	sdelay $0x2  }
0x44a: {  	v3 =	vmul.f32 v3, v2;
	_ =	sdelay $0x1  }
0x44b: {  	[tilespmem:v58+s3+$0x0] =	vst.idx.msk $0xffff, v3  }
0x44c: {  	v3 =	vld [tilespmem:s29+$0x13E00];
	_ =	sdelay $0x1  }
0x44d: {  	v59 =	vor.u32 $0x2, v1;
	_ =	sdelay $0x2  }
0x44e: {  	v3 =	vmul.f32 v3, v2;
	_ =	sdelay $0x1  }
0x44f: {  	[tilespmem:v59+s3+$0x0] =	vst.idx.msk $0xffff, v3  }
0x450: {  	v3 =	vld [tilespmem:s29+$0x14100];
	_ =	sdelay $0x1  }
0x451: {  	v60 =	vor.u32 $0x3, v1;
	_ =	sdelay $0x2  }
0x452: {  	v3 =	vmul.f32 v3, v2;
	_ =	sdelay $0x1  }
0x453: {  	[tilespmem:v60+s3+$0x0] =	vst.idx.msk $0xffff, v3  }
0x454: {  	v3 =	vld [tilespmem:s29+$0x14400];
	_ =	sdelay $0x1  }
0x455: {  	v61 =	vor.u32 $0x4, v1;
	_ =	sdelay $0x2  }
0x456: {  	v3 =	vmul.f32 v3, v2;
	_ =	sdelay $0x1  }
0x457: {  	[tilespmem:v61+s3+$0x0] =	vst.idx.msk $0xffff, v3  }
0x458: {  	v3 =	vld [tilespmem:s29+$0x14700];
	_ =	sdelay $0x1  }
0x459: {  	v62 =	vor.u32 $0x5, v1;
	_ =	sdelay $0x2  }
0x45a: {  	v3 =	vmul.f32 v3, v2;
	_ =	sdelay $0x1  }
0x45b: {  	[tilespmem:v62+s3+$0x0] =	vst.idx.msk $0xffff, v3  }
0x45c: {  	v3 =	vld [tilespmem:s29+$0x14A00];
	_ =	sdelay $0x1  }
0x45d: {  	v63 =	vor.u32 $0x6, v1;
	_ =	sdelay $0x2  }
0x45e: {  	v3 =	vmul.f32 v3, v2;
	_ =	sdelay $0x1  }
0x45f: {  	[tilespmem:v63+s3+$0x0] =	vst.idx.msk $0xffff, v3  }
0x460: {  	v3 =	vld [tilespmem:s29+$0x14D00];
	_ =	sdelay $0x1  }
0x461: {  	v1 =	vor.u32 $0x7, v1  }
0x462: {  	s28 =	simm.s32 $0x40  }
0x463: {  	s22 =	simm.s32 $0x15C10;
	s19 =	simm.s32 $0x20;
	s20 =	simm.s32 $0x10  }
0x464: {  	s21 =	sand.u32 $0x70, s20;
	s24 =	simm.s32 $0x20;
	s23 =	simm.s32 $0x20;
	v2 =	vmul.f32 v3, v2  }
.LBB2_20:
0x465: {  	s16 =	sand.u32 $0x70, s23  }
0x466: {  	s18 =	sand.u32 $0x300, s24;
	[tilespmem:v1+s3+$0x0] =	vst.idx.msk $0xffff, v2;
	s24 =	smov.u32 s28;
	s26 =	sadd.s32 $0x20, s28  }
0x467: {  	p1 =	sne.s32 s28, $0x2E0;
	v2 =	vld [tilespmem:s22+$0x0];
	s28 =	sor.u32 s21, s18;
	s21 =	smov.u32 s16  }
0x468: {  	v1 =	vmov s20;
	s20 =	smov.u32 s23;
	v3 =	vld [tilespmem:s28+$0x13800]  }
0x469: {  	v1 =	vshll.u32 v1, $0x3  }
0x46a: {  	v1 =	vor.u32 v0, v1;
	_ =	sdelay $0x2  }
0x46b: {  	v3 =	vmul.f32 v3, v2;
	_ =	sdelay $0x1  }
0x46c: {  	[tilespmem:v1+s3+$0x0] =	vst.idx.msk $0xffff, v3  }
0x46d: {  	v3 =	vld [tilespmem:s28+$0x13B00];
	_ =	sdelay $0x1  }
0x46e: {  	v4 =	vor.u32 $0x1, v1;
	_ =	sdelay $0x2  }
0x46f: {  	v3 =	vmul.f32 v3, v2;
	_ =	sdelay $0x1  }
0x470: {  	[tilespmem:v4+s3+$0x0] =	vst.idx.msk $0xffff, v3  }
0x471: {  	v3 =	vld [tilespmem:s28+$0x13E00];
	_ =	sdelay $0x1  }
0x472: {  	v4 =	vor.u32 $0x2, v1;
	_ =	sdelay $0x2  }
0x473: {  	v3 =	vmul.f32 v3, v2;
	_ =	sdelay $0x1  }
0x474: {  	[tilespmem:v4+s3+$0x0] =	vst.idx.msk $0xffff, v3  }
0x475: {  	v3 =	vld [tilespmem:s28+$0x14100];
	_ =	sdelay $0x1  }
0x476: {  	v4 =	vor.u32 $0x3, v1;
	_ =	sdelay $0x2  }
0x477: {  	v3 =	vmul.f32 v3, v2;
	_ =	sdelay $0x1  }
0x478: {  	[tilespmem:v4+s3+$0x0] =	vst.idx.msk $0xffff, v3  }
0x479: {  	v3 =	vld [tilespmem:s28+$0x14400];
	_ =	sdelay $0x1  }
0x47a: {  	v4 =	vor.u32 $0x4, v1;
	_ =	sdelay $0x2  }
0x47b: {  	v3 =	vmul.f32 v3, v2;
	_ =	sdelay $0x1  }
0x47c: {  	[tilespmem:v4+s3+$0x0] =	vst.idx.msk $0xffff, v3  }
0x47d: {  	v3 =	vld [tilespmem:s28+$0x14700];
	_ =	sdelay $0x1  }
0x47e: {  	v4 =	vor.u32 $0x5, v1;
	_ =	sdelay $0x2  }
0x47f: {  	v3 =	vmul.f32 v3, v2;
	_ =	sdelay $0x1  }
0x480: {  	[tilespmem:v4+s3+$0x0] =	vst.idx.msk $0xffff, v3  }
0x481: {  	v3 =	vld [tilespmem:s28+$0x14A00];
	_ =	sdelay $0x1  }
0x482: {  	v4 =	vor.u32 $0x6, v1;
	_ =	sdelay $0x2  }
0x483: {  	v3 =	vmul.f32 v3, v2;
	_ =	sdelay $0x1  }
0x484: {  	[tilespmem:v4+s3+$0x0] =	vst.idx.msk $0xffff, v3  }
0x485: {  	v3 =	vld [tilespmem:s28+$0x14D00];
	_ =	sdelay $0x1  }
.Ltmp8:
0x486: {  	v1 =	vor.u32 $0x7, v1;
	(pc) =	sbr.rel @p1 .LBB2_20-.Ltmp8, $3  }
0x487: {  	_ =	sdelay $0x1  }
0x488: {  	v2 =	vmul.f32 v3, v2  }
0x489: {  	s23 =	sadd.s32 $0x10, s23;
	s22 =	sadd.s32 $0x10, s22;
	s28 =	smov.u32 s26  }
0x48a: {  	_ =	sdelay $0x3  }
0x48b: {  	s16 =	sand.u32 $0x300, s24;
	[tilespmem:v1+s3+$0x0] =	vst.idx.msk $0xffff, v2  }
0x48c: {  	v1 =	vld [tilespmem:s22+$0x0];
	s16 =	sor.u32 s21, s16  }
0x48d: {  	v2 =	vmov s20;
	v3 =	vld [tilespmem:s16+$0x13800]  }
0x48e: {  	v2 =	vshll.u32 v2, $0x3  }
0x48f: {  	v2 =	vor.u32 v0, v2;
	_ =	sdelay $0x2  }
0x490: {  	v3 =	vmul.f32 v3, v1;
	_ =	sdelay $0x1  }
0x491: {  	[tilespmem:v2+s3+$0x0] =	vst.idx.msk $0xffff, v3  }
0x492: {  	v3 =	vld [tilespmem:s16+$0x13B00];
	_ =	sdelay $0x1  }
0x493: {  	v4 =	vor.u32 $0x1, v2;
	_ =	sdelay $0x2  }
0x494: {  	v3 =	vmul.f32 v3, v1;
	_ =	sdelay $0x1  }
0x495: {  	[tilespmem:v4+s3+$0x0] =	vst.idx.msk $0xffff, v3  }
0x496: {  	v3 =	vld [tilespmem:s16+$0x13E00];
	_ =	sdelay $0x1  }
0x497: {  	v53 =	vor.u32 $0x2, v2;
	_ =	sdelay $0x2  }
0x498: {  	v3 =	vmul.f32 v3, v1;
	_ =	sdelay $0x1  }
0x499: {  	[tilespmem:v53+s3+$0x0] =	vst.idx.msk $0xffff, v3  }
0x49a: {  	v3 =	vld [tilespmem:s16+$0x14100];
	_ =	sdelay $0x1  }
0x49b: {  	v54 =	vor.u32 $0x3, v2;
	_ =	sdelay $0x2  }
0x49c: {  	v3 =	vmul.f32 v3, v1;
	_ =	sdelay $0x1  }
0x49d: {  	[tilespmem:v54+s3+$0x0] =	vst.idx.msk $0xffff, v3  }
0x49e: {  	v3 =	vld [tilespmem:s16+$0x14400];
	_ =	sdelay $0x1  }
0x49f: {  	v55 =	vor.u32 $0x4, v2;
	_ =	sdelay $0x2  }
0x4a0: {  	v3 =	vmul.f32 v3, v1;
	_ =	sdelay $0x1  }
0x4a1: {  	[tilespmem:v55+s3+$0x0] =	vst.idx.msk $0xffff, v3  }
0x4a2: {  	v3 =	vld [tilespmem:s16+$0x14700];
	_ =	sdelay $0x1  }
0x4a3: {  	v56 =	vor.u32 $0x5, v2;
	_ =	sdelay $0x2  }
0x4a4: {  	v3 =	vmul.f32 v3, v1;
	_ =	sdelay $0x1  }
0x4a5: {  	[tilespmem:v56+s3+$0x0] =	vst.idx.msk $0xffff, v3  }
0x4a6: {  	v3 =	vld [tilespmem:s16+$0x14A00];
	_ =	sdelay $0x1  }
0x4a7: {  	v57 =	vor.u32 $0x6, v2;
	_ =	sdelay $0x2  }
0x4a8: {  	v3 =	vmul.f32 v3, v1;
	_ =	sdelay $0x1  }
0x4a9: {  	[tilespmem:v57+s3+$0x0] =	vst.idx.msk $0xffff, v3  }
0x4aa: {  	v3 =	vld [tilespmem:s16+$0x14D00];
	_ =	sdelay $0x1  }
0x4ab: {  	v2 =	vor.u32 $0x7, v2;
	_ =	sdelay $0x2  }
0x4ac: {  	v1 =	vmul.f32 v3, v1  }
0x4ad: {  	s28 =	simm.s32 $0x0  }
0x4ae: {  	s18 =	simm.s32 $0x15D80;
	s2 =	sand.u32 $0x300, s2;
	s16 =	sand.u32 $0x70, s28;
	[tilespmem:v2+s3+$0x0] =	vst.idx.msk $0xffff, v1  }
0x4af: {  	s29 =	simm.s32 $0x180;
	s2 =	sor.u32 s16, s2;
	v2 =	vld [tilespmem:s18+$0x0]  }
0x4b0: {  	v1 =	vmov s29;
	v3 =	vld [tilespmem:s2+$0x13880]  }
0x4b1: {  	v1 =	vshll.u32 v1, $0x3  }
0x4b2: {  	v1 =	vor.u32 v0, v1;
	_ =	sdelay $0x2  }
0x4b3: {  	v3 =	vmul.f32 v3, v2;
	_ =	sdelay $0x1  }
0x4b4: {  	[tilespmem:v1+s3+$0x0] =	vst.idx.msk $0xffff, v3  }
0x4b5: {  	v3 =	vld [tilespmem:s2+$0x13B80];
	_ =	sdelay $0x1  }
0x4b6: {  	v58 =	vor.u32 $0x1, v1;
	_ =	sdelay $0x2  }
0x4b7: {  	v3 =	vmul.f32 v3, v2;
	_ =	sdelay $0x1  }
0x4b8: {  	[tilespmem:v58+s3+$0x0] =	vst.idx.msk $0xffff, v3  }
0x4b9: {  	v3 =	vld [tilespmem:s2+$0x13E80];
	_ =	sdelay $0x1  }
0x4ba: {  	v59 =	vor.u32 $0x2, v1;
	_ =	sdelay $0x2  }
0x4bb: {  	v3 =	vmul.f32 v3, v2;
	_ =	sdelay $0x1  }
0x4bc: {  	[tilespmem:v59+s3+$0x0] =	vst.idx.msk $0xffff, v3  }
0x4bd: {  	v3 =	vld [tilespmem:s2+$0x14180];
	_ =	sdelay $0x1  }
0x4be: {  	v60 =	vor.u32 $0x3, v1;
	_ =	sdelay $0x2  }
0x4bf: {  	v3 =	vmul.f32 v3, v2;
	_ =	sdelay $0x1  }
0x4c0: {  	[tilespmem:v60+s3+$0x0] =	vst.idx.msk $0xffff, v3  }
0x4c1: {  	v3 =	vld [tilespmem:s2+$0x14480];
	_ =	sdelay $0x1  }
0x4c2: {  	v61 =	vor.u32 $0x4, v1;
	_ =	sdelay $0x2  }
0x4c3: {  	v3 =	vmul.f32 v3, v2;
	_ =	sdelay $0x1  }
0x4c4: {  	[tilespmem:v61+s3+$0x0] =	vst.idx.msk $0xffff, v3  }
0x4c5: {  	v3 =	vld [tilespmem:s2+$0x14780];
	_ =	sdelay $0x1  }
0x4c6: {  	v62 =	vor.u32 $0x5, v1;
	_ =	sdelay $0x2  }
0x4c7: {  	v3 =	vmul.f32 v3, v2;
	_ =	sdelay $0x1  }
0x4c8: {  	[tilespmem:v62+s3+$0x0] =	vst.idx.msk $0xffff, v3  }
0x4c9: {  	v3 =	vld [tilespmem:s2+$0x14A80];
	_ =	sdelay $0x1  }
0x4ca: {  	v63 =	vor.u32 $0x6, v1;
	_ =	sdelay $0x2  }
0x4cb: {  	v3 =	vmul.f32 v3, v2;
	_ =	sdelay $0x1  }
0x4cc: {  	[tilespmem:v63+s3+$0x0] =	vst.idx.msk $0xffff, v3  }
0x4cd: {  	v3 =	vld [tilespmem:s2+$0x14D80];
	_ =	sdelay $0x1  }
0x4ce: {  	v1 =	vor.u32 $0x7, v1;
	_ =	sdelay $0x1  }
0x4cf: {  	s19 =	sand.u32 $0x300, s19;
	s23 =	simm.s32 $0x1A0;
	s24 =	simm.s32 $0x10  }
0x4d0: {  	s20 =	simm.s32 $0x15D90;
	s21 =	simm.s32 $0x40;
	s2 =	simm.s32 $0x190;
	v2 =	vmul.f32 v3, v2  }
.LBB2_22:
0x4d1: {  	s16 =	sand.u32 $0x300, s21  }
0x4d2: {  	s18 =	sand.u32 $0x70, s24;
	[tilespmem:v1+s3+$0x0] =	vst.idx.msk $0xffff, v2;
	s24 =	smov.u32 s23;
	s22 =	sadd.s32 $0x10, s23  }
0x4d3: {  	p1 =	sne.s32 s23, $0x2F0;
	v2 =	vld [tilespmem:s20+$0x0];
	s23 =	sor.u32 s18, s19;
	s19 =	smov.u32 s16  }
0x4d4: {  	v1 =	vmov s2;
	s2 =	smov.u32 s24;
	v3 =	vld [tilespmem:s23+$0x13880]  }
0x4d5: {  	v1 =	vshll.u32 v1, $0x3  }
0x4d6: {  	v1 =	vor.u32 v0, v1;
	_ =	sdelay $0x2  }
0x4d7: {  	v3 =	vmul.f32 v3, v2;
	_ =	sdelay $0x1  }
0x4d8: {  	[tilespmem:v1+s3+$0x0] =	vst.idx.msk $0xffff, v3  }
0x4d9: {  	v3 =	vld [tilespmem:s23+$0x13B80];
	_ =	sdelay $0x1  }
0x4da: {  	v4 =	vor.u32 $0x1, v1;
	_ =	sdelay $0x2  }
0x4db: {  	v3 =	vmul.f32 v3, v2;
	_ =	sdelay $0x1  }
0x4dc: {  	[tilespmem:v4+s3+$0x0] =	vst.idx.msk $0xffff, v3  }
0x4dd: {  	v3 =	vld [tilespmem:s23+$0x13E80];
	_ =	sdelay $0x1  }
0x4de: {  	v4 =	vor.u32 $0x2, v1;
	_ =	sdelay $0x2  }
0x4df: {  	v3 =	vmul.f32 v3, v2;
	_ =	sdelay $0x1  }
0x4e0: {  	[tilespmem:v4+s3+$0x0] =	vst.idx.msk $0xffff, v3  }
0x4e1: {  	v3 =	vld [tilespmem:s23+$0x14180];
	_ =	sdelay $0x1  }
0x4e2: {  	v4 =	vor.u32 $0x3, v1;
	_ =	sdelay $0x2  }
0x4e3: {  	v3 =	vmul.f32 v3, v2;
	_ =	sdelay $0x1  }
0x4e4: {  	[tilespmem:v4+s3+$0x0] =	vst.idx.msk $0xffff, v3  }
0x4e5: {  	v3 =	vld [tilespmem:s23+$0x14480];
	_ =	sdelay $0x1  }
0x4e6: {  	v4 =	vor.u32 $0x4, v1;
	_ =	sdelay $0x2  }
0x4e7: {  	v3 =	vmul.f32 v3, v2;
	_ =	sdelay $0x1  }
0x4e8: {  	[tilespmem:v4+s3+$0x0] =	vst.idx.msk $0xffff, v3  }
0x4e9: {  	v3 =	vld [tilespmem:s23+$0x14780];
	_ =	sdelay $0x1  }
0x4ea: {  	v4 =	vor.u32 $0x5, v1;
	_ =	sdelay $0x2  }
0x4eb: {  	v3 =	vmul.f32 v3, v2;
	_ =	sdelay $0x1  }
0x4ec: {  	[tilespmem:v4+s3+$0x0] =	vst.idx.msk $0xffff, v3  }
0x4ed: {  	v3 =	vld [tilespmem:s23+$0x14A80];
	_ =	sdelay $0x1  }
0x4ee: {  	v4 =	vor.u32 $0x6, v1;
	_ =	sdelay $0x2  }
0x4ef: {  	v3 =	vmul.f32 v3, v2;
	_ =	sdelay $0x1  }
0x4f0: {  	[tilespmem:v4+s3+$0x0] =	vst.idx.msk $0xffff, v3  }
0x4f1: {  	v3 =	vld [tilespmem:s23+$0x14D80];
	_ =	sdelay $0x1  }
.Ltmp9:
0x4f2: {  	v1 =	vor.u32 $0x7, v1;
	(pc) =	sbr.rel @p1 .LBB2_22-.Ltmp9, $3  }
0x4f3: {  	_ =	sdelay $0x1  }
0x4f4: {  	s21 =	sadd.s32 $0x20, s21;
	v2 =	vmul.f32 v3, v2  }
0x4f5: {  	s20 =	sadd.s32 $0x10, s20;
	s24 =	sadd.s32 $0xFFFFFE80, s2;
	s23 =	smov.u32 s22  }
0x4f6: {  	_ =	sdelay $0x3  }
0x4f7: {  	s16 =	sand.u32 $0x70, s24;
	[tilespmem:v1+s3+$0x0] =	vst.idx.msk $0xffff, v2  }
0x4f8: {  	v1 =	vld [tilespmem:s20+$0x0];
	s16 =	sor.u32 s16, s19  }
0x4f9: {  	v2 =	vmov s2;
	v3 =	vld [tilespmem:s16+$0x13880]  }
0x4fa: {  	v2 =	vshll.u32 v2, $0x3  }
0x4fb: {  	v2 =	vor.u32 v0, v2;
	_ =	sdelay $0x2  }
0x4fc: {  	v3 =	vmul.f32 v3, v1;
	_ =	sdelay $0x1  }
0x4fd: {  	[tilespmem:v2+s3+$0x0] =	vst.idx.msk $0xffff, v3  }
0x4fe: {  	v3 =	vld [tilespmem:s16+$0x13B80];
	_ =	sdelay $0x1  }
0x4ff: {  	v4 =	vor.u32 $0x1, v2;
	_ =	sdelay $0x2  }
0x500: {  	v3 =	vmul.f32 v3, v1;
	_ =	sdelay $0x1  }
0x501: {  	[tilespmem:v4+s3+$0x0] =	vst.idx.msk $0xffff, v3  }
0x502: {  	v3 =	vld [tilespmem:s16+$0x13E80];
	_ =	sdelay $0x1  }
0x503: {  	v53 =	vor.u32 $0x2, v2;
	_ =	sdelay $0x2  }
0x504: {  	v3 =	vmul.f32 v3, v1;
	_ =	sdelay $0x1  }
0x505: {  	[tilespmem:v53+s3+$0x0] =	vst.idx.msk $0xffff, v3  }
0x506: {  	v3 =	vld [tilespmem:s16+$0x14180];
	_ =	sdelay $0x1  }
0x507: {  	v54 =	vor.u32 $0x3, v2;
	_ =	sdelay $0x2  }
0x508: {  	v3 =	vmul.f32 v3, v1;
	_ =	sdelay $0x1  }
0x509: {  	[tilespmem:v54+s3+$0x0] =	vst.idx.msk $0xffff, v3  }
0x50a: {  	v3 =	vld [tilespmem:s16+$0x14480];
	_ =	sdelay $0x1  }
0x50b: {  	v55 =	vor.u32 $0x4, v2;
	_ =	sdelay $0x2  }
0x50c: {  	v3 =	vmul.f32 v3, v1;
	_ =	sdelay $0x1  }
0x50d: {  	[tilespmem:v55+s3+$0x0] =	vst.idx.msk $0xffff, v3  }
0x50e: {  	v3 =	vld [tilespmem:s16+$0x14780];
	_ =	sdelay $0x1  }
0x50f: {  	v56 =	vor.u32 $0x5, v2;
	_ =	sdelay $0x2  }
0x510: {  	v3 =	vmul.f32 v3, v1;
	_ =	sdelay $0x1  }
0x511: {  	[tilespmem:v56+s3+$0x0] =	vst.idx.msk $0xffff, v3  }
0x512: {  	v3 =	vld [tilespmem:s16+$0x14A80];
	_ =	sdelay $0x1  }
0x513: {  	v57 =	vor.u32 $0x6, v2;
	_ =	sdelay $0x2  }
0x514: {  	v3 =	vmul.f32 v3, v1  }
0x515: {  	s19 =	sor.u32 $0x1, s1  }
0x516: {  	s18 =	smulhi.u32 $0x55555556, s19;
	[tilespmem:v57+s3+$0x0] =	vst.idx.msk $0xffff, v3  }
0x517: {  	v3 =	vld [tilespmem:s16+$0x14D80]  }
0x518: {  	s20 =	smul.u32 $0x3, s18  }
0x519: {  	v2 =	vor.u32 $0x7, v2  }
0x51a: {  	s2 =	ssub.s32 s19, s20  }
0x51b: {  	s2 =	smul.u32 $0x3000, s2  }
0x51c: {  	v1 =	vmul.f32 v3, v1  }
0x51d: {  	s2 =	sshrl.u32 s2, $0x2  }
0x51e: {  	s21 =	sadd.s32 $0x16800, s2;
	[tilespmem:v2+s3+$0x0] =	vst.idx.msk $0xffff, v1  }
0x51f: {  	[spmem:s4] =	stream.indirect.scatter.add.f32 [tilespmem:s3], [sflag:$0x3], $0x8, s21, s17, $0xb8;
	[tilespmem:$0x1BC00] =	vst v63  }
0x520: {  	_ =	swait.ge [sflag:s5], $0x1800  }
0x521: {  	s22 =	simm.s32 $0x15F00;
	s19 =	simm.s32 $0x0;
	[sflag:s5] =	ssyncset.done $0x0  }
0x522: {  	s23 =	sand.u32 $0x70, s19;
	s24 =	sand.u32 $0x300, s19;
	[sflag:s5] =	ssyncadd.s32 $0xFFFFE800  }
0x523: {  	s26 =	sor.u32 s23, s24;
	v2 =	vld [tilespmem:s22+$0x0]  }
0x524: {  	v1 =	vmov s19;
	v3 =	vld [tilespmem:s26+$0x13800]  }
0x525: {  	v1 =	vshll.u32 v1, $0x3  }
0x526: {  	v1 =	vor.u32 v0, v1;
	_ =	sdelay $0x2  }
0x527: {  	v3 =	vmul.f32 v3, v2;
	_ =	sdelay $0x1  }
0x528: {  	[tilespmem:v1+s0+$0x0] =	vst.idx.msk $0xffff, v3  }
0x529: {  	v3 =	vld [tilespmem:s26+$0x13B00];
	_ =	sdelay $0x1  }
0x52a: {  	v58 =	vor.u32 $0x1, v1;
	_ =	sdelay $0x2  }
0x52b: {  	v3 =	vmul.f32 v3, v2;
	_ =	sdelay $0x1  }
0x52c: {  	[tilespmem:v58+s0+$0x0] =	vst.idx.msk $0xffff, v3  }
0x52d: {  	v3 =	vld [tilespmem:s26+$0x13E00];
	_ =	sdelay $0x1  }
0x52e: {  	v59 =	vor.u32 $0x2, v1;
	_ =	sdelay $0x2  }
0x52f: {  	v3 =	vmul.f32 v3, v2;
	_ =	sdelay $0x1  }
0x530: {  	[tilespmem:v59+s0+$0x0] =	vst.idx.msk $0xffff, v3  }
0x531: {  	v3 =	vld [tilespmem:s26+$0x14100];
	_ =	sdelay $0x1  }
0x532: {  	v60 =	vor.u32 $0x3, v1;
	_ =	sdelay $0x2  }
0x533: {  	v3 =	vmul.f32 v3, v2;
	_ =	sdelay $0x1  }
0x534: {  	[tilespmem:v60+s0+$0x0] =	vst.idx.msk $0xffff, v3  }
0x535: {  	v3 =	vld [tilespmem:s26+$0x14400];
	_ =	sdelay $0x1  }
0x536: {  	v61 =	vor.u32 $0x4, v1;
	_ =	sdelay $0x2  }
0x537: {  	v3 =	vmul.f32 v3, v2;
	_ =	sdelay $0x1  }
0x538: {  	[tilespmem:v61+s0+$0x0] =	vst.idx.msk $0xffff, v3  }
0x539: {  	v3 =	vld [tilespmem:s26+$0x14700];
	_ =	sdelay $0x1  }
0x53a: {  	v62 =	vor.u32 $0x5, v1;
	_ =	sdelay $0x2  }
0x53b: {  	v3 =	vmul.f32 v3, v2;
	_ =	sdelay $0x1  }
0x53c: {  	[tilespmem:v62+s0+$0x0] =	vst.idx.msk $0xffff, v3  }
0x53d: {  	v3 =	vld [tilespmem:s26+$0x14A00];
	_ =	sdelay $0x1  }
0x53e: {  	v63 =	vor.u32 $0x6, v1;
	_ =	sdelay $0x2  }
0x53f: {  	v3 =	vmul.f32 v3, v2;
	_ =	sdelay $0x1  }
0x540: {  	[tilespmem:v63+s0+$0x0] =	vst.idx.msk $0xffff, v3  }
0x541: {  	v3 =	vld [tilespmem:s26+$0x14D00];
	_ =	sdelay $0x1  }
0x542: {  	v1 =	vor.u32 $0x7, v1  }
0x543: {  	s29 =	simm.s32 $0x20  }
0x544: {  	s28 =	simm.s32 $0x40;
	s20 =	simm.s32 $0x10;
	s23 =	simm.s32 $0x20  }
0x545: {  	s24 =	simm.s32 $0x20;
	s21 =	sand.u32 $0x70, s20;
	s22 =	simm.s32 $0x15F10;
	v2 =	vmul.f32 v3, v2  }
.LBB2_24:
0x546: {  	s16 =	sand.u32 $0x70, s23  }
0x547: {  	s18 =	sand.u32 $0x300, s24;
	[tilespmem:v1+s0+$0x0] =	vst.idx.msk $0xffff, v2;
	s24 =	smov.u32 s28;
	s26 =	sadd.s32 $0x20, s28  }
0x548: {  	p1 =	sne.s32 s28, $0x2E0;
	v2 =	vld [tilespmem:s22+$0x0];
	s28 =	sor.u32 s21, s18;
	s21 =	smov.u32 s16  }
0x549: {  	v1 =	vmov s20;
	s20 =	smov.u32 s23;
	v3 =	vld [tilespmem:s28+$0x13800]  }
0x54a: {  	v1 =	vshll.u32 v1, $0x3  }
0x54b: {  	v1 =	vor.u32 v0, v1;
	_ =	sdelay $0x2  }
0x54c: {  	v3 =	vmul.f32 v3, v2;
	_ =	sdelay $0x1  }
0x54d: {  	[tilespmem:v1+s0+$0x0] =	vst.idx.msk $0xffff, v3  }
0x54e: {  	v3 =	vld [tilespmem:s28+$0x13B00];
	_ =	sdelay $0x1  }
0x54f: {  	v4 =	vor.u32 $0x1, v1;
	_ =	sdelay $0x2  }
0x550: {  	v3 =	vmul.f32 v3, v2;
	_ =	sdelay $0x1  }
0x551: {  	[tilespmem:v4+s0+$0x0] =	vst.idx.msk $0xffff, v3  }
0x552: {  	v3 =	vld [tilespmem:s28+$0x13E00];
	_ =	sdelay $0x1  }
0x553: {  	v4 =	vor.u32 $0x2, v1;
	_ =	sdelay $0x2  }
0x554: {  	v3 =	vmul.f32 v3, v2;
	_ =	sdelay $0x1  }
0x555: {  	[tilespmem:v4+s0+$0x0] =	vst.idx.msk $0xffff, v3  }
0x556: {  	v3 =	vld [tilespmem:s28+$0x14100];
	_ =	sdelay $0x1  }
0x557: {  	v4 =	vor.u32 $0x3, v1;
	_ =	sdelay $0x2  }
0x558: {  	v3 =	vmul.f32 v3, v2;
	_ =	sdelay $0x1  }
0x559: {  	[tilespmem:v4+s0+$0x0] =	vst.idx.msk $0xffff, v3  }
0x55a: {  	v3 =	vld [tilespmem:s28+$0x14400];
	_ =	sdelay $0x1  }
0x55b: {  	v4 =	vor.u32 $0x4, v1;
	_ =	sdelay $0x2  }
0x55c: {  	v3 =	vmul.f32 v3, v2;
	_ =	sdelay $0x1  }
0x55d: {  	[tilespmem:v4+s0+$0x0] =	vst.idx.msk $0xffff, v3  }
0x55e: {  	v3 =	vld [tilespmem:s28+$0x14700];
	_ =	sdelay $0x1  }
0x55f: {  	v4 =	vor.u32 $0x5, v1;
	_ =	sdelay $0x2  }
0x560: {  	v3 =	vmul.f32 v3, v2;
	_ =	sdelay $0x1  }
0x561: {  	[tilespmem:v4+s0+$0x0] =	vst.idx.msk $0xffff, v3  }
0x562: {  	v3 =	vld [tilespmem:s28+$0x14A00];
	_ =	sdelay $0x1  }
0x563: {  	v4 =	vor.u32 $0x6, v1;
	_ =	sdelay $0x2  }
0x564: {  	v3 =	vmul.f32 v3, v2;
	_ =	sdelay $0x1  }
0x565: {  	[tilespmem:v4+s0+$0x0] =	vst.idx.msk $0xffff, v3  }
0x566: {  	v3 =	vld [tilespmem:s28+$0x14D00];
	_ =	sdelay $0x1  }
.Ltmp10:
0x567: {  	v1 =	vor.u32 $0x7, v1;
	(pc) =	sbr.rel @p1 .LBB2_24-.Ltmp10, $3  }
0x568: {  	_ =	sdelay $0x1  }
0x569: {  	v2 =	vmul.f32 v3, v2  }
0x56a: {  	s23 =	sadd.s32 $0x10, s23;
	s22 =	sadd.s32 $0x10, s22;
	s28 =	smov.u32 s26  }
0x56b: {  	_ =	sdelay $0x3  }
0x56c: {  	s16 =	sand.u32 $0x300, s24;
	[tilespmem:v1+s0+$0x0] =	vst.idx.msk $0xffff, v2  }
0x56d: {  	v1 =	vld [tilespmem:s22+$0x0];
	s16 =	sor.u32 s21, s16  }
0x56e: {  	v2 =	vmov s20;
	v3 =	vld [tilespmem:s16+$0x13800]  }
0x56f: {  	v2 =	vshll.u32 v2, $0x3  }
0x570: {  	v2 =	vor.u32 v0, v2;
	_ =	sdelay $0x2  }
0x571: {  	v3 =	vmul.f32 v3, v1;
	_ =	sdelay $0x1  }
0x572: {  	[tilespmem:v2+s0+$0x0] =	vst.idx.msk $0xffff, v3  }
0x573: {  	v3 =	vld [tilespmem:s16+$0x13B00];
	_ =	sdelay $0x1  }
0x574: {  	v4 =	vor.u32 $0x1, v2;
	_ =	sdelay $0x2  }
0x575: {  	v3 =	vmul.f32 v3, v1;
	_ =	sdelay $0x1  }
0x576: {  	[tilespmem:v4+s0+$0x0] =	vst.idx.msk $0xffff, v3  }
0x577: {  	v3 =	vld [tilespmem:s16+$0x13E00];
	_ =	sdelay $0x1  }
0x578: {  	v53 =	vor.u32 $0x2, v2;
	_ =	sdelay $0x2  }
0x579: {  	v3 =	vmul.f32 v3, v1;
	_ =	sdelay $0x1  }
0x57a: {  	[tilespmem:v53+s0+$0x0] =	vst.idx.msk $0xffff, v3  }
0x57b: {  	v3 =	vld [tilespmem:s16+$0x14100];
	_ =	sdelay $0x1  }
0x57c: {  	v54 =	vor.u32 $0x3, v2;
	_ =	sdelay $0x2  }
0x57d: {  	v3 =	vmul.f32 v3, v1;
	_ =	sdelay $0x1  }
0x57e: {  	[tilespmem:v54+s0+$0x0] =	vst.idx.msk $0xffff, v3  }
0x57f: {  	v3 =	vld [tilespmem:s16+$0x14400];
	_ =	sdelay $0x1  }
0x580: {  	v55 =	vor.u32 $0x4, v2;
	_ =	sdelay $0x2  }
0x581: {  	v3 =	vmul.f32 v3, v1;
	_ =	sdelay $0x1  }
0x582: {  	[tilespmem:v55+s0+$0x0] =	vst.idx.msk $0xffff, v3  }
0x583: {  	v3 =	vld [tilespmem:s16+$0x14700];
	_ =	sdelay $0x1  }
0x584: {  	v56 =	vor.u32 $0x5, v2;
	_ =	sdelay $0x2  }
0x585: {  	v3 =	vmul.f32 v3, v1;
	_ =	sdelay $0x1  }
0x586: {  	[tilespmem:v56+s0+$0x0] =	vst.idx.msk $0xffff, v3  }
0x587: {  	v3 =	vld [tilespmem:s16+$0x14A00];
	_ =	sdelay $0x1  }
0x588: {  	v57 =	vor.u32 $0x6, v2;
	_ =	sdelay $0x2  }
0x589: {  	v3 =	vmul.f32 v3, v1;
	_ =	sdelay $0x1  }
0x58a: {  	[tilespmem:v57+s0+$0x0] =	vst.idx.msk $0xffff, v3  }
0x58b: {  	v3 =	vld [tilespmem:s16+$0x14D00];
	_ =	sdelay $0x1  }
0x58c: {  	v2 =	vor.u32 $0x7, v2;
	_ =	sdelay $0x2  }
0x58d: {  	v1 =	vmul.f32 v3, v1  }
0x58e: {  	s26 =	simm.s32 $0x0  }
0x58f: {  	s18 =	simm.s32 $0x16080;
	s19 =	sand.u32 $0x300, s19;
	s16 =	sand.u32 $0x70, s26;
	[tilespmem:v2+s0+$0x0] =	vst.idx.msk $0xffff, v1  }
0x590: {  	s28 =	simm.s32 $0x180;
	s16 =	sor.u32 s16, s19;
	v2 =	vld [tilespmem:s18+$0x0]  }
0x591: {  	v1 =	vmov s28;
	v3 =	vld [tilespmem:s16+$0x13880]  }
0x592: {  	v1 =	vshll.u32 v1, $0x3  }
0x593: {  	v1 =	vor.u32 v0, v1;
	_ =	sdelay $0x2  }
0x594: {  	v3 =	vmul.f32 v3, v2;
	_ =	sdelay $0x1  }
0x595: {  	[tilespmem:v1+s0+$0x0] =	vst.idx.msk $0xffff, v3  }
0x596: {  	v3 =	vld [tilespmem:s16+$0x13B80];
	_ =	sdelay $0x1  }
0x597: {  	v58 =	vor.u32 $0x1, v1;
	_ =	sdelay $0x2  }
0x598: {  	v3 =	vmul.f32 v3, v2;
	_ =	sdelay $0x1  }
0x599: {  	[tilespmem:v58+s0+$0x0] =	vst.idx.msk $0xffff, v3  }
0x59a: {  	v3 =	vld [tilespmem:s16+$0x13E80];
	_ =	sdelay $0x1  }
0x59b: {  	v59 =	vor.u32 $0x2, v1;
	_ =	sdelay $0x2  }
0x59c: {  	v3 =	vmul.f32 v3, v2;
	_ =	sdelay $0x1  }
0x59d: {  	[tilespmem:v59+s0+$0x0] =	vst.idx.msk $0xffff, v3  }
0x59e: {  	v3 =	vld [tilespmem:s16+$0x14180];
	_ =	sdelay $0x1  }
0x59f: {  	v60 =	vor.u32 $0x3, v1;
	_ =	sdelay $0x2  }
0x5a0: {  	v3 =	vmul.f32 v3, v2;
	_ =	sdelay $0x1  }
0x5a1: {  	[tilespmem:v60+s0+$0x0] =	vst.idx.msk $0xffff, v3  }
0x5a2: {  	v3 =	vld [tilespmem:s16+$0x14480];
	_ =	sdelay $0x1  }
0x5a3: {  	v61 =	vor.u32 $0x4, v1;
	_ =	sdelay $0x2  }
0x5a4: {  	v3 =	vmul.f32 v3, v2;
	_ =	sdelay $0x1  }
0x5a5: {  	[tilespmem:v61+s0+$0x0] =	vst.idx.msk $0xffff, v3  }
0x5a6: {  	v3 =	vld [tilespmem:s16+$0x14780];
	_ =	sdelay $0x1  }
0x5a7: {  	v62 =	vor.u32 $0x5, v1;
	_ =	sdelay $0x2  }
0x5a8: {  	v3 =	vmul.f32 v3, v2;
	_ =	sdelay $0x1  }
0x5a9: {  	[tilespmem:v62+s0+$0x0] =	vst.idx.msk $0xffff, v3  }
0x5aa: {  	v3 =	vld [tilespmem:s16+$0x14A80];
	_ =	sdelay $0x1  }
0x5ab: {  	v63 =	vor.u32 $0x6, v1;
	_ =	sdelay $0x2  }
0x5ac: {  	v3 =	vmul.f32 v3, v2;
	_ =	sdelay $0x1  }
0x5ad: {  	[tilespmem:v63+s0+$0x0] =	vst.idx.msk $0xffff, v3  }
0x5ae: {  	v3 =	vld [tilespmem:s16+$0x14D80];
	_ =	sdelay $0x1  }
0x5af: {  	v1 =	vor.u32 $0x7, v1;
	_ =	sdelay $0x1  }
0x5b0: {  	s20 =	sand.u32 $0x300, s29;
	s24 =	simm.s32 $0x1A0;
	s22 =	simm.s32 $0x40  }
0x5b1: {  	s21 =	simm.s32 $0x16090;
	s26 =	simm.s32 $0x10;
	s19 =	simm.s32 $0x190;
	v2 =	vmul.f32 v3, v2  }
.LBB2_26:
0x5b2: {  	s16 =	sand.u32 $0x300, s22  }
0x5b3: {  	s18 =	sand.u32 $0x70, s26;
	[tilespmem:v1+s0+$0x0] =	vst.idx.msk $0xffff, v2;
	s26 =	smov.u32 s24;
	s23 =	sadd.s32 $0x10, s24  }
0x5b4: {  	p1 =	sne.s32 s24, $0x2F0;
	v2 =	vld [tilespmem:s21+$0x0];
	s24 =	sor.u32 s18, s20;
	s20 =	smov.u32 s16  }
0x5b5: {  	v1 =	vmov s19;
	s19 =	smov.u32 s26;
	v3 =	vld [tilespmem:s24+$0x13880]  }
0x5b6: {  	v1 =	vshll.u32 v1, $0x3  }
0x5b7: {  	v1 =	vor.u32 v0, v1;
	_ =	sdelay $0x2  }
0x5b8: {  	v3 =	vmul.f32 v3, v2;
	_ =	sdelay $0x1  }
0x5b9: {  	[tilespmem:v1+s0+$0x0] =	vst.idx.msk $0xffff, v3  }
0x5ba: {  	v3 =	vld [tilespmem:s24+$0x13B80];
	_ =	sdelay $0x1  }
0x5bb: {  	v4 =	vor.u32 $0x1, v1;
	_ =	sdelay $0x2  }
0x5bc: {  	v3 =	vmul.f32 v3, v2;
	_ =	sdelay $0x1  }
0x5bd: {  	[tilespmem:v4+s0+$0x0] =	vst.idx.msk $0xffff, v3  }
0x5be: {  	v3 =	vld [tilespmem:s24+$0x13E80];
	_ =	sdelay $0x1  }
0x5bf: {  	v4 =	vor.u32 $0x2, v1;
	_ =	sdelay $0x2  }
0x5c0: {  	v3 =	vmul.f32 v3, v2;
	_ =	sdelay $0x1  }
0x5c1: {  	[tilespmem:v4+s0+$0x0] =	vst.idx.msk $0xffff, v3  }
0x5c2: {  	v3 =	vld [tilespmem:s24+$0x14180];
	_ =	sdelay $0x1  }
0x5c3: {  	v4 =	vor.u32 $0x3, v1;
	_ =	sdelay $0x2  }
0x5c4: {  	v3 =	vmul.f32 v3, v2;
	_ =	sdelay $0x1  }
0x5c5: {  	[tilespmem:v4+s0+$0x0] =	vst.idx.msk $0xffff, v3  }
0x5c6: {  	v3 =	vld [tilespmem:s24+$0x14480];
	_ =	sdelay $0x1  }
0x5c7: {  	v4 =	vor.u32 $0x4, v1;
	_ =	sdelay $0x2  }
0x5c8: {  	v3 =	vmul.f32 v3, v2;
	_ =	sdelay $0x1  }
0x5c9: {  	[tilespmem:v4+s0+$0x0] =	vst.idx.msk $0xffff, v3  }
0x5ca: {  	v3 =	vld [tilespmem:s24+$0x14780];
	_ =	sdelay $0x1  }
0x5cb: {  	v4 =	vor.u32 $0x5, v1;
	_ =	sdelay $0x2  }
0x5cc: {  	v3 =	vmul.f32 v3, v2;
	_ =	sdelay $0x1  }
0x5cd: {  	[tilespmem:v4+s0+$0x0] =	vst.idx.msk $0xffff, v3  }
0x5ce: {  	v3 =	vld [tilespmem:s24+$0x14A80];
	_ =	sdelay $0x1  }
0x5cf: {  	v4 =	vor.u32 $0x6, v1;
	_ =	sdelay $0x2  }
0x5d0: {  	v3 =	vmul.f32 v3, v2;
	_ =	sdelay $0x1  }
0x5d1: {  	[tilespmem:v4+s0+$0x0] =	vst.idx.msk $0xffff, v3  }
0x5d2: {  	v3 =	vld [tilespmem:s24+$0x14D80];
	_ =	sdelay $0x1  }
.Ltmp11:
0x5d3: {  	v1 =	vor.u32 $0x7, v1;
	(pc) =	sbr.rel @p1 .LBB2_26-.Ltmp11, $3  }
0x5d4: {  	_ =	sdelay $0x1  }
0x5d5: {  	s22 =	sadd.s32 $0x20, s22;
	v2 =	vmul.f32 v3, v2  }
0x5d6: {  	s21 =	sadd.s32 $0x10, s21;
	s26 =	sadd.s32 $0xFFFFFE80, s19;
	s24 =	smov.u32 s23  }
0x5d7: {  	_ =	sdelay $0x3  }
0x5d8: {  	s16 =	sand.u32 $0x70, s26;
	[tilespmem:v1+s0+$0x0] =	vst.idx.msk $0xffff, v2  }
0x5d9: {  	v1 =	vld [tilespmem:s21+$0x0];
	s16 =	sor.u32 s16, s20  }
0x5da: {  	v2 =	vmov s19;
	v3 =	vld [tilespmem:s16+$0x13880]  }
0x5db: {  	v2 =	vshll.u32 v2, $0x3  }
0x5dc: {  	v2 =	vor.u32 v0, v2;
	_ =	sdelay $0x2  }
0x5dd: {  	v3 =	vmul.f32 v3, v1;
	_ =	sdelay $0x1  }
0x5de: {  	[tilespmem:v2+s0+$0x0] =	vst.idx.msk $0xffff, v3  }
0x5df: {  	v3 =	vld [tilespmem:s16+$0x13B80];
	_ =	sdelay $0x1  }
0x5e0: {  	v4 =	vor.u32 $0x1, v2;
	_ =	sdelay $0x2  }
0x5e1: {  	v3 =	vmul.f32 v3, v1;
	_ =	sdelay $0x1  }
0x5e2: {  	[tilespmem:v4+s0+$0x0] =	vst.idx.msk $0xffff, v3  }
0x5e3: {  	v3 =	vld [tilespmem:s16+$0x13E80];
	_ =	sdelay $0x1  }
0x5e4: {  	v53 =	vor.u32 $0x2, v2;
	_ =	sdelay $0x2  }
0x5e5: {  	v3 =	vmul.f32 v3, v1;
	_ =	sdelay $0x1  }
0x5e6: {  	[tilespmem:v53+s0+$0x0] =	vst.idx.msk $0xffff, v3  }
0x5e7: {  	v3 =	vld [tilespmem:s16+$0x14180];
	_ =	sdelay $0x1  }
0x5e8: {  	v54 =	vor.u32 $0x3, v2;
	_ =	sdelay $0x2  }
0x5e9: {  	v3 =	vmul.f32 v3, v1;
	_ =	sdelay $0x1  }
0x5ea: {  	[tilespmem:v54+s0+$0x0] =	vst.idx.msk $0xffff, v3  }
0x5eb: {  	v3 =	vld [tilespmem:s16+$0x14480];
	_ =	sdelay $0x1  }
0x5ec: {  	v55 =	vor.u32 $0x4, v2;
	_ =	sdelay $0x2  }
0x5ed: {  	v3 =	vmul.f32 v3, v1;
	_ =	sdelay $0x1  }
0x5ee: {  	[tilespmem:v55+s0+$0x0] =	vst.idx.msk $0xffff, v3  }
0x5ef: {  	v3 =	vld [tilespmem:s16+$0x14780];
	_ =	sdelay $0x1  }
0x5f0: {  	v56 =	vor.u32 $0x5, v2;
	_ =	sdelay $0x2  }
0x5f1: {  	v3 =	vmul.f32 v3, v1;
	_ =	sdelay $0x1  }
0x5f2: {  	[tilespmem:v56+s0+$0x0] =	vst.idx.msk $0xffff, v3  }
0x5f3: {  	v3 =	vld [tilespmem:s16+$0x14A80];
	_ =	sdelay $0x1  }
0x5f4: {  	v57 =	vor.u32 $0x6, v2;
	_ =	sdelay $0x2  }
0x5f5: {  	v3 =	vmul.f32 v3, v1;
	_ =	sdelay $0x1  }
0x5f6: {  	[tilespmem:v57+s0+$0x0] =	vst.idx.msk $0xffff, v3  }
0x5f7: {  	v3 =	vld [tilespmem:s16+$0x14D80];
	_ =	sdelay $0x1  }
0x5f8: {  	v2 =	vor.u32 $0x7, v2;
	_ =	sdelay $0x2  }
0x5f9: {  	v1 =	vmul.f32 v3, v1;
	_ =	sdelay $0x1  }
0x5fa: {  	s22 =	sadd.s32 $0x16B00, s2;
	[tilespmem:v2+s0+$0x0] =	vst.idx.msk $0xffff, v1  }
0x5fb: {  	[spmem:s4] =	stream.indirect.scatter.add.f32 [tilespmem:s0], [sflag:$0x4], $0x8, s22, s17, $0xb8;
	[tilespmem:$0x1BC00] =	vst v63  }
0x5fc: {  	_ =	swait.ge [sflag:s25], $0x1800  }
0x5fd: {  	s19 =	simm.s32 $0x0;
	s23 =	simm.s32 $0x16200;
	[sflag:s25] =	ssyncset.done $0x0  }
0x5fe: {  	s18 =	sand.u32 $0x70, s19;
	s24 =	sand.u32 $0x300, s19;
	[sflag:s25] =	ssyncadd.s32 $0xFFFFE800  }
0x5ff: {  	s26 =	sor.u32 s18, s24;
	v2 =	vld [tilespmem:s23+$0x0]  }
0x600: {  	v1 =	vmov s19;
	v3 =	vld [tilespmem:s26+$0x13800]  }
0x601: {  	v1 =	vshll.u32 v1, $0x3  }
0x602: {  	v1 =	vor.u32 v0, v1;
	_ =	sdelay $0x2  }
0x603: {  	v3 =	vmul.f32 v3, v2;
	_ =	sdelay $0x1  }
0x604: {  	[tilespmem:v1+s3+$0x0] =	vst.idx.msk $0xffff, v3  }
0x605: {  	v3 =	vld [tilespmem:s26+$0x13B00];
	_ =	sdelay $0x1  }
0x606: {  	v58 =	vor.u32 $0x1, v1;
	_ =	sdelay $0x2  }
0x607: {  	v3 =	vmul.f32 v3, v2;
	_ =	sdelay $0x1  }
0x608: {  	[tilespmem:v58+s3+$0x0] =	vst.idx.msk $0xffff, v3  }
0x609: {  	v3 =	vld [tilespmem:s26+$0x13E00];
	_ =	sdelay $0x1  }
0x60a: {  	v59 =	vor.u32 $0x2, v1;
	_ =	sdelay $0x2  }
0x60b: {  	v3 =	vmul.f32 v3, v2;
	_ =	sdelay $0x1  }
0x60c: {  	[tilespmem:v59+s3+$0x0] =	vst.idx.msk $0xffff, v3  }
0x60d: {  	v3 =	vld [tilespmem:s26+$0x14100];
	_ =	sdelay $0x1  }
0x60e: {  	v60 =	vor.u32 $0x3, v1;
	_ =	sdelay $0x2  }
0x60f: {  	v3 =	vmul.f32 v3, v2;
	_ =	sdelay $0x1  }
0x610: {  	[tilespmem:v60+s3+$0x0] =	vst.idx.msk $0xffff, v3  }
0x611: {  	v3 =	vld [tilespmem:s26+$0x14400];
	_ =	sdelay $0x1  }
0x612: {  	v61 =	vor.u32 $0x4, v1;
	_ =	sdelay $0x2  }
0x613: {  	v3 =	vmul.f32 v3, v2;
	_ =	sdelay $0x1  }
0x614: {  	[tilespmem:v61+s3+$0x0] =	vst.idx.msk $0xffff, v3  }
0x615: {  	v3 =	vld [tilespmem:s26+$0x14700];
	_ =	sdelay $0x1  }
0x616: {  	v62 =	vor.u32 $0x5, v1;
	_ =	sdelay $0x2  }
0x617: {  	v3 =	vmul.f32 v3, v2;
	_ =	sdelay $0x1  }
0x618: {  	[tilespmem:v62+s3+$0x0] =	vst.idx.msk $0xffff, v3  }
0x619: {  	v3 =	vld [tilespmem:s26+$0x14A00];
	_ =	sdelay $0x1  }
0x61a: {  	v63 =	vor.u32 $0x6, v1;
	_ =	sdelay $0x2  }
0x61b: {  	v3 =	vmul.f32 v3, v2;
	_ =	sdelay $0x1  }
0x61c: {  	[tilespmem:v63+s3+$0x0] =	vst.idx.msk $0xffff, v3  }
0x61d: {  	v3 =	vld [tilespmem:s26+$0x14D00];
	_ =	sdelay $0x1  }
0x61e: {  	v1 =	vor.u32 $0x7, v1  }
0x61f: {  	s20 =	simm.s32 $0x10  }
0x620: {  	s29 =	simm.s32 $0x20;
	s28 =	simm.s32 $0x40;
	s21 =	sand.u32 $0x70, s20  }
0x621: {  	s24 =	simm.s32 $0x20;
	s22 =	simm.s32 $0x16210;
	s23 =	simm.s32 $0x20;
	v2 =	vmul.f32 v3, v2  }
.LBB2_28:
0x622: {  	s16 =	sand.u32 $0x70, s23  }
0x623: {  	s18 =	sand.u32 $0x300, s24;
	[tilespmem:v1+s3+$0x0] =	vst.idx.msk $0xffff, v2;
	s24 =	smov.u32 s28;
	s26 =	sadd.s32 $0x20, s28  }
0x624: {  	p1 =	sne.s32 s28, $0x2E0;
	v2 =	vld [tilespmem:s22+$0x0];
	s28 =	sor.u32 s21, s18;
	s21 =	smov.u32 s16  }
0x625: {  	v1 =	vmov s20;
	s20 =	smov.u32 s23;
	v3 =	vld [tilespmem:s28+$0x13800]  }
0x626: {  	v1 =	vshll.u32 v1, $0x3  }
0x627: {  	v1 =	vor.u32 v0, v1;
	_ =	sdelay $0x2  }
0x628: {  	v3 =	vmul.f32 v3, v2;
	_ =	sdelay $0x1  }
0x629: {  	[tilespmem:v1+s3+$0x0] =	vst.idx.msk $0xffff, v3  }
0x62a: {  	v3 =	vld [tilespmem:s28+$0x13B00];
	_ =	sdelay $0x1  }
0x62b: {  	v4 =	vor.u32 $0x1, v1;
	_ =	sdelay $0x2  }
0x62c: {  	v3 =	vmul.f32 v3, v2;
	_ =	sdelay $0x1  }
0x62d: {  	[tilespmem:v4+s3+$0x0] =	vst.idx.msk $0xffff, v3  }
0x62e: {  	v3 =	vld [tilespmem:s28+$0x13E00];
	_ =	sdelay $0x1  }
0x62f: {  	v4 =	vor.u32 $0x2, v1;
	_ =	sdelay $0x2  }
0x630: {  	v3 =	vmul.f32 v3, v2;
	_ =	sdelay $0x1  }
0x631: {  	[tilespmem:v4+s3+$0x0] =	vst.idx.msk $0xffff, v3  }
0x632: {  	v3 =	vld [tilespmem:s28+$0x14100];
	_ =	sdelay $0x1  }
0x633: {  	v4 =	vor.u32 $0x3, v1;
	_ =	sdelay $0x2  }
0x634: {  	v3 =	vmul.f32 v3, v2;
	_ =	sdelay $0x1  }
0x635: {  	[tilespmem:v4+s3+$0x0] =	vst.idx.msk $0xffff, v3  }
0x636: {  	v3 =	vld [tilespmem:s28+$0x14400];
	_ =	sdelay $0x1  }
0x637: {  	v4 =	vor.u32 $0x4, v1;
	_ =	sdelay $0x2  }
0x638: {  	v3 =	vmul.f32 v3, v2;
	_ =	sdelay $0x1  }
0x639: {  	[tilespmem:v4+s3+$0x0] =	vst.idx.msk $0xffff, v3  }
0x63a: {  	v3 =	vld [tilespmem:s28+$0x14700];
	_ =	sdelay $0x1  }
0x63b: {  	v4 =	vor.u32 $0x5, v1;
	_ =	sdelay $0x2  }
0x63c: {  	v3 =	vmul.f32 v3, v2;
	_ =	sdelay $0x1  }
0x63d: {  	[tilespmem:v4+s3+$0x0] =	vst.idx.msk $0xffff, v3  }
0x63e: {  	v3 =	vld [tilespmem:s28+$0x14A00];
	_ =	sdelay $0x1  }
0x63f: {  	v4 =	vor.u32 $0x6, v1;
	_ =	sdelay $0x2  }
0x640: {  	v3 =	vmul.f32 v3, v2;
	_ =	sdelay $0x1  }
0x641: {  	[tilespmem:v4+s3+$0x0] =	vst.idx.msk $0xffff, v3  }
0x642: {  	v3 =	vld [tilespmem:s28+$0x14D00];
	_ =	sdelay $0x1  }
.Ltmp12:
0x643: {  	v1 =	vor.u32 $0x7, v1;
	(pc) =	sbr.rel @p1 .LBB2_28-.Ltmp12, $3  }
0x644: {  	_ =	sdelay $0x1  }
0x645: {  	v2 =	vmul.f32 v3, v2  }
0x646: {  	s23 =	sadd.s32 $0x10, s23;
	s22 =	sadd.s32 $0x10, s22;
	s28 =	smov.u32 s26  }
0x647: {  	_ =	sdelay $0x3  }
0x648: {  	s16 =	sand.u32 $0x300, s24;
	[tilespmem:v1+s3+$0x0] =	vst.idx.msk $0xffff, v2  }
0x649: {  	v1 =	vld [tilespmem:s22+$0x0];
	s16 =	sor.u32 s21, s16  }
0x64a: {  	v2 =	vmov s20;
	v3 =	vld [tilespmem:s16+$0x13800]  }
0x64b: {  	v2 =	vshll.u32 v2, $0x3  }
0x64c: {  	v2 =	vor.u32 v0, v2;
	_ =	sdelay $0x2  }
0x64d: {  	v3 =	vmul.f32 v3, v1;
	_ =	sdelay $0x1  }
0x64e: {  	[tilespmem:v2+s3+$0x0] =	vst.idx.msk $0xffff, v3  }
0x64f: {  	v3 =	vld [tilespmem:s16+$0x13B00];
	_ =	sdelay $0x1  }
0x650: {  	v4 =	vor.u32 $0x1, v2;
	_ =	sdelay $0x2  }
0x651: {  	v3 =	vmul.f32 v3, v1;
	_ =	sdelay $0x1  }
0x652: {  	[tilespmem:v4+s3+$0x0] =	vst.idx.msk $0xffff, v3  }
0x653: {  	v3 =	vld [tilespmem:s16+$0x13E00];
	_ =	sdelay $0x1  }
0x654: {  	v53 =	vor.u32 $0x2, v2;
	_ =	sdelay $0x2  }
0x655: {  	v3 =	vmul.f32 v3, v1;
	_ =	sdelay $0x1  }
0x656: {  	[tilespmem:v53+s3+$0x0] =	vst.idx.msk $0xffff, v3  }
0x657: {  	v3 =	vld [tilespmem:s16+$0x14100];
	_ =	sdelay $0x1  }
0x658: {  	v54 =	vor.u32 $0x3, v2;
	_ =	sdelay $0x2  }
0x659: {  	v3 =	vmul.f32 v3, v1;
	_ =	sdelay $0x1  }
0x65a: {  	[tilespmem:v54+s3+$0x0] =	vst.idx.msk $0xffff, v3  }
0x65b: {  	v3 =	vld [tilespmem:s16+$0x14400];
	_ =	sdelay $0x1  }
0x65c: {  	v55 =	vor.u32 $0x4, v2;
	_ =	sdelay $0x2  }
0x65d: {  	v3 =	vmul.f32 v3, v1;
	_ =	sdelay $0x1  }
0x65e: {  	[tilespmem:v55+s3+$0x0] =	vst.idx.msk $0xffff, v3  }
0x65f: {  	v3 =	vld [tilespmem:s16+$0x14700];
	_ =	sdelay $0x1  }
0x660: {  	v56 =	vor.u32 $0x5, v2;
	_ =	sdelay $0x2  }
0x661: {  	v3 =	vmul.f32 v3, v1;
	_ =	sdelay $0x1  }
0x662: {  	[tilespmem:v56+s3+$0x0] =	vst.idx.msk $0xffff, v3  }
0x663: {  	v3 =	vld [tilespmem:s16+$0x14A00];
	_ =	sdelay $0x1  }
0x664: {  	v57 =	vor.u32 $0x6, v2;
	_ =	sdelay $0x2  }
0x665: {  	v3 =	vmul.f32 v3, v1;
	_ =	sdelay $0x1  }
0x666: {  	[tilespmem:v57+s3+$0x0] =	vst.idx.msk $0xffff, v3  }
0x667: {  	v3 =	vld [tilespmem:s16+$0x14D00];
	_ =	sdelay $0x1  }
0x668: {  	v2 =	vor.u32 $0x7, v2;
	_ =	sdelay $0x2  }
0x669: {  	v1 =	vmul.f32 v3, v1  }
0x66a: {  	s26 =	simm.s32 $0x0  }
0x66b: {  	s18 =	simm.s32 $0x16380;
	s19 =	sand.u32 $0x300, s19;
	s16 =	sand.u32 $0x70, s26;
	[tilespmem:v2+s3+$0x0] =	vst.idx.msk $0xffff, v1  }
0x66c: {  	s28 =	simm.s32 $0x180;
	s16 =	sor.u32 s16, s19;
	v2 =	vld [tilespmem:s18+$0x0]  }
0x66d: {  	v1 =	vmov s28;
	v3 =	vld [tilespmem:s16+$0x13880]  }
0x66e: {  	v1 =	vshll.u32 v1, $0x3  }
0x66f: {  	v1 =	vor.u32 v0, v1;
	_ =	sdelay $0x2  }
0x670: {  	v3 =	vmul.f32 v3, v2;
	_ =	sdelay $0x1  }
0x671: {  	[tilespmem:v1+s3+$0x0] =	vst.idx.msk $0xffff, v3  }
0x672: {  	v3 =	vld [tilespmem:s16+$0x13B80];
	_ =	sdelay $0x1  }
0x673: {  	v58 =	vor.u32 $0x1, v1;
	_ =	sdelay $0x2  }
0x674: {  	v3 =	vmul.f32 v3, v2;
	_ =	sdelay $0x1  }
0x675: {  	[tilespmem:v58+s3+$0x0] =	vst.idx.msk $0xffff, v3  }
0x676: {  	v3 =	vld [tilespmem:s16+$0x13E80];
	_ =	sdelay $0x1  }
0x677: {  	v59 =	vor.u32 $0x2, v1;
	_ =	sdelay $0x2  }
0x678: {  	v3 =	vmul.f32 v3, v2;
	_ =	sdelay $0x1  }
0x679: {  	[tilespmem:v59+s3+$0x0] =	vst.idx.msk $0xffff, v3  }
0x67a: {  	v3 =	vld [tilespmem:s16+$0x14180];
	_ =	sdelay $0x1  }
0x67b: {  	v60 =	vor.u32 $0x3, v1;
	_ =	sdelay $0x2  }
0x67c: {  	v3 =	vmul.f32 v3, v2;
	_ =	sdelay $0x1  }
0x67d: {  	[tilespmem:v60+s3+$0x0] =	vst.idx.msk $0xffff, v3  }
0x67e: {  	v3 =	vld [tilespmem:s16+$0x14480];
	_ =	sdelay $0x1  }
0x67f: {  	v61 =	vor.u32 $0x4, v1;
	_ =	sdelay $0x2  }
0x680: {  	v3 =	vmul.f32 v3, v2;
	_ =	sdelay $0x1  }
0x681: {  	[tilespmem:v61+s3+$0x0] =	vst.idx.msk $0xffff, v3  }
0x682: {  	v3 =	vld [tilespmem:s16+$0x14780];
	_ =	sdelay $0x1  }
0x683: {  	v62 =	vor.u32 $0x5, v1;
	_ =	sdelay $0x2  }
0x684: {  	v3 =	vmul.f32 v3, v2;
	_ =	sdelay $0x1  }
0x685: {  	[tilespmem:v62+s3+$0x0] =	vst.idx.msk $0xffff, v3  }
0x686: {  	v3 =	vld [tilespmem:s16+$0x14A80];
	_ =	sdelay $0x1  }
0x687: {  	v63 =	vor.u32 $0x6, v1;
	_ =	sdelay $0x2  }
0x688: {  	v3 =	vmul.f32 v3, v2;
	_ =	sdelay $0x1  }
0x689: {  	[tilespmem:v63+s3+$0x0] =	vst.idx.msk $0xffff, v3  }
0x68a: {  	v3 =	vld [tilespmem:s16+$0x14D80];
	_ =	sdelay $0x1  }
0x68b: {  	v1 =	vor.u32 $0x7, v1;
	_ =	sdelay $0x1  }
0x68c: {  	s20 =	sand.u32 $0x300, s29;
	s24 =	simm.s32 $0x1A0;
	s22 =	simm.s32 $0x40  }
0x68d: {  	s21 =	simm.s32 $0x16390;
	s26 =	simm.s32 $0x10;
	s19 =	simm.s32 $0x190;
	v2 =	vmul.f32 v3, v2  }
.LBB2_30:
0x68e: {  	s16 =	sand.u32 $0x300, s22  }
0x68f: {  	s18 =	sand.u32 $0x70, s26;
	[tilespmem:v1+s3+$0x0] =	vst.idx.msk $0xffff, v2;
	s26 =	smov.u32 s24;
	s23 =	sadd.s32 $0x10, s24  }
0x690: {  	p1 =	sne.s32 s24, $0x2F0;
	v2 =	vld [tilespmem:s21+$0x0];
	s24 =	sor.u32 s18, s20;
	s20 =	smov.u32 s16  }
0x691: {  	v1 =	vmov s19;
	s19 =	smov.u32 s26;
	v3 =	vld [tilespmem:s24+$0x13880]  }
0x692: {  	v1 =	vshll.u32 v1, $0x3  }
0x693: {  	v1 =	vor.u32 v0, v1;
	_ =	sdelay $0x2  }
0x694: {  	v3 =	vmul.f32 v3, v2;
	_ =	sdelay $0x1  }
0x695: {  	[tilespmem:v1+s3+$0x0] =	vst.idx.msk $0xffff, v3  }
0x696: {  	v3 =	vld [tilespmem:s24+$0x13B80];
	_ =	sdelay $0x1  }
0x697: {  	v4 =	vor.u32 $0x1, v1;
	_ =	sdelay $0x2  }
0x698: {  	v3 =	vmul.f32 v3, v2;
	_ =	sdelay $0x1  }
0x699: {  	[tilespmem:v4+s3+$0x0] =	vst.idx.msk $0xffff, v3  }
0x69a: {  	v3 =	vld [tilespmem:s24+$0x13E80];
	_ =	sdelay $0x1  }
0x69b: {  	v4 =	vor.u32 $0x2, v1;
	_ =	sdelay $0x2  }
0x69c: {  	v3 =	vmul.f32 v3, v2;
	_ =	sdelay $0x1  }
0x69d: {  	[tilespmem:v4+s3+$0x0] =	vst.idx.msk $0xffff, v3  }
0x69e: {  	v3 =	vld [tilespmem:s24+$0x14180];
	_ =	sdelay $0x1  }
0x69f: {  	v4 =	vor.u32 $0x3, v1;
	_ =	sdelay $0x2  }
0x6a0: {  	v3 =	vmul.f32 v3, v2;
	_ =	sdelay $0x1  }
0x6a1: {  	[tilespmem:v4+s3+$0x0] =	vst.idx.msk $0xffff, v3  }
0x6a2: {  	v3 =	vld [tilespmem:s24+$0x14480];
	_ =	sdelay $0x1  }
0x6a3: {  	v4 =	vor.u32 $0x4, v1;
	_ =	sdelay $0x2  }
0x6a4: {  	v3 =	vmul.f32 v3, v2;
	_ =	sdelay $0x1  }
0x6a5: {  	[tilespmem:v4+s3+$0x0] =	vst.idx.msk $0xffff, v3  }
0x6a6: {  	v3 =	vld [tilespmem:s24+$0x14780];
	_ =	sdelay $0x1  }
0x6a7: {  	v4 =	vor.u32 $0x5, v1;
	_ =	sdelay $0x2  }
0x6a8: {  	v3 =	vmul.f32 v3, v2;
	_ =	sdelay $0x1  }
0x6a9: {  	[tilespmem:v4+s3+$0x0] =	vst.idx.msk $0xffff, v3  }
0x6aa: {  	v3 =	vld [tilespmem:s24+$0x14A80];
	_ =	sdelay $0x1  }
0x6ab: {  	v4 =	vor.u32 $0x6, v1;
	_ =	sdelay $0x2  }
0x6ac: {  	v3 =	vmul.f32 v3, v2;
	_ =	sdelay $0x1  }
0x6ad: {  	[tilespmem:v4+s3+$0x0] =	vst.idx.msk $0xffff, v3  }
0x6ae: {  	v3 =	vld [tilespmem:s24+$0x14D80];
	_ =	sdelay $0x1  }
.Ltmp13:
0x6af: {  	v1 =	vor.u32 $0x7, v1;
	(pc) =	sbr.rel @p1 .LBB2_30-.Ltmp13, $3  }
0x6b0: {  	_ =	sdelay $0x1  }
0x6b1: {  	s22 =	sadd.s32 $0x20, s22;
	v2 =	vmul.f32 v3, v2  }
0x6b2: {  	s21 =	sadd.s32 $0x10, s21;
	s26 =	sadd.s32 $0xFFFFFE80, s19;
	s24 =	smov.u32 s23  }
0x6b3: {  	_ =	sdelay $0x3  }
0x6b4: {  	s16 =	sand.u32 $0x70, s26;
	[tilespmem:v1+s3+$0x0] =	vst.idx.msk $0xffff, v2  }
0x6b5: {  	v1 =	vld [tilespmem:s21+$0x0];
	s16 =	sor.u32 s16, s20  }
0x6b6: {  	v2 =	vmov s19;
	v3 =	vld [tilespmem:s16+$0x13880]  }
0x6b7: {  	v2 =	vshll.u32 v2, $0x3  }
0x6b8: {  	v2 =	vor.u32 v0, v2;
	_ =	sdelay $0x2  }
0x6b9: {  	v3 =	vmul.f32 v3, v1;
	_ =	sdelay $0x1  }
0x6ba: {  	[tilespmem:v2+s3+$0x0] =	vst.idx.msk $0xffff, v3  }
0x6bb: {  	v3 =	vld [tilespmem:s16+$0x13B80];
	_ =	sdelay $0x1  }
0x6bc: {  	v4 =	vor.u32 $0x1, v2;
	_ =	sdelay $0x2  }
0x6bd: {  	v3 =	vmul.f32 v3, v1;
	_ =	sdelay $0x1  }
0x6be: {  	[tilespmem:v4+s3+$0x0] =	vst.idx.msk $0xffff, v3  }
0x6bf: {  	v3 =	vld [tilespmem:s16+$0x13E80];
	_ =	sdelay $0x1  }
0x6c0: {  	v53 =	vor.u32 $0x2, v2;
	_ =	sdelay $0x2  }
0x6c1: {  	v3 =	vmul.f32 v3, v1;
	_ =	sdelay $0x1  }
0x6c2: {  	[tilespmem:v53+s3+$0x0] =	vst.idx.msk $0xffff, v3  }
0x6c3: {  	v3 =	vld [tilespmem:s16+$0x14180];
	_ =	sdelay $0x1  }
0x6c4: {  	v54 =	vor.u32 $0x3, v2;
	_ =	sdelay $0x2  }
0x6c5: {  	v3 =	vmul.f32 v3, v1;
	_ =	sdelay $0x1  }
0x6c6: {  	[tilespmem:v54+s3+$0x0] =	vst.idx.msk $0xffff, v3  }
0x6c7: {  	v3 =	vld [tilespmem:s16+$0x14480];
	_ =	sdelay $0x1  }
0x6c8: {  	v55 =	vor.u32 $0x4, v2;
	_ =	sdelay $0x2  }
0x6c9: {  	v3 =	vmul.f32 v3, v1;
	_ =	sdelay $0x1  }
0x6ca: {  	[tilespmem:v55+s3+$0x0] =	vst.idx.msk $0xffff, v3  }
0x6cb: {  	v3 =	vld [tilespmem:s16+$0x14780];
	_ =	sdelay $0x1  }
0x6cc: {  	v56 =	vor.u32 $0x5, v2;
	_ =	sdelay $0x2  }
0x6cd: {  	v3 =	vmul.f32 v3, v1;
	_ =	sdelay $0x1  }
0x6ce: {  	[tilespmem:v56+s3+$0x0] =	vst.idx.msk $0xffff, v3  }
0x6cf: {  	v3 =	vld [tilespmem:s16+$0x14A80];
	_ =	sdelay $0x1  }
0x6d0: {  	v57 =	vor.u32 $0x6, v2;
	_ =	sdelay $0x2  }
0x6d1: {  	v3 =	vmul.f32 v3, v1;
	_ =	sdelay $0x1  }
0x6d2: {  	[tilespmem:v57+s3+$0x0] =	vst.idx.msk $0xffff, v3  }
0x6d3: {  	v3 =	vld [tilespmem:s16+$0x14D80];
	_ =	sdelay $0x1  }
0x6d4: {  	v2 =	vor.u32 $0x7, v2;
	_ =	sdelay $0x2  }
0x6d5: {  	v1 =	vmul.f32 v3, v1;
	_ =	sdelay $0x1  }
0x6d6: {  	s22 =	sadd.s32 $0x16E00, s2;
	[tilespmem:v2+s3+$0x0] =	vst.idx.msk $0xffff, v1  }
0x6d7: {  	[spmem:s4] =	stream.indirect.scatter.add.f32 [tilespmem:s3], [sflag:$0x3], $0x8, s22, s17, $0xb8;
	[tilespmem:$0x1BC00] =	vst v63  }
0x6d8: {  	_ =	swait.ge [sflag:s5], $0x1800  }
0x6d9: {  	s19 =	simm.s32 $0x0;
	s23 =	simm.s32 $0x16500;
	[sflag:s5] =	ssyncset.done $0x0  }
0x6da: {  	s18 =	sand.u32 $0x70, s19;
	s24 =	sand.u32 $0x300, s19;
	[sflag:s5] =	ssyncadd.s32 $0xFFFFE800  }
0x6db: {  	s26 =	sor.u32 s18, s24;
	v2 =	vld [tilespmem:s23+$0x0]  }
0x6dc: {  	v1 =	vmov s19;
	v3 =	vld [tilespmem:s26+$0x13800]  }
0x6dd: {  	v1 =	vshll.u32 v1, $0x3  }
0x6de: {  	v1 =	vor.u32 v0, v1;
	_ =	sdelay $0x2  }
0x6df: {  	v3 =	vmul.f32 v3, v2;
	_ =	sdelay $0x1  }
0x6e0: {  	[tilespmem:v1+s0+$0x0] =	vst.idx.msk $0xffff, v3  }
0x6e1: {  	v3 =	vld [tilespmem:s26+$0x13B00];
	_ =	sdelay $0x1  }
0x6e2: {  	v58 =	vor.u32 $0x1, v1;
	_ =	sdelay $0x2  }
0x6e3: {  	v3 =	vmul.f32 v3, v2;
	_ =	sdelay $0x1  }
0x6e4: {  	[tilespmem:v58+s0+$0x0] =	vst.idx.msk $0xffff, v3  }
0x6e5: {  	v3 =	vld [tilespmem:s26+$0x13E00];
	_ =	sdelay $0x1  }
0x6e6: {  	v59 =	vor.u32 $0x2, v1;
	_ =	sdelay $0x2  }
0x6e7: {  	v3 =	vmul.f32 v3, v2;
	_ =	sdelay $0x1  }
0x6e8: {  	[tilespmem:v59+s0+$0x0] =	vst.idx.msk $0xffff, v3  }
0x6e9: {  	v3 =	vld [tilespmem:s26+$0x14100];
	_ =	sdelay $0x1  }
0x6ea: {  	v60 =	vor.u32 $0x3, v1;
	_ =	sdelay $0x2  }
0x6eb: {  	v3 =	vmul.f32 v3, v2;
	_ =	sdelay $0x1  }
0x6ec: {  	[tilespmem:v60+s0+$0x0] =	vst.idx.msk $0xffff, v3  }
0x6ed: {  	v3 =	vld [tilespmem:s26+$0x14400];
	_ =	sdelay $0x1  }
0x6ee: {  	v61 =	vor.u32 $0x4, v1;
	_ =	sdelay $0x2  }
0x6ef: {  	v3 =	vmul.f32 v3, v2;
	_ =	sdelay $0x1  }
0x6f0: {  	[tilespmem:v61+s0+$0x0] =	vst.idx.msk $0xffff, v3  }
0x6f1: {  	v3 =	vld [tilespmem:s26+$0x14700];
	_ =	sdelay $0x1  }
0x6f2: {  	v62 =	vor.u32 $0x5, v1;
	_ =	sdelay $0x2  }
0x6f3: {  	v3 =	vmul.f32 v3, v2;
	_ =	sdelay $0x1  }
0x6f4: {  	[tilespmem:v62+s0+$0x0] =	vst.idx.msk $0xffff, v3  }
0x6f5: {  	v3 =	vld [tilespmem:s26+$0x14A00];
	_ =	sdelay $0x1  }
0x6f6: {  	v63 =	vor.u32 $0x6, v1;
	_ =	sdelay $0x2  }
0x6f7: {  	v3 =	vmul.f32 v3, v2;
	_ =	sdelay $0x1  }
0x6f8: {  	[tilespmem:v63+s0+$0x0] =	vst.idx.msk $0xffff, v3  }
0x6f9: {  	v3 =	vld [tilespmem:s26+$0x14D00];
	_ =	sdelay $0x1  }
0x6fa: {  	v1 =	vor.u32 $0x7, v1  }
0x6fb: {  	s20 =	simm.s32 $0x10  }
0x6fc: {  	s29 =	simm.s32 $0x20;
	s28 =	simm.s32 $0x40;
	s21 =	sand.u32 $0x70, s20  }
0x6fd: {  	s24 =	simm.s32 $0x20;
	s22 =	simm.s32 $0x16510;
	s23 =	simm.s32 $0x20;
	v2 =	vmul.f32 v3, v2  }
.LBB2_32:
0x6fe: {  	s16 =	sand.u32 $0x70, s23  }
0x6ff: {  	s18 =	sand.u32 $0x300, s24;
	[tilespmem:v1+s0+$0x0] =	vst.idx.msk $0xffff, v2;
	s24 =	smov.u32 s28;
	s26 =	sadd.s32 $0x20, s28  }
0x700: {  	p1 =	sne.s32 s28, $0x2E0;
	v2 =	vld [tilespmem:s22+$0x0];
	s28 =	sor.u32 s21, s18;
	s21 =	smov.u32 s16  }
0x701: {  	v1 =	vmov s20;
	s20 =	smov.u32 s23;
	v3 =	vld [tilespmem:s28+$0x13800]  }
0x702: {  	v1 =	vshll.u32 v1, $0x3  }
0x703: {  	v1 =	vor.u32 v0, v1;
	_ =	sdelay $0x2  }
0x704: {  	v3 =	vmul.f32 v3, v2;
	_ =	sdelay $0x1  }
0x705: {  	[tilespmem:v1+s0+$0x0] =	vst.idx.msk $0xffff, v3  }
0x706: {  	v3 =	vld [tilespmem:s28+$0x13B00];
	_ =	sdelay $0x1  }
0x707: {  	v4 =	vor.u32 $0x1, v1;
	_ =	sdelay $0x2  }
0x708: {  	v3 =	vmul.f32 v3, v2;
	_ =	sdelay $0x1  }
0x709: {  	[tilespmem:v4+s0+$0x0] =	vst.idx.msk $0xffff, v3  }
0x70a: {  	v3 =	vld [tilespmem:s28+$0x13E00];
	_ =	sdelay $0x1  }
0x70b: {  	v4 =	vor.u32 $0x2, v1;
	_ =	sdelay $0x2  }
0x70c: {  	v3 =	vmul.f32 v3, v2;
	_ =	sdelay $0x1  }
0x70d: {  	[tilespmem:v4+s0+$0x0] =	vst.idx.msk $0xffff, v3  }
0x70e: {  	v3 =	vld [tilespmem:s28+$0x14100];
	_ =	sdelay $0x1  }
0x70f: {  	v4 =	vor.u32 $0x3, v1;
	_ =	sdelay $0x2  }
0x710: {  	v3 =	vmul.f32 v3, v2;
	_ =	sdelay $0x1  }
0x711: {  	[tilespmem:v4+s0+$0x0] =	vst.idx.msk $0xffff, v3  }
0x712: {  	v3 =	vld [tilespmem:s28+$0x14400];
	_ =	sdelay $0x1  }
0x713: {  	v4 =	vor.u32 $0x4, v1;
	_ =	sdelay $0x2  }
0x714: {  	v3 =	vmul.f32 v3, v2;
	_ =	sdelay $0x1  }
0x715: {  	[tilespmem:v4+s0+$0x0] =	vst.idx.msk $0xffff, v3  }
0x716: {  	v3 =	vld [tilespmem:s28+$0x14700];
	_ =	sdelay $0x1  }
0x717: {  	v4 =	vor.u32 $0x5, v1;
	_ =	sdelay $0x2  }
0x718: {  	v3 =	vmul.f32 v3, v2;
	_ =	sdelay $0x1  }
0x719: {  	[tilespmem:v4+s0+$0x0] =	vst.idx.msk $0xffff, v3  }
0x71a: {  	v3 =	vld [tilespmem:s28+$0x14A00];
	_ =	sdelay $0x1  }
0x71b: {  	v4 =	vor.u32 $0x6, v1;
	_ =	sdelay $0x2  }
0x71c: {  	v3 =	vmul.f32 v3, v2;
	_ =	sdelay $0x1  }
0x71d: {  	[tilespmem:v4+s0+$0x0] =	vst.idx.msk $0xffff, v3  }
0x71e: {  	v3 =	vld [tilespmem:s28+$0x14D00];
	_ =	sdelay $0x1  }
.Ltmp14:
0x71f: {  	v1 =	vor.u32 $0x7, v1;
	(pc) =	sbr.rel @p1 .LBB2_32-.Ltmp14, $3  }
0x720: {  	_ =	sdelay $0x1  }
0x721: {  	v2 =	vmul.f32 v3, v2  }
0x722: {  	s23 =	sadd.s32 $0x10, s23;
	s22 =	sadd.s32 $0x10, s22;
	s28 =	smov.u32 s26  }
0x723: {  	_ =	sdelay $0x3  }
0x724: {  	s16 =	sand.u32 $0x300, s24;
	[tilespmem:v1+s0+$0x0] =	vst.idx.msk $0xffff, v2  }
0x725: {  	v1 =	vld [tilespmem:s22+$0x0];
	s16 =	sor.u32 s21, s16  }
0x726: {  	v2 =	vmov s20;
	v3 =	vld [tilespmem:s16+$0x13800]  }
0x727: {  	v2 =	vshll.u32 v2, $0x3  }
0x728: {  	v2 =	vor.u32 v0, v2;
	_ =	sdelay $0x2  }
0x729: {  	v3 =	vmul.f32 v3, v1;
	_ =	sdelay $0x1  }
0x72a: {  	[tilespmem:v2+s0+$0x0] =	vst.idx.msk $0xffff, v3  }
0x72b: {  	v3 =	vld [tilespmem:s16+$0x13B00];
	_ =	sdelay $0x1  }
0x72c: {  	v4 =	vor.u32 $0x1, v2;
	_ =	sdelay $0x2  }
0x72d: {  	v3 =	vmul.f32 v3, v1;
	_ =	sdelay $0x1  }
0x72e: {  	[tilespmem:v4+s0+$0x0] =	vst.idx.msk $0xffff, v3  }
0x72f: {  	v3 =	vld [tilespmem:s16+$0x13E00];
	_ =	sdelay $0x1  }
0x730: {  	v53 =	vor.u32 $0x2, v2;
	_ =	sdelay $0x2  }
0x731: {  	v3 =	vmul.f32 v3, v1;
	_ =	sdelay $0x1  }
0x732: {  	[tilespmem:v53+s0+$0x0] =	vst.idx.msk $0xffff, v3  }
0x733: {  	v3 =	vld [tilespmem:s16+$0x14100];
	_ =	sdelay $0x1  }
0x734: {  	v54 =	vor.u32 $0x3, v2;
	_ =	sdelay $0x2  }
0x735: {  	v3 =	vmul.f32 v3, v1;
	_ =	sdelay $0x1  }
0x736: {  	[tilespmem:v54+s0+$0x0] =	vst.idx.msk $0xffff, v3  }
0x737: {  	v3 =	vld [tilespmem:s16+$0x14400];
	_ =	sdelay $0x1  }
0x738: {  	v55 =	vor.u32 $0x4, v2;
	_ =	sdelay $0x2  }
0x739: {  	v3 =	vmul.f32 v3, v1;
	_ =	sdelay $0x1  }
0x73a: {  	[tilespmem:v55+s0+$0x0] =	vst.idx.msk $0xffff, v3  }
0x73b: {  	v3 =	vld [tilespmem:s16+$0x14700];
	_ =	sdelay $0x1  }
0x73c: {  	v56 =	vor.u32 $0x5, v2;
	_ =	sdelay $0x2  }
0x73d: {  	v3 =	vmul.f32 v3, v1;
	_ =	sdelay $0x1  }
0x73e: {  	[tilespmem:v56+s0+$0x0] =	vst.idx.msk $0xffff, v3  }
0x73f: {  	v3 =	vld [tilespmem:s16+$0x14A00];
	_ =	sdelay $0x1  }
0x740: {  	v57 =	vor.u32 $0x6, v2;
	_ =	sdelay $0x2  }
0x741: {  	v3 =	vmul.f32 v3, v1;
	_ =	sdelay $0x1  }
0x742: {  	[tilespmem:v57+s0+$0x0] =	vst.idx.msk $0xffff, v3  }
0x743: {  	v3 =	vld [tilespmem:s16+$0x14D00];
	_ =	sdelay $0x1  }
0x744: {  	v2 =	vor.u32 $0x7, v2;
	_ =	sdelay $0x2  }
0x745: {  	v1 =	vmul.f32 v3, v1  }
0x746: {  	s26 =	simm.s32 $0x0  }
0x747: {  	s18 =	simm.s32 $0x16680;
	s19 =	sand.u32 $0x300, s19;
	s16 =	sand.u32 $0x70, s26;
	[tilespmem:v2+s0+$0x0] =	vst.idx.msk $0xffff, v1  }
0x748: {  	s28 =	simm.s32 $0x180;
	s16 =	sor.u32 s16, s19;
	v2 =	vld [tilespmem:s18+$0x0]  }
0x749: {  	v1 =	vmov s28;
	v3 =	vld [tilespmem:s16+$0x13880]  }
0x74a: {  	v1 =	vshll.u32 v1, $0x3  }
0x74b: {  	v1 =	vor.u32 v0, v1;
	_ =	sdelay $0x2  }
0x74c: {  	v3 =	vmul.f32 v3, v2;
	_ =	sdelay $0x1  }
0x74d: {  	[tilespmem:v1+s0+$0x0] =	vst.idx.msk $0xffff, v3  }
0x74e: {  	v3 =	vld [tilespmem:s16+$0x13B80];
	_ =	sdelay $0x1  }
0x74f: {  	v58 =	vor.u32 $0x1, v1;
	_ =	sdelay $0x2  }
0x750: {  	v3 =	vmul.f32 v3, v2;
	_ =	sdelay $0x1  }
0x751: {  	[tilespmem:v58+s0+$0x0] =	vst.idx.msk $0xffff, v3  }
0x752: {  	v3 =	vld [tilespmem:s16+$0x13E80];
	_ =	sdelay $0x1  }
0x753: {  	v59 =	vor.u32 $0x2, v1;
	_ =	sdelay $0x2  }
0x754: {  	v3 =	vmul.f32 v3, v2;
	_ =	sdelay $0x1  }
0x755: {  	[tilespmem:v59+s0+$0x0] =	vst.idx.msk $0xffff, v3  }
0x756: {  	v3 =	vld [tilespmem:s16+$0x14180];
	_ =	sdelay $0x1  }
0x757: {  	v60 =	vor.u32 $0x3, v1;
	_ =	sdelay $0x2  }
0x758: {  	v3 =	vmul.f32 v3, v2;
	_ =	sdelay $0x1  }
0x759: {  	[tilespmem:v60+s0+$0x0] =	vst.idx.msk $0xffff, v3  }
0x75a: {  	v3 =	vld [tilespmem:s16+$0x14480];
	_ =	sdelay $0x1  }
0x75b: {  	v61 =	vor.u32 $0x4, v1;
	_ =	sdelay $0x2  }
0x75c: {  	v3 =	vmul.f32 v3, v2;
	_ =	sdelay $0x1  }
0x75d: {  	[tilespmem:v61+s0+$0x0] =	vst.idx.msk $0xffff, v3  }
0x75e: {  	v3 =	vld [tilespmem:s16+$0x14780];
	_ =	sdelay $0x1  }
0x75f: {  	v62 =	vor.u32 $0x5, v1;
	_ =	sdelay $0x2  }
0x760: {  	v3 =	vmul.f32 v3, v2;
	_ =	sdelay $0x1  }
0x761: {  	[tilespmem:v62+s0+$0x0] =	vst.idx.msk $0xffff, v3  }
0x762: {  	v3 =	vld [tilespmem:s16+$0x14A80];
	_ =	sdelay $0x1  }
0x763: {  	v63 =	vor.u32 $0x6, v1;
	_ =	sdelay $0x2  }
0x764: {  	v3 =	vmul.f32 v3, v2;
	_ =	sdelay $0x1  }
0x765: {  	[tilespmem:v63+s0+$0x0] =	vst.idx.msk $0xffff, v3  }
0x766: {  	v3 =	vld [tilespmem:s16+$0x14D80];
	_ =	sdelay $0x1  }
0x767: {  	v1 =	vor.u32 $0x7, v1;
	_ =	sdelay $0x1  }
0x768: {  	s20 =	sand.u32 $0x300, s29;
	s24 =	simm.s32 $0x1A0;
	s22 =	simm.s32 $0x40  }
0x769: {  	s21 =	simm.s32 $0x16690;
	s26 =	simm.s32 $0x10;
	s19 =	simm.s32 $0x190;
	v2 =	vmul.f32 v3, v2  }
.LBB2_34:
0x76a: {  	s16 =	sand.u32 $0x300, s22  }
0x76b: {  	s18 =	sand.u32 $0x70, s26;
	[tilespmem:v1+s0+$0x0] =	vst.idx.msk $0xffff, v2;
	s26 =	smov.u32 s24;
	s23 =	sadd.s32 $0x10, s24  }
0x76c: {  	p1 =	sne.s32 s24, $0x2F0;
	v2 =	vld [tilespmem:s21+$0x0];
	s24 =	sor.u32 s18, s20;
	s20 =	smov.u32 s16  }
0x76d: {  	v1 =	vmov s19;
	s19 =	smov.u32 s26;
	v3 =	vld [tilespmem:s24+$0x13880]  }
0x76e: {  	v1 =	vshll.u32 v1, $0x3  }
0x76f: {  	v1 =	vor.u32 v0, v1;
	_ =	sdelay $0x2  }
0x770: {  	v3 =	vmul.f32 v3, v2;
	_ =	sdelay $0x1  }
0x771: {  	[tilespmem:v1+s0+$0x0] =	vst.idx.msk $0xffff, v3  }
0x772: {  	v3 =	vld [tilespmem:s24+$0x13B80];
	_ =	sdelay $0x1  }
0x773: {  	v4 =	vor.u32 $0x1, v1;
	_ =	sdelay $0x2  }
0x774: {  	v3 =	vmul.f32 v3, v2;
	_ =	sdelay $0x1  }
0x775: {  	[tilespmem:v4+s0+$0x0] =	vst.idx.msk $0xffff, v3  }
0x776: {  	v3 =	vld [tilespmem:s24+$0x13E80];
	_ =	sdelay $0x1  }
0x777: {  	v4 =	vor.u32 $0x2, v1;
	_ =	sdelay $0x2  }
0x778: {  	v3 =	vmul.f32 v3, v2;
	_ =	sdelay $0x1  }
0x779: {  	[tilespmem:v4+s0+$0x0] =	vst.idx.msk $0xffff, v3  }
0x77a: {  	v3 =	vld [tilespmem:s24+$0x14180];
	_ =	sdelay $0x1  }
0x77b: {  	v4 =	vor.u32 $0x3, v1;
	_ =	sdelay $0x2  }
0x77c: {  	v3 =	vmul.f32 v3, v2;
	_ =	sdelay $0x1  }
0x77d: {  	[tilespmem:v4+s0+$0x0] =	vst.idx.msk $0xffff, v3  }
0x77e: {  	v3 =	vld [tilespmem:s24+$0x14480];
	_ =	sdelay $0x1  }
0x77f: {  	v4 =	vor.u32 $0x4, v1;
	_ =	sdelay $0x2  }
0x780: {  	v3 =	vmul.f32 v3, v2;
	_ =	sdelay $0x1  }
0x781: {  	[tilespmem:v4+s0+$0x0] =	vst.idx.msk $0xffff, v3  }
0x782: {  	v3 =	vld [tilespmem:s24+$0x14780];
	_ =	sdelay $0x1  }
0x783: {  	v4 =	vor.u32 $0x5, v1;
	_ =	sdelay $0x2  }
0x784: {  	v3 =	vmul.f32 v3, v2;
	_ =	sdelay $0x1  }
0x785: {  	[tilespmem:v4+s0+$0x0] =	vst.idx.msk $0xffff, v3  }
0x786: {  	v3 =	vld [tilespmem:s24+$0x14A80];
	_ =	sdelay $0x1  }
0x787: {  	v4 =	vor.u32 $0x6, v1;
	_ =	sdelay $0x2  }
0x788: {  	v3 =	vmul.f32 v3, v2;
	_ =	sdelay $0x1  }
0x789: {  	[tilespmem:v4+s0+$0x0] =	vst.idx.msk $0xffff, v3  }
0x78a: {  	v3 =	vld [tilespmem:s24+$0x14D80];
	_ =	sdelay $0x1  }
.Ltmp15:
0x78b: {  	v1 =	vor.u32 $0x7, v1;
	(pc) =	sbr.rel @p1 .LBB2_34-.Ltmp15, $3  }
0x78c: {  	_ =	sdelay $0x1  }
0x78d: {  	s22 =	sadd.s32 $0x20, s22;
	v2 =	vmul.f32 v3, v2  }
0x78e: {  	s21 =	sadd.s32 $0x10, s21;
	s26 =	sadd.s32 $0xFFFFFE80, s19;
	s24 =	smov.u32 s23  }
0x78f: {  	_ =	sdelay $0x3  }
0x790: {  	s16 =	sand.u32 $0x70, s26;
	[tilespmem:v1+s0+$0x0] =	vst.idx.msk $0xffff, v2  }
0x791: {  	v1 =	vld [tilespmem:s21+$0x0];
	s16 =	sor.u32 s16, s20  }
0x792: {  	v2 =	vmov s19;
	v3 =	vld [tilespmem:s16+$0x13880]  }
0x793: {  	v2 =	vshll.u32 v2, $0x3  }
0x794: {  	v2 =	vor.u32 v0, v2;
	_ =	sdelay $0x2  }
0x795: {  	v3 =	vmul.f32 v3, v1;
	_ =	sdelay $0x1  }
0x796: {  	[tilespmem:v2+s0+$0x0] =	vst.idx.msk $0xffff, v3  }
0x797: {  	v3 =	vld [tilespmem:s16+$0x13B80];
	_ =	sdelay $0x1  }
0x798: {  	v4 =	vor.u32 $0x1, v2;
	_ =	sdelay $0x2  }
0x799: {  	v3 =	vmul.f32 v3, v1;
	_ =	sdelay $0x1  }
0x79a: {  	[tilespmem:v4+s0+$0x0] =	vst.idx.msk $0xffff, v3  }
0x79b: {  	v3 =	vld [tilespmem:s16+$0x13E80];
	_ =	sdelay $0x1  }
0x79c: {  	v59 =	vor.u32 $0x2, v2;
	_ =	sdelay $0x2  }
0x79d: {  	v3 =	vmul.f32 v3, v1;
	_ =	sdelay $0x1  }
0x79e: {  	[tilespmem:v59+s0+$0x0] =	vst.idx.msk $0xffff, v3  }
0x79f: {  	v3 =	vld [tilespmem:s16+$0x14180];
	_ =	sdelay $0x1  }
0x7a0: {  	v60 =	vor.u32 $0x3, v2;
	_ =	sdelay $0x2  }
0x7a1: {  	v3 =	vmul.f32 v3, v1;
	_ =	sdelay $0x1  }
0x7a2: {  	[tilespmem:v60+s0+$0x0] =	vst.idx.msk $0xffff, v3  }
0x7a3: {  	v3 =	vld [tilespmem:s16+$0x14480];
	_ =	sdelay $0x1  }
0x7a4: {  	v61 =	vor.u32 $0x4, v2;
	_ =	sdelay $0x2  }
0x7a5: {  	v3 =	vmul.f32 v3, v1;
	_ =	sdelay $0x1  }
0x7a6: {  	[tilespmem:v61+s0+$0x0] =	vst.idx.msk $0xffff, v3  }
0x7a7: {  	v3 =	vld [tilespmem:s16+$0x14780];
	_ =	sdelay $0x1  }
0x7a8: {  	v62 =	vor.u32 $0x5, v2;
	_ =	sdelay $0x2  }
0x7a9: {  	v3 =	vmul.f32 v3, v1;
	_ =	sdelay $0x1  }
0x7aa: {  	[tilespmem:v62+s0+$0x0] =	vst.idx.msk $0xffff, v3  }
0x7ab: {  	v3 =	vld [tilespmem:s16+$0x14A80];
	_ =	sdelay $0x1  }
0x7ac: {  	v63 =	vor.u32 $0x6, v2;
	_ =	sdelay $0x2  }
0x7ad: {  	v3 =	vmul.f32 v3, v1;
	_ =	sdelay $0x1  }
0x7ae: {  	[tilespmem:v63+s0+$0x0] =	vst.idx.msk $0xffff, v3  }
0x7af: {  	v3 =	vld [tilespmem:s16+$0x14D80];
	_ =	sdelay $0x1  }
0x7b0: {  	v2 =	vor.u32 $0x7, v2;
	_ =	sdelay $0x1  }
.Ltmp16:
0x7b1: {  	_ = 	snop;
	(pc) =	sbr.rel @p0 .LBB2_37-.Ltmp16, $3  }
0x7b2: {  	v1 =	vmul.f32 v3, v1;
	_ =	sdelay $0x1  }
0x7b3: {  	s2 =	sadd.s32 $0x17100, s2;
	s28 =	simm.s32 $0x13800;
	[tilespmem:v2+s0+$0x0] =	vst.idx.msk $0xffff, v1  }
0x7b4: {  	[spmem:s4] =	stream.indirect.scatter.add.f32 [tilespmem:s0], [sflag:$0x4], $0x8, s2, s17, $0xb8;
	[tilespmem:$0x1BC00] =	vst v63  }
0x7b5: {  	s1 =	sadd.s32 $0x3, s1  }
0x7b6: {  	s2 =	sshll.u32 s1, $0x1  }
0x7b7: {  	s2 =	sadd.s32 s11, s2  }
0x7b8: {  	s2 =	sshrl.u32 s2, $0x3  }
0x7b9: {  	s2 =	smul.u32 $0xC00, s2  }
0x7ba: {  	s16 =	sshll.u32 s1, $0x8  }
0x7bb: {  	s16 =	sand.u32 $0x300, s16;
	s2 =	sadd.s32 s14, s2  }
0x7bc: {  	s2 =	sor.u32 s16, s2  }
0x7bd: {  	s21 =	rddreg [dreg:$0x0];
	s2 =	sshrl.u32 s2, $0x3  }
0x7be: {  	s2 =	sadd.s32 s21, s2  }
0x7bf: {  	[tilespmem:s28], [sflag:$0x2] =	stream.strided.gather [hbm4b:s2+s30], $0x300, s31, s30, $0x38;
	[tilespmem:$0x1BC00] =	vst v63  }
0x7c0: {  	s18 =	simm.s32 $0x13B00;
	s16 =	sadd.s32 $0x4800, s2  }
0x7c1: {  	[tilespmem:s18], [sflag:$0x2] =	stream.strided.gather [hbm4b:s16+s30], $0x300, s31, s30, $0x38;
	[tilespmem:$0x1BC00] =	vst v63  }
0x7c2: {  	s23 =	simm.s32 $0x13E00;
	s22 =	sadd.s32 $0x9000, s2  }
0x7c3: {  	[tilespmem:s23], [sflag:$0x2] =	stream.strided.gather [hbm4b:s22+s30], $0x300, s31, s30, $0x38;
	[tilespmem:$0x1BC00] =	vst v63  }
0x7c4: {  	s26 =	simm.s32 $0x14100;
	s24 =	sadd.s32 $0xD800, s2  }
0x7c5: {  	[tilespmem:s26], [sflag:$0x2] =	stream.strided.gather [hbm4b:s24+s30], $0x300, s31, s30, $0x38;
	[tilespmem:$0x1BC00] =	vst v63  }
0x7c6: {  	s29 =	simm.s32 $0x14400;
	s28 =	sadd.s32 $0x12000, s2  }
0x7c7: {  	[tilespmem:s29], [sflag:$0x2] =	stream.strided.gather [hbm4b:s28+s30], $0x300, s31, s30, $0x38;
	[tilespmem:$0x1BC00] =	vst v63  }
0x7c8: {  	s19 =	simm.s32 $0x14700;
	s18 =	sadd.s32 $0x16800, s2  }
0x7c9: {  	[tilespmem:s19], [sflag:$0x2] =	stream.strided.gather [hbm4b:s18+s30], $0x300, s31, s30, $0x38;
	[tilespmem:$0x1BC00] =	vst v63  }
0x7ca: {  	s21 =	simm.s32 $0x14A00;
	s20 =	sadd.s32 $0x1B000, s2;
	s23 =	smulhi.u32 $0x55555556, s1  }
0x7cb: {  	[tilespmem:s21], [sflag:$0x2] =	stream.strided.gather [hbm4b:s20+s30], $0x300, s31, s30, $0x38;
	[tilespmem:$0x1BC00] =	vst v63  }
0x7cc: {  	s2 =	sadd.s32 $0x1F800, s2;
	s22 =	simm.s32 $0x14D00;
	s24 =	smul.u32 $0x300, s1  }
0x7cd: {  	[tilespmem:s22], [sflag:$0x2] =	stream.strided.gather [hbm4b:s2+s30], $0x300, s31, s30, $0x38;
	[tilespmem:$0x1BC00] =	vst v63  }
0x7ce: {  	s2 =	smul.u32 $0x3, s23;
	_ =	sdelay $0x1  }
0x7cf: {  	s16 =	sadd.s32 s24, s15;
	s1 =	ssub.s32 s1, s2  }
0x7d0: {  	s28 =	simm.s32 $0x24000;
	s16 =	sshrl.u32 s16, $0x3;
	s1 =	smul.u32 $0x3000, s1  }
.Ltmp17:
0x7d1: {  	s26 =	sadd.s32 s7, s16;
	s19 =	simm.s32 $0x15C00;
	(pc) =	sbr.rel .LBB2_3-.Ltmp17, $4  }
0x7d2: {  	[tilespmem:s19], [sflag:$0x2] =	stream.strided.gather [hbm4b:s26+s17], $0xC00, s28, s17, $0x38;
	[tilespmem:$0x1BC00] =	vst v63  }
0x7d3: {  	s1 =	sshrl.u32 s1, $0x2  }
0x7d4: {  	s13 =	sadd.s32 $0x1, s13;
	s29 =	sadd.s32 s6, s16;
	s1 =	sadd.s32 $0x16800, s1  }
0x7d5: {  	[tilespmem:s1], [sflag:$0x2] =	stream.strided.gather [hbm4b:s29+s17], $0xC00, s28, s17, $0x38;
	[tilespmem:$0x1BC00] =	vst v63  }
.LBB2_37:
0x7d6: {  	_ =	swait.ge [sflag:s25], $0x1800  }
0x7d7: {  	[sflag:s25] =	ssyncset.done $0x0  }
0x7d8: {  	[sflag:s25] =	ssyncadd.s32 $0xFFFFE800  }
0x7d9: {  	_ =	swait.ge [sflag:s5], $0x1800  }
0x7da: {  	[sflag:s5] =	ssyncset.done $0x0  }
0x7db: {  	[sflag:s5] =	ssyncadd.s32 $0xFFFFE800  }
0x7dc: {  	[bflag:$0x0] =	sbarrier.arrive $0xFFFF  }
0x7dd: {  	s1 =	simm.s32 $0x0;
	s26 =	rddreg [dreg:$0x6]  }
0x7de: {  	s2 =	simm.s32 $0x0;
	s24 =	stileid.u32;
	s23 =	rddreg [dreg:$0x2]  }
0x7df: {  	[tilespmem:s3], [sflag:$0x1] =	stream.linear.gather [spmem:s26], $0x1800, $0x38;
	[tilespmem:$0x1BC00] =	vst v63  }
.LBB2_38:
0x7e0: {  	s13 =	sshllo.u32 s2, $0x1  }
0x7e1: {  	s15 =	smul.u32 $0x300, s13;
	_ =	sdelay $0x1  }
0x7e2: {  	s29 =	smul.u32 $0x600, s2;
	s15 =	sadd.s32 s9, s15  }
0x7e3: {  	s15 =	sshll.u32 s15, $0x3  }
0x7e4: {  	s16 =	sadd.s32 s9, s29;
	s15 =	sand.u32 $0x3FFFFFF8, s15  }
0x7e5: {  	s16 =	sshll.u32 s16, $0x3;
	s15 =	sadd.s32 s15, s4  }
0x7e6: {  	[tilespmem:s0], [sflag:$0x2] =	stream.linear.gather [spmem:s15], $0x1800, $0x38;
	[tilespmem:$0x1BC00] =	vst v63  }
0x7e7: {  	s21 =	sshll.u32 s24, $0x6;
	s16 =	sand.u32 $0x3FFFFFF8, s16;
	_ =	swait.ge [sflag:s10], $0x1800  }
0x7e8: {  	v1 =	vmov s1;
	p0 =	seq.s32 s2, $0x0;
	s18 =	sadd.s32 s16, s4;
	[sflag:s10] =	ssyncset.done $0x0  }
0x7e9: {  	v1 =	vshll.u32 v1, $0x3;
	s16 =	sor.u32 $0x1C05, s21;
	s18 =	sshrl.u32 s18, $0x3;
	[sflag:s10] =	ssyncadd.s32 $0xFFFFE800  }
0x7ea: {  	v1 =	vor.u32 v0, v1;
	[spmem:s18], [sflag:s16] =	dma.local [hbm:s8], $0x300  }
0x7eb: {  	s18 =	simm.s32 @!p0 $0x3  }
0x7ec: {  	_ =	swait.ge @!p0 [sflag:s18], $0x1800  }
0x7ed: {  	[sflag:s18] =	ssyncset.done @!p0 $0x0  }
0x7ee: {  	[sflag:s18] =	ssyncadd.s32 @!p0 $0xFFFFE800  }
0x7ef: {  	v2 =	vld.idx.msk [tilespmem:v1+s3+$0x0], $0xffff  }
0x7f0: {  	v3 =	vor.u32 $0x1, v1;
	_ =	sdelay $0x1  }
0x7f1: {  	s22 =	sand.u32 $0x70, s1;
	s19 =	sand.u32 $0x300, s1  }
0x7f2: {  	s19 =	sor.u32 s22, s19  }
0x7f3: {  	[tilespmem:s19+$0x12000] =	vst v2  }
0x7f4: {  	v2 =	vld.idx.msk [tilespmem:v3+s3+$0x0], $0xffff  }
0x7f5: {  	v3 =	vor.u32 $0x2, v1;
	_ =	sdelay $0x3  }
0x7f6: {  	[tilespmem:s19+$0x12300] =	vst v2  }
0x7f7: {  	v2 =	vld.idx.msk [tilespmem:v3+s3+$0x0], $0xffff  }
0x7f8: {  	v3 =	vor.u32 $0x3, v1;
	_ =	sdelay $0x3  }
0x7f9: {  	[tilespmem:s19+$0x12600] =	vst v2  }
0x7fa: {  	v2 =	vld.idx.msk [tilespmem:v3+s3+$0x0], $0xffff  }
0x7fb: {  	v3 =	vor.u32 $0x4, v1;
	_ =	sdelay $0x3  }
0x7fc: {  	[tilespmem:s19+$0x12900] =	vst v2  }
0x7fd: {  	v2 =	vld.idx.msk [tilespmem:v3+s3+$0x0], $0xffff  }
0x7fe: {  	v3 =	vor.u32 $0x5, v1;
	_ =	sdelay $0x3  }
0x7ff: {  	[tilespmem:s19+$0x12C00] =	vst v2  }
0x800: {  	v2 =	vld.idx.msk [tilespmem:v3+s3+$0x0], $0xffff  }
0x801: {  	v3 =	vor.u32 $0x6, v1;
	_ =	sdelay $0x3  }
0x802: {  	[tilespmem:s19+$0x12F00] =	vst v2  }
0x803: {  	v2 =	vld.idx.msk [tilespmem:v3+s3+$0x0], $0xffff  }
0x804: {  	v1 =	vor.u32 $0x7, v1;
	_ =	sdelay $0x3  }
0x805: {  	s20 =	simm.s32 $0x10;
	[tilespmem:s19+$0x13200] =	vst v2  }
0x806: {  	s22 =	simm.s32 $0x40;
	s21 =	simm.s32 $0x20;
	v2 =	vmov s20;
	v1 =	vld.idx.msk [tilespmem:v1+s3+$0x0], $0xffff  }
.LBB2_39:
0x807: {  	p1 =	sne.s32 s22, $0x2E0;
	v2 =	vshll.u32 v2, $0x3  }
0x808: {  	v2 =	vor.u32 v0, v2;
	_ =	sdelay $0x3  }
0x809: {  	[tilespmem:s19+$0x13500] =	vst v1  }
0x80a: {  	v1 =	vld.idx.msk [tilespmem:v2+s3+$0x0], $0xffff;
	_ =	sdelay $0x1  }
0x80b: {  	v3 =	vor.u32 $0x1, v2;
	_ =	sdelay $0x1  }
0x80c: {  	s18 =	sand.u32 $0x70, s20;
	s19 =	sand.u32 $0x300, s21;
	s21 =	smov.u32 s22  }
0x80d: {  	s19 =	sor.u32 s18, s19  }
0x80e: {  	[tilespmem:s19+$0x12000] =	vst v1  }
0x80f: {  	v1 =	vld.idx.msk [tilespmem:v3+s3+$0x0], $0xffff;
	_ =	sdelay $0x1  }
0x810: {  	v3 =	vor.u32 $0x2, v2;
	_ =	sdelay $0x3  }
0x811: {  	[tilespmem:s19+$0x12300] =	vst v1  }
0x812: {  	v1 =	vld.idx.msk [tilespmem:v3+s3+$0x0], $0xffff;
	_ =	sdelay $0x1  }
0x813: {  	v3 =	vor.u32 $0x3, v2;
	_ =	sdelay $0x3  }
0x814: {  	[tilespmem:s19+$0x12600] =	vst v1  }
0x815: {  	v1 =	vld.idx.msk [tilespmem:v3+s3+$0x0], $0xffff;
	_ =	sdelay $0x1  }
0x816: {  	v3 =	vor.u32 $0x4, v2;
	_ =	sdelay $0x3  }
0x817: {  	[tilespmem:s19+$0x12900] =	vst v1  }
0x818: {  	v1 =	vld.idx.msk [tilespmem:v3+s3+$0x0], $0xffff;
	_ =	sdelay $0x1  }
0x819: {  	v3 =	vor.u32 $0x5, v2;
	_ =	sdelay $0x3  }
0x81a: {  	[tilespmem:s19+$0x12C00] =	vst v1  }
0x81b: {  	v1 =	vld.idx.msk [tilespmem:v3+s3+$0x0], $0xffff;
	_ =	sdelay $0x1  }
0x81c: {  	v3 =	vor.u32 $0x6, v2;
	_ =	sdelay $0x3  }
0x81d: {  	[tilespmem:s19+$0x12F00] =	vst v1  }
0x81e: {  	v1 =	vld.idx.msk [tilespmem:v3+s3+$0x0], $0xffff;
	_ =	sdelay $0x1  }
0x81f: {  	v3 =	vor.u32 $0x7, v2  }
.Ltmp18:
0x820: {  	(pc) =	sbr.rel @p1 .LBB2_39-.Ltmp18, $3  }
0x821: {  	_ =	sdelay $0x1  }
0x822: {  	s20 =	sadd.s32 $0x10, s20;
	[tilespmem:s19+$0x13200] =	vst v1  }
0x823: {  	s22 =	sadd.s32 $0x20, s22;
	v2 =	vmov s20;
	v1 =	vld.idx.msk [tilespmem:v3+s3+$0x0], $0xffff  }
0x824: {  	v2 =	vshll.u32 v2, $0x3  }
0x825: {  	v2 =	vor.u32 v0, v2;
	_ =	sdelay $0x3  }
0x826: {  	[tilespmem:s19+$0x13500] =	vst v1  }
0x827: {  	v1 =	vld.idx.msk [tilespmem:v2+s3+$0x0], $0xffff  }
0x828: {  	v3 =	vor.u32 $0x1, v2;
	_ =	sdelay $0x1  }
0x829: {  	s18 =	sand.u32 $0x70, s20;
	s22 =	sand.u32 $0x300, s21  }
0x82a: {  	s18 =	sor.u32 s18, s22  }
0x82b: {  	[tilespmem:s18+$0x12000] =	vst v1  }
0x82c: {  	v1 =	vld.idx.msk [tilespmem:v3+s3+$0x0], $0xffff  }
0x82d: {  	v3 =	vor.u32 $0x2, v2;
	_ =	sdelay $0x3  }
0x82e: {  	[tilespmem:s18+$0x12300] =	vst v1  }
0x82f: {  	v1 =	vld.idx.msk [tilespmem:v3+s3+$0x0], $0xffff  }
0x830: {  	v3 =	vor.u32 $0x3, v2;
	_ =	sdelay $0x3  }
0x831: {  	[tilespmem:s18+$0x12600] =	vst v1  }
0x832: {  	v1 =	vld.idx.msk [tilespmem:v3+s3+$0x0], $0xffff  }
0x833: {  	v3 =	vor.u32 $0x4, v2;
	_ =	sdelay $0x3  }
0x834: {  	[tilespmem:s18+$0x12900] =	vst v1  }
0x835: {  	v1 =	vld.idx.msk [tilespmem:v3+s3+$0x0], $0xffff  }
0x836: {  	v3 =	vor.u32 $0x5, v2;
	_ =	sdelay $0x3  }
0x837: {  	[tilespmem:s18+$0x12C00] =	vst v1  }
0x838: {  	v1 =	vld.idx.msk [tilespmem:v3+s3+$0x0], $0xffff  }
0x839: {  	v3 =	vor.u32 $0x6, v2;
	_ =	sdelay $0x3  }
0x83a: {  	[tilespmem:s18+$0x12F00] =	vst v1  }
0x83b: {  	v1 =	vld.idx.msk [tilespmem:v3+s3+$0x0], $0xffff  }
0x83c: {  	v2 =	vor.u32 $0x7, v2;
	_ =	sdelay $0x2  }
0x83d: {  	s20 =	simm.s32 $0x180  }
0x83e: {  	[tilespmem:s18+$0x13200] =	vst v1;
	v1 =	vmov s20  }
0x83f: {  	v2 =	vld.idx.msk [tilespmem:v2+s3+$0x0], $0xffff;
	v1 =	vshll.u32 v1, $0x3  }
0x840: {  	v1 =	vor.u32 v0, v1;
	_ =	sdelay $0x3  }
0x841: {  	[tilespmem:s18+$0x13500] =	vst v2  }
0x842: {  	v2 =	vld.idx.msk [tilespmem:v1+s3+$0x0], $0xffff  }
0x843: {  	v3 =	vor.u32 $0x1, v1  }
0x844: {  	s21 =	simm.s32 $0x0;
	s19 =	simm.s32 $0x0  }
0x845: {  	s22 =	sand.u32 $0x300, s19;
	s18 =	sand.u32 $0x70, s21  }
0x846: {  	s20 =	sor.u32 s18, s22  }
0x847: {  	[tilespmem:s20+$0x12080] =	vst v2  }
0x848: {  	v2 =	vld.idx.msk [tilespmem:v3+s3+$0x0], $0xffff  }
0x849: {  	v3 =	vor.u32 $0x2, v1;
	_ =	sdelay $0x3  }
0x84a: {  	[tilespmem:s20+$0x12380] =	vst v2  }
0x84b: {  	v2 =	vld.idx.msk [tilespmem:v3+s3+$0x0], $0xffff  }
0x84c: {  	v3 =	vor.u32 $0x3, v1;
	_ =	sdelay $0x3  }
0x84d: {  	[tilespmem:s20+$0x12680] =	vst v2  }
0x84e: {  	v2 =	vld.idx.msk [tilespmem:v3+s3+$0x0], $0xffff  }
0x84f: {  	v3 =	vor.u32 $0x4, v1;
	_ =	sdelay $0x3  }
0x850: {  	[tilespmem:s20+$0x12980] =	vst v2  }
0x851: {  	v2 =	vld.idx.msk [tilespmem:v3+s3+$0x0], $0xffff  }
0x852: {  	v3 =	vor.u32 $0x5, v1;
	_ =	sdelay $0x3  }
0x853: {  	[tilespmem:s20+$0x12C80] =	vst v2  }
0x854: {  	v2 =	vld.idx.msk [tilespmem:v3+s3+$0x0], $0xffff  }
0x855: {  	v3 =	vor.u32 $0x6, v1;
	_ =	sdelay $0x3  }
0x856: {  	[tilespmem:s20+$0x12F80] =	vst v2  }
0x857: {  	v2 =	vld.idx.msk [tilespmem:v3+s3+$0x0], $0xffff  }
0x858: {  	v1 =	vor.u32 $0x7, v1;
	_ =	sdelay $0x3  }
0x859: {  	s21 =	simm.s32 $0x190;
	[tilespmem:s20+$0x13280] =	vst v2  }
0x85a: {  	s22 =	simm.s32 $0x1A0;
	v2 =	vmov s21;
	v1 =	vld.idx.msk [tilespmem:v1+s3+$0x0], $0xffff  }
.LBB2_41:
0x85b: {  	p1 =	sne.s32 s22, $0x2F0;
	v2 =	vshll.u32 v2, $0x3  }
0x85c: {  	v2 =	vor.u32 v0, v2;
	_ =	sdelay $0x3  }
0x85d: {  	[tilespmem:s20+$0x13580] =	vst v1  }
0x85e: {  	v1 =	vld.idx.msk [tilespmem:v2+s3+$0x0], $0xffff;
	_ =	sdelay $0x1  }
0x85f: {  	v3 =	vor.u32 $0x1, v2  }
0x860: {  	s18 =	sadd.s32 $0xFFFFFE80, s21;
	s19 =	sadd.s32 $0x20, s19;
	s21 =	smov.u32 s22  }
0x861: {  	s18 =	sand.u32 $0x70, s18;
	s20 =	sand.u32 $0x300, s19  }
0x862: {  	s20 =	sor.u32 s18, s20  }
0x863: {  	[tilespmem:s20+$0x12080] =	vst v1  }
0x864: {  	v1 =	vld.idx.msk [tilespmem:v3+s3+$0x0], $0xffff;
	_ =	sdelay $0x1  }
0x865: {  	v3 =	vor.u32 $0x2, v2;
	_ =	sdelay $0x3  }
0x866: {  	[tilespmem:s20+$0x12380] =	vst v1  }
0x867: {  	v1 =	vld.idx.msk [tilespmem:v3+s3+$0x0], $0xffff;
	_ =	sdelay $0x1  }
0x868: {  	v3 =	vor.u32 $0x3, v2;
	_ =	sdelay $0x3  }
0x869: {  	[tilespmem:s20+$0x12680] =	vst v1  }
0x86a: {  	v1 =	vld.idx.msk [tilespmem:v3+s3+$0x0], $0xffff;
	_ =	sdelay $0x1  }
0x86b: {  	v3 =	vor.u32 $0x4, v2;
	_ =	sdelay $0x3  }
0x86c: {  	[tilespmem:s20+$0x12980] =	vst v1  }
0x86d: {  	v1 =	vld.idx.msk [tilespmem:v3+s3+$0x0], $0xffff;
	_ =	sdelay $0x1  }
0x86e: {  	v3 =	vor.u32 $0x5, v2;
	_ =	sdelay $0x3  }
0x86f: {  	[tilespmem:s20+$0x12C80] =	vst v1  }
0x870: {  	v1 =	vld.idx.msk [tilespmem:v3+s3+$0x0], $0xffff;
	_ =	sdelay $0x1  }
0x871: {  	v3 =	vor.u32 $0x6, v2;
	_ =	sdelay $0x3  }
0x872: {  	[tilespmem:s20+$0x12F80] =	vst v1  }
0x873: {  	v1 =	vld.idx.msk [tilespmem:v3+s3+$0x0], $0xffff;
	_ =	sdelay $0x1  }
0x874: {  	v3 =	vor.u32 $0x7, v2  }
.Ltmp19:
0x875: {  	(pc) =	sbr.rel @p1 .LBB2_41-.Ltmp19, $3  }
0x876: {  	_ =	sdelay $0x1  }
0x877: {  	[tilespmem:s20+$0x13280] =	vst v1  }
0x878: {  	s22 =	sadd.s32 $0x10, s22;
	v2 =	vmov s21;
	v1 =	vld.idx.msk [tilespmem:v3+s3+$0x0], $0xffff  }
0x879: {  	v2 =	vshll.u32 v2, $0x3  }
0x87a: {  	v2 =	vor.u32 v0, v2;
	_ =	sdelay $0x3  }
0x87b: {  	[tilespmem:s20+$0x13580] =	vst v1  }
0x87c: {  	v1 =	vld.idx.msk [tilespmem:v2+s3+$0x0], $0xffff  }
0x87d: {  	v3 =	vor.u32 $0x1, v2  }
0x87e: {  	s18 =	sadd.s32 $0xFFFFFE80, s21;
	s19 =	sadd.s32 $0x20, s19  }
0x87f: {  	s18 =	sand.u32 $0x70, s18;
	s19 =	sand.u32 $0x300, s19  }
0x880: {  	s18 =	sor.u32 s18, s19  }
0x881: {  	[tilespmem:s18+$0x12080] =	vst v1  }
0x882: {  	v1 =	vld.idx.msk [tilespmem:v3+s3+$0x0], $0xffff  }
0x883: {  	v3 =	vor.u32 $0x2, v2;
	_ =	sdelay $0x3  }
0x884: {  	[tilespmem:s18+$0x12380] =	vst v1  }
0x885: {  	v1 =	vld.idx.msk [tilespmem:v3+s3+$0x0], $0xffff  }
0x886: {  	v3 =	vor.u32 $0x3, v2;
	_ =	sdelay $0x3  }
0x887: {  	[tilespmem:s18+$0x12680] =	vst v1  }
0x888: {  	v1 =	vld.idx.msk [tilespmem:v3+s3+$0x0], $0xffff  }
0x889: {  	v3 =	vor.u32 $0x4, v2;
	_ =	sdelay $0x3  }
0x88a: {  	[tilespmem:s18+$0x12980] =	vst v1  }
0x88b: {  	v1 =	vld.idx.msk [tilespmem:v3+s3+$0x0], $0xffff  }
0x88c: {  	v3 =	vor.u32 $0x5, v2;
	_ =	sdelay $0x3  }
0x88d: {  	[tilespmem:s18+$0x12C80] =	vst v1  }
0x88e: {  	v1 =	vld.idx.msk [tilespmem:v3+s3+$0x0], $0xffff  }
0x88f: {  	v3 =	vor.u32 $0x6, v2;
	_ =	sdelay $0x3  }
0x890: {  	s20 =	sshll.u32 s2, $0x2;
	[tilespmem:s18+$0x12F80] =	vst v1  }
0x891: {  	s21 =	sand.u32 $0x1, s2;
	s19 =	sadd.s32 s11, s20;
	v1 =	vld.idx.msk [tilespmem:v3+s3+$0x0], $0xffff  }
0x892: {  	p2 =	seq.s32 s21, $0x1;
	p1 =	seq.s32 s19, $0x0;
	v2 =	vor.u32 $0x7, v2  }
0x893: {  	p1 =	por !p1, !p2  }
0x894: {  	s20 =	simm.s32 $0x1;
	p1 =	por !p1, !p1  }
0x895: {  	s19 =	sshrl.u32 s19, $0x3;
	s20 =	simm.s32 @!p1 $0x0  }
0x896: {  	s20 =	ssub.s32 s19, s20;
	[tilespmem:s18+$0x13280] =	vst v1  }
0x897: {  	s20 =	smul.u32 $0xC00, s20;
	v1 =	vld.idx.msk [tilespmem:v2+s3+$0x0], $0xffff  }
0x898: {  	s22 =	sshll.u32 s2, $0x9  }
0x899: {  	s21 =	sand.u32 $0x200, s22;
	s20 =	sadd.s32 s14, s20  }
0x89a: {  	s20 =	sor.u32 s21, s20  }
0x89b: {  	s20 =	sshrl.u32 s20, $0x3  }
0x89c: {  	s22 =	simm.s32 $0x12000;
	[tilespmem:s18+$0x13580] =	vst v1;
	s18 =	sadd.s32 s23, s20  }
0x89d: {  	[hbm4b:s18+s30] =	stream.strided.scatter [tilespmem:s22], [sflag:$0x3], $0x300, s31, s30, $0x38;
	[tilespmem:$0x1BC00] =	vst v63  }
0x89e: {  	s21 =	sadd.s32 $0x4800, s18;
	s22 =	simm.s32 $0x12300  }
0x89f: {  	[hbm4b:s21+s30] =	stream.strided.scatter [tilespmem:s22], [sflag:$0x3], $0x300, s31, s30, $0x38;
	[tilespmem:$0x1BC00] =	vst v63  }
0x8a0: {  	s21 =	sadd.s32 $0x9000, s18;
	s22 =	simm.s32 $0x12600  }
0x8a1: {  	[hbm4b:s21+s30] =	stream.strided.scatter [tilespmem:s22], [sflag:$0x3], $0x300, s31, s30, $0x38;
	[tilespmem:$0x1BC00] =	vst v63  }
0x8a2: {  	s21 =	sadd.s32 $0xD800, s18;
	s22 =	simm.s32 $0x12900  }
0x8a3: {  	[hbm4b:s21+s30] =	stream.strided.scatter [tilespmem:s22], [sflag:$0x3], $0x300, s31, s30, $0x38;
	[tilespmem:$0x1BC00] =	vst v63  }
0x8a4: {  	s21 =	sadd.s32 $0x12000, s18;
	s22 =	simm.s32 $0x12C00  }
0x8a5: {  	[hbm4b:s21+s30] =	stream.strided.scatter [tilespmem:s22], [sflag:$0x3], $0x300, s31, s30, $0x38;
	[tilespmem:$0x1BC00] =	vst v63  }
0x8a6: {  	s21 =	sadd.s32 $0x16800, s18;
	s22 =	simm.s32 $0x12F00  }
0x8a7: {  	[hbm4b:s21+s30] =	stream.strided.scatter [tilespmem:s22], [sflag:$0x3], $0x300, s31, s30, $0x38;
	[tilespmem:$0x1BC00] =	vst v63  }
0x8a8: {  	s21 =	sadd.s32 $0x1B000, s18;
	s22 =	simm.s32 $0x13200  }
0x8a9: {  	[hbm4b:s21+s30] =	stream.strided.scatter [tilespmem:s22], [sflag:$0x3], $0x300, s31, s30, $0x38;
	[tilespmem:$0x1BC00] =	vst v63  }
0x8aa: {  	s18 =	sadd.s32 $0x1F800, s18;
	s22 =	simm.s32 $0x13500  }
0x8ab: {  	[hbm4b:s18+s30] =	stream.strided.scatter [tilespmem:s22], [sflag:$0x3], $0x300, s31, s30, $0x38;
	[tilespmem:$0x1BC00] =	vst v63  }
0x8ac: {  	p1 =	seq.s32 s2, $0x5;
	s18 =	rddreg [dreg:$0x17]  }
0x8ad: {  	s18 =	sadd.s32 @!p1 s29, s18  }
0x8ae: {  	s18 =	sshll.u32 @!p1 s18, $0x3  }
0x8af: {  	s18 =	sand.u32 @!p1 $0x3FFFFFF8, s18  }
0x8b0: {  	s20 =	simm.s32 @!p1 $0x18C00;
	s18 =	sadd.s32 @!p1 s18, s4  }
0x8b1: {  	[tilespmem:s20], [sflag:$0x1] =	stream.linear.gather @!p1 [spmem:s18], $0x1800, $0x38;
	[tilespmem:$0x1BC00] =	vst v63  }
0x8b2: {  	s29 =	simm.s32 $0x0;
	_ =	swait.ge [sflag:s12], $0x1800  }
0x8b3: {  	v1 =	vmov s29;
	[sflag:s12] =	ssyncset.done $0x0  }
0x8b4: {  	s15 =	sshrl.u32 s15, $0x3;
	v1 =	vshll.u32 v1, $0x3;
	[sflag:s12] =	ssyncadd.s32 $0xFFFFE800  }
0x8b5: {  	v1 =	vor.u32 v0, v1;
	[spmem:s15], [sflag:s16] =	dma.local [hbm:s8], $0x300  }
0x8b6: {  	s15 =	simm.s32 @!p0 $0x4  }
0x8b7: {  	_ =	swait.ge @!p0 [sflag:s15], $0x1800  }
0x8b8: {  	[sflag:s15] =	ssyncset.done @!p0 $0x0  }
0x8b9: {  	[sflag:s15] =	ssyncadd.s32 @!p0 $0xFFFFE800  }
0x8ba: {  	v2 =	vld.idx.msk [tilespmem:v1+s0+$0x0], $0xffff  }
0x8bb: {  	v3 =	vor.u32 $0x1, v1;
	_ =	sdelay $0x1  }
0x8bc: {  	s21 =	sand.u32 $0x70, s29;
	s22 =	sand.u32 $0x300, s29  }
0x8bd: {  	s15 =	sor.u32 s21, s22  }
0x8be: {  	[tilespmem:s15+$0x13800] =	vst v2  }
0x8bf: {  	v2 =	vld.idx.msk [tilespmem:v3+s0+$0x0], $0xffff  }
0x8c0: {  	v3 =	vor.u32 $0x2, v1;
	_ =	sdelay $0x3  }
0x8c1: {  	[tilespmem:s15+$0x13B00] =	vst v2  }
0x8c2: {  	v2 =	vld.idx.msk [tilespmem:v3+s0+$0x0], $0xffff  }
0x8c3: {  	v3 =	vor.u32 $0x3, v1;
	_ =	sdelay $0x3  }
0x8c4: {  	[tilespmem:s15+$0x13E00] =	vst v2  }
0x8c5: {  	v2 =	vld.idx.msk [tilespmem:v3+s0+$0x0], $0xffff  }
0x8c6: {  	v3 =	vor.u32 $0x4, v1;
	_ =	sdelay $0x3  }
0x8c7: {  	[tilespmem:s15+$0x14100] =	vst v2  }
0x8c8: {  	v2 =	vld.idx.msk [tilespmem:v3+s0+$0x0], $0xffff  }
0x8c9: {  	v3 =	vor.u32 $0x5, v1;
	_ =	sdelay $0x3  }
0x8ca: {  	[tilespmem:s15+$0x14400] =	vst v2  }
0x8cb: {  	v2 =	vld.idx.msk [tilespmem:v3+s0+$0x0], $0xffff  }
0x8cc: {  	v3 =	vor.u32 $0x6, v1;
	_ =	sdelay $0x3  }
0x8cd: {  	[tilespmem:s15+$0x14700] =	vst v2  }
0x8ce: {  	v2 =	vld.idx.msk [tilespmem:v3+s0+$0x0], $0xffff  }
0x8cf: {  	v1 =	vor.u32 $0x7, v1;
	_ =	sdelay $0x3  }
0x8d0: {  	s16 =	simm.s32 $0x10;
	[tilespmem:s15+$0x14A00] =	vst v2  }
0x8d1: {  	s20 =	simm.s32 $0x20;
	s21 =	simm.s32 $0x40;
	v2 =	vmov s16;
	v1 =	vld.idx.msk [tilespmem:v1+s0+$0x0], $0xffff  }
.LBB2_43:
0x8d2: {  	p0 =	sne.s32 s21, $0x2E0;
	v2 =	vshll.u32 v2, $0x3  }
0x8d3: {  	v2 =	vor.u32 v0, v2;
	_ =	sdelay $0x3  }
0x8d4: {  	[tilespmem:s15+$0x14D00] =	vst v1  }
0x8d5: {  	v1 =	vld.idx.msk [tilespmem:v2+s0+$0x0], $0xffff;
	_ =	sdelay $0x1  }
0x8d6: {  	v3 =	vor.u32 $0x1, v2;
	_ =	sdelay $0x1  }
0x8d7: {  	s18 =	sand.u32 $0x300, s20;
	s20 =	smov.u32 s21;
	s15 =	sand.u32 $0x70, s16  }
0x8d8: {  	s15 =	sor.u32 s15, s18  }
0x8d9: {  	[tilespmem:s15+$0x13800] =	vst v1  }
0x8da: {  	v1 =	vld.idx.msk [tilespmem:v3+s0+$0x0], $0xffff;
	_ =	sdelay $0x1  }
0x8db: {  	v3 =	vor.u32 $0x2, v2;
	_ =	sdelay $0x3  }
0x8dc: {  	[tilespmem:s15+$0x13B00] =	vst v1  }
0x8dd: {  	v1 =	vld.idx.msk [tilespmem:v3+s0+$0x0], $0xffff;
	_ =	sdelay $0x1  }
0x8de: {  	v3 =	vor.u32 $0x3, v2;
	_ =	sdelay $0x3  }
0x8df: {  	[tilespmem:s15+$0x13E00] =	vst v1  }
0x8e0: {  	v1 =	vld.idx.msk [tilespmem:v3+s0+$0x0], $0xffff;
	_ =	sdelay $0x1  }
0x8e1: {  	v3 =	vor.u32 $0x4, v2;
	_ =	sdelay $0x3  }
0x8e2: {  	[tilespmem:s15+$0x14100] =	vst v1  }
0x8e3: {  	v1 =	vld.idx.msk [tilespmem:v3+s0+$0x0], $0xffff;
	_ =	sdelay $0x1  }
0x8e4: {  	v3 =	vor.u32 $0x5, v2;
	_ =	sdelay $0x3  }
0x8e5: {  	[tilespmem:s15+$0x14400] =	vst v1  }
0x8e6: {  	v1 =	vld.idx.msk [tilespmem:v3+s0+$0x0], $0xffff;
	_ =	sdelay $0x1  }
0x8e7: {  	v3 =	vor.u32 $0x6, v2;
	_ =	sdelay $0x3  }
0x8e8: {  	[tilespmem:s15+$0x14700] =	vst v1  }
0x8e9: {  	v1 =	vld.idx.msk [tilespmem:v3+s0+$0x0], $0xffff;
	_ =	sdelay $0x1  }
0x8ea: {  	v3 =	vor.u32 $0x7, v2  }
.Ltmp20:
0x8eb: {  	(pc) =	sbr.rel @p0 .LBB2_43-.Ltmp20, $3  }
0x8ec: {  	_ =	sdelay $0x1  }
0x8ed: {  	s16 =	sadd.s32 $0x10, s16;
	[tilespmem:s15+$0x14A00] =	vst v1  }
0x8ee: {  	s21 =	sadd.s32 $0x20, s21;
	v2 =	vmov s16;
	v1 =	vld.idx.msk [tilespmem:v3+s0+$0x0], $0xffff  }
0x8ef: {  	v2 =	vshll.u32 v2, $0x3  }
0x8f0: {  	v2 =	vor.u32 v0, v2;
	_ =	sdelay $0x3  }
0x8f1: {  	[tilespmem:s15+$0x14D00] =	vst v1  }
0x8f2: {  	v1 =	vld.idx.msk [tilespmem:v2+s0+$0x0], $0xffff  }
0x8f3: {  	v3 =	vor.u32 $0x1, v2;
	_ =	sdelay $0x1  }
0x8f4: {  	s16 =	sand.u32 $0x70, s16;
	s18 =	sand.u32 $0x300, s20  }
0x8f5: {  	s15 =	sor.u32 s16, s18  }
0x8f6: {  	[tilespmem:s15+$0x13800] =	vst v1  }
0x8f7: {  	v1 =	vld.idx.msk [tilespmem:v3+s0+$0x0], $0xffff  }
0x8f8: {  	v3 =	vor.u32 $0x2, v2;
	_ =	sdelay $0x3  }
0x8f9: {  	[tilespmem:s15+$0x13B00] =	vst v1  }
0x8fa: {  	v1 =	vld.idx.msk [tilespmem:v3+s0+$0x0], $0xffff  }
0x8fb: {  	v3 =	vor.u32 $0x3, v2;
	_ =	sdelay $0x3  }
0x8fc: {  	[tilespmem:s15+$0x13E00] =	vst v1  }
0x8fd: {  	v1 =	vld.idx.msk [tilespmem:v3+s0+$0x0], $0xffff  }
0x8fe: {  	v3 =	vor.u32 $0x4, v2;
	_ =	sdelay $0x3  }
0x8ff: {  	[tilespmem:s15+$0x14100] =	vst v1  }
0x900: {  	v1 =	vld.idx.msk [tilespmem:v3+s0+$0x0], $0xffff  }
0x901: {  	v3 =	vor.u32 $0x5, v2;
	_ =	sdelay $0x3  }
0x902: {  	[tilespmem:s15+$0x14400] =	vst v1  }
0x903: {  	v1 =	vld.idx.msk [tilespmem:v3+s0+$0x0], $0xffff  }
0x904: {  	v3 =	vor.u32 $0x6, v2;
	_ =	sdelay $0x3  }
0x905: {  	[tilespmem:s15+$0x14700] =	vst v1  }
0x906: {  	v1 =	vld.idx.msk [tilespmem:v3+s0+$0x0], $0xffff  }
0x907: {  	v2 =	vor.u32 $0x7, v2;
	_ =	sdelay $0x2  }
0x908: {  	s20 =	simm.s32 $0x180  }
0x909: {  	[tilespmem:s15+$0x14A00] =	vst v1;
	v1 =	vmov s20  }
0x90a: {  	v2 =	vld.idx.msk [tilespmem:v2+s0+$0x0], $0xffff;
	v1 =	vshll.u32 v1, $0x3  }
0x90b: {  	v1 =	vor.u32 v0, v1;
	_ =	sdelay $0x3  }
0x90c: {  	[tilespmem:s15+$0x14D00] =	vst v2  }
0x90d: {  	v2 =	vld.idx.msk [tilespmem:v1+s0+$0x0], $0xffff  }
0x90e: {  	v3 =	vor.u32 $0x1, v1  }
0x90f: {  	s21 =	simm.s32 $0x0  }
0x910: {  	s22 =	sand.u32 $0x300, s29;
	s15 =	sand.u32 $0x70, s21  }
0x911: {  	s15 =	sor.u32 s15, s22  }
0x912: {  	[tilespmem:s15+$0x13880] =	vst v2  }
0x913: {  	v2 =	vld.idx.msk [tilespmem:v3+s0+$0x0], $0xffff  }
0x914: {  	v3 =	vor.u32 $0x2, v1;
	_ =	sdelay $0x3  }
0x915: {  	[tilespmem:s15+$0x13B80] =	vst v2  }
0x916: {  	v2 =	vld.idx.msk [tilespmem:v3+s0+$0x0], $0xffff  }
0x917: {  	v3 =	vor.u32 $0x3, v1;
	_ =	sdelay $0x3  }
0x918: {  	[tilespmem:s15+$0x13E80] =	vst v2  }
0x919: {  	v2 =	vld.idx.msk [tilespmem:v3+s0+$0x0], $0xffff  }
0x91a: {  	v3 =	vor.u32 $0x4, v1;
	_ =	sdelay $0x3  }
0x91b: {  	[tilespmem:s15+$0x14180] =	vst v2  }
0x91c: {  	v2 =	vld.idx.msk [tilespmem:v3+s0+$0x0], $0xffff  }
0x91d: {  	v3 =	vor.u32 $0x5, v1;
	_ =	sdelay $0x3  }
0x91e: {  	[tilespmem:s15+$0x14480] =	vst v2  }
0x91f: {  	v2 =	vld.idx.msk [tilespmem:v3+s0+$0x0], $0xffff  }
0x920: {  	v3 =	vor.u32 $0x6, v1;
	_ =	sdelay $0x3  }
0x921: {  	[tilespmem:s15+$0x14780] =	vst v2  }
0x922: {  	v2 =	vld.idx.msk [tilespmem:v3+s0+$0x0], $0xffff  }
0x923: {  	v1 =	vor.u32 $0x7, v1;
	_ =	sdelay $0x3  }
0x924: {  	s16 =	simm.s32 $0x190;
	[tilespmem:s15+$0x14A80] =	vst v2  }
0x925: {  	s20 =	simm.s32 $0x1A0;
	v2 =	vmov s16;
	v1 =	vld.idx.msk [tilespmem:v1+s0+$0x0], $0xffff  }
.LBB2_45:
0x926: {  	p0 =	sne.s32 s20, $0x2F0;
	v2 =	vshll.u32 v2, $0x3  }
0x927: {  	v2 =	vor.u32 v0, v2;
	_ =	sdelay $0x3  }
0x928: {  	[tilespmem:s15+$0x14D80] =	vst v1  }
0x929: {  	v1 =	vld.idx.msk [tilespmem:v2+s0+$0x0], $0xffff;
	_ =	sdelay $0x1  }
0x92a: {  	v3 =	vor.u32 $0x1, v2  }
0x92b: {  	s29 =	sadd.s32 $0x20, s29;
	s15 =	sadd.s32 $0xFFFFFE80, s16;
	s16 =	smov.u32 s20  }
0x92c: {  	s18 =	sand.u32 $0x300, s29;
	s15 =	sand.u32 $0x70, s15  }
0x92d: {  	s15 =	sor.u32 s15, s18  }
0x92e: {  	[tilespmem:s15+$0x13880] =	vst v1  }
0x92f: {  	v1 =	vld.idx.msk [tilespmem:v3+s0+$0x0], $0xffff;
	_ =	sdelay $0x1  }
0x930: {  	v3 =	vor.u32 $0x2, v2;
	_ =	sdelay $0x3  }
0x931: {  	[tilespmem:s15+$0x13B80] =	vst v1  }
0x932: {  	v1 =	vld.idx.msk [tilespmem:v3+s0+$0x0], $0xffff;
	_ =	sdelay $0x1  }
0x933: {  	v3 =	vor.u32 $0x3, v2;
	_ =	sdelay $0x3  }
0x934: {  	[tilespmem:s15+$0x13E80] =	vst v1  }
0x935: {  	v1 =	vld.idx.msk [tilespmem:v3+s0+$0x0], $0xffff;
	_ =	sdelay $0x1  }
0x936: {  	v3 =	vor.u32 $0x4, v2;
	_ =	sdelay $0x3  }
0x937: {  	[tilespmem:s15+$0x14180] =	vst v1  }
0x938: {  	v1 =	vld.idx.msk [tilespmem:v3+s0+$0x0], $0xffff;
	_ =	sdelay $0x1  }
0x939: {  	v3 =	vor.u32 $0x5, v2;
	_ =	sdelay $0x3  }
0x93a: {  	[tilespmem:s15+$0x14480] =	vst v1  }
0x93b: {  	v1 =	vld.idx.msk [tilespmem:v3+s0+$0x0], $0xffff;
	_ =	sdelay $0x1  }
0x93c: {  	v3 =	vor.u32 $0x6, v2;
	_ =	sdelay $0x3  }
0x93d: {  	[tilespmem:s15+$0x14780] =	vst v1  }
0x93e: {  	v1 =	vld.idx.msk [tilespmem:v3+s0+$0x0], $0xffff;
	_ =	sdelay $0x1  }
0x93f: {  	v3 =	vor.u32 $0x7, v2  }
.Ltmp21:
0x940: {  	(pc) =	sbr.rel @p0 .LBB2_45-.Ltmp21, $3  }
0x941: {  	_ =	sdelay $0x1  }
0x942: {  	[tilespmem:s15+$0x14A80] =	vst v1  }
0x943: {  	s20 =	sadd.s32 $0x10, s20;
	v2 =	vmov s16;
	v1 =	vld.idx.msk [tilespmem:v3+s0+$0x0], $0xffff  }
0x944: {  	v2 =	vshll.u32 v2, $0x3  }
0x945: {  	v2 =	vor.u32 v0, v2;
	_ =	sdelay $0x3  }
0x946: {  	[tilespmem:s15+$0x14D80] =	vst v1  }
0x947: {  	v1 =	vld.idx.msk [tilespmem:v2+s0+$0x0], $0xffff  }
0x948: {  	v3 =	vor.u32 $0x1, v2  }
0x949: {  	s21 =	sadd.s32 $0xFFFFFE80, s16;
	s22 =	sadd.s32 $0x20, s29  }
0x94a: {  	s16 =	sand.u32 $0x300, s22;
	s15 =	sand.u32 $0x70, s21  }
0x94b: {  	s15 =	sor.u32 s15, s16  }
0x94c: {  	[tilespmem:s15+$0x13880] =	vst v1  }
0x94d: {  	v1 =	vld.idx.msk [tilespmem:v3+s0+$0x0], $0xffff  }
0x94e: {  	v3 =	vor.u32 $0x2, v2;
	_ =	sdelay $0x3  }
0x94f: {  	[tilespmem:s15+$0x13B80] =	vst v1  }
0x950: {  	v1 =	vld.idx.msk [tilespmem:v3+s0+$0x0], $0xffff  }
0x951: {  	v3 =	vor.u32 $0x3, v2;
	_ =	sdelay $0x3  }
0x952: {  	[tilespmem:s15+$0x13E80] =	vst v1  }
0x953: {  	v1 =	vld.idx.msk [tilespmem:v3+s0+$0x0], $0xffff  }
0x954: {  	v3 =	vor.u32 $0x4, v2;
	_ =	sdelay $0x3  }
0x955: {  	[tilespmem:s15+$0x14180] =	vst v1  }
0x956: {  	v1 =	vld.idx.msk [tilespmem:v3+s0+$0x0], $0xffff  }
0x957: {  	v3 =	vor.u32 $0x5, v2;
	_ =	sdelay $0x3  }
0x958: {  	[tilespmem:s15+$0x14480] =	vst v1  }
0x959: {  	v1 =	vld.idx.msk [tilespmem:v3+s0+$0x0], $0xffff  }
0x95a: {  	v3 =	vor.u32 $0x6, v2;
	_ =	sdelay $0x3  }
0x95b: {  	[tilespmem:s15+$0x14780] =	vst v1  }
0x95c: {  	v1 =	vld.idx.msk [tilespmem:v3+s0+$0x0], $0xffff  }
0x95d: {  	v2 =	vor.u32 $0x7, v2;
	_ =	sdelay $0x3  }
0x95e: {  	[tilespmem:s15+$0x14A80] =	vst v1  }
0x95f: {  	s29 =	smul.u32 $0xC00, s19;
	v1 =	vld.idx.msk [tilespmem:v2+s0+$0x0], $0xffff  }
0x960: {  	s13 =	sshll.u32 s13, $0x8  }
0x961: {  	s13 =	sand.u32 $0x300, s13;
	s16 =	sadd.s32 s14, s29  }
0x962: {  	s13 =	sor.u32 s13, s16  }
0x963: {  	s13 =	sshrl.u32 s13, $0x3  }
0x964: {  	s13 =	sadd.s32 s23, s13;
	[tilespmem:s15+$0x14D80] =	vst v1  }
0x965: {  	[hbm4b:s13+s30] =	stream.strided.scatter [tilespmem:s28], [sflag:$0x4], $0x300, s31, s30, $0x38;
	[tilespmem:$0x1BC00] =	vst v63  }
0x966: {  	s19 =	simm.s32 $0x13B00;
	s18 =	sadd.s32 $0x4800, s13  }
0x967: {  	[hbm4b:s18+s30] =	stream.strided.scatter [tilespmem:s19], [sflag:$0x4], $0x300, s31, s30, $0x38;
	[tilespmem:$0x1BC00] =	vst v63  }
0x968: {  	s21 =	simm.s32 $0x13E00;
	s20 =	sadd.s32 $0x9000, s13  }
0x969: {  	[hbm4b:s20+s30] =	stream.strided.scatter [tilespmem:s21], [sflag:$0x4], $0x300, s31, s30, $0x38;
	[tilespmem:$0x1BC00] =	vst v63  }
0x96a: {  	s29 =	simm.s32 $0x14100;
	s22 =	sadd.s32 $0xD800, s13  }
0x96b: {  	[hbm4b:s22+s30] =	stream.strided.scatter [tilespmem:s29], [sflag:$0x4], $0x300, s31, s30, $0x38;
	[tilespmem:$0x1BC00] =	vst v63  }
0x96c: {  	s2 =	sadd.s32 $0x1, s2;
	s16 =	sadd.s32 $0x12000, s13;
	s18 =	simm.s32 $0x14400  }
0x96d: {  	[hbm4b:s16+s30] =	stream.strided.scatter [tilespmem:s18], [sflag:$0x4], $0x300, s31, s30, $0x38;
	[tilespmem:$0x1BC00] =	vst v63  }
0x96e: {  	p0 =	sne.s32 s2, $0x6;
	s19 =	sadd.s32 $0x16800, s13;
	s20 =	simm.s32 $0x14700  }
0x96f: {  	[hbm4b:s19+s30] =	stream.strided.scatter [tilespmem:s20], [sflag:$0x4], $0x300, s31, s30, $0x38;
	[tilespmem:$0x1BC00] =	vst v63  }
.Ltmp22:
0x970: {  	_ = 	snop;
	(pc) =	sbr.rel @p0 .LBB2_38-.Ltmp22, $4  }
0x971: {  	s21 =	sadd.s32 $0x1B000, s13;
	s22 =	simm.s32 $0x14A00  }
0x972: {  	[hbm4b:s21+s30] =	stream.strided.scatter [tilespmem:s22], [sflag:$0x4], $0x300, s31, s30, $0x38;
	[tilespmem:$0x1BC00] =	vst v63  }
0x973: {  	s13 =	sadd.s32 $0x1F800, s13;
	s29 =	simm.s32 $0x14D00  }
0x974: {  	[hbm4b:s13+s30] =	stream.strided.scatter [tilespmem:s29], [sflag:$0x4], $0x300, s31, s30, $0x38;
	[tilespmem:$0x1BC00] =	vst v63  }
0x975: {  	_ =	swait.ge [sflag:s25], $0x1800  }
0x976: {  	[sflag:s25] =	ssyncset.done $0x0  }
0x977: {  	[sflag:s25] =	ssyncadd.s32 $0xFFFFE800  }
0x978: {  	_ =	swait.ge [sflag:s5], $0x1800  }
0x979: {  	[sflag:s5] =	ssyncset.done $0x0  }
0x97a: {  	s1 =	simm.s32 $0x5;
	[sflag:s5] =	ssyncadd.s32 $0xFFFFE800  }
0x97b: {  	_ =	swait.ge [sflag:s1], $0x300  }
0x97c: {  	[sflag:s1] =	ssyncset.done $0x0  }
0x97d: {  	[sflag:s1] =	ssyncadd.s32 $0xFFFFFD00  }
0x97e: {  	_ =	swait.ge [sflag:s1], $0x300  }
0x97f: {  	[sflag:s1] =	ssyncset.done $0x0  }
0x980: {  	[sflag:s1] =	ssyncadd.s32 $0xFFFFFD00  }
0x981: {  	_ =	swait.ge [sflag:s1], $0x300  }
0x982: {  	[sflag:s1] =	ssyncset.done $0x0  }
0x983: {  	[sflag:s1] =	ssyncadd.s32 $0xFFFFFD00  }
0x984: {  	_ =	swait.ge [sflag:s1], $0x300  }
0x985: {  	[sflag:s1] =	ssyncset.done $0x0  }
0x986: {  	[sflag:s1] =	ssyncadd.s32 $0xFFFFFD00  }
0x987: {  	_ =	swait.ge [sflag:s1], $0x300  }
0x988: {  	[sflag:s1] =	ssyncset.done $0x0  }
0x989: {  	[sflag:s1] =	ssyncadd.s32 $0xFFFFFD00  }
0x98a: {  	_ =	swait.ge [sflag:s1], $0x300  }
0x98b: {  	[sflag:s1] =	ssyncset.done $0x0  }
0x98c: {  	[sflag:s1] =	ssyncadd.s32 $0xFFFFFD00  }
0x98d: {  	_ =	swait.ge [sflag:s1], $0x300  }
0x98e: {  	[sflag:s1] =	ssyncset.done $0x0  }
0x98f: {  	[sflag:s1] =	ssyncadd.s32 $0xFFFFFD00  }
0x990: {  	_ =	swait.ge [sflag:s1], $0x300  }
0x991: {  	[sflag:s1] =	ssyncset.done $0x0  }
0x992: {  	[sflag:s1] =	ssyncadd.s32 $0xFFFFFD00  }
0x993: {  	_ =	swait.ge [sflag:s1], $0x300  }
0x994: {  	[sflag:s1] =	ssyncset.done $0x0  }
0x995: {  	[sflag:s1] =	ssyncadd.s32 $0xFFFFFD00  }
0x996: {  	_ =	swait.ge [sflag:s1], $0x300  }
0x997: {  	[sflag:s1] =	ssyncset.done $0x0  }
0x998: {  	[sflag:s1] =	ssyncadd.s32 $0xFFFFFD00  }
0x999: {  	_ =	swait.ge [sflag:s1], $0x300  }
0x99a: {  	[sflag:s1] =	ssyncset.done $0x0  }
0x99b: {  	[sflag:s1] =	ssyncadd.s32 $0xFFFFFD00  }
0x99c: {  	_ =	swait.ge [sflag:s1], $0x300  }
0x99d: {  	s14 =	rddreg [dreg:$0x18]  }
0x99e: {  	s14 =	sadd.s32 $0x1, s14  }
0x99f: {  	p0 =	sne.s32 s14, $0xC  }
.Ltmp23:
0x9a0: {  	_ = 	snop;
	(pc) =	sbr.rel @p0 .LBB2_2-.Ltmp23, $3  }
0x9a1: {  	_ =	sdelay $0x1  }
0x9a2: {  	[sflag:s1] =	ssyncset.done $0x0  }
0x9a3: {  	[sflag:s1] =	ssyncadd.s32 $0xFFFFFD00  }
0x9a4: {  	s13 =	rddreg [dreg:$0x5]  }
0x9a5: {  	s1 =	rddreg [dreg:$0x14];
	s13 =	sadd.s32 $0x1, s13  }
0x9a6: {  	p0 =	sne.s32 s13, s1  }
.Ltmp24:
0x9a7: {  	_ = 	snop;
	(pc) =	sbr.rel @p0 .LBB2_1-.Ltmp24, $1  }
0x9a8: {  	_ =	sdelay $0x3  }
0x9a9: {  	_ =	sfence.sel $0x180000  }
0x9aa: {  	[bflag:$0x0] =	sbarrier.arrive $0xFFFF  }
0x9ab: {  	_ =	strace $0x90000047  }
0x9ac: {  	[bflag:$0x2] =	sbarrier.arrive $0xFFFF  }
0x9ad: {  	p0 =	sne.s32 s24, $0x0;
	s0 =	rddreg [dreg:$0x4]  }
0x9ae: {  	s0 =	sadd.s32 @!p0 $0x100000, s0  }
0x9af: {  	[sflag:s0] =	ssyncadd.tile.s32 @!p0 $0x1;
	_ =	shalt  }
.Lfunc_end2:
_tile_overlayer_lowered:
.L_overlay_start_2:
0x9b0: {  	(tag) =	ssettag $0x2  }
0x9b1: {  	s0 =	rddreg [dreg:$0x0];
	s2 =	stileid.u32  }
0x9b2: {  	s1 =	rddreg [dreg:$0x1];
	p0 =	sne.s32 s2, $0x0  }
0x9b3: {  	s3 =	rddreg [dreg:$0x2];
	[bflag:$0x3] =	sbarrier.arrive $0xFFFF;
	s2 =	simm.s32 @!p0 $0x1C06  }
0x9b4: {  	[timem:s3], [sflag:s2] =	dma.local @!p0 [hbm:s0], s1  }
0x9b5: {  	s0 =	simm.s32 @!p0 $0x6  }
0x9b6: {  	_ =	swait.ge @!p0 [sflag:s0], s1  }
0x9b7: {  	s1 =	ssub.s32 @!p0 $0x0, s1;
	[sflag:s0] =	ssyncset.done @!p0 $0x0  }
0x9b8: {  	[sflag:s0] =	ssyncadd.s32 @!p0 s1  }
0x9b9: {  	[bflag:$0x3] =	sbarrier.arrive $0xFFFF  }
0x9ba: {  	_ =	shalt  }

</sc_bundles>
